<compile_context>
chip_gen: v7x
topology: tpu7x:2x2x1
jax: 0.10.2.dev20260603
libtpu: 0.0.44.dev20260713+nightly
codegen_flags: <defaults>
</compile_context>

<pallas_src>
import functools

import jax
import jax.numpy as jnp
from jax import lax
from jax.experimental import pallas as pl
from jax.experimental.pallas import tpu as pltpu
from jax.experimental.pallas import tpu_sc as plsc

NC, NS, L = 2, 16, 16
NW = NC * NS
CH = 128
NBF = 6
NBB = 6
UNROLL = 6


def _round_up(x, m):
    return (x + m - 1) // m * m


def _body(n_chunks, pad1, pad2,
          idx_hbm, map0_hbm, map1_hbm, map2_hbm,
          emb0_hbm, emb1_hbm, emb2_hbm, out_hbm,
          ixs, f0s, f1s, f2s, bs,
          sp_emb1, sp_emb2,
          semI, semM, semR, semW):
    sid = lax.axis_index("s")
    wid = sid * NC + lax.axis_index("c")
    base = pl.multiple_of(wid * (n_chunks * CH), CH)

    d = bs.shape[1]
    for hbm, sp in ((emb1_hbm, sp_emb1), (emb2_hbm, sp_emb2)):
        rows = hbm.shape[0]
        stripe = rows // NS // 8 * 8
        o = pl.multiple_of(sid * stripe, 8)
        pltpu.sync_copy(hbm.at[pl.ds(o, stripe)], bs.at[pl.ds(0, stripe)])
        pltpu.sync_copy(bs.at[pl.ds(0, stripe)], sp.at[pl.ds(o, stripe)])
        tail = rows - NS * stripe
        if tail:
            @pl.when(sid == 0)
            def _(hbm=hbm, sp=sp, tail=tail, to=NS * stripe):
                pltpu.sync_copy(hbm.at[pl.ds(to, tail)],
                                bs.at[pl.ds(256, tail)])
                pltpu.sync_copy(bs.at[pl.ds(256, tail)],
                                sp.at[pl.ds(to, tail)])

    @pl.when(sid == 0)
    def _():
        for p in range(8):
            for i in range(d // L):
                bs[p, pl.ds(i * L, L)] = jnp.zeros((L,), jnp.float32)
        pltpu.sync_copy(bs.at[pl.ds(0, 8)], sp_emb1.at[pl.ds(pad1, 8)])
        pltpu.sync_copy(bs.at[pl.ds(0, 8)], sp_emb2.at[pl.ds(pad2, 8)])
    plsc.subcore_barrier()

    def valid(c):
        return jnp.logical_and(c >= 0, c < n_chunks)

    def idx_copy(c, bf):
        return pltpu.make_async_copy(
            idx_hbm.at[pl.ds(base + pl.multiple_of(c * CH, CH), CH)],
            ixs.at[pl.ds(bf * CH, CH)], semI.at[bf])

    def map_copies(c, bf):
        sl = ixs.at[pl.ds(bf * CH, CH)]
        fsl = pl.ds(bf * CH, CH)
        return (
            pltpu.make_async_copy(map0_hbm.at[sl], f0s.at[fsl], semM.at[bf]),
            pltpu.make_async_copy(map1_hbm.at[sl], f1s.at[fsl], semM.at[bf]),
            pltpu.make_async_copy(map2_hbm.at[sl], f2s.at[fsl], semM.at[bf]),
        )

    def row_copy(c, bf, bb, which):
        bsl = bs.at[pl.ds(bb * CH, CH)]
        fsl = pl.ds(bf * CH, CH)
        src = (emb0_hbm, sp_emb1, sp_emb2)[which]
        fv = (f0s, f1s, f2s)[which]
        return pltpu.make_async_copy(src.at[fv.at[fsl]], bsl, semR.at[bb])

    def out_copy(c, bb):
        return pltpu.make_async_copy(
            bs.at[pl.ds(bb * CH, CH)],
            out_hbm.at[pl.ds(base + pl.multiple_of(c * CH, CH), CH)],
            semW.at[bb])

    def stage_i(c, bf, bb):
        idx_copy(c, bf).start()

    def stage_m(c, bf, bb):
        idx_copy(c, bf).wait()
        for cp in map_copies(c, bf):
            cp.start()

    def stage_r0(c, bf, bb):
        @pl.when(c >= NBB)
        def _():
            out_copy(c - NBB, bb).wait()
        for cp in map_copies(c, bf):
            cp.wait()
        for i in range(CH // L):
            s = pl.ds(bf * CH + i * L, L)
            v1 = f1s[s]
            f1s[s] = jnp.where(v1 > 0, v1, pad1)
            v2 = f2s[s]
            f2s[s] = jnp.where(v2 > 0, v2, pad2)
        row_copy(c, bf, bb, 0).start()

    def stage_r1(c, bf, bb):
        row_copy(c, bf, bb, 0).wait()
        row_copy(c, bf, bb, 1).start(add=True)

    def stage_r2(c, bf, bb):
        row_copy(c, bf, bb, 1).wait()
        row_copy(c, bf, bb, 2).start(add=True)

    def stage_w(c, bf, bb):
        row_copy(c, bf, bb, 2).wait()
        out_copy(c, bb).start()

    stages = (stage_i, stage_m, stage_r0, stage_r1, stage_r2, stage_w)
    n_outer = (n_chunks + len(stages) - 1 + UNROLL - 1) // UNROLL + 1

    def outer(g, carry):
        for u in range(UNROLL):
            jj = g * UNROLL + u
            for lag, stage in enumerate(stages):
                c = jj - lag
                bf = (u - lag) % NBF
                bb = (u - lag) % NBB

                @pl.when(valid(c))
                def _(c=c, bf=bf, bb=bb, stage=stage):
                    stage(c, bf, bb)
        return carry

    lax.fori_loop(0, n_outer, outer, 0)
    for c in range(n_chunks - NBB, n_chunks):
        out_copy(c, c % NBB).wait()


def kernel(indices, map0, map1, map2, emb0, emb1, emb2):
    b, s = indices.shape
    n = b * s
    d = emb0.shape[1]
    idx = indices.reshape(n).astype(jnp.int32)
    pad1 = _round_up(emb1.shape[0], 8)
    pad2 = _round_up(emb2.shape[0], 8)
    n_chunks = n // (NW * CH)

    out = pl.kernel(
        functools.partial(_body, n_chunks, pad1, pad2),
        out_type=jax.ShapeDtypeStruct((n, d), jnp.float32),
        mesh=plsc.VectorSubcoreMesh(
            core_axis_name="c", subcore_axis_name="s",
            num_cores=NC, num_subcores=NS),
        scratch_types=[
            pltpu.VMEM((NBF * CH,), jnp.int32),
            pltpu.VMEM((NBF * CH,), jnp.int32),
            pltpu.VMEM((NBF * CH,), jnp.int32),
            pltpu.VMEM((NBF * CH,), jnp.int32),
            pltpu.VMEM((NBB * CH, d), jnp.float32),
            pltpu.VMEM_SHARED((pad1 + 8, d), jnp.float32),
            pltpu.VMEM_SHARED((pad2 + 8, d), jnp.float32),
            pltpu.SemaphoreType.DMA((NBF,)),
            pltpu.SemaphoreType.DMA((NBF,)),
            pltpu.SemaphoreType.DMA((NBB,)),
            pltpu.SemaphoreType.DMA((NBB,)),
        ],
    )(idx, map0.astype(jnp.int32), map1.astype(jnp.int32),
      map2.astype(jnp.int32), emb0, emb1, emb2)
    return out.reshape(b, s, d)

# --- scband reference (transcript-rebuilt; emitter-appended) ---
"""Pipeline reference for scband-factored-embeddings-46196668236070 (READ-ONLY COPY).

The authoritative reference and input builder live on the scoring server;
editing this copy changes nothing except your own understanding.
"""

import jax, jax.numpy as jnp
import numpy as np

VOCAB = 100000
EMBED_DIM = 128
# factor position vocab sizes: pos0 = action bases; pos>0 include index-0 = 'absent/pad'
FACTOR_SIZES = [5000, 2001, 501]
BATCH, SEQ = 4096, 50

def setup_inputs(seed: int = 0) -> dict:
    key = jax.random.key(seed)
    k1, k2, k3, k4, k5, k6, k7 = jax.random.split(key, 7)
    indices = jax.random.randint(k1, (BATCH, SEQ), 0, VOCAB)
    # full-vocab -> factor-vocab index maps (int constants, built from vocabulary in torch)
    map0 = jax.random.randint(k2, (VOCAB,), 0, FACTOR_SIZES[0])
    map1 = jax.random.randint(k3, (VOCAB,), 0, FACTOR_SIZES[1])  # 0 == factor absent
    map2 = jax.random.randint(k4, (VOCAB,), 0, FACTOR_SIZES[2])  # 0 == factor absent
    emb0 = jax.random.normal(k5, (FACTOR_SIZES[0], EMBED_DIM), dtype=jnp.float32) * 0.02
    emb1 = jax.random.normal(k6, (FACTOR_SIZES[1], EMBED_DIM), dtype=jnp.float32) * 0.02
    emb2 = jax.random.normal(k7, (FACTOR_SIZES[2], EMBED_DIM), dtype=jnp.float32) * 0.02
    return {"indices": indices, "map0": map0, "map1": map1, "map2": map2,
            "emb0": emb0, "emb1": emb1, "emb2": emb2}

def reference(indices, map0, map1, map2, emb0, emb1, emb2):
    # position 0: base action embedding (always present)
    idx0 = jnp.take(map0, indices, axis=0)
    out = jnp.take(emb0, idx0, axis=0)
    # positions > 0: label factor embeddings, masked where factor index == 0 (absent)
    for m, e in ((map1, emb1), (map2, emb2)):
        idx = jnp.take(m, indices, axis=0)
        out = out + (idx > 0).astype(out.dtype)[..., None] * jnp.take(e, idx, axis=0)
    return out

if __name__ == "__main__":
    import jax
    _d = setup_inputs()
    print(jax.jit(kernel)(*tuple(_d.values())))

</pallas_src>

<mosaic_0001>
#map = affine_map<(d0, d1) -> (0)>
#map1 = affine_map<(d0, d1) -> (0, 0)>
module attributes {stable_mosaic.version = 14 : i64} {
  func.func @_body(%arg0: i32, %arg1: i32, %arg2: memref<204800xi32, #tpu.memory_space<hbm>>, %arg3: memref<100000xi32, #tpu.memory_space<hbm>>, %arg4: memref<100000xi32, #tpu.memory_space<hbm>>, %arg5: memref<100000xi32, #tpu.memory_space<hbm>>, %arg6: memref<5000x128xf32, #tpu.memory_space<hbm>>, %arg7: memref<2001x128xf32, #tpu.memory_space<hbm>>, %arg8: memref<501x128xf32, #tpu.memory_space<hbm>>, %arg9: memref<204800x128xf32, #tpu.memory_space<hbm>>, %arg10: memref<768xi32, #tpu.memory_space<vmem>>, %arg11: memref<768xi32, #tpu.memory_space<vmem>>, %arg12: memref<768xi32, #tpu.memory_space<vmem>>, %arg13: memref<768xi32, #tpu.memory_space<vmem>>, %arg14: memref<768x128xf32, #tpu.memory_space<vmem>>, %arg15: memref<2016x128xf32, #tpu.memory_space<vmem_shared>>, %arg16: memref<512x128xf32, #tpu.memory_space<vmem_shared>>, %arg17: memref<6x!tpu.dma_semaphore, #tpu.memory_space<semaphore_mem>>, %arg18: memref<6x!tpu.dma_semaphore, #tpu.memory_space<semaphore_mem>>, %arg19: memref<6x!tpu.dma_semaphore, #tpu.memory_space<semaphore_mem>>, %arg20: memref<6x!tpu.dma_semaphore, #tpu.memory_space<semaphore_mem>>) attributes {dimension_semantics = [#tpu.dimension_semantics<core_parallel>, #tpu.dimension_semantics<subcore_parallel>], iteration_bounds = array<i64: 2, 16>, scalar_prefetch = 0 : i64, scratch_operands = 11 : i64, tpu.core_type = #tpu.core_type<sc_vector_subcore>, window_params = [{transform_indices = #map}, {transform_indices = #map}, {transform_indices = #map}, {transform_indices = #map}, {transform_indices = #map1}, {transform_indices = #map1}, {transform_indices = #map1}, {transform_indices = #map1}]} {
    %mul3A = arith.constant 2 : i32
    %mul3A_0 = arith.muli %arg1, %mul3A : i32
    %add3A = arith.addi %mul3A_0, %arg0 : i32
    %mul3A_1 = arith.constant 6400 : i32
    %mul3A_2 = arith.muli %add3A, %mul3A_1 : i32
    %multiple_of3A = tpu.assume_multiple %mul3A_2, 128 : i32
    %mul3A_3 = arith.constant 120 : i32
    %mul3A_4 = arith.muli %arg1, %mul3A_3 : i32
    %multiple_of3A_5 = tpu.assume_multiple %mul3A_4, 8 : i32
    "tpu.region"() ({
      %run_scoped3A = tpu.sem_alloc : memref<!tpu.dma_semaphore, #tpu.memory_space<semaphore_mem>>
      %dma_start3A = arith.constant 0 : i32
      %dma_start3A_121 = arith.constant 0 : i32
      %dma_start3A_122 = tpu.memref_slice %arg14[%dma_start3A, %dma_start3A_121] : memref<768x128xf32, #tpu.memory_space<vmem>> -> memref<120x128xf32, #tpu.memory_space<vmem>>
      %dma_start3A_123 = arith.constant 0 : i32
      %dma_start3A_124 = tpu.memref_slice %arg7[%multiple_of3A_5, %dma_start3A_123] : memref<2001x128xf32, #tpu.memory_space<hbm>> -> memref<120x128xf32, #tpu.memory_space<hbm>>
      %dma_start3A_125 = arith.constant 0 : i32
      %dma_start3A_126 = arith.constant 0 : i32
      %dma_start3A_127 = tpu.memref_slice %arg14[%dma_start3A_125, %dma_start3A_126] : memref<768x128xf32, #tpu.memory_space<vmem>> -> memref<120x128xf32, #tpu.memory_space<vmem>>
      %dma_start3A_128 = arith.constant 0 : i32
      %dma_start3A_129 = tpu.memref_slice %arg7[%multiple_of3A_5, %dma_start3A_128] : memref<2001x128xf32, #tpu.memory_space<hbm>> -> memref<120x128xf32, #tpu.memory_space<hbm>>
      tpu.enqueue_dma source(%dma_start3A_129 : memref<120x128xf32, #tpu.memory_space<hbm>>) target(%dma_start3A_127 : memref<120x128xf32, #tpu.memory_space<vmem>>) target_semaphore(%run_scoped3A : memref<!tpu.dma_semaphore, #tpu.memory_space<semaphore_mem>>)
      %dma_wait3A_130 = arith.constant 0 : i32
      %dma_wait3A_131 = arith.constant 0 : i32
      %dma_wait3A_132 = tpu.memref_slice %arg14[%dma_wait3A_130, %dma_wait3A_131] : memref<768x128xf32, #tpu.memory_space<vmem>> -> memref<120x128xf32, #tpu.memory_space<vmem>>
      %dma_wait3A_133 = arith.constant 0 : i32
      %dma_wait3A_134 = tpu.memref_slice %arg7[%multiple_of3A_5, %dma_wait3A_133] : memref<2001x128xf32, #tpu.memory_space<hbm>> -> memref<120x128xf32, #tpu.memory_space<hbm>>
      %dma_wait3A_135 = arith.constant 0 : i32
      %dma_wait3A_136 = arith.constant 0 : i32
      %dma_wait3A_137 = tpu.memref_slice %arg14[%dma_wait3A_135, %dma_wait3A_136] : memref<768x128xf32, #tpu.memory_space<vmem>> -> memref<120x128xf32, #tpu.memory_space<vmem>>
      %dma_wait3A_138 = arith.constant 0 : i32
      %dma_wait3A_139 = tpu.memref_slice %arg7[%multiple_of3A_5, %dma_wait3A_138] : memref<2001x128xf32, #tpu.memory_space<hbm>> -> memref<120x128xf32, #tpu.memory_space<hbm>>
      tpu.wait_dma2 semaphore(%run_scoped3A : memref<!tpu.dma_semaphore, #tpu.memory_space<semaphore_mem>>) src(%dma_wait3A_139 : memref<120x128xf32, #tpu.memory_space<hbm>>) dst(%dma_wait3A_137 : memref<120x128xf32, #tpu.memory_space<vmem>>)
      tpu.yield
    }) : () -> ()
    "tpu.region"() ({
      %run_scoped3A = tpu.sem_alloc : memref<!tpu.dma_semaphore, #tpu.memory_space<semaphore_mem>>
      %dma_start3A = arith.constant 0 : i32
      %dma_start3A_121 = arith.constant 0 : i32
      %dma_start3A_122 = tpu.memref_slice %arg14[%dma_start3A, %dma_start3A_121] : memref<768x128xf32, #tpu.memory_space<vmem>> -> memref<120x128xf32, #tpu.memory_space<vmem>>
      %dma_start3A_123 = arith.constant 0 : i32
      %dma_start3A_124 = tpu.memref_slice %arg15[%multiple_of3A_5, %dma_start3A_123] : memref<2016x128xf32, #tpu.memory_space<vmem_shared>> -> memref<120x128xf32, #tpu.memory_space<vmem_shared>>
      %dma_start3A_125 = arith.constant 0 : i32
      %dma_start3A_126 = tpu.memref_slice %arg15[%multiple_of3A_5, %dma_start3A_125] : memref<2016x128xf32, #tpu.memory_space<vmem_shared>> -> memref<120x128xf32, #tpu.memory_space<vmem_shared>>
      %dma_start3A_127 = arith.constant 0 : i32
      %dma_start3A_128 = arith.constant 0 : i32
      %dma_start3A_129 = tpu.memref_slice %arg14[%dma_start3A_127, %dma_start3A_128] : memref<768x128xf32, #tpu.memory_space<vmem>> -> memref<120x128xf32, #tpu.memory_space<vmem>>
      tpu.enqueue_dma source(%dma_start3A_129 : memref<120x128xf32, #tpu.memory_space<vmem>>) target(%dma_start3A_126 : memref<120x128xf32, #tpu.memory_space<vmem_shared>>) target_semaphore(%run_scoped3A : memref<!tpu.dma_semaphore, #tpu.memory_space<semaphore_mem>>)
      %dma_wait3A_130 = arith.constant 0 : i32
      %dma_wait3A_131 = arith.constant 0 : i32
      %dma_wait3A_132 = tpu.memref_slice %arg14[%dma_wait3A_130, %dma_wait3A_131] : memref<768x128xf32, #tpu.memory_space<vmem>> -> memref<120x128xf32, #tpu.memory_space<vmem>>
      %dma_wait3A_133 = arith.constant 0 : i32
      %dma_wait3A_134 = tpu.memref_slice %arg15[%multiple_of3A_5, %dma_wait3A_133] : memref<2016x128xf32, #tpu.memory_space<vmem_shared>> -> memref<120x128xf32, #tpu.memory_space<vmem_shared>>
      %dma_wait3A_135 = arith.constant 0 : i32
      %dma_wait3A_136 = tpu.memref_slice %arg15[%multiple_of3A_5, %dma_wait3A_135] : memref<2016x128xf32, #tpu.memory_space<vmem_shared>> -> memref<120x128xf32, #tpu.memory_space<vmem_shared>>
      %dma_wait3A_137 = arith.constant 0 : i32
      %dma_wait3A_138 = arith.constant 0 : i32
      %dma_wait3A_139 = tpu.memref_slice %arg14[%dma_wait3A_137, %dma_wait3A_138] : memref<768x128xf32, #tpu.memory_space<vmem>> -> memref<120x128xf32, #tpu.memory_space<vmem>>
      tpu.wait_dma2 semaphore(%run_scoped3A : memref<!tpu.dma_semaphore, #tpu.memory_space<semaphore_mem>>) src(%dma_wait3A_139 : memref<120x128xf32, #tpu.memory_space<vmem>>) dst(%dma_wait3A_136 : memref<120x128xf32, #tpu.memory_space<vmem_shared>>)
      tpu.yield
    }) : () -> ()
    %eq3A = arith.constant 0 : i32
    %eq3A_6 = arith.cmpi eq, %arg1, %eq3A : i32
    %convert_element_type3A = arith.extui %eq3A_6 : i1 to i32
    %cond3A = arith.constant 0 : i32
    %cond3A_7 = arith.cmpi ne, %convert_element_type3A, %cond3A : i32
    scf.if %cond3A_7 {
      "tpu.region"() ({
        %run_scoped3A = tpu.sem_alloc : memref<!tpu.dma_semaphore, #tpu.memory_space<semaphore_mem>>
        %dma_start3A = arith.constant 256 : i32
        %dma_start3A_121 = arith.constant 0 : i32
        %dma_start3A_122 = tpu.memref_slice %arg14[%dma_start3A, %dma_start3A_121] : memref<768x128xf32, #tpu.memory_space<vmem>> -> memref<81x128xf32, #tpu.memory_space<vmem>>
        %dma_start3A_123 = arith.constant 1920 : i32
        %dma_start3A_124 = arith.constant 0 : i32
        %dma_start3A_125 = tpu.memref_slice %arg7[%dma_start3A_123, %dma_start3A_124] : memref<2001x128xf32, #tpu.memory_space<hbm>> -> memref<81x128xf32, #tpu.memory_space<hbm>>
        %dma_start3A_126 = arith.constant 256 : i32
        %dma_start3A_127 = arith.constant 0 : i32
        %dma_start3A_128 = tpu.memref_slice %arg14[%dma_start3A_126, %dma_start3A_127] : memref<768x128xf32, #tpu.memory_space<vmem>> -> memref<81x128xf32, #tpu.memory_space<vmem>>
        %dma_start3A_129 = arith.constant 1920 : i32
        %dma_start3A_130 = arith.constant 0 : i32
        %dma_start3A_131 = tpu.memref_slice %arg7[%dma_start3A_129, %dma_start3A_130] : memref<2001x128xf32, #tpu.memory_space<hbm>> -> memref<81x128xf32, #tpu.memory_space<hbm>>
        tpu.enqueue_dma source(%dma_start3A_131 : memref<81x128xf32, #tpu.memory_space<hbm>>) target(%dma_start3A_128 : memref<81x128xf32, #tpu.memory_space<vmem>>) target_semaphore(%run_scoped3A : memref<!tpu.dma_semaphore, #tpu.memory_space<semaphore_mem>>)
        %dma_wait3A_132 = arith.constant 256 : i32
        %dma_wait3A_133 = arith.constant 0 : i32
        %dma_wait3A_134 = tpu.memref_slice %arg14[%dma_wait3A_132, %dma_wait3A_133] : memref<768x128xf32, #tpu.memory_space<vmem>> -> memref<81x128xf32, #tpu.memory_space<vmem>>
        %dma_wait3A_135 = arith.constant 1920 : i32
        %dma_wait3A_136 = arith.constant 0 : i32
        %dma_wait3A_137 = tpu.memref_slice %arg7[%dma_wait3A_135, %dma_wait3A_136] : memref<2001x128xf32, #tpu.memory_space<hbm>> -> memref<81x128xf32, #tpu.memory_space<hbm>>
        %dma_wait3A_138 = arith.constant 256 : i32
        %dma_wait3A_139 = arith.constant 0 : i32
        %dma_wait3A_140 = tpu.memref_slice %arg14[%dma_wait3A_138, %dma_wait3A_139] : memref<768x128xf32, #tpu.memory_space<vmem>> -> memref<81x128xf32, #tpu.memory_space<vmem>>
        %dma_wait3A_141 = arith.constant 1920 : i32
        %dma_wait3A_142 = arith.constant 0 : i32
        %dma_wait3A_143 = tpu.memref_slice %arg7[%dma_wait3A_141, %dma_wait3A_142] : memref<2001x128xf32, #tpu.memory_space<hbm>> -> memref<81x128xf32, #tpu.memory_space<hbm>>
        tpu.wait_dma2 semaphore(%run_scoped3A : memref<!tpu.dma_semaphore, #tpu.memory_space<semaphore_mem>>) src(%dma_wait3A_143 : memref<81x128xf32, #tpu.memory_space<hbm>>) dst(%dma_wait3A_140 : memref<81x128xf32, #tpu.memory_space<vmem>>)
        tpu.yield
      }) : () -> ()
      "tpu.region"() ({
        %run_scoped3A = tpu.sem_alloc : memref<!tpu.dma_semaphore, #tpu.memory_space<semaphore_mem>>
        %dma_start3A = arith.constant 256 : i32
        %dma_start3A_121 = arith.constant 0 : i32
        %dma_start3A_122 = tpu.memref_slice %arg14[%dma_start3A, %dma_start3A_121] : memref<768x128xf32, #tpu.memory_space<vmem>> -> memref<81x128xf32, #tpu.memory_space<vmem>>
        %dma_start3A_123 = arith.constant 1920 : i32
        %dma_start3A_124 = arith.constant 0 : i32
        %dma_start3A_125 = tpu.memref_slice %arg15[%dma_start3A_123, %dma_start3A_124] : memref<2016x128xf32, #tpu.memory_space<vmem_shared>> -> memref<81x128xf32, #tpu.memory_space<vmem_shared>>
        %dma_start3A_126 = arith.constant 1920 : i32
        %dma_start3A_127 = arith.constant 0 : i32
        %dma_start3A_128 = tpu.memref_slice %arg15[%dma_start3A_126, %dma_start3A_127] : memref<2016x128xf32, #tpu.memory_space<vmem_shared>> -> memref<81x128xf32, #tpu.memory_space<vmem_shared>>
        %dma_start3A_129 = arith.constant 256 : i32
        %dma_start3A_130 = arith.constant 0 : i32
        %dma_start3A_131 = tpu.memref_slice %arg14[%dma_start3A_129, %dma_start3A_130] : memref<768x128xf32, #tpu.memory_space<vmem>> -> memref<81x128xf32, #tpu.memory_space<vmem>>
        tpu.enqueue_dma source(%dma_start3A_131 : memref<81x128xf32, #tpu.memory_space<vmem>>) target(%dma_start3A_128 : memref<81x128xf32, #tpu.memory_space<vmem_shared>>) target_semaphore(%run_scoped3A : memref<!tpu.dma_semaphore, #tpu.memory_space<semaphore_mem>>)
        %dma_wait3A_132 = arith.constant 256 : i32
        %dma_wait3A_133 = arith.constant 0 : i32
        %dma_wait3A_134 = tpu.memref_slice %arg14[%dma_wait3A_132, %dma_wait3A_133] : memref<768x128xf32, #tpu.memory_space<vmem>> -> memref<81x128xf32, #tpu.memory_space<vmem>>
        %dma_wait3A_135 = arith.constant 1920 : i32
        %dma_wait3A_136 = arith.constant 0 : i32
        %dma_wait3A_137 = tpu.memref_slice %arg15[%dma_wait3A_135, %dma_wait3A_136] : memref<2016x128xf32, #tpu.memory_space<vmem_shared>> -> memref<81x128xf32, #tpu.memory_space<vmem_shared>>
        %dma_wait3A_138 = arith.constant 1920 : i32
        %dma_wait3A_139 = arith.constant 0 : i32
        %dma_wait3A_140 = tpu.memref_slice %arg15[%dma_wait3A_138, %dma_wait3A_139] : memref<2016x128xf32, #tpu.memory_space<vmem_shared>> -> memref<81x128xf32, #tpu.memory_space<vmem_shared>>
        %dma_wait3A_141 = arith.constant 256 : i32
        %dma_wait3A_142 = arith.constant 0 : i32
        %dma_wait3A_143 = tpu.memref_slice %arg14[%dma_wait3A_141, %dma_wait3A_142] : memref<768x128xf32, #tpu.memory_space<vmem>> -> memref<81x128xf32, #tpu.memory_space<vmem>>
        tpu.wait_dma2 semaphore(%run_scoped3A : memref<!tpu.dma_semaphore, #tpu.memory_space<semaphore_mem>>) src(%dma_wait3A_143 : memref<81x128xf32, #tpu.memory_space<vmem>>) dst(%dma_wait3A_140 : memref<81x128xf32, #tpu.memory_space<vmem_shared>>)
        tpu.yield
      }) : () -> ()
    } else {
    }
    %mul3A_8 = arith.constant 24 : i32
    %mul3A_9 = arith.muli %arg1, %mul3A_8 : i32
    %multiple_of3A_10 = tpu.assume_multiple %mul3A_9, 8 : i32
    "tpu.region"() ({
      %run_scoped3A = tpu.sem_alloc : memref<!tpu.dma_semaphore, #tpu.memory_space<semaphore_mem>>
      %dma_start3A = arith.constant 0 : i32
      %dma_start3A_121 = arith.constant 0 : i32
      %dma_start3A_122 = tpu.memref_slice %arg14[%dma_start3A, %dma_start3A_121] : memref<768x128xf32, #tpu.memory_space<vmem>> -> memref<24x128xf32, #tpu.memory_space<vmem>>
      %dma_start3A_123 = arith.constant 0 : i32
      %dma_start3A_124 = tpu.memref_slice %arg8[%multiple_of3A_10, %dma_start3A_123] : memref<501x128xf32, #tpu.memory_space<hbm>> -> memref<24x128xf32, #tpu.memory_space<hbm>>
      %dma_start3A_125 = arith.constant 0 : i32
      %dma_start3A_126 = arith.constant 0 : i32
      %dma_start3A_127 = tpu.memref_slice %arg14[%dma_start3A_125, %dma_start3A_126] : memref<768x128xf32, #tpu.memory_space<vmem>> -> memref<24x128xf32, #tpu.memory_space<vmem>>
      %dma_start3A_128 = arith.constant 0 : i32
      %dma_start3A_129 = tpu.memref_slice %arg8[%multiple_of3A_10, %dma_start3A_128] : memref<501x128xf32, #tpu.memory_space<hbm>> -> memref<24x128xf32, #tpu.memory_space<hbm>>
      tpu.enqueue_dma source(%dma_start3A_129 : memref<24x128xf32, #tpu.memory_space<hbm>>) target(%dma_start3A_127 : memref<24x128xf32, #tpu.memory_space<vmem>>) target_semaphore(%run_scoped3A : memref<!tpu.dma_semaphore, #tpu.memory_space<semaphore_mem>>)
      %dma_wait3A_130 = arith.constant 0 : i32
      %dma_wait3A_131 = arith.constant 0 : i32
      %dma_wait3A_132 = tpu.memref_slice %arg14[%dma_wait3A_130, %dma_wait3A_131] : memref<768x128xf32, #tpu.memory_space<vmem>> -> memref<24x128xf32, #tpu.memory_space<vmem>>
      %dma_wait3A_133 = arith.constant 0 : i32
      %dma_wait3A_134 = tpu.memref_slice %arg8[%multiple_of3A_10, %dma_wait3A_133] : memref<501x128xf32, #tpu.memory_space<hbm>> -> memref<24x128xf32, #tpu.memory_space<hbm>>
      %dma_wait3A_135 = arith.constant 0 : i32
      %dma_wait3A_136 = arith.constant 0 : i32
      %dma_wait3A_137 = tpu.memref_slice %arg14[%dma_wait3A_135, %dma_wait3A_136] : memref<768x128xf32, #tpu.memory_space<vmem>> -> memref<24x128xf32, #tpu.memory_space<vmem>>
      %dma_wait3A_138 = arith.constant 0 : i32
      %dma_wait3A_139 = tpu.memref_slice %arg8[%multiple_of3A_10, %dma_wait3A_138] : memref<501x128xf32, #tpu.memory_space<hbm>> -> memref<24x128xf32, #tpu.memory_space<hbm>>
      tpu.wait_dma2 semaphore(%run_scoped3A : memref<!tpu.dma_semaphore, #tpu.memory_space<semaphore_mem>>) src(%dma_wait3A_139 : memref<24x128xf32, #tpu.memory_space<hbm>>) dst(%dma_wait3A_137 : memref<24x128xf32, #tpu.memory_space<vmem>>)
      tpu.yield
    }) : () -> ()
    "tpu.region"() ({
      %run_scoped3A = tpu.sem_alloc : memref<!tpu.dma_semaphore, #tpu.memory_space<semaphore_mem>>
      %dma_start3A = arith.constant 0 : i32
      %dma_start3A_121 = arith.constant 0 : i32
      %dma_start3A_122 = tpu.memref_slice %arg14[%dma_start3A, %dma_start3A_121] : memref<768x128xf32, #tpu.memory_space<vmem>> -> memref<24x128xf32, #tpu.memory_space<vmem>>
      %dma_start3A_123 = arith.constant 0 : i32
      %dma_start3A_124 = tpu.memref_slice %arg16[%multiple_of3A_10, %dma_start3A_123] : memref<512x128xf32, #tpu.memory_space<vmem_shared>> -> memref<24x128xf32, #tpu.memory_space<vmem_shared>>
      %dma_start3A_125 = arith.constant 0 : i32
      %dma_start3A_126 = tpu.memref_slice %arg16[%multiple_of3A_10, %dma_start3A_125] : memref<512x128xf32, #tpu.memory_space<vmem_shared>> -> memref<24x128xf32, #tpu.memory_space<vmem_shared>>
      %dma_start3A_127 = arith.constant 0 : i32
      %dma_start3A_128 = arith.constant 0 : i32
      %dma_start3A_129 = tpu.memref_slice %arg14[%dma_start3A_127, %dma_start3A_128] : memref<768x128xf32, #tpu.memory_space<vmem>> -> memref<24x128xf32, #tpu.memory_space<vmem>>
      tpu.enqueue_dma source(%dma_start3A_129 : memref<24x128xf32, #tpu.memory_space<vmem>>) target(%dma_start3A_126 : memref<24x128xf32, #tpu.memory_space<vmem_shared>>) target_semaphore(%run_scoped3A : memref<!tpu.dma_semaphore, #tpu.memory_space<semaphore_mem>>)
      %dma_wait3A_130 = arith.constant 0 : i32
      %dma_wait3A_131 = arith.constant 0 : i32
      %dma_wait3A_132 = tpu.memref_slice %arg14[%dma_wait3A_130, %dma_wait3A_131] : memref<768x128xf32, #tpu.memory_space<vmem>> -> memref<24x128xf32, #tpu.memory_space<vmem>>
      %dma_wait3A_133 = arith.constant 0 : i32
      %dma_wait3A_134 = tpu.memref_slice %arg16[%multiple_of3A_10, %dma_wait3A_133] : memref<512x128xf32, #tpu.memory_space<vmem_shared>> -> memref<24x128xf32, #tpu.memory_space<vmem_shared>>
      %dma_wait3A_135 = arith.constant 0 : i32
      %dma_wait3A_136 = tpu.memref_slice %arg16[%multiple_of3A_10, %dma_wait3A_135] : memref<512x128xf32, #tpu.memory_space<vmem_shared>> -> memref<24x128xf32, #tpu.memory_space<vmem_shared>>
      %dma_wait3A_137 = arith.constant 0 : i32
      %dma_wait3A_138 = arith.constant 0 : i32
      %dma_wait3A_139 = tpu.memref_slice %arg14[%dma_wait3A_137, %dma_wait3A_138] : memref<768x128xf32, #tpu.memory_space<vmem>> -> memref<24x128xf32, #tpu.memory_space<vmem>>
      tpu.wait_dma2 semaphore(%run_scoped3A : memref<!tpu.dma_semaphore, #tpu.memory_space<semaphore_mem>>) src(%dma_wait3A_139 : memref<24x128xf32, #tpu.memory_space<vmem>>) dst(%dma_wait3A_136 : memref<24x128xf32, #tpu.memory_space<vmem_shared>>)
      tpu.yield
    }) : () -> ()
    %eq3A_11 = arith.constant 0 : i32
    %eq3A_12 = arith.cmpi eq, %arg1, %eq3A_11 : i32
    %convert_element_type3A_13 = arith.extui %eq3A_12 : i1 to i32
    %cond3A_14 = arith.constant 0 : i32
    %cond3A_15 = arith.cmpi ne, %convert_element_type3A_13, %cond3A_14 : i32
    scf.if %cond3A_15 {
      "tpu.region"() ({
        %run_scoped3A = tpu.sem_alloc : memref<!tpu.dma_semaphore, #tpu.memory_space<semaphore_mem>>
        %dma_start3A = arith.constant 256 : i32
        %dma_start3A_121 = arith.constant 0 : i32
        %dma_start3A_122 = tpu.memref_slice %arg14[%dma_start3A, %dma_start3A_121] : memref<768x128xf32, #tpu.memory_space<vmem>> -> memref<117x128xf32, #tpu.memory_space<vmem>>
        %dma_start3A_123 = arith.constant 384 : i32
        %dma_start3A_124 = arith.constant 0 : i32
        %dma_start3A_125 = tpu.memref_slice %arg8[%dma_start3A_123, %dma_start3A_124] : memref<501x128xf32, #tpu.memory_space<hbm>> -> memref<117x128xf32, #tpu.memory_space<hbm>>
        %dma_start3A_126 = arith.constant 256 : i32
        %dma_start3A_127 = arith.constant 0 : i32
        %dma_start3A_128 = tpu.memref_slice %arg14[%dma_start3A_126, %dma_start3A_127] : memref<768x128xf32, #tpu.memory_space<vmem>> -> memref<117x128xf32, #tpu.memory_space<vmem>>
        %dma_start3A_129 = arith.constant 384 : i32
        %dma_start3A_130 = arith.constant 0 : i32
        %dma_start3A_131 = tpu.memref_slice %arg8[%dma_start3A_129, %dma_start3A_130] : memref<501x128xf32, #tpu.memory_space<hbm>> -> memref<117x128xf32, #tpu.memory_space<hbm>>
        tpu.enqueue_dma source(%dma_start3A_131 : memref<117x128xf32, #tpu.memory_space<hbm>>) target(%dma_start3A_128 : memref<117x128xf32, #tpu.memory_space<vmem>>) target_semaphore(%run_scoped3A : memref<!tpu.dma_semaphore, #tpu.memory_space<semaphore_mem>>)
        %dma_wait3A_132 = arith.constant 256 : i32
        %dma_wait3A_133 = arith.constant 0 : i32
        %dma_wait3A_134 = tpu.memref_slice %arg14[%dma_wait3A_132, %dma_wait3A_133] : memref<768x128xf32, #tpu.memory_space<vmem>> -> memref<117x128xf32, #tpu.memory_space<vmem>>
        %dma_wait3A_135 = arith.constant 384 : i32
        %dma_wait3A_136 = arith.constant 0 : i32
        %dma_wait3A_137 = tpu.memref_slice %arg8[%dma_wait3A_135, %dma_wait3A_136] : memref<501x128xf32, #tpu.memory_space<hbm>> -> memref<117x128xf32, #tpu.memory_space<hbm>>
        %dma_wait3A_138 = arith.constant 256 : i32
        %dma_wait3A_139 = arith.constant 0 : i32
        %dma_wait3A_140 = tpu.memref_slice %arg14[%dma_wait3A_138, %dma_wait3A_139] : memref<768x128xf32, #tpu.memory_space<vmem>> -> memref<117x128xf32, #tpu.memory_space<vmem>>
        %dma_wait3A_141 = arith.constant 384 : i32
        %dma_wait3A_142 = arith.constant 0 : i32
        %dma_wait3A_143 = tpu.memref_slice %arg8[%dma_wait3A_141, %dma_wait3A_142] : memref<501x128xf32, #tpu.memory_space<hbm>> -> memref<117x128xf32, #tpu.memory_space<hbm>>
        tpu.wait_dma2 semaphore(%run_scoped3A : memref<!tpu.dma_semaphore, #tpu.memory_space<semaphore_mem>>) src(%dma_wait3A_143 : memref<117x128xf32, #tpu.memory_space<hbm>>) dst(%dma_wait3A_140 : memref<117x128xf32, #tpu.memory_space<vmem>>)
        tpu.yield
      }) : () -> ()
      "tpu.region"() ({
        %run_scoped3A = tpu.sem_alloc : memref<!tpu.dma_semaphore, #tpu.memory_space<semaphore_mem>>
        %dma_start3A = arith.constant 256 : i32
        %dma_start3A_121 = arith.constant 0 : i32
        %dma_start3A_122 = tpu.memref_slice %arg14[%dma_start3A, %dma_start3A_121] : memref<768x128xf32, #tpu.memory_space<vmem>> -> memref<117x128xf32, #tpu.memory_space<vmem>>
        %dma_start3A_123 = arith.constant 384 : i32
        %dma_start3A_124 = arith.constant 0 : i32
        %dma_start3A_125 = tpu.memref_slice %arg16[%dma_start3A_123, %dma_start3A_124] : memref<512x128xf32, #tpu.memory_space<vmem_shared>> -> memref<117x128xf32, #tpu.memory_space<vmem_shared>>
        %dma_start3A_126 = arith.constant 384 : i32
        %dma_start3A_127 = arith.constant 0 : i32
        %dma_start3A_128 = tpu.memref_slice %arg16[%dma_start3A_126, %dma_start3A_127] : memref<512x128xf32, #tpu.memory_space<vmem_shared>> -> memref<117x128xf32, #tpu.memory_space<vmem_shared>>
        %dma_start3A_129 = arith.constant 256 : i32
        %dma_start3A_130 = arith.constant 0 : i32
        %dma_start3A_131 = tpu.memref_slice %arg14[%dma_start3A_129, %dma_start3A_130] : memref<768x128xf32, #tpu.memory_space<vmem>> -> memref<117x128xf32, #tpu.memory_space<vmem>>
        tpu.enqueue_dma source(%dma_start3A_131 : memref<117x128xf32, #tpu.memory_space<vmem>>) target(%dma_start3A_128 : memref<117x128xf32, #tpu.memory_space<vmem_shared>>) target_semaphore(%run_scoped3A : memref<!tpu.dma_semaphore, #tpu.memory_space<semaphore_mem>>)
        %dma_wait3A_132 = arith.constant 256 : i32
        %dma_wait3A_133 = arith.constant 0 : i32
        %dma_wait3A_134 = tpu.memref_slice %arg14[%dma_wait3A_132, %dma_wait3A_133] : memref<768x128xf32, #tpu.memory_space<vmem>> -> memref<117x128xf32, #tpu.memory_space<vmem>>
        %dma_wait3A_135 = arith.constant 384 : i32
        %dma_wait3A_136 = arith.constant 0 : i32
        %dma_wait3A_137 = tpu.memref_slice %arg16[%dma_wait3A_135, %dma_wait3A_136] : memref<512x128xf32, #tpu.memory_space<vmem_shared>> -> memref<117x128xf32, #tpu.memory_space<vmem_shared>>
        %dma_wait3A_138 = arith.constant 384 : i32
        %dma_wait3A_139 = arith.constant 0 : i32
        %dma_wait3A_140 = tpu.memref_slice %arg16[%dma_wait3A_138, %dma_wait3A_139] : memref<512x128xf32, #tpu.memory_space<vmem_shared>> -> memref<117x128xf32, #tpu.memory_space<vmem_shared>>
        %dma_wait3A_141 = arith.constant 256 : i32
        %dma_wait3A_142 = arith.constant 0 : i32
        %dma_wait3A_143 = tpu.memref_slice %arg14[%dma_wait3A_141, %dma_wait3A_142] : memref<768x128xf32, #tpu.memory_space<vmem>> -> memref<117x128xf32, #tpu.memory_space<vmem>>
        tpu.wait_dma2 semaphore(%run_scoped3A : memref<!tpu.dma_semaphore, #tpu.memory_space<semaphore_mem>>) src(%dma_wait3A_143 : memref<117x128xf32, #tpu.memory_space<vmem>>) dst(%dma_wait3A_140 : memref<117x128xf32, #tpu.memory_space<vmem_shared>>)
        tpu.yield
      }) : () -> ()
    } else {
    }
    %eq3A_16 = arith.constant 0 : i32
    %eq3A_17 = arith.cmpi eq, %arg1, %eq3A_16 : i32
    %convert_element_type3A_18 = arith.extui %eq3A_17 : i1 to i32
    %cond3A_19 = arith.constant 0 : i32
    %cond3A_20 = arith.cmpi ne, %convert_element_type3A_18, %cond3A_19 : i32
    scf.if %cond3A_20 {
      %broadcast_in_dim3A = arith.constant 0.000000e+00 : f32
      %broadcast_in_dim3A_121 = vector.broadcast %broadcast_in_dim3A : f32 to vector<16xf32>
      %swap3A = arith.constant 0 : i32
      %swap3A_122 = arith.index_cast %swap3A : i32 to index
      %swap3A_123 = arith.constant 0 : index
      %swap3A_124 = tpu.vector_load %arg14[%swap3A_122, %swap3A_123] {strides = array<i32>} : memref<768x128xf32, #tpu.memory_space<vmem>>, vector<1x16xf32>,
      %swap3A_125 = vector.shape_cast %swap3A_124 : vector<1x16xf32> to vector<16xf32>
      %swap3A_126 = vector.shape_cast %broadcast_in_dim3A_121 : vector<16xf32> to vector<1x16xf32>
      tpu.vector_store %arg14[%swap3A_122, %swap3A_123], %swap3A_126 {strides = array<i32>} : memref<768x128xf32, #tpu.memory_space<vmem>>, vector<1x16xf32>,
      %broadcast_in_dim3A_127 = arith.constant 0.000000e+00 : f32
      %broadcast_in_dim3A_128 = vector.broadcast %broadcast_in_dim3A_127 : f32 to vector<16xf32>
      %swap3A_129 = arith.constant 0 : i32
      %swap3A_130 = arith.index_cast %swap3A_129 : i32 to index
      %swap3A_131 = arith.constant 16 : index
      %swap3A_132 = tpu.vector_load %arg14[%swap3A_130, %swap3A_131] {strides = array<i32>} : memref<768x128xf32, #tpu.memory_space<vmem>>, vector<1x16xf32>,
      %swap3A_133 = vector.shape_cast %swap3A_132 : vector<1x16xf32> to vector<16xf32>
      %swap3A_134 = vector.shape_cast %broadcast_in_dim3A_128 : vector<16xf32> to vector<1x16xf32>
      tpu.vector_store %arg14[%swap3A_130, %swap3A_131], %swap3A_134 {strides = array<i32>} : memref<768x128xf32, #tpu.memory_space<vmem>>, vector<1x16xf32>,
      %broadcast_in_dim3A_135 = arith.constant 0.000000e+00 : f32
      %broadcast_in_dim3A_136 = vector.broadcast %broadcast_in_dim3A_135 : f32 to vector<16xf32>
      %swap3A_137 = arith.constant 0 : i32
      %swap3A_138 = arith.index_cast %swap3A_137 : i32 to index
      %swap3A_139 = arith.constant 32 : index
      %swap3A_140 = tpu.vector_load %arg14[%swap3A_138, %swap3A_139] {strides = array<i32>} : memref<768x128xf32, #tpu.memory_space<vmem>>, vector<1x16xf32>,
      %swap3A_141 = vector.shape_cast %swap3A_140 : vector<1x16xf32> to vector<16xf32>
      %swap3A_142 = vector.shape_cast %broadcast_in_dim3A_136 : vector<16xf32> to vector<1x16xf32>
      tpu.vector_store %arg14[%swap3A_138, %swap3A_139], %swap3A_142 {strides = array<i32>} : memref<768x128xf32, #tpu.memory_space<vmem>>, vector<1x16xf32>,
      %broadcast_in_dim3A_143 = arith.constant 0.000000e+00 : f32
      %broadcast_in_dim3A_144 = vector.broadcast %broadcast_in_dim3A_143 : f32 to vector<16xf32>
      %swap3A_145 = arith.constant 0 : i32
      %swap3A_146 = arith.index_cast %swap3A_145 : i32 to index
      %swap3A_147 = arith.constant 48 : index
      %swap3A_148 = tpu.vector_load %arg14[%swap3A_146, %swap3A_147] {strides = array<i32>} : memref<768x128xf32, #tpu.memory_space<vmem>>, vector<1x16xf32>,
      %swap3A_149 = vector.shape_cast %swap3A_148 : vector<1x16xf32> to vector<16xf32>
      %swap3A_150 = vector.shape_cast %broadcast_in_dim3A_144 : vector<16xf32> to vector<1x16xf32>
      tpu.vector_store %arg14[%swap3A_146, %swap3A_147], %swap3A_150 {strides = array<i32>} : memref<768x128xf32, #tpu.memory_space<vmem>>, vector<1x16xf32>,
      %broadcast_in_dim3A_151 = arith.constant 0.000000e+00 : f32
      %broadcast_in_dim3A_152 = vector.broadcast %broadcast_in_dim3A_151 : f32 to vector<16xf32>
      %swap3A_153 = arith.constant 0 : i32
      %swap3A_154 = arith.index_cast %swap3A_153 : i32 to index
      %swap3A_155 = arith.constant 64 : index
      %swap3A_156 = tpu.vector_load %arg14[%swap3A_154, %swap3A_155] {strides = array<i32>} : memref<768x128xf32, #tpu.memory_space<vmem>>, vector<1x16xf32>,
      %swap3A_157 = vector.shape_cast %swap3A_156 : vector<1x16xf32> to vector<16xf32>
      %swap3A_158 = vector.shape_cast %broadcast_in_dim3A_152 : vector<16xf32> to vector<1x16xf32>
      tpu.vector_store %arg14[%swap3A_154, %swap3A_155], %swap3A_158 {strides = array<i32>} : memref<768x128xf32, #tpu.memory_space<vmem>>, vector<1x16xf32>,
      %broadcast_in_dim3A_159 = arith.constant 0.000000e+00 : f32
      %broadcast_in_dim3A_160 = vector.broadcast %broadcast_in_dim3A_159 : f32 to vector<16xf32>
      %swap3A_161 = arith.constant 0 : i32
      %swap3A_162 = arith.index_cast %swap3A_161 : i32 to index
      %swap3A_163 = arith.constant 80 : index
      %swap3A_164 = tpu.vector_load %arg14[%swap3A_162, %swap3A_163] {strides = array<i32>} : memref<768x128xf32, #tpu.memory_space<vmem>>, vector<1x16xf32>,
      %swap3A_165 = vector.shape_cast %swap3A_164 : vector<1x16xf32> to vector<16xf32>
      %swap3A_166 = vector.shape_cast %broadcast_in_dim3A_160 : vector<16xf32> to vector<1x16xf32>
      tpu.vector_store %arg14[%swap3A_162, %swap3A_163], %swap3A_166 {strides = array<i32>} : memref<768x128xf32, #tpu.memory_space<vmem>>, vector<1x16xf32>,
      %broadcast_in_dim3A_167 = arith.constant 0.000000e+00 : f32
      %broadcast_in_dim3A_168 = vector.broadcast %broadcast_in_dim3A_167 : f32 to vector<16xf32>
      %swap3A_169 = arith.constant 0 : i32
      %swap3A_170 = arith.index_cast %swap3A_169 : i32 to index
      %swap3A_171 = arith.constant 96 : index
      %swap3A_172 = tpu.vector_load %arg14[%swap3A_170, %swap3A_171] {strides = array<i32>} : memref<768x128xf32, #tpu.memory_space<vmem>>, vector<1x16xf32>,
      %swap3A_173 = vector.shape_cast %swap3A_172 : vector<1x16xf32> to vector<16xf32>
      %swap3A_174 = vector.shape_cast %broadcast_in_dim3A_168 : vector<16xf32> to vector<1x16xf32>
      tpu.vector_store %arg14[%swap3A_170, %swap3A_171], %swap3A_174 {strides = array<i32>} : memref<768x128xf32, #tpu.memory_space<vmem>>, vector<1x16xf32>,
      %broadcast_in_dim3A_175 = arith.constant 0.000000e+00 : f32
      %broadcast_in_dim3A_176 = vector.broadcast %broadcast_in_dim3A_175 : f32 to vector<16xf32>
      %swap3A_177 = arith.constant 0 : i32
      %swap3A_178 = arith.index_cast %swap3A_177 : i32 to index
      %swap3A_179 = arith.constant 112 : index
      %swap3A_180 = tpu.vector_load %arg14[%swap3A_178, %swap3A_179] {strides = array<i32>} : memref<768x128xf32, #tpu.memory_space<vmem>>, vector<1x16xf32>,
      %swap3A_181 = vector.shape_cast %swap3A_180 : vector<1x16xf32> to vector<16xf32>
      %swap3A_182 = vector.shape_cast %broadcast_in_dim3A_176 : vector<16xf32> to vector<1x16xf32>
      tpu.vector_store %arg14[%swap3A_178, %swap3A_179], %swap3A_182 {strides = array<i32>} : memref<768x128xf32, #tpu.memory_space<vmem>>, vector<1x16xf32>,
      %broadcast_in_dim3A_183 = arith.constant 0.000000e+00 : f32
      %broadcast_in_dim3A_184 = vector.broadcast %broadcast_in_dim3A_183 : f32 to vector<16xf32>
      %swap3A_185 = arith.constant 1 : i32
      %swap3A_186 = arith.index_cast %swap3A_185 : i32 to index
      %swap3A_187 = arith.constant 0 : index
      %swap3A_188 = tpu.vector_load %arg14[%swap3A_186, %swap3A_187] {strides = array<i32>} : memref<768x128xf32, #tpu.memory_space<vmem>>, vector<1x16xf32>,
      %swap3A_189 = vector.shape_cast %swap3A_188 : vector<1x16xf32> to vector<16xf32>
      %swap3A_190 = vector.shape_cast %broadcast_in_dim3A_184 : vector<16xf32> to vector<1x16xf32>
      tpu.vector_store %arg14[%swap3A_186, %swap3A_187], %swap3A_190 {strides = array<i32>} : memref<768x128xf32, #tpu.memory_space<vmem>>, vector<1x16xf32>,
      %broadcast_in_dim3A_191 = arith.constant 0.000000e+00 : f32
      %broadcast_in_dim3A_192 = vector.broadcast %broadcast_in_dim3A_191 : f32 to vector<16xf32>
      %swap3A_193 = arith.constant 1 : i32
      %swap3A_194 = arith.index_cast %swap3A_193 : i32 to index
      %swap3A_195 = arith.constant 16 : index
      %swap3A_196 = tpu.vector_load %arg14[%swap3A_194, %swap3A_195] {strides = array<i32>} : memref<768x128xf32, #tpu.memory_space<vmem>>, vector<1x16xf32>,
      %swap3A_197 = vector.shape_cast %swap3A_196 : vector<1x16xf32> to vector<16xf32>
      %swap3A_198 = vector.shape_cast %broadcast_in_dim3A_192 : vector<16xf32> to vector<1x16xf32>
      tpu.vector_store %arg14[%swap3A_194, %swap3A_195], %swap3A_198 {strides = array<i32>} : memref<768x128xf32, #tpu.memory_space<vmem>>, vector<1x16xf32>,
      %broadcast_in_dim3A_199 = arith.constant 0.000000e+00 : f32
      %broadcast_in_dim3A_200 = vector.broadcast %broadcast_in_dim3A_199 : f32 to vector<16xf32>
      %swap3A_201 = arith.constant 1 : i32
      %swap3A_202 = arith.index_cast %swap3A_201 : i32 to index
      %swap3A_203 = arith.constant 32 : index
      %swap3A_204 = tpu.vector_load %arg14[%swap3A_202, %swap3A_203] {strides = array<i32>} : memref<768x128xf32, #tpu.memory_space<vmem>>, vector<1x16xf32>,
      %swap3A_205 = vector.shape_cast %swap3A_204 : vector<1x16xf32> to vector<16xf32>
      %swap3A_206 = vector.shape_cast %broadcast_in_dim3A_200 : vector<16xf32> to vector<1x16xf32>
      tpu.vector_store %arg14[%swap3A_202, %swap3A_203], %swap3A_206 {strides = array<i32>} : memref<768x128xf32, #tpu.memory_space<vmem>>, vector<1x16xf32>,
      %broadcast_in_dim3A_207 = arith.constant 0.000000e+00 : f32
      %broadcast_in_dim3A_208 = vector.broadcast %broadcast_in_dim3A_207 : f32 to vector<16xf32>
      %swap3A_209 = arith.constant 1 : i32
      %swap3A_210 = arith.index_cast %swap3A_209 : i32 to index
      %swap3A_211 = arith.constant 48 : index
      %swap3A_212 = tpu.vector_load %arg14[%swap3A_210, %swap3A_211] {strides = array<i32>} : memref<768x128xf32, #tpu.memory_space<vmem>>, vector<1x16xf32>,
      %swap3A_213 = vector.shape_cast %swap3A_212 : vector<1x16xf32> to vector<16xf32>
      %swap3A_214 = vector.shape_cast %broadcast_in_dim3A_208 : vector<16xf32> to vector<1x16xf32>
      tpu.vector_store %arg14[%swap3A_210, %swap3A_211], %swap3A_214 {strides = array<i32>} : memref<768x128xf32, #tpu.memory_space<vmem>>, vector<1x16xf32>,
      %broadcast_in_dim3A_215 = arith.constant 0.000000e+00 : f32
      %broadcast_in_dim3A_216 = vector.broadcast %broadcast_in_dim3A_215 : f32 to vector<16xf32>
      %swap3A_217 = arith.constant 1 : i32
      %swap3A_218 = arith.index_cast %swap3A_217 : i32 to index
      %swap3A_219 = arith.constant 64 : index
      %swap3A_220 = tpu.vector_load %arg14[%swap3A_218, %swap3A_219] {strides = array<i32>} : memref<768x128xf32, #tpu.memory_space<vmem>>, vector<1x16xf32>,
      %swap3A_221 = vector.shape_cast %swap3A_220 : vector<1x16xf32> to vector<16xf32>
      %swap3A_222 = vector.shape_cast %broadcast_in_dim3A_216 : vector<16xf32> to vector<1x16xf32>
      tpu.vector_store %arg14[%swap3A_218, %swap3A_219], %swap3A_222 {strides = array<i32>} : memref<768x128xf32, #tpu.memory_space<vmem>>, vector<1x16xf32>,
      %broadcast_in_dim3A_223 = arith.constant 0.000000e+00 : f32
      %broadcast_in_dim3A_224 = vector.broadcast %broadcast_in_dim3A_223 : f32 to vector<16xf32>
      %swap3A_225 = arith.constant 1 : i32
      %swap3A_226 = arith.index_cast %swap3A_225 : i32 to index
      %swap3A_227 = arith.constant 80 : index
      %swap3A_228 = tpu.vector_load %arg14[%swap3A_226, %swap3A_227] {strides = array<i32>} : memref<768x128xf32, #tpu.memory_space<vmem>>, vector<1x16xf32>,
      %swap3A_229 = vector.shape_cast %swap3A_228 : vector<1x16xf32> to vector<16xf32>
      %swap3A_230 = vector.shape_cast %broadcast_in_dim3A_224 : vector<16xf32> to vector<1x16xf32>
      tpu.vector_store %arg14[%swap3A_226, %swap3A_227], %swap3A_230 {strides = array<i32>} : memref<768x128xf32, #tpu.memory_space<vmem>>, vector<1x16xf32>,
      %broadcast_in_dim3A_231 = arith.constant 0.000000e+00 : f32
      %broadcast_in_dim3A_232 = vector.broadcast %broadcast_in_dim3A_231 : f32 to vector<16xf32>
      %swap3A_233 = arith.constant 1 : i32
      %swap3A_234 = arith.index_cast %swap3A_233 : i32 to index
      %swap3A_235 = arith.constant 96 : index
      %swap3A_236 = tpu.vector_load %arg14[%swap3A_234, %swap3A_235] {strides = array<i32>} : memref<768x128xf32, #tpu.memory_space<vmem>>, vector<1x16xf32>,
      %swap3A_237 = vector.shape_cast %swap3A_236 : vector<1x16xf32> to vector<16xf32>
      %swap3A_238 = vector.shape_cast %broadcast_in_dim3A_232 : vector<16xf32> to vector<1x16xf32>
      tpu.vector_store %arg14[%swap3A_234, %swap3A_235], %swap3A_238 {strides = array<i32>} : memref<768x128xf32, #tpu.memory_space<vmem>>, vector<1x16xf32>,
      %broadcast_in_dim3A_239 = arith.constant 0.000000e+00 : f32
      %broadcast_in_dim3A_240 = vector.broadcast %broadcast_in_dim3A_239 : f32 to vector<16xf32>
      %swap3A_241 = arith.constant 1 : i32
      %swap3A_242 = arith.index_cast %swap3A_241 : i32 to index
      %swap3A_243 = arith.constant 112 : index
      %swap3A_244 = tpu.vector_load %arg14[%swap3A_242, %swap3A_243] {strides = array<i32>} : memref<768x128xf32, #tpu.memory_space<vmem>>, vector<1x16xf32>,
      %swap3A_245 = vector.shape_cast %swap3A_244 : vector<1x16xf32> to vector<16xf32>
      %swap3A_246 = vector.shape_cast %broadcast_in_dim3A_240 : vector<16xf32> to vector<1x16xf32>
      tpu.vector_store %arg14[%swap3A_242, %swap3A_243], %swap3A_246 {strides = array<i32>} : memref<768x128xf32, #tpu.memory_space<vmem>>, vector<1x16xf32>,
      %broadcast_in_dim3A_247 = arith.constant 0.000000e+00 : f32
      %broadcast_in_dim3A_248 = vector.broadcast %broadcast_in_dim3A_247 : f32 to vector<16xf32>
      %swap3A_249 = arith.constant 2 : i32
      %swap3A_250 = arith.index_cast %swap3A_249 : i32 to index
      %swap3A_251 = arith.constant 0 : index
      %swap3A_252 = tpu.vector_load %arg14[%swap3A_250, %swap3A_251] {strides = array<i32>} : memref<768x128xf32, #tpu.memory_space<vmem>>, vector<1x16xf32>,
      %swap3A_253 = vector.shape_cast %swap3A_252 : vector<1x16xf32> to vector<16xf32>
      %swap3A_254 = vector.shape_cast %broadcast_in_dim3A_248 : vector<16xf32> to vector<1x16xf32>
      tpu.vector_store %arg14[%swap3A_250, %swap3A_251], %swap3A_254 {strides = array<i32>} : memref<768x128xf32, #tpu.memory_space<vmem>>, vector<1x16xf32>,
      %broadcast_in_dim3A_255 = arith.constant 0.000000e+00 : f32
      %broadcast_in_dim3A_256 = vector.broadcast %broadcast_in_dim3A_255 : f32 to vector<16xf32>
      %swap3A_257 = arith.constant 2 : i32
      %swap3A_258 = arith.index_cast %swap3A_257 : i32 to index
      %swap3A_259 = arith.constant 16 : index
      %swap3A_260 = tpu.vector_load %arg14[%swap3A_258, %swap3A_259] {strides = array<i32>} : memref<768x128xf32, #tpu.memory_space<vmem>>, vector<1x16xf32>,
      %swap3A_261 = vector.shape_cast %swap3A_260 : vector<1x16xf32> to vector<16xf32>
      %swap3A_262 = vector.shape_cast %broadcast_in_dim3A_256 : vector<16xf32> to vector<1x16xf32>
      tpu.vector_store %arg14[%swap3A_258, %swap3A_259], %swap3A_262 {strides = array<i32>} : memref<768x128xf32, #tpu.memory_space<vmem>>, vector<1x16xf32>,
      %broadcast_in_dim3A_263 = arith.constant 0.000000e+00 : f32
      %broadcast_in_dim3A_264 = vector.broadcast %broadcast_in_dim3A_263 : f32 to vector<16xf32>
      %swap3A_265 = arith.constant 2 : i32
      %swap3A_266 = arith.index_cast %swap3A_265 : i32 to index
      %swap3A_267 = arith.constant 32 : index
      %swap3A_268 = tpu.vector_load %arg14[%swap3A_266, %swap3A_267] {strides = array<i32>} : memref<768x128xf32, #tpu.memory_space<vmem>>, vector<1x16xf32>,
      %swap3A_269 = vector.shape_cast %swap3A_268 : vector<1x16xf32> to vector<16xf32>
      %swap3A_270 = vector.shape_cast %broadcast_in_dim3A_264 : vector<16xf32> to vector<1x16xf32>
      tpu.vector_store %arg14[%swap3A_266, %swap3A_267], %swap3A_270 {strides = array<i32>} : memref<768x128xf32, #tpu.memory_space<vmem>>, vector<1x16xf32>,
      %broadcast_in_dim3A_271 = arith.constant 0.000000e+00 : f32
      %broadcast_in_dim3A_272 = vector.broadcast %broadcast_in_dim3A_271 : f32 to vector<16xf32>
      %swap3A_273 = arith.constant 2 : i32
      %swap3A_274 = arith.index_cast %swap3A_273 : i32 to index
      %swap3A_275 = arith.constant 48 : index
      %swap3A_276 = tpu.vector_load %arg14[%swap3A_274, %swap3A_275] {strides = array<i32>} : memref<768x128xf32, #tpu.memory_space<vmem>>, vector<1x16xf32>,
      %swap3A_277 = vector.shape_cast %swap3A_276 : vector<1x16xf32> to vector<16xf32>
      %swap3A_278 = vector.shape_cast %broadcast_in_dim3A_272 : vector<16xf32> to vector<1x16xf32>
      tpu.vector_store %arg14[%swap3A_274, %swap3A_275], %swap3A_278 {strides = array<i32>} : memref<768x128xf32, #tpu.memory_space<vmem>>, vector<1x16xf32>,
      %broadcast_in_dim3A_279 = arith.constant 0.000000e+00 : f32
      %broadcast_in_dim3A_280 = vector.broadcast %broadcast_in_dim3A_279 : f32 to vector<16xf32>
      %swap3A_281 = arith.constant 2 : i32
      %swap3A_282 = arith.index_cast %swap3A_281 : i32 to index
      %swap3A_283 = arith.constant 64 : index
      %swap3A_284 = tpu.vector_load %arg14[%swap3A_282, %swap3A_283] {strides = array<i32>} : memref<768x128xf32, #tpu.memory_space<vmem>>, vector<1x16xf32>,
      %swap3A_285 = vector.shape_cast %swap3A_284 : vector<1x16xf32> to vector<16xf32>
      %swap3A_286 = vector.shape_cast %broadcast_in_dim3A_280 : vector<16xf32> to vector<1x16xf32>
      tpu.vector_store %arg14[%swap3A_282, %swap3A_283], %swap3A_286 {strides = array<i32>} : memref<768x128xf32, #tpu.memory_space<vmem>>, vector<1x16xf32>,
      %broadcast_in_dim3A_287 = arith.constant 0.000000e+00 : f32
      %broadcast_in_dim3A_288 = vector.broadcast %broadcast_in_dim3A_287 : f32 to vector<16xf32>
      %swap3A_289 = arith.constant 2 : i32
      %swap3A_290 = arith.index_cast %swap3A_289 : i32 to index
      %swap3A_291 = arith.constant 80 : index
      %swap3A_292 = tpu.vector_load %arg14[%swap3A_290, %swap3A_291] {strides = array<i32>} : memref<768x128xf32, #tpu.memory_space<vmem>>, vector<1x16xf32>,
      %swap3A_293 = vector.shape_cast %swap3A_292 : vector<1x16xf32> to vector<16xf32>
      %swap3A_294 = vector.shape_cast %broadcast_in_dim3A_288 : vector<16xf32> to vector<1x16xf32>
      tpu.vector_store %arg14[%swap3A_290, %swap3A_291], %swap3A_294 {strides = array<i32>} : memref<768x128xf32, #tpu.memory_space<vmem>>, vector<1x16xf32>,
      %broadcast_in_dim3A_295 = arith.constant 0.000000e+00 : f32
      %broadcast_in_dim3A_296 = vector.broadcast %broadcast_in_dim3A_295 : f32 to vector<16xf32>
      %swap3A_297 = arith.constant 2 : i32
      %swap3A_298 = arith.index_cast %swap3A_297 : i32 to index
      %swap3A_299 = arith.constant 96 : index
      %swap3A_300 = tpu.vector_load %arg14[%swap3A_298, %swap3A_299] {strides = array<i32>} : memref<768x128xf32, #tpu.memory_space<vmem>>, vector<1x16xf32>,
      %swap3A_301 = vector.shape_cast %swap3A_300 : vector<1x16xf32> to vector<16xf32>
      %swap3A_302 = vector.shape_cast %broadcast_in_dim3A_296 : vector<16xf32> to vector<1x16xf32>
      tpu.vector_store %arg14[%swap3A_298, %swap3A_299], %swap3A_302 {strides = array<i32>} : memref<768x128xf32, #tpu.memory_space<vmem>>, vector<1x16xf32>,
      %broadcast_in_dim3A_303 = arith.constant 0.000000e+00 : f32
      %broadcast_in_dim3A_304 = vector.broadcast %broadcast_in_dim3A_303 : f32 to vector<16xf32>
      %swap3A_305 = arith.constant 2 : i32
      %swap3A_306 = arith.index_cast %swap3A_305 : i32 to index
      %swap3A_307 = arith.constant 112 : index
      %swap3A_308 = tpu.vector_load %arg14[%swap3A_306, %swap3A_307] {strides = array<i32>} : memref<768x128xf32, #tpu.memory_space<vmem>>, vector<1x16xf32>,
      %swap3A_309 = vector.shape_cast %swap3A_308 : vector<1x16xf32> to vector<16xf32>
      %swap3A_310 = vector.shape_cast %broadcast_in_dim3A_304 : vector<16xf32> to vector<1x16xf32>
      tpu.vector_store %arg14[%swap3A_306, %swap3A_307], %swap3A_310 {strides = array<i32>} : memref<768x128xf32, #tpu.memory_space<vmem>>, vector<1x16xf32>,
      %broadcast_in_dim3A_311 = arith.constant 0.000000e+00 : f32
      %broadcast_in_dim3A_312 = vector.broadcast %broadcast_in_dim3A_311 : f32 to vector<16xf32>
      %swap3A_313 = arith.constant 3 : i32
      %swap3A_314 = arith.index_cast %swap3A_313 : i32 to index
      %swap3A_315 = arith.constant 0 : index
      %swap3A_316 = tpu.vector_load %arg14[%swap3A_314, %swap3A_315] {strides = array<i32>} : memref<768x128xf32, #tpu.memory_space<vmem>>, vector<1x16xf32>,
      %swap3A_317 = vector.shape_cast %swap3A_316 : vector<1x16xf32> to vector<16xf32>
      %swap3A_318 = vector.shape_cast %broadcast_in_dim3A_312 : vector<16xf32> to vector<1x16xf32>
      tpu.vector_store %arg14[%swap3A_314, %swap3A_315], %swap3A_318 {strides = array<i32>} : memref<768x128xf32, #tpu.memory_space<vmem>>, vector<1x16xf32>,
      %broadcast_in_dim3A_319 = arith.constant 0.000000e+00 : f32
      %broadcast_in_dim3A_320 = vector.broadcast %broadcast_in_dim3A_319 : f32 to vector<16xf32>
      %swap3A_321 = arith.constant 3 : i32
      %swap3A_322 = arith.index_cast %swap3A_321 : i32 to index
      %swap3A_323 = arith.constant 16 : index
      %swap3A_324 = tpu.vector_load %arg14[%swap3A_322, %swap3A_323] {strides = array<i32>} : memref<768x128xf32, #tpu.memory_space<vmem>>, vector<1x16xf32>,
      %swap3A_325 = vector.shape_cast %swap3A_324 : vector<1x16xf32> to vector<16xf32>
      %swap3A_326 = vector.shape_cast %broadcast_in_dim3A_320 : vector<16xf32> to vector<1x16xf32>
      tpu.vector_store %arg14[%swap3A_322, %swap3A_323], %swap3A_326 {strides = array<i32>} : memref<768x128xf32, #tpu.memory_space<vmem>>, vector<1x16xf32>,
      %broadcast_in_dim3A_327 = arith.constant 0.000000e+00 : f32
      %broadcast_in_dim3A_328 = vector.broadcast %broadcast_in_dim3A_327 : f32 to vector<16xf32>
      %swap3A_329 = arith.constant 3 : i32
      %swap3A_330 = arith.index_cast %swap3A_329 : i32 to index
      %swap3A_331 = arith.constant 32 : index
      %swap3A_332 = tpu.vector_load %arg14[%swap3A_330, %swap3A_331] {strides = array<i32>} : memref<768x128xf32, #tpu.memory_space<vmem>>, vector<1x16xf32>,
      %swap3A_333 = vector.shape_cast %swap3A_332 : vector<1x16xf32> to vector<16xf32>
      %swap3A_334 = vector.shape_cast %broadcast_in_dim3A_328 : vector<16xf32> to vector<1x16xf32>
      tpu.vector_store %arg14[%swap3A_330, %swap3A_331], %swap3A_334 {strides = array<i32>} : memref<768x128xf32, #tpu.memory_space<vmem>>, vector<1x16xf32>,
      %broadcast_in_dim3A_335 = arith.constant 0.000000e+00 : f32
      %broadcast_in_dim3A_336 = vector.broadcast %broadcast_in_dim3A_335 : f32 to vector<16xf32>
      %swap3A_337 = arith.constant 3 : i32
      %swap3A_338 = arith.index_cast %swap3A_337 : i32 to index
      %swap3A_339 = arith.constant 48 : index
      %swap3A_340 = tpu.vector_load %arg14[%swap3A_338, %swap3A_339] {strides = array<i32>} : memref<768x128xf32, #tpu.memory_space<vmem>>, vector<1x16xf32>,
      %swap3A_341 = vector.shape_cast %swap3A_340 : vector<1x16xf32> to vector<16xf32>
      %swap3A_342 = vector.shape_cast %broadcast_in_dim3A_336 : vector<16xf32> to vector<1x16xf32>
      tpu.vector_store %arg14[%swap3A_338, %swap3A_339], %swap3A_342 {strides = array<i32>} : memref<768x128xf32, #tpu.memory_space<vmem>>, vector<1x16xf32>,
      %broadcast_in_dim3A_343 = arith.constant 0.000000e+00 : f32
      %broadcast_in_dim3A_344 = vector.broadcast %broadcast_in_dim3A_343 : f32 to vector<16xf32>
      %swap3A_345 = arith.constant 3 : i32
      %swap3A_346 = arith.index_cast %swap3A_345 : i32 to index
      %swap3A_347 = arith.constant 64 : index
      %swap3A_348 = tpu.vector_load %arg14[%swap3A_346, %swap3A_347] {strides = array<i32>} : memref<768x128xf32, #tpu.memory_space<vmem>>, vector<1x16xf32>,
      %swap3A_349 = vector.shape_cast %swap3A_348 : vector<1x16xf32> to vector<16xf32>
      %swap3A_350 = vector.shape_cast %broadcast_in_dim3A_344 : vector<16xf32> to vector<1x16xf32>
      tpu.vector_store %arg14[%swap3A_346, %swap3A_347], %swap3A_350 {strides = array<i32>} : memref<768x128xf32, #tpu.memory_space<vmem>>, vector<1x16xf32>,
      %broadcast_in_dim3A_351 = arith.constant 0.000000e+00 : f32
      %broadcast_in_dim3A_352 = vector.broadcast %broadcast_in_dim3A_351 : f32 to vector<16xf32>
      %swap3A_353 = arith.constant 3 : i32
      %swap3A_354 = arith.index_cast %swap3A_353 : i32 to index
      %swap3A_355 = arith.constant 80 : index
      %swap3A_356 = tpu.vector_load %arg14[%swap3A_354, %swap3A_355] {strides = array<i32>} : memref<768x128xf32, #tpu.memory_space<vmem>>, vector<1x16xf32>,
      %swap3A_357 = vector.shape_cast %swap3A_356 : vector<1x16xf32> to vector<16xf32>
      %swap3A_358 = vector.shape_cast %broadcast_in_dim3A_352 : vector<16xf32> to vector<1x16xf32>
      tpu.vector_store %arg14[%swap3A_354, %swap3A_355], %swap3A_358 {strides = array<i32>} : memref<768x128xf32, #tpu.memory_space<vmem>>, vector<1x16xf32>,
      %broadcast_in_dim3A_359 = arith.constant 0.000000e+00 : f32
      %broadcast_in_dim3A_360 = vector.broadcast %broadcast_in_dim3A_359 : f32 to vector<16xf32>
      %swap3A_361 = arith.constant 3 : i32
      %swap3A_362 = arith.index_cast %swap3A_361 : i32 to index
      %swap3A_363 = arith.constant 96 : index
      %swap3A_364 = tpu.vector_load %arg14[%swap3A_362, %swap3A_363] {strides = array<i32>} : memref<768x128xf32, #tpu.memory_space<vmem>>, vector<1x16xf32>,
      %swap3A_365 = vector.shape_cast %swap3A_364 : vector<1x16xf32> to vector<16xf32>
      %swap3A_366 = vector.shape_cast %broadcast_in_dim3A_360 : vector<16xf32> to vector<1x16xf32>
      tpu.vector_store %arg14[%swap3A_362, %swap3A_363], %swap3A_366 {strides = array<i32>} : memref<768x128xf32, #tpu.memory_space<vmem>>, vector<1x16xf32>,
      %broadcast_in_dim3A_367 = arith.constant 0.000000e+00 : f32
      %broadcast_in_dim3A_368 = vector.broadcast %broadcast_in_dim3A_367 : f32 to vector<16xf32>
      %swap3A_369 = arith.constant 3 : i32
      %swap3A_370 = arith.index_cast %swap3A_369 : i32 to index
      %swap3A_371 = arith.constant 112 : index
      %swap3A_372 = tpu.vector_load %arg14[%swap3A_370, %swap3A_371] {strides = array<i32>} : memref<768x128xf32, #tpu.memory_space<vmem>>, vector<1x16xf32>,
      %swap3A_373 = vector.shape_cast %swap3A_372 : vector<1x16xf32> to vector<16xf32>
      %swap3A_374 = vector.shape_cast %broadcast_in_dim3A_368 : vector<16xf32> to vector<1x16xf32>
      tpu.vector_store %arg14[%swap3A_370, %swap3A_371], %swap3A_374 {strides = array<i32>} : memref<768x128xf32, #tpu.memory_space<vmem>>, vector<1x16xf32>,
      %broadcast_in_dim3A_375 = arith.constant 0.000000e+00 : f32
      %broadcast_in_dim3A_376 = vector.broadcast %broadcast_in_dim3A_375 : f32 to vector<16xf32>
      %swap3A_377 = arith.constant 4 : i32
      %swap3A_378 = arith.index_cast %swap3A_377 : i32 to index
      %swap3A_379 = arith.constant 0 : index
      %swap3A_380 = tpu.vector_load %arg14[%swap3A_378, %swap3A_379] {strides = array<i32>} : memref<768x128xf32, #tpu.memory_space<vmem>>, vector<1x16xf32>,
      %swap3A_381 = vector.shape_cast %swap3A_380 : vector<1x16xf32> to vector<16xf32>
      %swap3A_382 = vector.shape_cast %broadcast_in_dim3A_376 : vector<16xf32> to vector<1x16xf32>
      tpu.vector_store %arg14[%swap3A_378, %swap3A_379], %swap3A_382 {strides = array<i32>} : memref<768x128xf32, #tpu.memory_space<vmem>>, vector<1x16xf32>,
      %broadcast_in_dim3A_383 = arith.constant 0.000000e+00 : f32
      %broadcast_in_dim3A_384 = vector.broadcast %broadcast_in_dim3A_383 : f32 to vector<16xf32>
      %swap3A_385 = arith.constant 4 : i32
      %swap3A_386 = arith.index_cast %swap3A_385 : i32 to index
      %swap3A_387 = arith.constant 16 : index
      %swap3A_388 = tpu.vector_load %arg14[%swap3A_386, %swap3A_387] {strides = array<i32>} : memref<768x128xf32, #tpu.memory_space<vmem>>, vector<1x16xf32>,
      %swap3A_389 = vector.shape_cast %swap3A_388 : vector<1x16xf32> to vector<16xf32>
      %swap3A_390 = vector.shape_cast %broadcast_in_dim3A_384 : vector<16xf32> to vector<1x16xf32>
      tpu.vector_store %arg14[%swap3A_386, %swap3A_387], %swap3A_390 {strides = array<i32>} : memref<768x128xf32, #tpu.memory_space<vmem>>, vector<1x16xf32>,
      %broadcast_in_dim3A_391 = arith.constant 0.000000e+00 : f32
      %broadcast_in_dim3A_392 = vector.broadcast %broadcast_in_dim3A_391 : f32 to vector<16xf32>
      %swap3A_393 = arith.constant 4 : i32
      %swap3A_394 = arith.index_cast %swap3A_393 : i32 to index
      %swap3A_395 = arith.constant 32 : index
      %swap3A_396 = tpu.vector_load %arg14[%swap3A_394, %swap3A_395] {strides = array<i32>} : memref<768x128xf32, #tpu.memory_space<vmem>>, vector<1x16xf32>,
      %swap3A_397 = vector.shape_cast %swap3A_396 : vector<1x16xf32> to vector<16xf32>
      %swap3A_398 = vector.shape_cast %broadcast_in_dim3A_392 : vector<16xf32> to vector<1x16xf32>
      tpu.vector_store %arg14[%swap3A_394, %swap3A_395], %swap3A_398 {strides = array<i32>} : memref<768x128xf32, #tpu.memory_space<vmem>>, vector<1x16xf32>,
      %broadcast_in_dim3A_399 = arith.constant 0.000000e+00 : f32
      %broadcast_in_dim3A_400 = vector.broadcast %broadcast_in_dim3A_399 : f32 to vector<16xf32>
      %swap3A_401 = arith.constant 4 : i32
      %swap3A_402 = arith.index_cast %swap3A_401 : i32 to index
      %swap3A_403 = arith.constant 48 : index
      %swap3A_404 = tpu.vector_load %arg14[%swap3A_402, %swap3A_403] {strides = array<i32>} : memref<768x128xf32, #tpu.memory_space<vmem>>, vector<1x16xf32>,
      %swap3A_405 = vector.shape_cast %swap3A_404 : vector<1x16xf32> to vector<16xf32>
      %swap3A_406 = vector.shape_cast %broadcast_in_dim3A_400 : vector<16xf32> to vector<1x16xf32>
      tpu.vector_store %arg14[%swap3A_402, %swap3A_403], %swap3A_406 {strides = array<i32>} : memref<768x128xf32, #tpu.memory_space<vmem>>, vector<1x16xf32>,
      %broadcast_in_dim3A_407 = arith.constant 0.000000e+00 : f32
      %broadcast_in_dim3A_408 = vector.broadcast %broadcast_in_dim3A_407 : f32 to vector<16xf32>
      %swap3A_409 = arith.constant 4 : i32
      %swap3A_410 = arith.index_cast %swap3A_409 : i32 to index
      %swap3A_411 = arith.constant 64 : index
      %swap3A_412 = tpu.vector_load %arg14[%swap3A_410, %swap3A_411] {strides = array<i32>} : memref<768x128xf32, #tpu.memory_space<vmem>>, vector<1x16xf32>,
      %swap3A_413 = vector.shape_cast %swap3A_412 : vector<1x16xf32> to vector<16xf32>
      %swap3A_414 = vector.shape_cast %broadcast_in_dim3A_408 : vector<16xf32> to vector<1x16xf32>
      tpu.vector_store %arg14[%swap3A_410, %swap3A_411], %swap3A_414 {strides = array<i32>} : memref<768x128xf32, #tpu.memory_space<vmem>>, vector<1x16xf32>,
      %broadcast_in_dim3A_415 = arith.constant 0.000000e+00 : f32
      %broadcast_in_dim3A_416 = vector.broadcast %broadcast_in_dim3A_415 : f32 to vector<16xf32>
      %swap3A_417 = arith.constant 4 : i32
      %swap3A_418 = arith.index_cast %swap3A_417 : i32 to index
      %swap3A_419 = arith.constant 80 : index
      %swap3A_420 = tpu.vector_load %arg14[%swap3A_418, %swap3A_419] {strides = array<i32>} : memref<768x128xf32, #tpu.memory_space<vmem>>, vector<1x16xf32>,
      %swap3A_421 = vector.shape_cast %swap3A_420 : vector<1x16xf32> to vector<16xf32>
      %swap3A_422 = vector.shape_cast %broadcast_in_dim3A_416 : vector<16xf32> to vector<1x16xf32>
      tpu.vector_store %arg14[%swap3A_418, %swap3A_419], %swap3A_422 {strides = array<i32>} : memref<768x128xf32, #tpu.memory_space<vmem>>, vector<1x16xf32>,
      %broadcast_in_dim3A_423 = arith.constant 0.000000e+00 : f32
      %broadcast_in_dim3A_424 = vector.broadcast %broadcast_in_dim3A_423 : f32 to vector<16xf32>
      %swap3A_425 = arith.constant 4 : i32
      %swap3A_426 = arith.index_cast %swap3A_425 : i32 to index
      %swap3A_427 = arith.constant 96 : index
      %swap3A_428 = tpu.vector_load %arg14[%swap3A_426, %swap3A_427] {strides = array<i32>} : memref<768x128xf32, #tpu.memory_space<vmem>>, vector<1x16xf32>,
      %swap3A_429 = vector.shape_cast %swap3A_428 : vector<1x16xf32> to vector<16xf32>
      %swap3A_430 = vector.shape_cast %broadcast_in_dim3A_424 : vector<16xf32> to vector<1x16xf32>
      tpu.vector_store %arg14[%swap3A_426, %swap3A_427], %swap3A_430 {strides = array<i32>} : memref<768x128xf32, #tpu.memory_space<vmem>>, vector<1x16xf32>,
      %broadcast_in_dim3A_431 = arith.constant 0.000000e+00 : f32
      %broadcast_in_dim3A_432 = vector.broadcast %broadcast_in_dim3A_431 : f32 to vector<16xf32>
      %swap3A_433 = arith.constant 4 : i32
      %swap3A_434 = arith.index_cast %swap3A_433 : i32 to index
      %swap3A_435 = arith.constant 112 : index
      %swap3A_436 = tpu.vector_load %arg14[%swap3A_434, %swap3A_435] {strides = array<i32>} : memref<768x128xf32, #tpu.memory_space<vmem>>, vector<1x16xf32>,
      %swap3A_437 = vector.shape_cast %swap3A_436 : vector<1x16xf32> to vector<16xf32>
      %swap3A_438 = vector.shape_cast %broadcast_in_dim3A_432 : vector<16xf32> to vector<1x16xf32>
      tpu.vector_store %arg14[%swap3A_434, %swap3A_435], %swap3A_438 {strides = array<i32>} : memref<768x128xf32, #tpu.memory_space<vmem>>, vector<1x16xf32>,
      %broadcast_in_dim3A_439 = arith.constant 0.000000e+00 : f32
      %broadcast_in_dim3A_440 = vector.broadcast %broadcast_in_dim3A_439 : f32 to vector<16xf32>
      %swap3A_441 = arith.constant 5 : i32
      %swap3A_442 = arith.index_cast %swap3A_441 : i32 to index
      %swap3A_443 = arith.constant 0 : index
      %swap3A_444 = tpu.vector_load %arg14[%swap3A_442, %swap3A_443] {strides = array<i32>} : memref<768x128xf32, #tpu.memory_space<vmem>>, vector<1x16xf32>,
      %swap3A_445 = vector.shape_cast %swap3A_444 : vector<1x16xf32> to vector<16xf32>
      %swap3A_446 = vector.shape_cast %broadcast_in_dim3A_440 : vector<16xf32> to vector<1x16xf32>
      tpu.vector_store %arg14[%swap3A_442, %swap3A_443], %swap3A_446 {strides = array<i32>} : memref<768x128xf32, #tpu.memory_space<vmem>>, vector<1x16xf32>,
      %broadcast_in_dim3A_447 = arith.constant 0.000000e+00 : f32
      %broadcast_in_dim3A_448 = vector.broadcast %broadcast_in_dim3A_447 : f32 to vector<16xf32>
      %swap3A_449 = arith.constant 5 : i32
      %swap3A_450 = arith.index_cast %swap3A_449 : i32 to index
      %swap3A_451 = arith.constant 16 : index
      %swap3A_452 = tpu.vector_load %arg14[%swap3A_450, %swap3A_451] {strides = array<i32>} : memref<768x128xf32, #tpu.memory_space<vmem>>, vector<1x16xf32>,
      %swap3A_453 = vector.shape_cast %swap3A_452 : vector<1x16xf32> to vector<16xf32>
      %swap3A_454 = vector.shape_cast %broadcast_in_dim3A_448 : vector<16xf32> to vector<1x16xf32>
      tpu.vector_store %arg14[%swap3A_450, %swap3A_451], %swap3A_454 {strides = array<i32>} : memref<768x128xf32, #tpu.memory_space<vmem>>, vector<1x16xf32>,
      %broadcast_in_dim3A_455 = arith.constant 0.000000e+00 : f32
      %broadcast_in_dim3A_456 = vector.broadcast %broadcast_in_dim3A_455 : f32 to vector<16xf32>
      %swap3A_457 = arith.constant 5 : i32
      %swap3A_458 = arith.index_cast %swap3A_457 : i32 to index
      %swap3A_459 = arith.constant 32 : index
      %swap3A_460 = tpu.vector_load %arg14[%swap3A_458, %swap3A_459] {strides = array<i32>} : memref<768x128xf32, #tpu.memory_space<vmem>>, vector<1x16xf32>,
      %swap3A_461 = vector.shape_cast %swap3A_460 : vector<1x16xf32> to vector<16xf32>
      %swap3A_462 = vector.shape_cast %broadcast_in_dim3A_456 : vector<16xf32> to vector<1x16xf32>
      tpu.vector_store %arg14[%swap3A_458, %swap3A_459], %swap3A_462 {strides = array<i32>} : memref<768x128xf32, #tpu.memory_space<vmem>>, vector<1x16xf32>,
      %broadcast_in_dim3A_463 = arith.constant 0.000000e+00 : f32
      %broadcast_in_dim3A_464 = vector.broadcast %broadcast_in_dim3A_463 : f32 to vector<16xf32>
      %swap3A_465 = arith.constant 5 : i32
      %swap3A_466 = arith.index_cast %swap3A_465 : i32 to index
      %swap3A_467 = arith.constant 48 : index
      %swap3A_468 = tpu.vector_load %arg14[%swap3A_466, %swap3A_467] {strides = array<i32>} : memref<768x128xf32, #tpu.memory_space<vmem>>, vector<1x16xf32>,
      %swap3A_469 = vector.shape_cast %swap3A_468 : vector<1x16xf32> to vector<16xf32>
      %swap3A_470 = vector.shape_cast %broadcast_in_dim3A_464 : vector<16xf32> to vector<1x16xf32>
      tpu.vector_store %arg14[%swap3A_466, %swap3A_467], %swap3A_470 {strides = array<i32>} : memref<768x128xf32, #tpu.memory_space<vmem>>, vector<1x16xf32>,
      %broadcast_in_dim3A_471 = arith.constant 0.000000e+00 : f32
      %broadcast_in_dim3A_472 = vector.broadcast %broadcast_in_dim3A_471 : f32 to vector<16xf32>
      %swap3A_473 = arith.constant 5 : i32
      %swap3A_474 = arith.index_cast %swap3A_473 : i32 to index
      %swap3A_475 = arith.constant 64 : index
      %swap3A_476 = tpu.vector_load %arg14[%swap3A_474, %swap3A_475] {strides = array<i32>} : memref<768x128xf32, #tpu.memory_space<vmem>>, vector<1x16xf32>,
      %swap3A_477 = vector.shape_cast %swap3A_476 : vector<1x16xf32> to vector<16xf32>
      %swap3A_478 = vector.shape_cast %broadcast_in_dim3A_472 : vector<16xf32> to vector<1x16xf32>
      tpu.vector_store %arg14[%swap3A_474, %swap3A_475], %swap3A_478 {strides = array<i32>} : memref<768x128xf32, #tpu.memory_space<vmem>>, vector<1x16xf32>,
      %broadcast_in_dim3A_479 = arith.constant 0.000000e+00 : f32
      %broadcast_in_dim3A_480 = vector.broadcast %broadcast_in_dim3A_479 : f32 to vector<16xf32>
      %swap3A_481 = arith.constant 5 : i32
      %swap3A_482 = arith.index_cast %swap3A_481 : i32 to index
      %swap3A_483 = arith.constant 80 : index
      %swap3A_484 = tpu.vector_load %arg14[%swap3A_482, %swap3A_483] {strides = array<i32>} : memref<768x128xf32, #tpu.memory_space<vmem>>, vector<1x16xf32>,
      %swap3A_485 = vector.shape_cast %swap3A_484 : vector<1x16xf32> to vector<16xf32>
      %swap3A_486 = vector.shape_cast %broadcast_in_dim3A_480 : vector<16xf32> to vector<1x16xf32>
      tpu.vector_store %arg14[%swap3A_482, %swap3A_483], %swap3A_486 {strides = array<i32>} : memref<768x128xf32, #tpu.memory_space<vmem>>, vector<1x16xf32>,
      %broadcast_in_dim3A_487 = arith.constant 0.000000e+00 : f32
      %broadcast_in_dim3A_488 = vector.broadcast %broadcast_in_dim3A_487 : f32 to vector<16xf32>
      %swap3A_489 = arith.constant 5 : i32
      %swap3A_490 = arith.index_cast %swap3A_489 : i32 to index
      %swap3A_491 = arith.constant 96 : index
      %swap3A_492 = tpu.vector_load %arg14[%swap3A_490, %swap3A_491] {strides = array<i32>} : memref<768x128xf32, #tpu.memory_space<vmem>>, vector<1x16xf32>,
      %swap3A_493 = vector.shape_cast %swap3A_492 : vector<1x16xf32> to vector<16xf32>
      %swap3A_494 = vector.shape_cast %broadcast_in_dim3A_488 : vector<16xf32> to vector<1x16xf32>
      tpu.vector_store %arg14[%swap3A_490, %swap3A_491], %swap3A_494 {strides = array<i32>} : memref<768x128xf32, #tpu.memory_space<vmem>>, vector<1x16xf32>,
      %broadcast_in_dim3A_495 = arith.constant 0.000000e+00 : f32
      %broadcast_in_dim3A_496 = vector.broadcast %broadcast_in_dim3A_495 : f32 to vector<16xf32>
      %swap3A_497 = arith.constant 5 : i32
      %swap3A_498 = arith.index_cast %swap3A_497 : i32 to index
      %swap3A_499 = arith.constant 112 : index
      %swap3A_500 = tpu.vector_load %arg14[%swap3A_498, %swap3A_499] {strides = array<i32>} : memref<768x128xf32, #tpu.memory_space<vmem>>, vector<1x16xf32>,
      %swap3A_501 = vector.shape_cast %swap3A_500 : vector<1x16xf32> to vector<16xf32>
      %swap3A_502 = vector.shape_cast %broadcast_in_dim3A_496 : vector<16xf32> to vector<1x16xf32>
      tpu.vector_store %arg14[%swap3A_498, %swap3A_499], %swap3A_502 {strides = array<i32>} : memref<768x128xf32, #tpu.memory_space<vmem>>, vector<1x16xf32>,
      %broadcast_in_dim3A_503 = arith.constant 0.000000e+00 : f32
      %broadcast_in_dim3A_504 = vector.broadcast %broadcast_in_dim3A_503 : f32 to vector<16xf32>
      %swap3A_505 = arith.constant 6 : i32
      %swap3A_506 = arith.index_cast %swap3A_505 : i32 to index
      %swap3A_507 = arith.constant 0 : index
      %swap3A_508 = tpu.vector_load %arg14[%swap3A_506, %swap3A_507] {strides = array<i32>} : memref<768x128xf32, #tpu.memory_space<vmem>>, vector<1x16xf32>,
      %swap3A_509 = vector.shape_cast %swap3A_508 : vector<1x16xf32> to vector<16xf32>
      %swap3A_510 = vector.shape_cast %broadcast_in_dim3A_504 : vector<16xf32> to vector<1x16xf32>
      tpu.vector_store %arg14[%swap3A_506, %swap3A_507], %swap3A_510 {strides = array<i32>} : memref<768x128xf32, #tpu.memory_space<vmem>>, vector<1x16xf32>,
      %broadcast_in_dim3A_511 = arith.constant 0.000000e+00 : f32
      %broadcast_in_dim3A_512 = vector.broadcast %broadcast_in_dim3A_511 : f32 to vector<16xf32>
      %swap3A_513 = arith.constant 6 : i32
      %swap3A_514 = arith.index_cast %swap3A_513 : i32 to index
      %swap3A_515 = arith.constant 16 : index
      %swap3A_516 = tpu.vector_load %arg14[%swap3A_514, %swap3A_515] {strides = array<i32>} : memref<768x128xf32, #tpu.memory_space<vmem>>, vector<1x16xf32>,
      %swap3A_517 = vector.shape_cast %swap3A_516 : vector<1x16xf32> to vector<16xf32>
      %swap3A_518 = vector.shape_cast %broadcast_in_dim3A_512 : vector<16xf32> to vector<1x16xf32>
      tpu.vector_store %arg14[%swap3A_514, %swap3A_515], %swap3A_518 {strides = array<i32>} : memref<768x128xf32, #tpu.memory_space<vmem>>, vector<1x16xf32>,
      %broadcast_in_dim3A_519 = arith.constant 0.000000e+00 : f32
      %broadcast_in_dim3A_520 = vector.broadcast %broadcast_in_dim3A_519 : f32 to vector<16xf32>
      %swap3A_521 = arith.constant 6 : i32
      %swap3A_522 = arith.index_cast %swap3A_521 : i32 to index
      %swap3A_523 = arith.constant 32 : index
      %swap3A_524 = tpu.vector_load %arg14[%swap3A_522, %swap3A_523] {strides = array<i32>} : memref<768x128xf32, #tpu.memory_space<vmem>>, vector<1x16xf32>,
      %swap3A_525 = vector.shape_cast %swap3A_524 : vector<1x16xf32> to vector<16xf32>
      %swap3A_526 = vector.shape_cast %broadcast_in_dim3A_520 : vector<16xf32> to vector<1x16xf32>
      tpu.vector_store %arg14[%swap3A_522, %swap3A_523], %swap3A_526 {strides = array<i32>} : memref<768x128xf32, #tpu.memory_space<vmem>>, vector<1x16xf32>,
      %broadcast_in_dim3A_527 = arith.constant 0.000000e+00 : f32
      %broadcast_in_dim3A_528 = vector.broadcast %broadcast_in_dim3A_527 : f32 to vector<16xf32>
      %swap3A_529 = arith.constant 6 : i32
      %swap3A_530 = arith.index_cast %swap3A_529 : i32 to index
      %swap3A_531 = arith.constant 48 : index
      %swap3A_532 = tpu.vector_load %arg14[%swap3A_530, %swap3A_531] {strides = array<i32>} : memref<768x128xf32, #tpu.memory_space<vmem>>, vector<1x16xf32>,
      %swap3A_533 = vector.shape_cast %swap3A_532 : vector<1x16xf32> to vector<16xf32>
      %swap3A_534 = vector.shape_cast %broadcast_in_dim3A_528 : vector<16xf32> to vector<1x16xf32>
      tpu.vector_store %arg14[%swap3A_530, %swap3A_531], %swap3A_534 {strides = array<i32>} : memref<768x128xf32, #tpu.memory_space<vmem>>, vector<1x16xf32>,
      %broadcast_in_dim3A_535 = arith.constant 0.000000e+00 : f32
      %broadcast_in_dim3A_536 = vector.broadcast %broadcast_in_dim3A_535 : f32 to vector<16xf32>
      %swap3A_537 = arith.constant 6 : i32
      %swap3A_538 = arith.index_cast %swap3A_537 : i32 to index
      %swap3A_539 = arith.constant 64 : index
      %swap3A_540 = tpu.vector_load %arg14[%swap3A_538, %swap3A_539] {strides = array<i32>} : memref<768x128xf32, #tpu.memory_space<vmem>>, vector<1x16xf32>,
      %swap3A_541 = vector.shape_cast %swap3A_540 : vector<1x16xf32> to vector<16xf32>
      %swap3A_542 = vector.shape_cast %broadcast_in_dim3A_536 : vector<16xf32> to vector<1x16xf32>
      tpu.vector_store %arg14[%swap3A_538, %swap3A_539], %swap3A_542 {strides = array<i32>} : memref<768x128xf32, #tpu.memory_space<vmem>>, vector<1x16xf32>,
      %broadcast_in_dim3A_543 = arith.constant 0.000000e+00 : f32
      %broadcast_in_dim3A_544 = vector.broadcast %broadcast_in_dim3A_543 : f32 to vector<16xf32>
      %swap3A_545 = arith.constant 6 : i32
      %swap3A_546 = arith.index_cast %swap3A_545 : i32 to index
      %swap3A_547 = arith.constant 80 : index
      %swap3A_548 = tpu.vector_load %arg14[%swap3A_546, %swap3A_547] {strides = array<i32>} : memref<768x128xf32, #tpu.memory_space<vmem>>, vector<1x16xf32>,
      %swap3A_549 = vector.shape_cast %swap3A_548 : vector<1x16xf32> to vector<16xf32>
      %swap3A_550 = vector.shape_cast %broadcast_in_dim3A_544 : vector<16xf32> to vector<1x16xf32>
      tpu.vector_store %arg14[%swap3A_546, %swap3A_547], %swap3A_550 {strides = array<i32>} : memref<768x128xf32, #tpu.memory_space<vmem>>, vector<1x16xf32>,
      %broadcast_in_dim3A_551 = arith.constant 0.000000e+00 : f32
      %broadcast_in_dim3A_552 = vector.broadcast %broadcast_in_dim3A_551 : f32 to vector<16xf32>
      %swap3A_553 = arith.constant 6 : i32
      %swap3A_554 = arith.index_cast %swap3A_553 : i32 to index
      %swap3A_555 = arith.constant 96 : index
      %swap3A_556 = tpu.vector_load %arg14[%swap3A_554, %swap3A_555] {strides = array<i32>} : memref<768x128xf32, #tpu.memory_space<vmem>>, vector<1x16xf32>,
      %swap3A_557 = vector.shape_cast %swap3A_556 : vector<1x16xf32> to vector<16xf32>
      %swap3A_558 = vector.shape_cast %broadcast_in_dim3A_552 : vector<16xf32> to vector<1x16xf32>
      tpu.vector_store %arg14[%swap3A_554, %swap3A_555], %swap3A_558 {strides = array<i32>} : memref<768x128xf32, #tpu.memory_space<vmem>>, vector<1x16xf32>,
      %broadcast_in_dim3A_559 = arith.constant 0.000000e+00 : f32
      %broadcast_in_dim3A_560 = vector.broadcast %broadcast_in_dim3A_559 : f32 to vector<16xf32>
      %swap3A_561 = arith.constant 6 : i32
      %swap3A_562 = arith.index_cast %swap3A_561 : i32 to index
      %swap3A_563 = arith.constant 112 : index
      %swap3A_564 = tpu.vector_load %arg14[%swap3A_562, %swap3A_563] {strides = array<i32>} : memref<768x128xf32, #tpu.memory_space<vmem>>, vector<1x16xf32>,
      %swap3A_565 = vector.shape_cast %swap3A_564 : vector<1x16xf32> to vector<16xf32>
      %swap3A_566 = vector.shape_cast %broadcast_in_dim3A_560 : vector<16xf32> to vector<1x16xf32>
      tpu.vector_store %arg14[%swap3A_562, %swap3A_563], %swap3A_566 {strides = array<i32>} : memref<768x128xf32, #tpu.memory_space<vmem>>, vector<1x16xf32>,
      %broadcast_in_dim3A_567 = arith.constant 0.000000e+00 : f32
      %broadcast_in_dim3A_568 = vector.broadcast %broadcast_in_dim3A_567 : f32 to vector<16xf32>
      %swap3A_569 = arith.constant 7 : i32
      %swap3A_570 = arith.index_cast %swap3A_569 : i32 to index
      %swap3A_571 = arith.constant 0 : index
      %swap3A_572 = tpu.vector_load %arg14[%swap3A_570, %swap3A_571] {strides = array<i32>} : memref<768x128xf32, #tpu.memory_space<vmem>>, vector<1x16xf32>,
      %swap3A_573 = vector.shape_cast %swap3A_572 : vector<1x16xf32> to vector<16xf32>
      %swap3A_574 = vector.shape_cast %broadcast_in_dim3A_568 : vector<16xf32> to vector<1x16xf32>
      tpu.vector_store %arg14[%swap3A_570, %swap3A_571], %swap3A_574 {strides = array<i32>} : memref<768x128xf32, #tpu.memory_space<vmem>>, vector<1x16xf32>,
      %broadcast_in_dim3A_575 = arith.constant 0.000000e+00 : f32
      %broadcast_in_dim3A_576 = vector.broadcast %broadcast_in_dim3A_575 : f32 to vector<16xf32>
      %swap3A_577 = arith.constant 7 : i32
      %swap3A_578 = arith.index_cast %swap3A_577 : i32 to index
      %swap3A_579 = arith.constant 16 : index
      %swap3A_580 = tpu.vector_load %arg14[%swap3A_578, %swap3A_579] {strides = array<i32>} : memref<768x128xf32, #tpu.memory_space<vmem>>, vector<1x16xf32>,
      %swap3A_581 = vector.shape_cast %swap3A_580 : vector<1x16xf32> to vector<16xf32>
      %swap3A_582 = vector.shape_cast %broadcast_in_dim3A_576 : vector<16xf32> to vector<1x16xf32>
      tpu.vector_store %arg14[%swap3A_578, %swap3A_579], %swap3A_582 {strides = array<i32>} : memref<768x128xf32, #tpu.memory_space<vmem>>, vector<1x16xf32>,
      %broadcast_in_dim3A_583 = arith.constant 0.000000e+00 : f32
      %broadcast_in_dim3A_584 = vector.broadcast %broadcast_in_dim3A_583 : f32 to vector<16xf32>
      %swap3A_585 = arith.constant 7 : i32
      %swap3A_586 = arith.index_cast %swap3A_585 : i32 to index
      %swap3A_587 = arith.constant 32 : index
      %swap3A_588 = tpu.vector_load %arg14[%swap3A_586, %swap3A_587] {strides = array<i32>} : memref<768x128xf32, #tpu.memory_space<vmem>>, vector<1x16xf32>,
      %swap3A_589 = vector.shape_cast %swap3A_588 : vector<1x16xf32> to vector<16xf32>
      %swap3A_590 = vector.shape_cast %broadcast_in_dim3A_584 : vector<16xf32> to vector<1x16xf32>
      tpu.vector_store %arg14[%swap3A_586, %swap3A_587], %swap3A_590 {strides = array<i32>} : memref<768x128xf32, #tpu.memory_space<vmem>>, vector<1x16xf32>,
      %broadcast_in_dim3A_591 = arith.constant 0.000000e+00 : f32
      %broadcast_in_dim3A_592 = vector.broadcast %broadcast_in_dim3A_591 : f32 to vector<16xf32>
      %swap3A_593 = arith.constant 7 : i32
      %swap3A_594 = arith.index_cast %swap3A_593 : i32 to index
      %swap3A_595 = arith.constant 48 : index
      %swap3A_596 = tpu.vector_load %arg14[%swap3A_594, %swap3A_595] {strides = array<i32>} : memref<768x128xf32, #tpu.memory_space<vmem>>, vector<1x16xf32>,
      %swap3A_597 = vector.shape_cast %swap3A_596 : vector<1x16xf32> to vector<16xf32>
      %swap3A_598 = vector.shape_cast %broadcast_in_dim3A_592 : vector<16xf32> to vector<1x16xf32>
      tpu.vector_store %arg14[%swap3A_594, %swap3A_595], %swap3A_598 {strides = array<i32>} : memref<768x128xf32, #tpu.memory_space<vmem>>, vector<1x16xf32>,
      %broadcast_in_dim3A_599 = arith.constant 0.000000e+00 : f32
      %broadcast_in_dim3A_600 = vector.broadcast %broadcast_in_dim3A_599 : f32 to vector<16xf32>
      %swap3A_601 = arith.constant 7 : i32
      %swap3A_602 = arith.index_cast %swap3A_601 : i32 to index
      %swap3A_603 = arith.constant 64 : index
      %swap3A_604 = tpu.vector_load %arg14[%swap3A_602, %swap3A_603] {strides = array<i32>} : memref<768x128xf32, #tpu.memory_space<vmem>>, vector<1x16xf32>,
      %swap3A_605 = vector.shape_cast %swap3A_604 : vector<1x16xf32> to vector<16xf32>
      %swap3A_606 = vector.shape_cast %broadcast_in_dim3A_600 : vector<16xf32> to vector<1x16xf32>
      tpu.vector_store %arg14[%swap3A_602, %swap3A_603], %swap3A_606 {strides = array<i32>} : memref<768x128xf32, #tpu.memory_space<vmem>>, vector<1x16xf32>,
      %broadcast_in_dim3A_607 = arith.constant 0.000000e+00 : f32
      %broadcast_in_dim3A_608 = vector.broadcast %broadcast_in_dim3A_607 : f32 to vector<16xf32>
      %swap3A_609 = arith.constant 7 : i32
      %swap3A_610 = arith.index_cast %swap3A_609 : i32 to index
      %swap3A_611 = arith.constant 80 : index
      %swap3A_612 = tpu.vector_load %arg14[%swap3A_610, %swap3A_611] {strides = array<i32>} : memref<768x128xf32, #tpu.memory_space<vmem>>, vector<1x16xf32>,
      %swap3A_613 = vector.shape_cast %swap3A_612 : vector<1x16xf32> to vector<16xf32>
      %swap3A_614 = vector.shape_cast %broadcast_in_dim3A_608 : vector<16xf32> to vector<1x16xf32>
      tpu.vector_store %arg14[%swap3A_610, %swap3A_611], %swap3A_614 {strides = array<i32>} : memref<768x128xf32, #tpu.memory_space<vmem>>, vector<1x16xf32>,
      %broadcast_in_dim3A_615 = arith.constant 0.000000e+00 : f32
      %broadcast_in_dim3A_616 = vector.broadcast %broadcast_in_dim3A_615 : f32 to vector<16xf32>
      %swap3A_617 = arith.constant 7 : i32
      %swap3A_618 = arith.index_cast %swap3A_617 : i32 to index
      %swap3A_619 = arith.constant 96 : index
      %swap3A_620 = tpu.vector_load %arg14[%swap3A_618, %swap3A_619] {strides = array<i32>} : memref<768x128xf32, #tpu.memory_space<vmem>>, vector<1x16xf32>,
      %swap3A_621 = vector.shape_cast %swap3A_620 : vector<1x16xf32> to vector<16xf32>
      %swap3A_622 = vector.shape_cast %broadcast_in_dim3A_616 : vector<16xf32> to vector<1x16xf32>
      tpu.vector_store %arg14[%swap3A_618, %swap3A_619], %swap3A_622 {strides = array<i32>} : memref<768x128xf32, #tpu.memory_space<vmem>>, vector<1x16xf32>,
      %broadcast_in_dim3A_623 = arith.constant 0.000000e+00 : f32
      %broadcast_in_dim3A_624 = vector.broadcast %broadcast_in_dim3A_623 : f32 to vector<16xf32>
      %swap3A_625 = arith.constant 7 : i32
      %swap3A_626 = arith.index_cast %swap3A_625 : i32 to index
      %swap3A_627 = arith.constant 112 : index
      %swap3A_628 = tpu.vector_load %arg14[%swap3A_626, %swap3A_627] {strides = array<i32>} : memref<768x128xf32, #tpu.memory_space<vmem>>, vector<1x16xf32>,
      %swap3A_629 = vector.shape_cast %swap3A_628 : vector<1x16xf32> to vector<16xf32>
      %swap3A_630 = vector.shape_cast %broadcast_in_dim3A_624 : vector<16xf32> to vector<1x16xf32>
      tpu.vector_store %arg14[%swap3A_626, %swap3A_627], %swap3A_630 {strides = array<i32>} : memref<768x128xf32, #tpu.memory_space<vmem>>, vector<1x16xf32>,
      "tpu.region"() ({
        %run_scoped3A = tpu.sem_alloc : memref<!tpu.dma_semaphore, #tpu.memory_space<semaphore_mem>>
        %dma_start3A = arith.constant 0 : i32
        %dma_start3A_631 = arith.constant 0 : i32
        %dma_start3A_632 = tpu.memref_slice %arg14[%dma_start3A, %dma_start3A_631] : memref<768x128xf32, #tpu.memory_space<vmem>> -> memref<8x128xf32, #tpu.memory_space<vmem>>
        %dma_start3A_633 = arith.constant 2008 : i32
        %dma_start3A_634 = arith.constant 0 : i32
        %dma_start3A_635 = tpu.memref_slice %arg15[%dma_start3A_633, %dma_start3A_634] : memref<2016x128xf32, #tpu.memory_space<vmem_shared>> -> memref<8x128xf32, #tpu.memory_space<vmem_shared>>
        %dma_start3A_636 = arith.constant 2008 : i32
        %dma_start3A_637 = arith.constant 0 : i32
        %dma_start3A_638 = tpu.memref_slice %arg15[%dma_start3A_636, %dma_start3A_637] : memref<2016x128xf32, #tpu.memory_space<vmem_shared>> -> memref<8x128xf32, #tpu.memory_space<vmem_shared>>
        %dma_start3A_639 = arith.constant 0 : i32
        %dma_start3A_640 = arith.constant 0 : i32
        %dma_start3A_641 = tpu.memref_slice %arg14[%dma_start3A_639, %dma_start3A_640] : memref<768x128xf32, #tpu.memory_space<vmem>> -> memref<8x128xf32, #tpu.memory_space<vmem>>
        tpu.enqueue_dma source(%dma_start3A_641 : memref<8x128xf32, #tpu.memory_space<vmem>>) target(%dma_start3A_638 : memref<8x128xf32, #tpu.memory_space<vmem_shared>>) target_semaphore(%run_scoped3A : memref<!tpu.dma_semaphore, #tpu.memory_space<semaphore_mem>>)
        %dma_wait3A_642 = arith.constant 0 : i32
        %dma_wait3A_643 = arith.constant 0 : i32
        %dma_wait3A_644 = tpu.memref_slice %arg14[%dma_wait3A_642, %dma_wait3A_643] : memref<768x128xf32, #tpu.memory_space<vmem>> -> memref<8x128xf32, #tpu.memory_space<vmem>>
        %dma_wait3A_645 = arith.constant 2008 : i32
        %dma_wait3A_646 = arith.constant 0 : i32
        %dma_wait3A_647 = tpu.memref_slice %arg15[%dma_wait3A_645, %dma_wait3A_646] : memref<2016x128xf32, #tpu.memory_space<vmem_shared>> -> memref<8x128xf32, #tpu.memory_space<vmem_shared>>
        %dma_wait3A_648 = arith.constant 2008 : i32
        %dma_wait3A_649 = arith.constant 0 : i32
        %dma_wait3A_650 = tpu.memref_slice %arg15[%dma_wait3A_648, %dma_wait3A_649] : memref<2016x128xf32, #tpu.memory_space<vmem_shared>> -> memref<8x128xf32, #tpu.memory_space<vmem_shared>>
        %dma_wait3A_651 = arith.constant 0 : i32
        %dma_wait3A_652 = arith.constant 0 : i32
        %dma_wait3A_653 = tpu.memref_slice %arg14[%dma_wait3A_651, %dma_wait3A_652] : memref<768x128xf32, #tpu.memory_space<vmem>> -> memref<8x128xf32, #tpu.memory_space<vmem>>
        tpu.wait_dma2 semaphore(%run_scoped3A : memref<!tpu.dma_semaphore, #tpu.memory_space<semaphore_mem>>) src(%dma_wait3A_653 : memref<8x128xf32, #tpu.memory_space<vmem>>) dst(%dma_wait3A_650 : memref<8x128xf32, #tpu.memory_space<vmem_shared>>)
        tpu.yield
      }) : () -> ()
      "tpu.region"() ({
        %run_scoped3A = tpu.sem_alloc : memref<!tpu.dma_semaphore, #tpu.memory_space<semaphore_mem>>
        %dma_start3A = arith.constant 0 : i32
        %dma_start3A_631 = arith.constant 0 : i32
        %dma_start3A_632 = tpu.memref_slice %arg14[%dma_start3A, %dma_start3A_631] : memref<768x128xf32, #tpu.memory_space<vmem>> -> memref<8x128xf32, #tpu.memory_space<vmem>>
        %dma_start3A_633 = arith.constant 504 : i32
        %dma_start3A_634 = arith.constant 0 : i32
        %dma_start3A_635 = tpu.memref_slice %arg16[%dma_start3A_633, %dma_start3A_634] : memref<512x128xf32, #tpu.memory_space<vmem_shared>> -> memref<8x128xf32, #tpu.memory_space<vmem_shared>>
        %dma_start3A_636 = arith.constant 504 : i32
        %dma_start3A_637 = arith.constant 0 : i32
        %dma_start3A_638 = tpu.memref_slice %arg16[%dma_start3A_636, %dma_start3A_637] : memref<512x128xf32, #tpu.memory_space<vmem_shared>> -> memref<8x128xf32, #tpu.memory_space<vmem_shared>>
        %dma_start3A_639 = arith.constant 0 : i32
        %dma_start3A_640 = arith.constant 0 : i32
        %dma_start3A_641 = tpu.memref_slice %arg14[%dma_start3A_639, %dma_start3A_640] : memref<768x128xf32, #tpu.memory_space<vmem>> -> memref<8x128xf32, #tpu.memory_space<vmem>>
        tpu.enqueue_dma source(%dma_start3A_641 : memref<8x128xf32, #tpu.memory_space<vmem>>) target(%dma_start3A_638 : memref<8x128xf32, #tpu.memory_space<vmem_shared>>) target_semaphore(%run_scoped3A : memref<!tpu.dma_semaphore, #tpu.memory_space<semaphore_mem>>)
        %dma_wait3A_642 = arith.constant 0 : i32
        %dma_wait3A_643 = arith.constant 0 : i32
        %dma_wait3A_644 = tpu.memref_slice %arg14[%dma_wait3A_642, %dma_wait3A_643] : memref<768x128xf32, #tpu.memory_space<vmem>> -> memref<8x128xf32, #tpu.memory_space<vmem>>
        %dma_wait3A_645 = arith.constant 504 : i32
        %dma_wait3A_646 = arith.constant 0 : i32
        %dma_wait3A_647 = tpu.memref_slice %arg16[%dma_wait3A_645, %dma_wait3A_646] : memref<512x128xf32, #tpu.memory_space<vmem_shared>> -> memref<8x128xf32, #tpu.memory_space<vmem_shared>>
        %dma_wait3A_648 = arith.constant 504 : i32
        %dma_wait3A_649 = arith.constant 0 : i32
        %dma_wait3A_650 = tpu.memref_slice %arg16[%dma_wait3A_648, %dma_wait3A_649] : memref<512x128xf32, #tpu.memory_space<vmem_shared>> -> memref<8x128xf32, #tpu.memory_space<vmem_shared>>
        %dma_wait3A_651 = arith.constant 0 : i32
        %dma_wait3A_652 = arith.constant 0 : i32
        %dma_wait3A_653 = tpu.memref_slice %arg14[%dma_wait3A_651, %dma_wait3A_652] : memref<768x128xf32, #tpu.memory_space<vmem>> -> memref<8x128xf32, #tpu.memory_space<vmem>>
        tpu.wait_dma2 semaphore(%run_scoped3A : memref<!tpu.dma_semaphore, #tpu.memory_space<semaphore_mem>>) src(%dma_wait3A_653 : memref<8x128xf32, #tpu.memory_space<vmem>>) dst(%dma_wait3A_650 : memref<8x128xf32, #tpu.memory_space<vmem_shared>>)
        tpu.yield
      }) : () -> ()
    } else {
    }
    %barrier3A = arith.constant 0 : index
    tpu.barrier barrier_id(%barrier3A)
    %scan3A = arith.constant 0 : i32
    %scan3A_21 = arith.constant 0 : i32
    %scan3A_22 = arith.constant 11 : i32
    %scan3A_23 = arith.addi %scan3A_21, %scan3A_22 : i32
    %scan3A_24 = arith.constant 1 : i32
    scf.for %scan3A_121 = %scan3A_21 to %scan3A_23 step %scan3A_24  : i32 {
      %mul3A_122 = arith.constant 6 : i32
      %mul3A_123 = arith.muli %scan3A_121, %mul3A_122 : i32
      %add3A_124 = arith.constant 0 : i32
      %add3A_125 = arith.addi %mul3A_123, %add3A_124 : i32
      %sub3A = arith.constant 0 : i32
      %sub3A_126 = arith.subi %add3A_125, %sub3A : i32
      %ge3A = arith.constant 0 : i32
      %ge3A_127 = arith.cmpi sge, %sub3A_126, %ge3A : i32
      %lt3A = arith.constant 50 : i32
      %lt3A_128 = arith.cmpi slt, %sub3A_126, %lt3A : i32
      %and3A = arith.andi %ge3A_127, %lt3A_128 : i1
      %convert_element_type3A_129 = arith.extui %and3A : i1 to i32
      %cond3A_130 = arith.constant 0 : i32
      %cond3A_131 = arith.cmpi ne, %convert_element_type3A_129, %cond3A_130 : i32
      scf.if %cond3A_131 {
        %mul3A_502 = arith.constant 128 : i32
        %mul3A_503 = arith.muli %sub3A_126, %mul3A_502 : i32
        %multiple_of3A_504 = tpu.assume_multiple %mul3A_503, 128 : i32
        %add3A_505 = arith.addi %multiple_of3A, %multiple_of3A_504 : i32
        %dma_start3A = arith.constant 0 : i32
        %dma_start3A_506 = arith.constant 0 : i32
        %dma_start3A_507 = tpu.memref_slice %arg10[%dma_start3A_506] : memref<768xi32, #tpu.memory_space<vmem>> -> memref<128xi32, #tpu.memory_space<vmem>>
        %dma_start3A_508 = tpu.memref_slice %arg2[%add3A_505] : memref<204800xi32, #tpu.memory_space<hbm>> -> memref<128xi32, #tpu.memory_space<hbm>>
        %dma_start3A_509 = tpu.memref_slice %arg17[%dma_start3A] : memref<6x!tpu.dma_semaphore, #tpu.memory_space<semaphore_mem>> -> memref<1x!tpu.dma_semaphore, #tpu.memory_space<semaphore_mem>>
        %dma_start3A_510 = tpu.memref_squeeze %dma_start3A_509 : memref<1x!tpu.dma_semaphore, #tpu.memory_space<semaphore_mem>> -> memref<!tpu.dma_semaphore, #tpu.memory_space<semaphore_mem>>
        %dma_start3A_511 = arith.constant 0 : i32
        %dma_start3A_512 = tpu.memref_slice %arg10[%dma_start3A_511] : memref<768xi32, #tpu.memory_space<vmem>> -> memref<128xi32, #tpu.memory_space<vmem>>
        %dma_start3A_513 = tpu.memref_slice %arg2[%add3A_505] : memref<204800xi32, #tpu.memory_space<hbm>> -> memref<128xi32, #tpu.memory_space<hbm>>
        tpu.enqueue_dma source(%dma_start3A_513 : memref<128xi32, #tpu.memory_space<hbm>>) target(%dma_start3A_512 : memref<128xi32, #tpu.memory_space<vmem>>) target_semaphore(%dma_start3A_510 : memref<!tpu.dma_semaphore, #tpu.memory_space<semaphore_mem>>)
      } else {
      }
      %sub3A_132 = arith.constant 1 : i32
      %sub3A_133 = arith.subi %add3A_125, %sub3A_132 : i32
      %ge3A_134 = arith.constant 0 : i32
      %ge3A_135 = arith.cmpi sge, %sub3A_133, %ge3A_134 : i32
      %lt3A_136 = arith.constant 50 : i32
      %lt3A_137 = arith.cmpi slt, %sub3A_133, %lt3A_136 : i32
      %and3A_138 = arith.andi %ge3A_135, %lt3A_137 : i1
      %convert_element_type3A_139 = arith.extui %and3A_138 : i1 to i32
      %cond3A_140 = arith.constant 0 : i32
      %cond3A_141 = arith.cmpi ne, %convert_element_type3A_139, %cond3A_140 : i32
      scf.if %cond3A_141 {
        %mul3A_502 = arith.constant 128 : i32
        %mul3A_503 = arith.muli %sub3A_133, %mul3A_502 : i32
        %multiple_of3A_504 = tpu.assume_multiple %mul3A_503, 128 : i32
        %add3A_505 = arith.addi %multiple_of3A, %multiple_of3A_504 : i32
        %dma_wait3A_506 = arith.constant 5 : i32
        %dma_wait3A_507 = arith.constant 640 : i32
        %dma_wait3A_508 = tpu.memref_slice %arg10[%dma_wait3A_507] : memref<768xi32, #tpu.memory_space<vmem>> -> memref<128xi32, #tpu.memory_space<vmem>>
        %dma_wait3A_509 = tpu.memref_slice %arg2[%add3A_505] : memref<204800xi32, #tpu.memory_space<hbm>> -> memref<128xi32, #tpu.memory_space<hbm>>
        %dma_wait3A_510 = tpu.memref_slice %arg17[%dma_wait3A_506] : memref<6x!tpu.dma_semaphore, #tpu.memory_space<semaphore_mem>> -> memref<1x!tpu.dma_semaphore, #tpu.memory_space<semaphore_mem>>
        %dma_wait3A_511 = tpu.memref_squeeze %dma_wait3A_510 : memref<1x!tpu.dma_semaphore, #tpu.memory_space<semaphore_mem>> -> memref<!tpu.dma_semaphore, #tpu.memory_space<semaphore_mem>>
        %dma_wait3A_512 = arith.constant 640 : i32
        %dma_wait3A_513 = tpu.memref_slice %arg10[%dma_wait3A_512] : memref<768xi32, #tpu.memory_space<vmem>> -> memref<128xi32, #tpu.memory_space<vmem>>
        %dma_wait3A_514 = tpu.memref_slice %arg2[%add3A_505] : memref<204800xi32, #tpu.memory_space<hbm>> -> memref<128xi32, #tpu.memory_space<hbm>>
        tpu.wait_dma2 semaphore(%dma_wait3A_511 : memref<!tpu.dma_semaphore, #tpu.memory_space<semaphore_mem>>) src(%dma_wait3A_514 : memref<128xi32, #tpu.memory_space<hbm>>) dst(%dma_wait3A_513 : memref<128xi32, #tpu.memory_space<vmem>>)
        %dma_start3A = arith.constant 5 : i32
        %dma_start3A_515 = arith.constant 640 : i32
        %dma_start3A_516 = tpu.memref_slice %arg11[%dma_start3A_515] : memref<768xi32, #tpu.memory_space<vmem>> -> memref<128xi32, #tpu.memory_space<vmem>>
        %dma_start3A_517 = arith.constant 640 : i32
        %dma_start3A_518 = tpu.memref_slice %arg10[%dma_start3A_517] : memref<768xi32, #tpu.memory_space<vmem>> -> memref<128xi32, #tpu.memory_space<vmem>>
        %dma_start3A_519 = arith.constant 0 : i32
        %dma_start3A_520 = tpu.memref_slice %arg3[%dma_start3A_519] : memref<100000xi32, #tpu.memory_space<hbm>> -> memref<100000xi32, #tpu.memory_space<hbm>>
        %dma_start3A_521 = tpu.memref_slice %arg18[%dma_start3A] : memref<6x!tpu.dma_semaphore, #tpu.memory_space<semaphore_mem>> -> memref<1x!tpu.dma_semaphore, #tpu.memory_space<semaphore_mem>>
        %dma_start3A_522 = tpu.memref_squeeze %dma_start3A_521 : memref<1x!tpu.dma_semaphore, #tpu.memory_space<semaphore_mem>> -> memref<!tpu.dma_semaphore, #tpu.memory_space<semaphore_mem>>
        tpu.enqueue_indirect_dma source(%dma_start3A_520 : memref<100000xi32, #tpu.memory_space<hbm>>) target(%dma_start3A_516 : memref<128xi32, #tpu.memory_space<vmem>>) offsets(%dma_start3A_518 : memref<128xi32, #tpu.memory_space<vmem>>) semaphore(%dma_start3A_522 : memref<!tpu.dma_semaphore, #tpu.memory_space<semaphore_mem>>)
        %dma_start3A_523 = arith.constant 5 : i32
        %dma_start3A_524 = arith.constant 640 : i32
        %dma_start3A_525 = tpu.memref_slice %arg12[%dma_start3A_524] : memref<768xi32, #tpu.memory_space<vmem>> -> memref<128xi32, #tpu.memory_space<vmem>>
        %dma_start3A_526 = arith.constant 640 : i32
        %dma_start3A_527 = tpu.memref_slice %arg10[%dma_start3A_526] : memref<768xi32, #tpu.memory_space<vmem>> -> memref<128xi32, #tpu.memory_space<vmem>>
        %dma_start3A_528 = arith.constant 0 : i32
        %dma_start3A_529 = tpu.memref_slice %arg4[%dma_start3A_528] : memref<100000xi32, #tpu.memory_space<hbm>> -> memref<100000xi32, #tpu.memory_space<hbm>>
        %dma_start3A_530 = tpu.memref_slice %arg18[%dma_start3A_523] : memref<6x!tpu.dma_semaphore, #tpu.memory_space<semaphore_mem>> -> memref<1x!tpu.dma_semaphore, #tpu.memory_space<semaphore_mem>>
        %dma_start3A_531 = tpu.memref_squeeze %dma_start3A_530 : memref<1x!tpu.dma_semaphore, #tpu.memory_space<semaphore_mem>> -> memref<!tpu.dma_semaphore, #tpu.memory_space<semaphore_mem>>
        tpu.enqueue_indirect_dma source(%dma_start3A_529 : memref<100000xi32, #tpu.memory_space<hbm>>) target(%dma_start3A_525 : memref<128xi32, #tpu.memory_space<vmem>>) offsets(%dma_start3A_527 : memref<128xi32, #tpu.memory_space<vmem>>) semaphore(%dma_start3A_531 : memref<!tpu.dma_semaphore, #tpu.memory_space<semaphore_mem>>)
        %dma_start3A_532 = arith.constant 5 : i32
        %dma_start3A_533 = arith.constant 640 : i32
        %dma_start3A_534 = tpu.memref_slice %arg13[%dma_start3A_533] : memref<768xi32, #tpu.memory_space<vmem>> -> memref<128xi32, #tpu.memory_space<vmem>>
        %dma_start3A_535 = arith.constant 640 : i32
        %dma_start3A_536 = tpu.memref_slice %arg10[%dma_start3A_535] : memref<768xi32, #tpu.memory_space<vmem>> -> memref<128xi32, #tpu.memory_space<vmem>>
        %dma_start3A_537 = arith.constant 0 : i32
        %dma_start3A_538 = tpu.memref_slice %arg5[%dma_start3A_537] : memref<100000xi32, #tpu.memory_space<hbm>> -> memref<100000xi32, #tpu.memory_space<hbm>>
        %dma_start3A_539 = tpu.memref_slice %arg18[%dma_start3A_532] : memref<6x!tpu.dma_semaphore, #tpu.memory_space<semaphore_mem>> -> memref<1x!tpu.dma_semaphore, #tpu.memory_space<semaphore_mem>>
        %dma_start3A_540 = tpu.memref_squeeze %dma_start3A_539 : memref<1x!tpu.dma_semaphore, #tpu.memory_space<semaphore_mem>> -> memref<!tpu.dma_semaphore, #tpu.memory_space<semaphore_mem>>
        tpu.enqueue_indirect_dma source(%dma_start3A_538 : memref<100000xi32, #tpu.memory_space<hbm>>) target(%dma_start3A_534 : memref<128xi32, #tpu.memory_space<vmem>>) offsets(%dma_start3A_536 : memref<128xi32, #tpu.memory_space<vmem>>) semaphore(%dma_start3A_540 : memref<!tpu.dma_semaphore, #tpu.memory_space<semaphore_mem>>)
      } else {
      }
      %sub3A_142 = arith.constant 2 : i32
      %sub3A_143 = arith.subi %add3A_125, %sub3A_142 : i32
      %ge3A_144 = arith.constant 0 : i32
      %ge3A_145 = arith.cmpi sge, %sub3A_143, %ge3A_144 : i32
      %lt3A_146 = arith.constant 50 : i32
      %lt3A_147 = arith.cmpi slt, %sub3A_143, %lt3A_146 : i32
      %and3A_148 = arith.andi %ge3A_145, %lt3A_147 : i1
      %convert_element_type3A_149 = arith.extui %and3A_148 : i1 to i32
      %cond3A_150 = arith.constant 0 : i32
      %cond3A_151 = arith.cmpi ne, %convert_element_type3A_149, %cond3A_150 : i32
      scf.if %cond3A_151 {
        %ge3A_502 = arith.constant 6 : i32
        %ge3A_503 = arith.cmpi sge, %sub3A_143, %ge3A_502 : i32
        %convert_element_type3A_504 = arith.extui %ge3A_503 : i1 to i32
        %cond3A_505 = arith.constant 0 : i32
        %cond3A_506 = arith.cmpi ne, %convert_element_type3A_504, %cond3A_505 : i32
        scf.if %cond3A_506 {
          %sub3A_746 = arith.constant 6 : i32
          %sub3A_747 = arith.subi %sub3A_143, %sub3A_746 : i32
          %mul3A_748 = arith.constant 128 : i32
          %mul3A_749 = arith.muli %sub3A_747, %mul3A_748 : i32
          %multiple_of3A_750 = tpu.assume_multiple %mul3A_749, 128 : i32
          %add3A_751 = arith.addi %multiple_of3A, %multiple_of3A_750 : i32
          %dma_wait3A_752 = arith.constant 4 : i32
          %dma_wait3A_753 = arith.constant 512 : i32
          %dma_wait3A_754 = arith.constant 0 : i32
          %dma_wait3A_755 = tpu.memref_slice %arg14[%dma_wait3A_753, %dma_wait3A_754] : memref<768x128xf32, #tpu.memory_space<vmem>> -> memref<128x128xf32, #tpu.memory_space<vmem>>
          %dma_wait3A_756 = arith.constant 0 : i32
          %dma_wait3A_757 = tpu.memref_slice %arg9[%add3A_751, %dma_wait3A_756] : memref<204800x128xf32, #tpu.memory_space<hbm>> -> memref<128x128xf32, #tpu.memory_space<hbm>>
          %dma_wait3A_758 = tpu.memref_slice %arg20[%dma_wait3A_752] : memref<6x!tpu.dma_semaphore, #tpu.memory_space<semaphore_mem>> -> memref<1x!tpu.dma_semaphore, #tpu.memory_space<semaphore_mem>>
          %dma_wait3A_759 = tpu.memref_squeeze %dma_wait3A_758 : memref<1x!tpu.dma_semaphore, #tpu.memory_space<semaphore_mem>> -> memref<!tpu.dma_semaphore, #tpu.memory_space<semaphore_mem>>
          %dma_wait3A_760 = arith.constant 0 : i32
          %dma_wait3A_761 = tpu.memref_slice %arg9[%add3A_751, %dma_wait3A_760] : memref<204800x128xf32, #tpu.memory_space<hbm>> -> memref<128x128xf32, #tpu.memory_space<hbm>>
          %dma_wait3A_762 = arith.constant 512 : i32
          %dma_wait3A_763 = arith.constant 0 : i32
          %dma_wait3A_764 = tpu.memref_slice %arg14[%dma_wait3A_762, %dma_wait3A_763] : memref<768x128xf32, #tpu.memory_space<vmem>> -> memref<128x128xf32, #tpu.memory_space<vmem>>
          tpu.wait_dma2 semaphore(%dma_wait3A_759 : memref<!tpu.dma_semaphore, #tpu.memory_space<semaphore_mem>>) src(%dma_wait3A_764 : memref<128x128xf32, #tpu.memory_space<vmem>>) dst(%dma_wait3A_761 : memref<128x128xf32, #tpu.memory_space<hbm>>)
        } else {
        }
        %dma_wait3A_507 = arith.constant 4 : i32
        %dma_wait3A_508 = arith.constant 512 : i32
        %dma_wait3A_509 = tpu.memref_slice %arg11[%dma_wait3A_508] : memref<768xi32, #tpu.memory_space<vmem>> -> memref<128xi32, #tpu.memory_space<vmem>>
        %dma_wait3A_510 = arith.constant 512 : i32
        %dma_wait3A_511 = tpu.memref_slice %arg10[%dma_wait3A_510] : memref<768xi32, #tpu.memory_space<vmem>> -> memref<128xi32, #tpu.memory_space<vmem>>
        %dma_wait3A_512 = arith.constant 0 : i32
        %dma_wait3A_513 = tpu.memref_slice %arg3[%dma_wait3A_512] : memref<100000xi32, #tpu.memory_space<hbm>> -> memref<100000xi32, #tpu.memory_space<hbm>>
        %dma_wait3A_514 = tpu.memref_slice %arg18[%dma_wait3A_507] : memref<6x!tpu.dma_semaphore, #tpu.memory_space<semaphore_mem>> -> memref<1x!tpu.dma_semaphore, #tpu.memory_space<semaphore_mem>>
        %dma_wait3A_515 = tpu.memref_squeeze %dma_wait3A_514 : memref<1x!tpu.dma_semaphore, #tpu.memory_space<semaphore_mem>> -> memref<!tpu.dma_semaphore, #tpu.memory_space<semaphore_mem>>
        tpu.wait_indirect_dma semaphore(%dma_wait3A_515 : memref<!tpu.dma_semaphore, #tpu.memory_space<semaphore_mem>>) src(%dma_wait3A_513 : memref<100000xi32, #tpu.memory_space<hbm>>) dst(%dma_wait3A_509 : memref<128xi32, #tpu.memory_space<vmem>>)
        %dma_wait3A_516 = arith.constant 4 : i32
        %dma_wait3A_517 = arith.constant 512 : i32
        %dma_wait3A_518 = tpu.memref_slice %arg12[%dma_wait3A_517] : memref<768xi32, #tpu.memory_space<vmem>> -> memref<128xi32, #tpu.memory_space<vmem>>
        %dma_wait3A_519 = arith.constant 512 : i32
        %dma_wait3A_520 = tpu.memref_slice %arg10[%dma_wait3A_519] : memref<768xi32, #tpu.memory_space<vmem>> -> memref<128xi32, #tpu.memory_space<vmem>>
        %dma_wait3A_521 = arith.constant 0 : i32
        %dma_wait3A_522 = tpu.memref_slice %arg4[%dma_wait3A_521] : memref<100000xi32, #tpu.memory_space<hbm>> -> memref<100000xi32, #tpu.memory_space<hbm>>
        %dma_wait3A_523 = tpu.memref_slice %arg18[%dma_wait3A_516] : memref<6x!tpu.dma_semaphore, #tpu.memory_space<semaphore_mem>> -> memref<1x!tpu.dma_semaphore, #tpu.memory_space<semaphore_mem>>
        %dma_wait3A_524 = tpu.memref_squeeze %dma_wait3A_523 : memref<1x!tpu.dma_semaphore, #tpu.memory_space<semaphore_mem>> -> memref<!tpu.dma_semaphore, #tpu.memory_space<semaphore_mem>>
        tpu.wait_indirect_dma semaphore(%dma_wait3A_524 : memref<!tpu.dma_semaphore, #tpu.memory_space<semaphore_mem>>) src(%dma_wait3A_522 : memref<100000xi32, #tpu.memory_space<hbm>>) dst(%dma_wait3A_518 : memref<128xi32, #tpu.memory_space<vmem>>)
        %dma_wait3A_525 = arith.constant 4 : i32
        %dma_wait3A_526 = arith.constant 512 : i32
        %dma_wait3A_527 = tpu.memref_slice %arg13[%dma_wait3A_526] : memref<768xi32, #tpu.memory_space<vmem>> -> memref<128xi32, #tpu.memory_space<vmem>>
        %dma_wait3A_528 = arith.constant 512 : i32
        %dma_wait3A_529 = tpu.memref_slice %arg10[%dma_wait3A_528] : memref<768xi32, #tpu.memory_space<vmem>> -> memref<128xi32, #tpu.memory_space<vmem>>
        %dma_wait3A_530 = arith.constant 0 : i32
        %dma_wait3A_531 = tpu.memref_slice %arg5[%dma_wait3A_530] : memref<100000xi32, #tpu.memory_space<hbm>> -> memref<100000xi32, #tpu.memory_space<hbm>>
        %dma_wait3A_532 = tpu.memref_slice %arg18[%dma_wait3A_525] : memref<6x!tpu.dma_semaphore, #tpu.memory_space<semaphore_mem>> -> memref<1x!tpu.dma_semaphore, #tpu.memory_space<semaphore_mem>>
        %dma_wait3A_533 = tpu.memref_squeeze %dma_wait3A_532 : memref<1x!tpu.dma_semaphore, #tpu.memory_space<semaphore_mem>> -> memref<!tpu.dma_semaphore, #tpu.memory_space<semaphore_mem>>
        tpu.wait_indirect_dma semaphore(%dma_wait3A_533 : memref<!tpu.dma_semaphore, #tpu.memory_space<semaphore_mem>>) src(%dma_wait3A_531 : memref<100000xi32, #tpu.memory_space<hbm>>) dst(%dma_wait3A_527 : memref<128xi32, #tpu.memory_space<vmem>>)
        %get3A = arith.constant 512 : index
        %get3A_534 = tpu.vector_load %arg12[%get3A] {strides = array<i32>} : memref<768xi32, #tpu.memory_space<vmem>>, vector<16xi32>,
        %get3A_535 = vector.shape_cast %get3A_534 : vector<16xi32> to vector<16xi32>
        %gt3A = arith.constant 0 : i32
        %gt3A_536 = vector.broadcast %gt3A : i32 to vector<16xi32>
        %gt3A_537 = arith.cmpi sgt, %get3A_535, %gt3A_536 : vector<16xi32>
        %jit3A = arith.constant 2008 : i32
        %broadcast_in_dim3A = vector.broadcast %jit3A : i32 to vector<16xi32>
        %select_n3A = arith.select %gt3A_537, %get3A_535, %broadcast_in_dim3A : vector<16xi1>, vector<16xi32>
        %swap3A = arith.constant 512 : index
        %swap3A_538 = tpu.vector_load %arg12[%swap3A] {strides = array<i32>} : memref<768xi32, #tpu.memory_space<vmem>>, vector<16xi32>,
        %swap3A_539 = vector.shape_cast %swap3A_538 : vector<16xi32> to vector<16xi32>
        %swap3A_540 = vector.shape_cast %select_n3A : vector<16xi32> to vector<16xi32>
        tpu.vector_store %arg12[%swap3A], %swap3A_540 {strides = array<i32>} : memref<768xi32, #tpu.memory_space<vmem>>, vector<16xi32>,
        %get3A_541 = arith.constant 512 : index
        %get3A_542 = tpu.vector_load %arg13[%get3A_541] {strides = array<i32>} : memref<768xi32, #tpu.memory_space<vmem>>, vector<16xi32>,
        %get3A_543 = vector.shape_cast %get3A_542 : vector<16xi32> to vector<16xi32>
        %gt3A_544 = arith.constant 0 : i32
        %gt3A_545 = vector.broadcast %gt3A_544 : i32 to vector<16xi32>
        %gt3A_546 = arith.cmpi sgt, %get3A_543, %gt3A_545 : vector<16xi32>
        %jit3A_547 = arith.constant 504 : i32
        %broadcast_in_dim3A_548 = vector.broadcast %jit3A_547 : i32 to vector<16xi32>
        %select_n3A_549 = arith.select %gt3A_546, %get3A_543, %broadcast_in_dim3A_548 : vector<16xi1>, vector<16xi32>
        %swap3A_550 = arith.constant 512 : index
        %swap3A_551 = tpu.vector_load %arg13[%swap3A_550] {strides = array<i32>} : memref<768xi32, #tpu.memory_space<vmem>>, vector<16xi32>,
        %swap3A_552 = vector.shape_cast %swap3A_551 : vector<16xi32> to vector<16xi32>
        %swap3A_553 = vector.shape_cast %select_n3A_549 : vector<16xi32> to vector<16xi32>
        tpu.vector_store %arg13[%swap3A_550], %swap3A_553 {strides = array<i32>} : memref<768xi32, #tpu.memory_space<vmem>>, vector<16xi32>,
        %get3A_554 = arith.constant 528 : index
        %get3A_555 = tpu.vector_load %arg12[%get3A_554] {strides = array<i32>} : memref<768xi32, #tpu.memory_space<vmem>>, vector<16xi32>,
        %get3A_556 = vector.shape_cast %get3A_555 : vector<16xi32> to vector<16xi32>
        %gt3A_557 = arith.constant 0 : i32
        %gt3A_558 = vector.broadcast %gt3A_557 : i32 to vector<16xi32>
        %gt3A_559 = arith.cmpi sgt, %get3A_556, %gt3A_558 : vector<16xi32>
        %jit3A_560 = arith.constant 2008 : i32
        %broadcast_in_dim3A_561 = vector.broadcast %jit3A_560 : i32 to vector<16xi32>
        %select_n3A_562 = arith.select %gt3A_559, %get3A_556, %broadcast_in_dim3A_561 : vector<16xi1>, vector<16xi32>
        %swap3A_563 = arith.constant 528 : index
        %swap3A_564 = tpu.vector_load %arg12[%swap3A_563] {strides = array<i32>} : memref<768xi32, #tpu.memory_space<vmem>>, vector<16xi32>,
        %swap3A_565 = vector.shape_cast %swap3A_564 : vector<16xi32> to vector<16xi32>
        %swap3A_566 = vector.shape_cast %select_n3A_562 : vector<16xi32> to vector<16xi32>
        tpu.vector_store %arg12[%swap3A_563], %swap3A_566 {strides = array<i32>} : memref<768xi32, #tpu.memory_space<vmem>>, vector<16xi32>,
        %get3A_567 = arith.constant 528 : index
        %get3A_568 = tpu.vector_load %arg13[%get3A_567] {strides = array<i32>} : memref<768xi32, #tpu.memory_space<vmem>>, vector<16xi32>,
        %get3A_569 = vector.shape_cast %get3A_568 : vector<16xi32> to vector<16xi32>
        %gt3A_570 = arith.constant 0 : i32
        %gt3A_571 = vector.broadcast %gt3A_570 : i32 to vector<16xi32>
        %gt3A_572 = arith.cmpi sgt, %get3A_569, %gt3A_571 : vector<16xi32>
        %jit3A_573 = arith.constant 504 : i32
        %broadcast_in_dim3A_574 = vector.broadcast %jit3A_573 : i32 to vector<16xi32>
        %select_n3A_575 = arith.select %gt3A_572, %get3A_569, %broadcast_in_dim3A_574 : vector<16xi1>, vector<16xi32>
        %swap3A_576 = arith.constant 528 : index
        %swap3A_577 = tpu.vector_load %arg13[%swap3A_576] {strides = array<i32>} : memref<768xi32, #tpu.memory_space<vmem>>, vector<16xi32>,
        %swap3A_578 = vector.shape_cast %swap3A_577 : vector<16xi32> to vector<16xi32>
        %swap3A_579 = vector.shape_cast %select_n3A_575 : vector<16xi32> to vector<16xi32>
        tpu.vector_store %arg13[%swap3A_576], %swap3A_579 {strides = array<i32>} : memref<768xi32, #tpu.memory_space<vmem>>, vector<16xi32>,
        %get3A_580 = arith.constant 544 : index
        %get3A_581 = tpu.vector_load %arg12[%get3A_580] {strides = array<i32>} : memref<768xi32, #tpu.memory_space<vmem>>, vector<16xi32>,
        %get3A_582 = vector.shape_cast %get3A_581 : vector<16xi32> to vector<16xi32>
        %gt3A_583 = arith.constant 0 : i32
        %gt3A_584 = vector.broadcast %gt3A_583 : i32 to vector<16xi32>
        %gt3A_585 = arith.cmpi sgt, %get3A_582, %gt3A_584 : vector<16xi32>
        %jit3A_586 = arith.constant 2008 : i32
        %broadcast_in_dim3A_587 = vector.broadcast %jit3A_586 : i32 to vector<16xi32>
        %select_n3A_588 = arith.select %gt3A_585, %get3A_582, %broadcast_in_dim3A_587 : vector<16xi1>, vector<16xi32>
        %swap3A_589 = arith.constant 544 : index
        %swap3A_590 = tpu.vector_load %arg12[%swap3A_589] {strides = array<i32>} : memref<768xi32, #tpu.memory_space<vmem>>, vector<16xi32>,
        %swap3A_591 = vector.shape_cast %swap3A_590 : vector<16xi32> to vector<16xi32>
        %swap3A_592 = vector.shape_cast %select_n3A_588 : vector<16xi32> to vector<16xi32>
        tpu.vector_store %arg12[%swap3A_589], %swap3A_592 {strides = array<i32>} : memref<768xi32, #tpu.memory_space<vmem>>, vector<16xi32>,
        %get3A_593 = arith.constant 544 : index
        %get3A_594 = tpu.vector_load %arg13[%get3A_593] {strides = array<i32>} : memref<768xi32, #tpu.memory_space<vmem>>, vector<16xi32>,
        %get3A_595 = vector.shape_cast %get3A_594 : vector<16xi32> to vector<16xi32>
        %gt3A_596 = arith.constant 0 : i32
        %gt3A_597 = vector.broadcast %gt3A_596 : i32 to vector<16xi32>
        %gt3A_598 = arith.cmpi sgt, %get3A_595, %gt3A_597 : vector<16xi32>
        %jit3A_599 = arith.constant 504 : i32
        %broadcast_in_dim3A_600 = vector.broadcast %jit3A_599 : i32 to vector<16xi32>
        %select_n3A_601 = arith.select %gt3A_598, %get3A_595, %broadcast_in_dim3A_600 : vector<16xi1>, vector<16xi32>
        %swap3A_602 = arith.constant 544 : index
        %swap3A_603 = tpu.vector_load %arg13[%swap3A_602] {strides = array<i32>} : memref<768xi32, #tpu.memory_space<vmem>>, vector<16xi32>,
        %swap3A_604 = vector.shape_cast %swap3A_603 : vector<16xi32> to vector<16xi32>
        %swap3A_605 = vector.shape_cast %select_n3A_601 : vector<16xi32> to vector<16xi32>
        tpu.vector_store %arg13[%swap3A_602], %swap3A_605 {strides = array<i32>} : memref<768xi32, #tpu.memory_space<vmem>>, vector<16xi32>,
        %get3A_606 = arith.constant 560 : index
        %get3A_607 = tpu.vector_load %arg12[%get3A_606] {strides = array<i32>} : memref<768xi32, #tpu.memory_space<vmem>>, vector<16xi32>,
        %get3A_608 = vector.shape_cast %get3A_607 : vector<16xi32> to vector<16xi32>
        %gt3A_609 = arith.constant 0 : i32
        %gt3A_610 = vector.broadcast %gt3A_609 : i32 to vector<16xi32>
        %gt3A_611 = arith.cmpi sgt, %get3A_608, %gt3A_610 : vector<16xi32>
        %jit3A_612 = arith.constant 2008 : i32
        %broadcast_in_dim3A_613 = vector.broadcast %jit3A_612 : i32 to vector<16xi32>
        %select_n3A_614 = arith.select %gt3A_611, %get3A_608, %broadcast_in_dim3A_613 : vector<16xi1>, vector<16xi32>
        %swap3A_615 = arith.constant 560 : index
        %swap3A_616 = tpu.vector_load %arg12[%swap3A_615] {strides = array<i32>} : memref<768xi32, #tpu.memory_space<vmem>>, vector<16xi32>,
        %swap3A_617 = vector.shape_cast %swap3A_616 : vector<16xi32> to vector<16xi32>
        %swap3A_618 = vector.shape_cast %select_n3A_614 : vector<16xi32> to vector<16xi32>
        tpu.vector_store %arg12[%swap3A_615], %swap3A_618 {strides = array<i32>} : memref<768xi32, #tpu.memory_space<vmem>>, vector<16xi32>,
        %get3A_619 = arith.constant 560 : index
        %get3A_620 = tpu.vector_load %arg13[%get3A_619] {strides = array<i32>} : memref<768xi32, #tpu.memory_space<vmem>>, vector<16xi32>,
        %get3A_621 = vector.shape_cast %get3A_620 : vector<16xi32> to vector<16xi32>
        %gt3A_622 = arith.constant 0 : i32
        %gt3A_623 = vector.broadcast %gt3A_622 : i32 to vector<16xi32>
        %gt3A_624 = arith.cmpi sgt, %get3A_621, %gt3A_623 : vector<16xi32>
        %jit3A_625 = arith.constant 504 : i32
        %broadcast_in_dim3A_626 = vector.broadcast %jit3A_625 : i32 to vector<16xi32>
        %select_n3A_627 = arith.select %gt3A_624, %get3A_621, %broadcast_in_dim3A_626 : vector<16xi1>, vector<16xi32>
        %swap3A_628 = arith.constant 560 : index
        %swap3A_629 = tpu.vector_load %arg13[%swap3A_628] {strides = array<i32>} : memref<768xi32, #tpu.memory_space<vmem>>, vector<16xi32>,
        %swap3A_630 = vector.shape_cast %swap3A_629 : vector<16xi32> to vector<16xi32>
        %swap3A_631 = vector.shape_cast %select_n3A_627 : vector<16xi32> to vector<16xi32>
        tpu.vector_store %arg13[%swap3A_628], %swap3A_631 {strides = array<i32>} : memref<768xi32, #tpu.memory_space<vmem>>, vector<16xi32>,
        %get3A_632 = arith.constant 576 : index
        %get3A_633 = tpu.vector_load %arg12[%get3A_632] {strides = array<i32>} : memref<768xi32, #tpu.memory_space<vmem>>, vector<16xi32>,
        %get3A_634 = vector.shape_cast %get3A_633 : vector<16xi32> to vector<16xi32>
        %gt3A_635 = arith.constant 0 : i32
        %gt3A_636 = vector.broadcast %gt3A_635 : i32 to vector<16xi32>
        %gt3A_637 = arith.cmpi sgt, %get3A_634, %gt3A_636 : vector<16xi32>
        %jit3A_638 = arith.constant 2008 : i32
        %broadcast_in_dim3A_639 = vector.broadcast %jit3A_638 : i32 to vector<16xi32>
        %select_n3A_640 = arith.select %gt3A_637, %get3A_634, %broadcast_in_dim3A_639 : vector<16xi1>, vector<16xi32>
        %swap3A_641 = arith.constant 576 : index
        %swap3A_642 = tpu.vector_load %arg12[%swap3A_641] {strides = array<i32>} : memref<768xi32, #tpu.memory_space<vmem>>, vector<16xi32>,
        %swap3A_643 = vector.shape_cast %swap3A_642 : vector<16xi32> to vector<16xi32>
        %swap3A_644 = vector.shape_cast %select_n3A_640 : vector<16xi32> to vector<16xi32>
        tpu.vector_store %arg12[%swap3A_641], %swap3A_644 {strides = array<i32>} : memref<768xi32, #tpu.memory_space<vmem>>, vector<16xi32>,
        %get3A_645 = arith.constant 576 : index
        %get3A_646 = tpu.vector_load %arg13[%get3A_645] {strides = array<i32>} : memref<768xi32, #tpu.memory_space<vmem>>, vector<16xi32>,
        %get3A_647 = vector.shape_cast %get3A_646 : vector<16xi32> to vector<16xi32>
        %gt3A_648 = arith.constant 0 : i32
        %gt3A_649 = vector.broadcast %gt3A_648 : i32 to vector<16xi32>
        %gt3A_650 = arith.cmpi sgt, %get3A_647, %gt3A_649 : vector<16xi32>
        %jit3A_651 = arith.constant 504 : i32
        %broadcast_in_dim3A_652 = vector.broadcast %jit3A_651 : i32 to vector<16xi32>
        %select_n3A_653 = arith.select %gt3A_650, %get3A_647, %broadcast_in_dim3A_652 : vector<16xi1>, vector<16xi32>
        %swap3A_654 = arith.constant 576 : index
        %swap3A_655 = tpu.vector_load %arg13[%swap3A_654] {strides = array<i32>} : memref<768xi32, #tpu.memory_space<vmem>>, vector<16xi32>,
        %swap3A_656 = vector.shape_cast %swap3A_655 : vector<16xi32> to vector<16xi32>
        %swap3A_657 = vector.shape_cast %select_n3A_653 : vector<16xi32> to vector<16xi32>
        tpu.vector_store %arg13[%swap3A_654], %swap3A_657 {strides = array<i32>} : memref<768xi32, #tpu.memory_space<vmem>>, vector<16xi32>,
        %get3A_658 = arith.constant 592 : index
        %get3A_659 = tpu.vector_load %arg12[%get3A_658] {strides = array<i32>} : memref<768xi32, #tpu.memory_space<vmem>>, vector<16xi32>,
        %get3A_660 = vector.shape_cast %get3A_659 : vector<16xi32> to vector<16xi32>
        %gt3A_661 = arith.constant 0 : i32
        %gt3A_662 = vector.broadcast %gt3A_661 : i32 to vector<16xi32>
        %gt3A_663 = arith.cmpi sgt, %get3A_660, %gt3A_662 : vector<16xi32>
        %jit3A_664 = arith.constant 2008 : i32
        %broadcast_in_dim3A_665 = vector.broadcast %jit3A_664 : i32 to vector<16xi32>
        %select_n3A_666 = arith.select %gt3A_663, %get3A_660, %broadcast_in_dim3A_665 : vector<16xi1>, vector<16xi32>
        %swap3A_667 = arith.constant 592 : index
        %swap3A_668 = tpu.vector_load %arg12[%swap3A_667] {strides = array<i32>} : memref<768xi32, #tpu.memory_space<vmem>>, vector<16xi32>,
        %swap3A_669 = vector.shape_cast %swap3A_668 : vector<16xi32> to vector<16xi32>
        %swap3A_670 = vector.shape_cast %select_n3A_666 : vector<16xi32> to vector<16xi32>
        tpu.vector_store %arg12[%swap3A_667], %swap3A_670 {strides = array<i32>} : memref<768xi32, #tpu.memory_space<vmem>>, vector<16xi32>,
        %get3A_671 = arith.constant 592 : index
        %get3A_672 = tpu.vector_load %arg13[%get3A_671] {strides = array<i32>} : memref<768xi32, #tpu.memory_space<vmem>>, vector<16xi32>,
        %get3A_673 = vector.shape_cast %get3A_672 : vector<16xi32> to vector<16xi32>
        %gt3A_674 = arith.constant 0 : i32
        %gt3A_675 = vector.broadcast %gt3A_674 : i32 to vector<16xi32>
        %gt3A_676 = arith.cmpi sgt, %get3A_673, %gt3A_675 : vector<16xi32>
        %jit3A_677 = arith.constant 504 : i32
        %broadcast_in_dim3A_678 = vector.broadcast %jit3A_677 : i32 to vector<16xi32>
        %select_n3A_679 = arith.select %gt3A_676, %get3A_673, %broadcast_in_dim3A_678 : vector<16xi1>, vector<16xi32>
        %swap3A_680 = arith.constant 592 : index
        %swap3A_681 = tpu.vector_load %arg13[%swap3A_680] {strides = array<i32>} : memref<768xi32, #tpu.memory_space<vmem>>, vector<16xi32>,
        %swap3A_682 = vector.shape_cast %swap3A_681 : vector<16xi32> to vector<16xi32>
        %swap3A_683 = vector.shape_cast %select_n3A_679 : vector<16xi32> to vector<16xi32>
        tpu.vector_store %arg13[%swap3A_680], %swap3A_683 {strides = array<i32>} : memref<768xi32, #tpu.memory_space<vmem>>, vector<16xi32>,
        %get3A_684 = arith.constant 608 : index
        %get3A_685 = tpu.vector_load %arg12[%get3A_684] {strides = array<i32>} : memref<768xi32, #tpu.memory_space<vmem>>, vector<16xi32>,
        %get3A_686 = vector.shape_cast %get3A_685 : vector<16xi32> to vector<16xi32>
        %gt3A_687 = arith.constant 0 : i32
        %gt3A_688 = vector.broadcast %gt3A_687 : i32 to vector<16xi32>
        %gt3A_689 = arith.cmpi sgt, %get3A_686, %gt3A_688 : vector<16xi32>
        %jit3A_690 = arith.constant 2008 : i32
        %broadcast_in_dim3A_691 = vector.broadcast %jit3A_690 : i32 to vector<16xi32>
        %select_n3A_692 = arith.select %gt3A_689, %get3A_686, %broadcast_in_dim3A_691 : vector<16xi1>, vector<16xi32>
        %swap3A_693 = arith.constant 608 : index
        %swap3A_694 = tpu.vector_load %arg12[%swap3A_693] {strides = array<i32>} : memref<768xi32, #tpu.memory_space<vmem>>, vector<16xi32>,
        %swap3A_695 = vector.shape_cast %swap3A_694 : vector<16xi32> to vector<16xi32>
        %swap3A_696 = vector.shape_cast %select_n3A_692 : vector<16xi32> to vector<16xi32>
        tpu.vector_store %arg12[%swap3A_693], %swap3A_696 {strides = array<i32>} : memref<768xi32, #tpu.memory_space<vmem>>, vector<16xi32>,
        %get3A_697 = arith.constant 608 : index
        %get3A_698 = tpu.vector_load %arg13[%get3A_697] {strides = array<i32>} : memref<768xi32, #tpu.memory_space<vmem>>, vector<16xi32>,
        %get3A_699 = vector.shape_cast %get3A_698 : vector<16xi32> to vector<16xi32>
        %gt3A_700 = arith.constant 0 : i32
        %gt3A_701 = vector.broadcast %gt3A_700 : i32 to vector<16xi32>
        %gt3A_702 = arith.cmpi sgt, %get3A_699, %gt3A_701 : vector<16xi32>
        %jit3A_703 = arith.constant 504 : i32
        %broadcast_in_dim3A_704 = vector.broadcast %jit3A_703 : i32 to vector<16xi32>
        %select_n3A_705 = arith.select %gt3A_702, %get3A_699, %broadcast_in_dim3A_704 : vector<16xi1>, vector<16xi32>
        %swap3A_706 = arith.constant 608 : index
        %swap3A_707 = tpu.vector_load %arg13[%swap3A_706] {strides = array<i32>} : memref<768xi32, #tpu.memory_space<vmem>>, vector<16xi32>,
        %swap3A_708 = vector.shape_cast %swap3A_707 : vector<16xi32> to vector<16xi32>
        %swap3A_709 = vector.shape_cast %select_n3A_705 : vector<16xi32> to vector<16xi32>
        tpu.vector_store %arg13[%swap3A_706], %swap3A_709 {strides = array<i32>} : memref<768xi32, #tpu.memory_space<vmem>>, vector<16xi32>,
        %get3A_710 = arith.constant 624 : index
        %get3A_711 = tpu.vector_load %arg12[%get3A_710] {strides = array<i32>} : memref<768xi32, #tpu.memory_space<vmem>>, vector<16xi32>,
        %get3A_712 = vector.shape_cast %get3A_711 : vector<16xi32> to vector<16xi32>
        %gt3A_713 = arith.constant 0 : i32
        %gt3A_714 = vector.broadcast %gt3A_713 : i32 to vector<16xi32>
        %gt3A_715 = arith.cmpi sgt, %get3A_712, %gt3A_714 : vector<16xi32>
        %jit3A_716 = arith.constant 2008 : i32
        %broadcast_in_dim3A_717 = vector.broadcast %jit3A_716 : i32 to vector<16xi32>
        %select_n3A_718 = arith.select %gt3A_715, %get3A_712, %broadcast_in_dim3A_717 : vector<16xi1>, vector<16xi32>
        %swap3A_719 = arith.constant 624 : index
        %swap3A_720 = tpu.vector_load %arg12[%swap3A_719] {strides = array<i32>} : memref<768xi32, #tpu.memory_space<vmem>>, vector<16xi32>,
        %swap3A_721 = vector.shape_cast %swap3A_720 : vector<16xi32> to vector<16xi32>
        %swap3A_722 = vector.shape_cast %select_n3A_718 : vector<16xi32> to vector<16xi32>
        tpu.vector_store %arg12[%swap3A_719], %swap3A_722 {strides = array<i32>} : memref<768xi32, #tpu.memory_space<vmem>>, vector<16xi32>,
        %get3A_723 = arith.constant 624 : index
        %get3A_724 = tpu.vector_load %arg13[%get3A_723] {strides = array<i32>} : memref<768xi32, #tpu.memory_space<vmem>>, vector<16xi32>,
        %get3A_725 = vector.shape_cast %get3A_724 : vector<16xi32> to vector<16xi32>
        %gt3A_726 = arith.constant 0 : i32
        %gt3A_727 = vector.broadcast %gt3A_726 : i32 to vector<16xi32>
        %gt3A_728 = arith.cmpi sgt, %get3A_725, %gt3A_727 : vector<16xi32>
        %jit3A_729 = arith.constant 504 : i32
        %broadcast_in_dim3A_730 = vector.broadcast %jit3A_729 : i32 to vector<16xi32>
        %select_n3A_731 = arith.select %gt3A_728, %get3A_725, %broadcast_in_dim3A_730 : vector<16xi1>, vector<16xi32>
        %swap3A_732 = arith.constant 624 : index
        %swap3A_733 = tpu.vector_load %arg13[%swap3A_732] {strides = array<i32>} : memref<768xi32, #tpu.memory_space<vmem>>, vector<16xi32>,
        %swap3A_734 = vector.shape_cast %swap3A_733 : vector<16xi32> to vector<16xi32>
        %swap3A_735 = vector.shape_cast %select_n3A_731 : vector<16xi32> to vector<16xi32>
        tpu.vector_store %arg13[%swap3A_732], %swap3A_735 {strides = array<i32>} : memref<768xi32, #tpu.memory_space<vmem>>, vector<16xi32>,
        %dma_start3A = arith.constant 4 : i32
        %dma_start3A_736 = arith.constant 512 : i32
        %dma_start3A_737 = arith.constant 0 : i32
        %dma_start3A_738 = tpu.memref_slice %arg14[%dma_start3A_736, %dma_start3A_737] : memref<768x128xf32, #tpu.memory_space<vmem>> -> memref<128x128xf32, #tpu.memory_space<vmem>>
        %dma_start3A_739 = arith.constant 512 : i32
        %dma_start3A_740 = tpu.memref_slice %arg11[%dma_start3A_739] : memref<768xi32, #tpu.memory_space<vmem>> -> memref<128xi32, #tpu.memory_space<vmem>>
        %dma_start3A_741 = arith.constant 0 : i32
        %dma_start3A_742 = arith.constant 0 : i32
        %dma_start3A_743 = tpu.memref_slice %arg6[%dma_start3A_741, %dma_start3A_742] : memref<5000x128xf32, #tpu.memory_space<hbm>> -> memref<5000x128xf32, #tpu.memory_space<hbm>>
        %dma_start3A_744 = tpu.memref_slice %arg19[%dma_start3A] : memref<6x!tpu.dma_semaphore, #tpu.memory_space<semaphore_mem>> -> memref<1x!tpu.dma_semaphore, #tpu.memory_space<semaphore_mem>>
        %dma_start3A_745 = tpu.memref_squeeze %dma_start3A_744 : memref<1x!tpu.dma_semaphore, #tpu.memory_space<semaphore_mem>> -> memref<!tpu.dma_semaphore, #tpu.memory_space<semaphore_mem>>
        tpu.enqueue_indirect_dma source(%dma_start3A_743 : memref<5000x128xf32, #tpu.memory_space<hbm>>) target(%dma_start3A_738 : memref<128x128xf32, #tpu.memory_space<vmem>>) offsets(%dma_start3A_740 : memref<128xi32, #tpu.memory_space<vmem>>) semaphore(%dma_start3A_745 : memref<!tpu.dma_semaphore, #tpu.memory_space<semaphore_mem>>)
      } else {
      }
      %sub3A_152 = arith.constant 3 : i32
      %sub3A_153 = arith.subi %add3A_125, %sub3A_152 : i32
      %ge3A_154 = arith.constant 0 : i32
      %ge3A_155 = arith.cmpi sge, %sub3A_153, %ge3A_154 : i32
      %lt3A_156 = arith.constant 50 : i32
      %lt3A_157 = arith.cmpi slt, %sub3A_153, %lt3A_156 : i32
      %and3A_158 = arith.andi %ge3A_155, %lt3A_157 : i1
      %convert_element_type3A_159 = arith.extui %and3A_158 : i1 to i32
      %cond3A_160 = arith.constant 0 : i32
      %cond3A_161 = arith.cmpi ne, %convert_element_type3A_159, %cond3A_160 : i32
      scf.if %cond3A_161 {
        %dma_wait3A_502 = arith.constant 3 : i32
        %dma_wait3A_503 = arith.constant 384 : i32
        %dma_wait3A_504 = arith.constant 0 : i32
        %dma_wait3A_505 = tpu.memref_slice %arg14[%dma_wait3A_503, %dma_wait3A_504] : memref<768x128xf32, #tpu.memory_space<vmem>> -> memref<128x128xf32, #tpu.memory_space<vmem>>
        %dma_wait3A_506 = arith.constant 384 : i32
        %dma_wait3A_507 = tpu.memref_slice %arg11[%dma_wait3A_506] : memref<768xi32, #tpu.memory_space<vmem>> -> memref<128xi32, #tpu.memory_space<vmem>>
        %dma_wait3A_508 = arith.constant 0 : i32
        %dma_wait3A_509 = arith.constant 0 : i32
        %dma_wait3A_510 = tpu.memref_slice %arg6[%dma_wait3A_508, %dma_wait3A_509] : memref<5000x128xf32, #tpu.memory_space<hbm>> -> memref<5000x128xf32, #tpu.memory_space<hbm>>
        %dma_wait3A_511 = tpu.memref_slice %arg19[%dma_wait3A_502] : memref<6x!tpu.dma_semaphore, #tpu.memory_space<semaphore_mem>> -> memref<1x!tpu.dma_semaphore, #tpu.memory_space<semaphore_mem>>
        %dma_wait3A_512 = tpu.memref_squeeze %dma_wait3A_511 : memref<1x!tpu.dma_semaphore, #tpu.memory_space<semaphore_mem>> -> memref<!tpu.dma_semaphore, #tpu.memory_space<semaphore_mem>>
        tpu.wait_indirect_dma semaphore(%dma_wait3A_512 : memref<!tpu.dma_semaphore, #tpu.memory_space<semaphore_mem>>) src(%dma_wait3A_510 : memref<5000x128xf32, #tpu.memory_space<hbm>>) dst(%dma_wait3A_505 : memref<128x128xf32, #tpu.memory_space<vmem>>)
        %dma_start3A = arith.constant 3 : i32
        %dma_start3A_513 = arith.constant 384 : i32
        %dma_start3A_514 = arith.constant 0 : i32
        %dma_start3A_515 = tpu.memref_slice %arg14[%dma_start3A_513, %dma_start3A_514] : memref<768x128xf32, #tpu.memory_space<vmem>> -> memref<128x128xf32, #tpu.memory_space<vmem>>
        %dma_start3A_516 = arith.constant 384 : i32
        %dma_start3A_517 = tpu.memref_slice %arg12[%dma_start3A_516] : memref<768xi32, #tpu.memory_space<vmem>> -> memref<128xi32, #tpu.memory_space<vmem>>
        %dma_start3A_518 = arith.constant 0 : i32
        %dma_start3A_519 = arith.constant 0 : i32
        %dma_start3A_520 = tpu.memref_slice %arg15[%dma_start3A_518, %dma_start3A_519] : memref<2016x128xf32, #tpu.memory_space<vmem_shared>> -> memref<2016x128xf32, #tpu.memory_space<vmem_shared>>
        %dma_start3A_521 = tpu.memref_slice %arg19[%dma_start3A] : memref<6x!tpu.dma_semaphore, #tpu.memory_space<semaphore_mem>> -> memref<1x!tpu.dma_semaphore, #tpu.memory_space<semaphore_mem>>
        %dma_start3A_522 = tpu.memref_squeeze %dma_start3A_521 : memref<1x!tpu.dma_semaphore, #tpu.memory_space<semaphore_mem>> -> memref<!tpu.dma_semaphore, #tpu.memory_space<semaphore_mem>>
        tpu.enqueue_indirect_dma source(%dma_start3A_520 : memref<2016x128xf32, #tpu.memory_space<vmem_shared>>) target(%dma_start3A_515 : memref<128x128xf32, #tpu.memory_space<vmem>>) offsets(%dma_start3A_517 : memref<128xi32, #tpu.memory_space<vmem>>) semaphore(%dma_start3A_522 : memref<!tpu.dma_semaphore, #tpu.memory_space<semaphore_mem>>) {add = true}
      } else {
      }
      %sub3A_162 = arith.constant 4 : i32
      %sub3A_163 = arith.subi %add3A_125, %sub3A_162 : i32
      %ge3A_164 = arith.constant 0 : i32
      %ge3A_165 = arith.cmpi sge, %sub3A_163, %ge3A_164 : i32
      %lt3A_166 = arith.constant 50 : i32
      %lt3A_167 = arith.cmpi slt, %sub3A_163, %lt3A_166 : i32
      %and3A_168 = arith.andi %ge3A_165, %lt3A_167 : i1
      %convert_element_type3A_169 = arith.extui %and3A_168 : i1 to i32
      %cond3A_170 = arith.constant 0 : i32
      %cond3A_171 = arith.cmpi ne, %convert_element_type3A_169, %cond3A_170 : i32
      scf.if %cond3A_171 {
        %dma_wait3A_502 = arith.constant 2 : i32
        %dma_wait3A_503 = arith.constant 256 : i32
        %dma_wait3A_504 = arith.constant 0 : i32
        %dma_wait3A_505 = tpu.memref_slice %arg14[%dma_wait3A_503, %dma_wait3A_504] : memref<768x128xf32, #tpu.memory_space<vmem>> -> memref<128x128xf32, #tpu.memory_space<vmem>>
        %dma_wait3A_506 = arith.constant 256 : i32
        %dma_wait3A_507 = tpu.memref_slice %arg12[%dma_wait3A_506] : memref<768xi32, #tpu.memory_space<vmem>> -> memref<128xi32, #tpu.memory_space<vmem>>
        %dma_wait3A_508 = arith.constant 0 : i32
        %dma_wait3A_509 = arith.constant 0 : i32
        %dma_wait3A_510 = tpu.memref_slice %arg15[%dma_wait3A_508, %dma_wait3A_509] : memref<2016x128xf32, #tpu.memory_space<vmem_shared>> -> memref<2016x128xf32, #tpu.memory_space<vmem_shared>>
        %dma_wait3A_511 = tpu.memref_slice %arg19[%dma_wait3A_502] : memref<6x!tpu.dma_semaphore, #tpu.memory_space<semaphore_mem>> -> memref<1x!tpu.dma_semaphore, #tpu.memory_space<semaphore_mem>>
        %dma_wait3A_512 = tpu.memref_squeeze %dma_wait3A_511 : memref<1x!tpu.dma_semaphore, #tpu.memory_space<semaphore_mem>> -> memref<!tpu.dma_semaphore, #tpu.memory_space<semaphore_mem>>
        tpu.wait_indirect_dma semaphore(%dma_wait3A_512 : memref<!tpu.dma_semaphore, #tpu.memory_space<semaphore_mem>>) src(%dma_wait3A_510 : memref<2016x128xf32, #tpu.memory_space<vmem_shared>>) dst(%dma_wait3A_505 : memref<128x128xf32, #tpu.memory_space<vmem>>)
        %dma_start3A = arith.constant 2 : i32
        %dma_start3A_513 = arith.constant 256 : i32
        %dma_start3A_514 = arith.constant 0 : i32
        %dma_start3A_515 = tpu.memref_slice %arg14[%dma_start3A_513, %dma_start3A_514] : memref<768x128xf32, #tpu.memory_space<vmem>> -> memref<128x128xf32, #tpu.memory_space<vmem>>
        %dma_start3A_516 = arith.constant 256 : i32
        %dma_start3A_517 = tpu.memref_slice %arg13[%dma_start3A_516] : memref<768xi32, #tpu.memory_space<vmem>> -> memref<128xi32, #tpu.memory_space<vmem>>
        %dma_start3A_518 = arith.constant 0 : i32
        %dma_start3A_519 = arith.constant 0 : i32
        %dma_start3A_520 = tpu.memref_slice %arg16[%dma_start3A_518, %dma_start3A_519] : memref<512x128xf32, #tpu.memory_space<vmem_shared>> -> memref<512x128xf32, #tpu.memory_space<vmem_shared>>
        %dma_start3A_521 = tpu.memref_slice %arg19[%dma_start3A] : memref<6x!tpu.dma_semaphore, #tpu.memory_space<semaphore_mem>> -> memref<1x!tpu.dma_semaphore, #tpu.memory_space<semaphore_mem>>
        %dma_start3A_522 = tpu.memref_squeeze %dma_start3A_521 : memref<1x!tpu.dma_semaphore, #tpu.memory_space<semaphore_mem>> -> memref<!tpu.dma_semaphore, #tpu.memory_space<semaphore_mem>>
        tpu.enqueue_indirect_dma source(%dma_start3A_520 : memref<512x128xf32, #tpu.memory_space<vmem_shared>>) target(%dma_start3A_515 : memref<128x128xf32, #tpu.memory_space<vmem>>) offsets(%dma_start3A_517 : memref<128xi32, #tpu.memory_space<vmem>>) semaphore(%dma_start3A_522 : memref<!tpu.dma_semaphore, #tpu.memory_space<semaphore_mem>>) {add = true}
      } else {
      }
      %sub3A_172 = arith.constant 5 : i32
      %sub3A_173 = arith.subi %add3A_125, %sub3A_172 : i32
      %ge3A_174 = arith.constant 0 : i32
      %ge3A_175 = arith.cmpi sge, %sub3A_173, %ge3A_174 : i32
      %lt3A_176 = arith.constant 50 : i32
      %lt3A_177 = arith.cmpi slt, %sub3A_173, %lt3A_176 : i32
      %and3A_178 = arith.andi %ge3A_175, %lt3A_177 : i1
      %convert_element_type3A_179 = arith.extui %and3A_178 : i1 to i32
      %cond3A_180 = arith.constant 0 : i32
      %cond3A_181 = arith.cmpi ne, %convert_element_type3A_179, %cond3A_180 : i32
      scf.if %cond3A_181 {
        %dma_wait3A_502 = arith.constant 1 : i32
        %dma_wait3A_503 = arith.constant 128 : i32
        %dma_wait3A_504 = arith.constant 0 : i32
        %dma_wait3A_505 = tpu.memref_slice %arg14[%dma_wait3A_503, %dma_wait3A_504] : memref<768x128xf32, #tpu.memory_space<vmem>> -> memref<128x128xf32, #tpu.memory_space<vmem>>
        %dma_wait3A_506 = arith.constant 128 : i32
        %dma_wait3A_507 = tpu.memref_slice %arg13[%dma_wait3A_506] : memref<768xi32, #tpu.memory_space<vmem>> -> memref<128xi32, #tpu.memory_space<vmem>>
        %dma_wait3A_508 = arith.constant 0 : i32
        %dma_wait3A_509 = arith.constant 0 : i32
        %dma_wait3A_510 = tpu.memref_slice %arg16[%dma_wait3A_508, %dma_wait3A_509] : memref<512x128xf32, #tpu.memory_space<vmem_shared>> -> memref<512x128xf32, #tpu.memory_space<vmem_shared>>
        %dma_wait3A_511 = tpu.memref_slice %arg19[%dma_wait3A_502] : memref<6x!tpu.dma_semaphore, #tpu.memory_space<semaphore_mem>> -> memref<1x!tpu.dma_semaphore, #tpu.memory_space<semaphore_mem>>
        %dma_wait3A_512 = tpu.memref_squeeze %dma_wait3A_511 : memref<1x!tpu.dma_semaphore, #tpu.memory_space<semaphore_mem>> -> memref<!tpu.dma_semaphore, #tpu.memory_space<semaphore_mem>>
        tpu.wait_indirect_dma semaphore(%dma_wait3A_512 : memref<!tpu.dma_semaphore, #tpu.memory_space<semaphore_mem>>) src(%dma_wait3A_510 : memref<512x128xf32, #tpu.memory_space<vmem_shared>>) dst(%dma_wait3A_505 : memref<128x128xf32, #tpu.memory_space<vmem>>)
        %mul3A_513 = arith.constant 128 : i32
        %mul3A_514 = arith.muli %sub3A_173, %mul3A_513 : i32
        %multiple_of3A_515 = tpu.assume_multiple %mul3A_514, 128 : i32
        %add3A_516 = arith.addi %multiple_of3A, %multiple_of3A_515 : i32
        %dma_start3A = arith.constant 1 : i32
        %dma_start3A_517 = arith.constant 128 : i32
        %dma_start3A_518 = arith.constant 0 : i32
        %dma_start3A_519 = tpu.memref_slice %arg14[%dma_start3A_517, %dma_start3A_518] : memref<768x128xf32, #tpu.memory_space<vmem>> -> memref<128x128xf32, #tpu.memory_space<vmem>>
        %dma_start3A_520 = arith.constant 0 : i32
        %dma_start3A_521 = tpu.memref_slice %arg9[%add3A_516, %dma_start3A_520] : memref<204800x128xf32, #tpu.memory_space<hbm>> -> memref<128x128xf32, #tpu.memory_space<hbm>>
        %dma_start3A_522 = tpu.memref_slice %arg20[%dma_start3A] : memref<6x!tpu.dma_semaphore, #tpu.memory_space<semaphore_mem>> -> memref<1x!tpu.dma_semaphore, #tpu.memory_space<semaphore_mem>>
        %dma_start3A_523 = tpu.memref_squeeze %dma_start3A_522 : memref<1x!tpu.dma_semaphore, #tpu.memory_space<semaphore_mem>> -> memref<!tpu.dma_semaphore, #tpu.memory_space<semaphore_mem>>
        %dma_start3A_524 = arith.constant 0 : i32
        %dma_start3A_525 = tpu.memref_slice %arg9[%add3A_516, %dma_start3A_524] : memref<204800x128xf32, #tpu.memory_space<hbm>> -> memref<128x128xf32, #tpu.memory_space<hbm>>
        %dma_start3A_526 = arith.constant 128 : i32
        %dma_start3A_527 = arith.constant 0 : i32
        %dma_start3A_528 = tpu.memref_slice %arg14[%dma_start3A_526, %dma_start3A_527] : memref<768x128xf32, #tpu.memory_space<vmem>> -> memref<128x128xf32, #tpu.memory_space<vmem>>
        tpu.enqueue_dma source(%dma_start3A_528 : memref<128x128xf32, #tpu.memory_space<vmem>>) target(%dma_start3A_525 : memref<128x128xf32, #tpu.memory_space<hbm>>) target_semaphore(%dma_start3A_523 : memref<!tpu.dma_semaphore, #tpu.memory_space<semaphore_mem>>)
      } else {
      }
      %mul3A_182 = arith.constant 6 : i32
      %mul3A_183 = arith.muli %scan3A_121, %mul3A_182 : i32
      %add3A_184 = arith.constant 1 : i32
      %add3A_185 = arith.addi %mul3A_183, %add3A_184 : i32
      %sub3A_186 = arith.constant 0 : i32
      %sub3A_187 = arith.subi %add3A_185, %sub3A_186 : i32
      %ge3A_188 = arith.constant 0 : i32
      %ge3A_189 = arith.cmpi sge, %sub3A_187, %ge3A_188 : i32
      %lt3A_190 = arith.constant 50 : i32
      %lt3A_191 = arith.cmpi slt, %sub3A_187, %lt3A_190 : i32
      %and3A_192 = arith.andi %ge3A_189, %lt3A_191 : i1
      %convert_element_type3A_193 = arith.extui %and3A_192 : i1 to i32
      %cond3A_194 = arith.constant 0 : i32
      %cond3A_195 = arith.cmpi ne, %convert_element_type3A_193, %cond3A_194 : i32
      scf.if %cond3A_195 {
        %mul3A_502 = arith.constant 128 : i32
        %mul3A_503 = arith.muli %sub3A_187, %mul3A_502 : i32
        %multiple_of3A_504 = tpu.assume_multiple %mul3A_503, 128 : i32
        %add3A_505 = arith.addi %multiple_of3A, %multiple_of3A_504 : i32
        %dma_start3A = arith.constant 1 : i32
        %dma_start3A_506 = arith.constant 128 : i32
        %dma_start3A_507 = tpu.memref_slice %arg10[%dma_start3A_506] : memref<768xi32, #tpu.memory_space<vmem>> -> memref<128xi32, #tpu.memory_space<vmem>>
        %dma_start3A_508 = tpu.memref_slice %arg2[%add3A_505] : memref<204800xi32, #tpu.memory_space<hbm>> -> memref<128xi32, #tpu.memory_space<hbm>>
        %dma_start3A_509 = tpu.memref_slice %arg17[%dma_start3A] : memref<6x!tpu.dma_semaphore, #tpu.memory_space<semaphore_mem>> -> memref<1x!tpu.dma_semaphore, #tpu.memory_space<semaphore_mem>>
        %dma_start3A_510 = tpu.memref_squeeze %dma_start3A_509 : memref<1x!tpu.dma_semaphore, #tpu.memory_space<semaphore_mem>> -> memref<!tpu.dma_semaphore, #tpu.memory_space<semaphore_mem>>
        %dma_start3A_511 = arith.constant 128 : i32
        %dma_start3A_512 = tpu.memref_slice %arg10[%dma_start3A_511] : memref<768xi32, #tpu.memory_space<vmem>> -> memref<128xi32, #tpu.memory_space<vmem>>
        %dma_start3A_513 = tpu.memref_slice %arg2[%add3A_505] : memref<204800xi32, #tpu.memory_space<hbm>> -> memref<128xi32, #tpu.memory_space<hbm>>
        tpu.enqueue_dma source(%dma_start3A_513 : memref<128xi32, #tpu.memory_space<hbm>>) target(%dma_start3A_512 : memref<128xi32, #tpu.memory_space<vmem>>) target_semaphore(%dma_start3A_510 : memref<!tpu.dma_semaphore, #tpu.memory_space<semaphore_mem>>)
      } else {
      }
      %sub3A_196 = arith.constant 1 : i32
      %sub3A_197 = arith.subi %add3A_185, %sub3A_196 : i32
      %ge3A_198 = arith.constant 0 : i32
      %ge3A_199 = arith.cmpi sge, %sub3A_197, %ge3A_198 : i32
      %lt3A_200 = arith.constant 50 : i32
      %lt3A_201 = arith.cmpi slt, %sub3A_197, %lt3A_200 : i32
      %and3A_202 = arith.andi %ge3A_199, %lt3A_201 : i1
      %convert_element_type3A_203 = arith.extui %and3A_202 : i1 to i32
      %cond3A_204 = arith.constant 0 : i32
      %cond3A_205 = arith.cmpi ne, %convert_element_type3A_203, %cond3A_204 : i32
      scf.if %cond3A_205 {
        %mul3A_502 = arith.constant 128 : i32
        %mul3A_503 = arith.muli %sub3A_197, %mul3A_502 : i32
        %multiple_of3A_504 = tpu.assume_multiple %mul3A_503, 128 : i32
        %add3A_505 = arith.addi %multiple_of3A, %multiple_of3A_504 : i32
        %dma_wait3A_506 = arith.constant 0 : i32
        %dma_wait3A_507 = arith.constant 0 : i32
        %dma_wait3A_508 = tpu.memref_slice %arg10[%dma_wait3A_507] : memref<768xi32, #tpu.memory_space<vmem>> -> memref<128xi32, #tpu.memory_space<vmem>>
        %dma_wait3A_509 = tpu.memref_slice %arg2[%add3A_505] : memref<204800xi32, #tpu.memory_space<hbm>> -> memref<128xi32, #tpu.memory_space<hbm>>
        %dma_wait3A_510 = tpu.memref_slice %arg17[%dma_wait3A_506] : memref<6x!tpu.dma_semaphore, #tpu.memory_space<semaphore_mem>> -> memref<1x!tpu.dma_semaphore, #tpu.memory_space<semaphore_mem>>
        %dma_wait3A_511 = tpu.memref_squeeze %dma_wait3A_510 : memref<1x!tpu.dma_semaphore, #tpu.memory_space<semaphore_mem>> -> memref<!tpu.dma_semaphore, #tpu.memory_space<semaphore_mem>>
        %dma_wait3A_512 = arith.constant 0 : i32
        %dma_wait3A_513 = tpu.memref_slice %arg10[%dma_wait3A_512] : memref<768xi32, #tpu.memory_space<vmem>> -> memref<128xi32, #tpu.memory_space<vmem>>
        %dma_wait3A_514 = tpu.memref_slice %arg2[%add3A_505] : memref<204800xi32, #tpu.memory_space<hbm>> -> memref<128xi32, #tpu.memory_space<hbm>>
        tpu.wait_dma2 semaphore(%dma_wait3A_511 : memref<!tpu.dma_semaphore, #tpu.memory_space<semaphore_mem>>) src(%dma_wait3A_514 : memref<128xi32, #tpu.memory_space<hbm>>) dst(%dma_wait3A_513 : memref<128xi32, #tpu.memory_space<vmem>>)
        %dma_start3A = arith.constant 0 : i32
        %dma_start3A_515 = arith.constant 0 : i32
        %dma_start3A_516 = tpu.memref_slice %arg11[%dma_start3A_515] : memref<768xi32, #tpu.memory_space<vmem>> -> memref<128xi32, #tpu.memory_space<vmem>>
        %dma_start3A_517 = arith.constant 0 : i32
        %dma_start3A_518 = tpu.memref_slice %arg10[%dma_start3A_517] : memref<768xi32, #tpu.memory_space<vmem>> -> memref<128xi32, #tpu.memory_space<vmem>>
        %dma_start3A_519 = arith.constant 0 : i32
        %dma_start3A_520 = tpu.memref_slice %arg3[%dma_start3A_519] : memref<100000xi32, #tpu.memory_space<hbm>> -> memref<100000xi32, #tpu.memory_space<hbm>>
        %dma_start3A_521 = tpu.memref_slice %arg18[%dma_start3A] : memref<6x!tpu.dma_semaphore, #tpu.memory_space<semaphore_mem>> -> memref<1x!tpu.dma_semaphore, #tpu.memory_space<semaphore_mem>>
        %dma_start3A_522 = tpu.memref_squeeze %dma_start3A_521 : memref<1x!tpu.dma_semaphore, #tpu.memory_space<semaphore_mem>> -> memref<!tpu.dma_semaphore, #tpu.memory_space<semaphore_mem>>
        tpu.enqueue_indirect_dma source(%dma_start3A_520 : memref<100000xi32, #tpu.memory_space<hbm>>) target(%dma_start3A_516 : memref<128xi32, #tpu.memory_space<vmem>>) offsets(%dma_start3A_518 : memref<128xi32, #tpu.memory_space<vmem>>) semaphore(%dma_start3A_522 : memref<!tpu.dma_semaphore, #tpu.memory_space<semaphore_mem>>)
        %dma_start3A_523 = arith.constant 0 : i32
        %dma_start3A_524 = arith.constant 0 : i32
        %dma_start3A_525 = tpu.memref_slice %arg12[%dma_start3A_524] : memref<768xi32, #tpu.memory_space<vmem>> -> memref<128xi32, #tpu.memory_space<vmem>>
        %dma_start3A_526 = arith.constant 0 : i32
        %dma_start3A_527 = tpu.memref_slice %arg10[%dma_start3A_526] : memref<768xi32, #tpu.memory_space<vmem>> -> memref<128xi32, #tpu.memory_space<vmem>>
        %dma_start3A_528 = arith.constant 0 : i32
        %dma_start3A_529 = tpu.memref_slice %arg4[%dma_start3A_528] : memref<100000xi32, #tpu.memory_space<hbm>> -> memref<100000xi32, #tpu.memory_space<hbm>>
        %dma_start3A_530 = tpu.memref_slice %arg18[%dma_start3A_523] : memref<6x!tpu.dma_semaphore, #tpu.memory_space<semaphore_mem>> -> memref<1x!tpu.dma_semaphore, #tpu.memory_space<semaphore_mem>>
        %dma_start3A_531 = tpu.memref_squeeze %dma_start3A_530 : memref<1x!tpu.dma_semaphore, #tpu.memory_space<semaphore_mem>> -> memref<!tpu.dma_semaphore, #tpu.memory_space<semaphore_mem>>
        tpu.enqueue_indirect_dma source(%dma_start3A_529 : memref<100000xi32, #tpu.memory_space<hbm>>) target(%dma_start3A_525 : memref<128xi32, #tpu.memory_space<vmem>>) offsets(%dma_start3A_527 : memref<128xi32, #tpu.memory_space<vmem>>) semaphore(%dma_start3A_531 : memref<!tpu.dma_semaphore, #tpu.memory_space<semaphore_mem>>)
        %dma_start3A_532 = arith.constant 0 : i32
        %dma_start3A_533 = arith.constant 0 : i32
        %dma_start3A_534 = tpu.memref_slice %arg13[%dma_start3A_533] : memref<768xi32, #tpu.memory_space<vmem>> -> memref<128xi32, #tpu.memory_space<vmem>>
        %dma_start3A_535 = arith.constant 0 : i32
        %dma_start3A_536 = tpu.memref_slice %arg10[%dma_start3A_535] : memref<768xi32, #tpu.memory_space<vmem>> -> memref<128xi32, #tpu.memory_space<vmem>>
        %dma_start3A_537 = arith.constant 0 : i32
        %dma_start3A_538 = tpu.memref_slice %arg5[%dma_start3A_537] : memref<100000xi32, #tpu.memory_space<hbm>> -> memref<100000xi32, #tpu.memory_space<hbm>>
        %dma_start3A_539 = tpu.memref_slice %arg18[%dma_start3A_532] : memref<6x!tpu.dma_semaphore, #tpu.memory_space<semaphore_mem>> -> memref<1x!tpu.dma_semaphore, #tpu.memory_space<semaphore_mem>>
        %dma_start3A_540 = tpu.memref_squeeze %dma_start3A_539 : memref<1x!tpu.dma_semaphore, #tpu.memory_space<semaphore_mem>> -> memref<!tpu.dma_semaphore, #tpu.memory_space<semaphore_mem>>
        tpu.enqueue_indirect_dma source(%dma_start3A_538 : memref<100000xi32, #tpu.memory_space<hbm>>) target(%dma_start3A_534 : memref<128xi32, #tpu.memory_space<vmem>>) offsets(%dma_start3A_536 : memref<128xi32, #tpu.memory_space<vmem>>) semaphore(%dma_start3A_540 : memref<!tpu.dma_semaphore, #tpu.memory_space<semaphore_mem>>)
      } else {
      }
      %sub3A_206 = arith.constant 2 : i32
      %sub3A_207 = arith.subi %add3A_185, %sub3A_206 : i32
      %ge3A_208 = arith.constant 0 : i32
      %ge3A_209 = arith.cmpi sge, %sub3A_207, %ge3A_208 : i32
      %lt3A_210 = arith.constant 50 : i32
      %lt3A_211 = arith.cmpi slt, %sub3A_207, %lt3A_210 : i32
      %and3A_212 = arith.andi %ge3A_209, %lt3A_211 : i1
      %convert_element_type3A_213 = arith.extui %and3A_212 : i1 to i32
      %cond3A_214 = arith.constant 0 : i32
      %cond3A_215 = arith.cmpi ne, %convert_element_type3A_213, %cond3A_214 : i32
      scf.if %cond3A_215 {
        %ge3A_502 = arith.constant 6 : i32
        %ge3A_503 = arith.cmpi sge, %sub3A_207, %ge3A_502 : i32
        %convert_element_type3A_504 = arith.extui %ge3A_503 : i1 to i32
        %cond3A_505 = arith.constant 0 : i32
        %cond3A_506 = arith.cmpi ne, %convert_element_type3A_504, %cond3A_505 : i32
        scf.if %cond3A_506 {
          %sub3A_746 = arith.constant 6 : i32
          %sub3A_747 = arith.subi %sub3A_207, %sub3A_746 : i32
          %mul3A_748 = arith.constant 128 : i32
          %mul3A_749 = arith.muli %sub3A_747, %mul3A_748 : i32
          %multiple_of3A_750 = tpu.assume_multiple %mul3A_749, 128 : i32
          %add3A_751 = arith.addi %multiple_of3A, %multiple_of3A_750 : i32
          %dma_wait3A_752 = arith.constant 5 : i32
          %dma_wait3A_753 = arith.constant 640 : i32
          %dma_wait3A_754 = arith.constant 0 : i32
          %dma_wait3A_755 = tpu.memref_slice %arg14[%dma_wait3A_753, %dma_wait3A_754] : memref<768x128xf32, #tpu.memory_space<vmem>> -> memref<128x128xf32, #tpu.memory_space<vmem>>
          %dma_wait3A_756 = arith.constant 0 : i32
          %dma_wait3A_757 = tpu.memref_slice %arg9[%add3A_751, %dma_wait3A_756] : memref<204800x128xf32, #tpu.memory_space<hbm>> -> memref<128x128xf32, #tpu.memory_space<hbm>>
          %dma_wait3A_758 = tpu.memref_slice %arg20[%dma_wait3A_752] : memref<6x!tpu.dma_semaphore, #tpu.memory_space<semaphore_mem>> -> memref<1x!tpu.dma_semaphore, #tpu.memory_space<semaphore_mem>>
          %dma_wait3A_759 = tpu.memref_squeeze %dma_wait3A_758 : memref<1x!tpu.dma_semaphore, #tpu.memory_space<semaphore_mem>> -> memref<!tpu.dma_semaphore, #tpu.memory_space<semaphore_mem>>
          %dma_wait3A_760 = arith.constant 0 : i32
          %dma_wait3A_761 = tpu.memref_slice %arg9[%add3A_751, %dma_wait3A_760] : memref<204800x128xf32, #tpu.memory_space<hbm>> -> memref<128x128xf32, #tpu.memory_space<hbm>>
          %dma_wait3A_762 = arith.constant 640 : i32
          %dma_wait3A_763 = arith.constant 0 : i32
          %dma_wait3A_764 = tpu.memref_slice %arg14[%dma_wait3A_762, %dma_wait3A_763] : memref<768x128xf32, #tpu.memory_space<vmem>> -> memref<128x128xf32, #tpu.memory_space<vmem>>
          tpu.wait_dma2 semaphore(%dma_wait3A_759 : memref<!tpu.dma_semaphore, #tpu.memory_space<semaphore_mem>>) src(%dma_wait3A_764 : memref<128x128xf32, #tpu.memory_space<vmem>>) dst(%dma_wait3A_761 : memref<128x128xf32, #tpu.memory_space<hbm>>)
        } else {
        }
        %dma_wait3A_507 = arith.constant 5 : i32
        %dma_wait3A_508 = arith.constant 640 : i32
        %dma_wait3A_509 = tpu.memref_slice %arg11[%dma_wait3A_508] : memref<768xi32, #tpu.memory_space<vmem>> -> memref<128xi32, #tpu.memory_space<vmem>>
        %dma_wait3A_510 = arith.constant 640 : i32
        %dma_wait3A_511 = tpu.memref_slice %arg10[%dma_wait3A_510] : memref<768xi32, #tpu.memory_space<vmem>> -> memref<128xi32, #tpu.memory_space<vmem>>
        %dma_wait3A_512 = arith.constant 0 : i32
        %dma_wait3A_513 = tpu.memref_slice %arg3[%dma_wait3A_512] : memref<100000xi32, #tpu.memory_space<hbm>> -> memref<100000xi32, #tpu.memory_space<hbm>>
        %dma_wait3A_514 = tpu.memref_slice %arg18[%dma_wait3A_507] : memref<6x!tpu.dma_semaphore, #tpu.memory_space<semaphore_mem>> -> memref<1x!tpu.dma_semaphore, #tpu.memory_space<semaphore_mem>>
        %dma_wait3A_515 = tpu.memref_squeeze %dma_wait3A_514 : memref<1x!tpu.dma_semaphore, #tpu.memory_space<semaphore_mem>> -> memref<!tpu.dma_semaphore, #tpu.memory_space<semaphore_mem>>
        tpu.wait_indirect_dma semaphore(%dma_wait3A_515 : memref<!tpu.dma_semaphore, #tpu.memory_space<semaphore_mem>>) src(%dma_wait3A_513 : memref<100000xi32, #tpu.memory_space<hbm>>) dst(%dma_wait3A_509 : memref<128xi32, #tpu.memory_space<vmem>>)
        %dma_wait3A_516 = arith.constant 5 : i32
        %dma_wait3A_517 = arith.constant 640 : i32
        %dma_wait3A_518 = tpu.memref_slice %arg12[%dma_wait3A_517] : memref<768xi32, #tpu.memory_space<vmem>> -> memref<128xi32, #tpu.memory_space<vmem>>
        %dma_wait3A_519 = arith.constant 640 : i32
        %dma_wait3A_520 = tpu.memref_slice %arg10[%dma_wait3A_519] : memref<768xi32, #tpu.memory_space<vmem>> -> memref<128xi32, #tpu.memory_space<vmem>>
        %dma_wait3A_521 = arith.constant 0 : i32
        %dma_wait3A_522 = tpu.memref_slice %arg4[%dma_wait3A_521] : memref<100000xi32, #tpu.memory_space<hbm>> -> memref<100000xi32, #tpu.memory_space<hbm>>
        %dma_wait3A_523 = tpu.memref_slice %arg18[%dma_wait3A_516] : memref<6x!tpu.dma_semaphore, #tpu.memory_space<semaphore_mem>> -> memref<1x!tpu.dma_semaphore, #tpu.memory_space<semaphore_mem>>
        %dma_wait3A_524 = tpu.memref_squeeze %dma_wait3A_523 : memref<1x!tpu.dma_semaphore, #tpu.memory_space<semaphore_mem>> -> memref<!tpu.dma_semaphore, #tpu.memory_space<semaphore_mem>>
        tpu.wait_indirect_dma semaphore(%dma_wait3A_524 : memref<!tpu.dma_semaphore, #tpu.memory_space<semaphore_mem>>) src(%dma_wait3A_522 : memref<100000xi32, #tpu.memory_space<hbm>>) dst(%dma_wait3A_518 : memref<128xi32, #tpu.memory_space<vmem>>)
        %dma_wait3A_525 = arith.constant 5 : i32
        %dma_wait3A_526 = arith.constant 640 : i32
        %dma_wait3A_527 = tpu.memref_slice %arg13[%dma_wait3A_526] : memref<768xi32, #tpu.memory_space<vmem>> -> memref<128xi32, #tpu.memory_space<vmem>>
        %dma_wait3A_528 = arith.constant 640 : i32
        %dma_wait3A_529 = tpu.memref_slice %arg10[%dma_wait3A_528] : memref<768xi32, #tpu.memory_space<vmem>> -> memref<128xi32, #tpu.memory_space<vmem>>
        %dma_wait3A_530 = arith.constant 0 : i32
        %dma_wait3A_531 = tpu.memref_slice %arg5[%dma_wait3A_530] : memref<100000xi32, #tpu.memory_space<hbm>> -> memref<100000xi32, #tpu.memory_space<hbm>>
        %dma_wait3A_532 = tpu.memref_slice %arg18[%dma_wait3A_525] : memref<6x!tpu.dma_semaphore, #tpu.memory_space<semaphore_mem>> -> memref<1x!tpu.dma_semaphore, #tpu.memory_space<semaphore_mem>>
        %dma_wait3A_533 = tpu.memref_squeeze %dma_wait3A_532 : memref<1x!tpu.dma_semaphore, #tpu.memory_space<semaphore_mem>> -> memref<!tpu.dma_semaphore, #tpu.memory_space<semaphore_mem>>
        tpu.wait_indirect_dma semaphore(%dma_wait3A_533 : memref<!tpu.dma_semaphore, #tpu.memory_space<semaphore_mem>>) src(%dma_wait3A_531 : memref<100000xi32, #tpu.memory_space<hbm>>) dst(%dma_wait3A_527 : memref<128xi32, #tpu.memory_space<vmem>>)
        %get3A = arith.constant 640 : index
        %get3A_534 = tpu.vector_load %arg12[%get3A] {strides = array<i32>} : memref<768xi32, #tpu.memory_space<vmem>>, vector<16xi32>,
        %get3A_535 = vector.shape_cast %get3A_534 : vector<16xi32> to vector<16xi32>
        %gt3A = arith.constant 0 : i32
        %gt3A_536 = vector.broadcast %gt3A : i32 to vector<16xi32>
        %gt3A_537 = arith.cmpi sgt, %get3A_535, %gt3A_536 : vector<16xi32>
        %jit3A = arith.constant 2008 : i32
        %broadcast_in_dim3A = vector.broadcast %jit3A : i32 to vector<16xi32>
        %select_n3A = arith.select %gt3A_537, %get3A_535, %broadcast_in_dim3A : vector<16xi1>, vector<16xi32>
        %swap3A = arith.constant 640 : index
        %swap3A_538 = tpu.vector_load %arg12[%swap3A] {strides = array<i32>} : memref<768xi32, #tpu.memory_space<vmem>>, vector<16xi32>,
        %swap3A_539 = vector.shape_cast %swap3A_538 : vector<16xi32> to vector<16xi32>
        %swap3A_540 = vector.shape_cast %select_n3A : vector<16xi32> to vector<16xi32>
        tpu.vector_store %arg12[%swap3A], %swap3A_540 {strides = array<i32>} : memref<768xi32, #tpu.memory_space<vmem>>, vector<16xi32>,
        %get3A_541 = arith.constant 640 : index
        %get3A_542 = tpu.vector_load %arg13[%get3A_541] {strides = array<i32>} : memref<768xi32, #tpu.memory_space<vmem>>, vector<16xi32>,
        %get3A_543 = vector.shape_cast %get3A_542 : vector<16xi32> to vector<16xi32>
        %gt3A_544 = arith.constant 0 : i32
        %gt3A_545 = vector.broadcast %gt3A_544 : i32 to vector<16xi32>
        %gt3A_546 = arith.cmpi sgt, %get3A_543, %gt3A_545 : vector<16xi32>
        %jit3A_547 = arith.constant 504 : i32
        %broadcast_in_dim3A_548 = vector.broadcast %jit3A_547 : i32 to vector<16xi32>
        %select_n3A_549 = arith.select %gt3A_546, %get3A_543, %broadcast_in_dim3A_548 : vector<16xi1>, vector<16xi32>
        %swap3A_550 = arith.constant 640 : index
        %swap3A_551 = tpu.vector_load %arg13[%swap3A_550] {strides = array<i32>} : memref<768xi32, #tpu.memory_space<vmem>>, vector<16xi32>,
        %swap3A_552 = vector.shape_cast %swap3A_551 : vector<16xi32> to vector<16xi32>
        %swap3A_553 = vector.shape_cast %select_n3A_549 : vector<16xi32> to vector<16xi32>
        tpu.vector_store %arg13[%swap3A_550], %swap3A_553 {strides = array<i32>} : memref<768xi32, #tpu.memory_space<vmem>>, vector<16xi32>,
        %get3A_554 = arith.constant 656 : index
        %get3A_555 = tpu.vector_load %arg12[%get3A_554] {strides = array<i32>} : memref<768xi32, #tpu.memory_space<vmem>>, vector<16xi32>,
        %get3A_556 = vector.shape_cast %get3A_555 : vector<16xi32> to vector<16xi32>
        %gt3A_557 = arith.constant 0 : i32
        %gt3A_558 = vector.broadcast %gt3A_557 : i32 to vector<16xi32>
        %gt3A_559 = arith.cmpi sgt, %get3A_556, %gt3A_558 : vector<16xi32>
        %jit3A_560 = arith.constant 2008 : i32
        %broadcast_in_dim3A_561 = vector.broadcast %jit3A_560 : i32 to vector<16xi32>
        %select_n3A_562 = arith.select %gt3A_559, %get3A_556, %broadcast_in_dim3A_561 : vector<16xi1>, vector<16xi32>
        %swap3A_563 = arith.constant 656 : index
        %swap3A_564 = tpu.vector_load %arg12[%swap3A_563] {strides = array<i32>} : memref<768xi32, #tpu.memory_space<vmem>>, vector<16xi32>,
        %swap3A_565 = vector.shape_cast %swap3A_564 : vector<16xi32> to vector<16xi32>
        %swap3A_566 = vector.shape_cast %select_n3A_562 : vector<16xi32> to vector<16xi32>
        tpu.vector_store %arg12[%swap3A_563], %swap3A_566 {strides = array<i32>} : memref<768xi32, #tpu.memory_space<vmem>>, vector<16xi32>,
        %get3A_567 = arith.constant 656 : index
        %get3A_568 = tpu.vector_load %arg13[%get3A_567] {strides = array<i32>} : memref<768xi32, #tpu.memory_space<vmem>>, vector<16xi32>,
        %get3A_569 = vector.shape_cast %get3A_568 : vector<16xi32> to vector<16xi32>
        %gt3A_570 = arith.constant 0 : i32
        %gt3A_571 = vector.broadcast %gt3A_570 : i32 to vector<16xi32>
        %gt3A_572 = arith.cmpi sgt, %get3A_569, %gt3A_571 : vector<16xi32>
        %jit3A_573 = arith.constant 504 : i32
        %broadcast_in_dim3A_574 = vector.broadcast %jit3A_573 : i32 to vector<16xi32>
        %select_n3A_575 = arith.select %gt3A_572, %get3A_569, %broadcast_in_dim3A_574 : vector<16xi1>, vector<16xi32>
        %swap3A_576 = arith.constant 656 : index
        %swap3A_577 = tpu.vector_load %arg13[%swap3A_576] {strides = array<i32>} : memref<768xi32, #tpu.memory_space<vmem>>, vector<16xi32>,
        %swap3A_578 = vector.shape_cast %swap3A_577 : vector<16xi32> to vector<16xi32>
        %swap3A_579 = vector.shape_cast %select_n3A_575 : vector<16xi32> to vector<16xi32>
        tpu.vector_store %arg13[%swap3A_576], %swap3A_579 {strides = array<i32>} : memref<768xi32, #tpu.memory_space<vmem>>, vector<16xi32>,
        %get3A_580 = arith.constant 672 : index
        %get3A_581 = tpu.vector_load %arg12[%get3A_580] {strides = array<i32>} : memref<768xi32, #tpu.memory_space<vmem>>, vector<16xi32>,
        %get3A_582 = vector.shape_cast %get3A_581 : vector<16xi32> to vector<16xi32>
        %gt3A_583 = arith.constant 0 : i32
        %gt3A_584 = vector.broadcast %gt3A_583 : i32 to vector<16xi32>
        %gt3A_585 = arith.cmpi sgt, %get3A_582, %gt3A_584 : vector<16xi32>
        %jit3A_586 = arith.constant 2008 : i32
        %broadcast_in_dim3A_587 = vector.broadcast %jit3A_586 : i32 to vector<16xi32>
        %select_n3A_588 = arith.select %gt3A_585, %get3A_582, %broadcast_in_dim3A_587 : vector<16xi1>, vector<16xi32>
        %swap3A_589 = arith.constant 672 : index
        %swap3A_590 = tpu.vector_load %arg12[%swap3A_589] {strides = array<i32>} : memref<768xi32, #tpu.memory_space<vmem>>, vector<16xi32>,
        %swap3A_591 = vector.shape_cast %swap3A_590 : vector<16xi32> to vector<16xi32>
        %swap3A_592 = vector.shape_cast %select_n3A_588 : vector<16xi32> to vector<16xi32>
        tpu.vector_store %arg12[%swap3A_589], %swap3A_592 {strides = array<i32>} : memref<768xi32, #tpu.memory_space<vmem>>, vector<16xi32>,
        %get3A_593 = arith.constant 672 : index
        %get3A_594 = tpu.vector_load %arg13[%get3A_593] {strides = array<i32>} : memref<768xi32, #tpu.memory_space<vmem>>, vector<16xi32>,
        %get3A_595 = vector.shape_cast %get3A_594 : vector<16xi32> to vector<16xi32>
        %gt3A_596 = arith.constant 0 : i32
        %gt3A_597 = vector.broadcast %gt3A_596 : i32 to vector<16xi32>
        %gt3A_598 = arith.cmpi sgt, %get3A_595, %gt3A_597 : vector<16xi32>
        %jit3A_599 = arith.constant 504 : i32
        %broadcast_in_dim3A_600 = vector.broadcast %jit3A_599 : i32 to vector<16xi32>
        %select_n3A_601 = arith.select %gt3A_598, %get3A_595, %broadcast_in_dim3A_600 : vector<16xi1>, vector<16xi32>
        %swap3A_602 = arith.constant 672 : index
        %swap3A_603 = tpu.vector_load %arg13[%swap3A_602] {strides = array<i32>} : memref<768xi32, #tpu.memory_space<vmem>>, vector<16xi32>,
        %swap3A_604 = vector.shape_cast %swap3A_603 : vector<16xi32> to vector<16xi32>
        %swap3A_605 = vector.shape_cast %select_n3A_601 : vector<16xi32> to vector<16xi32>
        tpu.vector_store %arg13[%swap3A_602], %swap3A_605 {strides = array<i32>} : memref<768xi32, #tpu.memory_space<vmem>>, vector<16xi32>,
        %get3A_606 = arith.constant 688 : index
        %get3A_607 = tpu.vector_load %arg12[%get3A_606] {strides = array<i32>} : memref<768xi32, #tpu.memory_space<vmem>>, vector<16xi32>,
        %get3A_608 = vector.shape_cast %get3A_607 : vector<16xi32> to vector<16xi32>
        %gt3A_609 = arith.constant 0 : i32
        %gt3A_610 = vector.broadcast %gt3A_609 : i32 to vector<16xi32>
        %gt3A_611 = arith.cmpi sgt, %get3A_608, %gt3A_610 : vector<16xi32>
        %jit3A_612 = arith.constant 2008 : i32
        %broadcast_in_dim3A_613 = vector.broadcast %jit3A_612 : i32 to vector<16xi32>
        %select_n3A_614 = arith.select %gt3A_611, %get3A_608, %broadcast_in_dim3A_613 : vector<16xi1>, vector<16xi32>
        %swap3A_615 = arith.constant 688 : index
        %swap3A_616 = tpu.vector_load %arg12[%swap3A_615] {strides = array<i32>} : memref<768xi32, #tpu.memory_space<vmem>>, vector<16xi32>,
        %swap3A_617 = vector.shape_cast %swap3A_616 : vector<16xi32> to vector<16xi32>
        %swap3A_618 = vector.shape_cast %select_n3A_614 : vector<16xi32> to vector<16xi32>
        tpu.vector_store %arg12[%swap3A_615], %swap3A_618 {strides = array<i32>} : memref<768xi32, #tpu.memory_space<vmem>>, vector<16xi32>,
        %get3A_619 = arith.constant 688 : index
        %get3A_620 = tpu.vector_load %arg13[%get3A_619] {strides = array<i32>} : memref<768xi32, #tpu.memory_space<vmem>>, vector<16xi32>,
        %get3A_621 = vector.shape_cast %get3A_620 : vector<16xi32> to vector<16xi32>
        %gt3A_622 = arith.constant 0 : i32
        %gt3A_623 = vector.broadcast %gt3A_622 : i32 to vector<16xi32>
        %gt3A_624 = arith.cmpi sgt, %get3A_621, %gt3A_623 : vector<16xi32>
        %jit3A_625 = arith.constant 504 : i32
        %broadcast_in_dim3A_626 = vector.broadcast %jit3A_625 : i32 to vector<16xi32>
        %select_n3A_627 = arith.select %gt3A_624, %get3A_621, %broadcast_in_dim3A_626 : vector<16xi1>, vector<16xi32>
        %swap3A_628 = arith.constant 688 : index
        %swap3A_629 = tpu.vector_load %arg13[%swap3A_628] {strides = array<i32>} : memref<768xi32, #tpu.memory_space<vmem>>, vector<16xi32>,
        %swap3A_630 = vector.shape_cast %swap3A_629 : vector<16xi32> to vector<16xi32>
        %swap3A_631 = vector.shape_cast %select_n3A_627 : vector<16xi32> to vector<16xi32>
        tpu.vector_store %arg13[%swap3A_628], %swap3A_631 {strides = array<i32>} : memref<768xi32, #tpu.memory_space<vmem>>, vector<16xi32>,
        %get3A_632 = arith.constant 704 : index
        %get3A_633 = tpu.vector_load %arg12[%get3A_632] {strides = array<i32>} : memref<768xi32, #tpu.memory_space<vmem>>, vector<16xi32>,
        %get3A_634 = vector.shape_cast %get3A_633 : vector<16xi32> to vector<16xi32>
        %gt3A_635 = arith.constant 0 : i32
        %gt3A_636 = vector.broadcast %gt3A_635 : i32 to vector<16xi32>
        %gt3A_637 = arith.cmpi sgt, %get3A_634, %gt3A_636 : vector<16xi32>
        %jit3A_638 = arith.constant 2008 : i32
        %broadcast_in_dim3A_639 = vector.broadcast %jit3A_638 : i32 to vector<16xi32>
        %select_n3A_640 = arith.select %gt3A_637, %get3A_634, %broadcast_in_dim3A_639 : vector<16xi1>, vector<16xi32>
        %swap3A_641 = arith.constant 704 : index
        %swap3A_642 = tpu.vector_load %arg12[%swap3A_641] {strides = array<i32>} : memref<768xi32, #tpu.memory_space<vmem>>, vector<16xi32>,
        %swap3A_643 = vector.shape_cast %swap3A_642 : vector<16xi32> to vector<16xi32>
        %swap3A_644 = vector.shape_cast %select_n3A_640 : vector<16xi32> to vector<16xi32>
        tpu.vector_store %arg12[%swap3A_641], %swap3A_644 {strides = array<i32>} : memref<768xi32, #tpu.memory_space<vmem>>, vector<16xi32>,
        %get3A_645 = arith.constant 704 : index
        %get3A_646 = tpu.vector_load %arg13[%get3A_645] {strides = array<i32>} : memref<768xi32, #tpu.memory_space<vmem>>, vector<16xi32>,
        %get3A_647 = vector.shape_cast %get3A_646 : vector<16xi32> to vector<16xi32>
        %gt3A_648 = arith.constant 0 : i32
        %gt3A_649 = vector.broadcast %gt3A_648 : i32 to vector<16xi32>
        %gt3A_650 = arith.cmpi sgt, %get3A_647, %gt3A_649 : vector<16xi32>
        %jit3A_651 = arith.constant 504 : i32
        %broadcast_in_dim3A_652 = vector.broadcast %jit3A_651 : i32 to vector<16xi32>
        %select_n3A_653 = arith.select %gt3A_650, %get3A_647, %broadcast_in_dim3A_652 : vector<16xi1>, vector<16xi32>
        %swap3A_654 = arith.constant 704 : index
        %swap3A_655 = tpu.vector_load %arg13[%swap3A_654] {strides = array<i32>} : memref<768xi32, #tpu.memory_space<vmem>>, vector<16xi32>,
        %swap3A_656 = vector.shape_cast %swap3A_655 : vector<16xi32> to vector<16xi32>
        %swap3A_657 = vector.shape_cast %select_n3A_653 : vector<16xi32> to vector<16xi32>
        tpu.vector_store %arg13[%swap3A_654], %swap3A_657 {strides = array<i32>} : memref<768xi32, #tpu.memory_space<vmem>>, vector<16xi32>,
        %get3A_658 = arith.constant 720 : index
        %get3A_659 = tpu.vector_load %arg12[%get3A_658] {strides = array<i32>} : memref<768xi32, #tpu.memory_space<vmem>>, vector<16xi32>,
        %get3A_660 = vector.shape_cast %get3A_659 : vector<16xi32> to vector<16xi32>
        %gt3A_661 = arith.constant 0 : i32
        %gt3A_662 = vector.broadcast %gt3A_661 : i32 to vector<16xi32>
        %gt3A_663 = arith.cmpi sgt, %get3A_660, %gt3A_662 : vector<16xi32>
        %jit3A_664 = arith.constant 2008 : i32
        %broadcast_in_dim3A_665 = vector.broadcast %jit3A_664 : i32 to vector<16xi32>
        %select_n3A_666 = arith.select %gt3A_663, %get3A_660, %broadcast_in_dim3A_665 : vector<16xi1>, vector<16xi32>
        %swap3A_667 = arith.constant 720 : index
        %swap3A_668 = tpu.vector_load %arg12[%swap3A_667] {strides = array<i32>} : memref<768xi32, #tpu.memory_space<vmem>>, vector<16xi32>,
        %swap3A_669 = vector.shape_cast %swap3A_668 : vector<16xi32> to vector<16xi32>
        %swap3A_670 = vector.shape_cast %select_n3A_666 : vector<16xi32> to vector<16xi32>
        tpu.vector_store %arg12[%swap3A_667], %swap3A_670 {strides = array<i32>} : memref<768xi32, #tpu.memory_space<vmem>>, vector<16xi32>,
        %get3A_671 = arith.constant 720 : index
        %get3A_672 = tpu.vector_load %arg13[%get3A_671] {strides = array<i32>} : memref<768xi32, #tpu.memory_space<vmem>>, vector<16xi32>,
        %get3A_673 = vector.shape_cast %get3A_672 : vector<16xi32> to vector<16xi32>
        %gt3A_674 = arith.constant 0 : i32
        %gt3A_675 = vector.broadcast %gt3A_674 : i32 to vector<16xi32>
        %gt3A_676 = arith.cmpi sgt, %get3A_673, %gt3A_675 : vector<16xi32>
        %jit3A_677 = arith.constant 504 : i32
        %broadcast_in_dim3A_678 = vector.broadcast %jit3A_677 : i32 to vector<16xi32>
        %select_n3A_679 = arith.select %gt3A_676, %get3A_673, %broadcast_in_dim3A_678 : vector<16xi1>, vector<16xi32>
        %swap3A_680 = arith.constant 720 : index
        %swap3A_681 = tpu.vector_load %arg13[%swap3A_680] {strides = array<i32>} : memref<768xi32, #tpu.memory_space<vmem>>, vector<16xi32>,
        %swap3A_682 = vector.shape_cast %swap3A_681 : vector<16xi32> to vector<16xi32>
        %swap3A_683 = vector.shape_cast %select_n3A_679 : vector<16xi32> to vector<16xi32>
        tpu.vector_store %arg13[%swap3A_680], %swap3A_683 {strides = array<i32>} : memref<768xi32, #tpu.memory_space<vmem>>, vector<16xi32>,
        %get3A_684 = arith.constant 736 : index
        %get3A_685 = tpu.vector_load %arg12[%get3A_684] {strides = array<i32>} : memref<768xi32, #tpu.memory_space<vmem>>, vector<16xi32>,
        %get3A_686 = vector.shape_cast %get3A_685 : vector<16xi32> to vector<16xi32>
        %gt3A_687 = arith.constant 0 : i32
        %gt3A_688 = vector.broadcast %gt3A_687 : i32 to vector<16xi32>
        %gt3A_689 = arith.cmpi sgt, %get3A_686, %gt3A_688 : vector<16xi32>
        %jit3A_690 = arith.constant 2008 : i32
        %broadcast_in_dim3A_691 = vector.broadcast %jit3A_690 : i32 to vector<16xi32>
        %select_n3A_692 = arith.select %gt3A_689, %get3A_686, %broadcast_in_dim3A_691 : vector<16xi1>, vector<16xi32>
        %swap3A_693 = arith.constant 736 : index
        %swap3A_694 = tpu.vector_load %arg12[%swap3A_693] {strides = array<i32>} : memref<768xi32, #tpu.memory_space<vmem>>, vector<16xi32>,
        %swap3A_695 = vector.shape_cast %swap3A_694 : vector<16xi32> to vector<16xi32>
        %swap3A_696 = vector.shape_cast %select_n3A_692 : vector<16xi32> to vector<16xi32>
        tpu.vector_store %arg12[%swap3A_693], %swap3A_696 {strides = array<i32>} : memref<768xi32, #tpu.memory_space<vmem>>, vector<16xi32>,
        %get3A_697 = arith.constant 736 : index
        %get3A_698 = tpu.vector_load %arg13[%get3A_697] {strides = array<i32>} : memref<768xi32, #tpu.memory_space<vmem>>, vector<16xi32>,
        %get3A_699 = vector.shape_cast %get3A_698 : vector<16xi32> to vector<16xi32>
        %gt3A_700 = arith.constant 0 : i32
        %gt3A_701 = vector.broadcast %gt3A_700 : i32 to vector<16xi32>
        %gt3A_702 = arith.cmpi sgt, %get3A_699, %gt3A_701 : vector<16xi32>
        %jit3A_703 = arith.constant 504 : i32
        %broadcast_in_dim3A_704 = vector.broadcast %jit3A_703 : i32 to vector<16xi32>
        %select_n3A_705 = arith.select %gt3A_702, %get3A_699, %broadcast_in_dim3A_704 : vector<16xi1>, vector<16xi32>
        %swap3A_706 = arith.constant 736 : index
        %swap3A_707 = tpu.vector_load %arg13[%swap3A_706] {strides = array<i32>} : memref<768xi32, #tpu.memory_space<vmem>>, vector<16xi32>,
        %swap3A_708 = vector.shape_cast %swap3A_707 : vector<16xi32> to vector<16xi32>
        %swap3A_709 = vector.shape_cast %select_n3A_705 : vector<16xi32> to vector<16xi32>
        tpu.vector_store %arg13[%swap3A_706], %swap3A_709 {strides = array<i32>} : memref<768xi32, #tpu.memory_space<vmem>>, vector<16xi32>,
        %get3A_710 = arith.constant 752 : index
        %get3A_711 = tpu.vector_load %arg12[%get3A_710] {strides = array<i32>} : memref<768xi32, #tpu.memory_space<vmem>>, vector<16xi32>,
        %get3A_712 = vector.shape_cast %get3A_711 : vector<16xi32> to vector<16xi32>
        %gt3A_713 = arith.constant 0 : i32
        %gt3A_714 = vector.broadcast %gt3A_713 : i32 to vector<16xi32>
        %gt3A_715 = arith.cmpi sgt, %get3A_712, %gt3A_714 : vector<16xi32>
        %jit3A_716 = arith.constant 2008 : i32
        %broadcast_in_dim3A_717 = vector.broadcast %jit3A_716 : i32 to vector<16xi32>
        %select_n3A_718 = arith.select %gt3A_715, %get3A_712, %broadcast_in_dim3A_717 : vector<16xi1>, vector<16xi32>
        %swap3A_719 = arith.constant 752 : index
        %swap3A_720 = tpu.vector_load %arg12[%swap3A_719] {strides = array<i32>} : memref<768xi32, #tpu.memory_space<vmem>>, vector<16xi32>,
        %swap3A_721 = vector.shape_cast %swap3A_720 : vector<16xi32> to vector<16xi32>
        %swap3A_722 = vector.shape_cast %select_n3A_718 : vector<16xi32> to vector<16xi32>
        tpu.vector_store %arg12[%swap3A_719], %swap3A_722 {strides = array<i32>} : memref<768xi32, #tpu.memory_space<vmem>>, vector<16xi32>,
        %get3A_723 = arith.constant 752 : index
        %get3A_724 = tpu.vector_load %arg13[%get3A_723] {strides = array<i32>} : memref<768xi32, #tpu.memory_space<vmem>>, vector<16xi32>,
        %get3A_725 = vector.shape_cast %get3A_724 : vector<16xi32> to vector<16xi32>
        %gt3A_726 = arith.constant 0 : i32
        %gt3A_727 = vector.broadcast %gt3A_726 : i32 to vector<16xi32>
        %gt3A_728 = arith.cmpi sgt, %get3A_725, %gt3A_727 : vector<16xi32>
        %jit3A_729 = arith.constant 504 : i32
        %broadcast_in_dim3A_730 = vector.broadcast %jit3A_729 : i32 to vector<16xi32>
        %select_n3A_731 = arith.select %gt3A_728, %get3A_725, %broadcast_in_dim3A_730 : vector<16xi1>, vector<16xi32>
        %swap3A_732 = arith.constant 752 : index
        %swap3A_733 = tpu.vector_load %arg13[%swap3A_732] {strides = array<i32>} : memref<768xi32, #tpu.memory_space<vmem>>, vector<16xi32>,
        %swap3A_734 = vector.shape_cast %swap3A_733 : vector<16xi32> to vector<16xi32>
        %swap3A_735 = vector.shape_cast %select_n3A_731 : vector<16xi32> to vector<16xi32>
        tpu.vector_store %arg13[%swap3A_732], %swap3A_735 {strides = array<i32>} : memref<768xi32, #tpu.memory_space<vmem>>, vector<16xi32>,
        %dma_start3A = arith.constant 5 : i32
        %dma_start3A_736 = arith.constant 640 : i32
        %dma_start3A_737 = arith.constant 0 : i32
        %dma_start3A_738 = tpu.memref_slice %arg14[%dma_start3A_736, %dma_start3A_737] : memref<768x128xf32, #tpu.memory_space<vmem>> -> memref<128x128xf32, #tpu.memory_space<vmem>>
        %dma_start3A_739 = arith.constant 640 : i32
        %dma_start3A_740 = tpu.memref_slice %arg11[%dma_start3A_739] : memref<768xi32, #tpu.memory_space<vmem>> -> memref<128xi32, #tpu.memory_space<vmem>>
        %dma_start3A_741 = arith.constant 0 : i32
        %dma_start3A_742 = arith.constant 0 : i32
        %dma_start3A_743 = tpu.memref_slice %arg6[%dma_start3A_741, %dma_start3A_742] : memref<5000x128xf32, #tpu.memory_space<hbm>> -> memref<5000x128xf32, #tpu.memory_space<hbm>>
        %dma_start3A_744 = tpu.memref_slice %arg19[%dma_start3A] : memref<6x!tpu.dma_semaphore, #tpu.memory_space<semaphore_mem>> -> memref<1x!tpu.dma_semaphore, #tpu.memory_space<semaphore_mem>>
        %dma_start3A_745 = tpu.memref_squeeze %dma_start3A_744 : memref<1x!tpu.dma_semaphore, #tpu.memory_space<semaphore_mem>> -> memref<!tpu.dma_semaphore, #tpu.memory_space<semaphore_mem>>
        tpu.enqueue_indirect_dma source(%dma_start3A_743 : memref<5000x128xf32, #tpu.memory_space<hbm>>) target(%dma_start3A_738 : memref<128x128xf32, #tpu.memory_space<vmem>>) offsets(%dma_start3A_740 : memref<128xi32, #tpu.memory_space<vmem>>) semaphore(%dma_start3A_745 : memref<!tpu.dma_semaphore, #tpu.memory_space<semaphore_mem>>)
      } else {
      }
      %sub3A_216 = arith.constant 3 : i32
      %sub3A_217 = arith.subi %add3A_185, %sub3A_216 : i32
      %ge3A_218 = arith.constant 0 : i32
      %ge3A_219 = arith.cmpi sge, %sub3A_217, %ge3A_218 : i32
      %lt3A_220 = arith.constant 50 : i32
      %lt3A_221 = arith.cmpi slt, %sub3A_217, %lt3A_220 : i32
      %and3A_222 = arith.andi %ge3A_219, %lt3A_221 : i1
      %convert_element_type3A_223 = arith.extui %and3A_222 : i1 to i32
      %cond3A_224 = arith.constant 0 : i32
      %cond3A_225 = arith.cmpi ne, %convert_element_type3A_223, %cond3A_224 : i32
      scf.if %cond3A_225 {
        %dma_wait3A_502 = arith.constant 4 : i32
        %dma_wait3A_503 = arith.constant 512 : i32
        %dma_wait3A_504 = arith.constant 0 : i32
        %dma_wait3A_505 = tpu.memref_slice %arg14[%dma_wait3A_503, %dma_wait3A_504] : memref<768x128xf32, #tpu.memory_space<vmem>> -> memref<128x128xf32, #tpu.memory_space<vmem>>
        %dma_wait3A_506 = arith.constant 512 : i32
        %dma_wait3A_507 = tpu.memref_slice %arg11[%dma_wait3A_506] : memref<768xi32, #tpu.memory_space<vmem>> -> memref<128xi32, #tpu.memory_space<vmem>>
        %dma_wait3A_508 = arith.constant 0 : i32
        %dma_wait3A_509 = arith.constant 0 : i32
        %dma_wait3A_510 = tpu.memref_slice %arg6[%dma_wait3A_508, %dma_wait3A_509] : memref<5000x128xf32, #tpu.memory_space<hbm>> -> memref<5000x128xf32, #tpu.memory_space<hbm>>
        %dma_wait3A_511 = tpu.memref_slice %arg19[%dma_wait3A_502] : memref<6x!tpu.dma_semaphore, #tpu.memory_space<semaphore_mem>> -> memref<1x!tpu.dma_semaphore, #tpu.memory_space<semaphore_mem>>
        %dma_wait3A_512 = tpu.memref_squeeze %dma_wait3A_511 : memref<1x!tpu.dma_semaphore, #tpu.memory_space<semaphore_mem>> -> memref<!tpu.dma_semaphore, #tpu.memory_space<semaphore_mem>>
        tpu.wait_indirect_dma semaphore(%dma_wait3A_512 : memref<!tpu.dma_semaphore, #tpu.memory_space<semaphore_mem>>) src(%dma_wait3A_510 : memref<5000x128xf32, #tpu.memory_space<hbm>>) dst(%dma_wait3A_505 : memref<128x128xf32, #tpu.memory_space<vmem>>)
        %dma_start3A = arith.constant 4 : i32
        %dma_start3A_513 = arith.constant 512 : i32
        %dma_start3A_514 = arith.constant 0 : i32
        %dma_start3A_515 = tpu.memref_slice %arg14[%dma_start3A_513, %dma_start3A_514] : memref<768x128xf32, #tpu.memory_space<vmem>> -> memref<128x128xf32, #tpu.memory_space<vmem>>
        %dma_start3A_516 = arith.constant 512 : i32
        %dma_start3A_517 = tpu.memref_slice %arg12[%dma_start3A_516] : memref<768xi32, #tpu.memory_space<vmem>> -> memref<128xi32, #tpu.memory_space<vmem>>
        %dma_start3A_518 = arith.constant 0 : i32
        %dma_start3A_519 = arith.constant 0 : i32
        %dma_start3A_520 = tpu.memref_slice %arg15[%dma_start3A_518, %dma_start3A_519] : memref<2016x128xf32, #tpu.memory_space<vmem_shared>> -> memref<2016x128xf32, #tpu.memory_space<vmem_shared>>
        %dma_start3A_521 = tpu.memref_slice %arg19[%dma_start3A] : memref<6x!tpu.dma_semaphore, #tpu.memory_space<semaphore_mem>> -> memref<1x!tpu.dma_semaphore, #tpu.memory_space<semaphore_mem>>
        %dma_start3A_522 = tpu.memref_squeeze %dma_start3A_521 : memref<1x!tpu.dma_semaphore, #tpu.memory_space<semaphore_mem>> -> memref<!tpu.dma_semaphore, #tpu.memory_space<semaphore_mem>>
        tpu.enqueue_indirect_dma source(%dma_start3A_520 : memref<2016x128xf32, #tpu.memory_space<vmem_shared>>) target(%dma_start3A_515 : memref<128x128xf32, #tpu.memory_space<vmem>>) offsets(%dma_start3A_517 : memref<128xi32, #tpu.memory_space<vmem>>) semaphore(%dma_start3A_522 : memref<!tpu.dma_semaphore, #tpu.memory_space<semaphore_mem>>) {add = true}
      } else {
      }
      %sub3A_226 = arith.constant 4 : i32
      %sub3A_227 = arith.subi %add3A_185, %sub3A_226 : i32
      %ge3A_228 = arith.constant 0 : i32
      %ge3A_229 = arith.cmpi sge, %sub3A_227, %ge3A_228 : i32
      %lt3A_230 = arith.constant 50 : i32
      %lt3A_231 = arith.cmpi slt, %sub3A_227, %lt3A_230 : i32
      %and3A_232 = arith.andi %ge3A_229, %lt3A_231 : i1
      %convert_element_type3A_233 = arith.extui %and3A_232 : i1 to i32
      %cond3A_234 = arith.constant 0 : i32
      %cond3A_235 = arith.cmpi ne, %convert_element_type3A_233, %cond3A_234 : i32
      scf.if %cond3A_235 {
        %dma_wait3A_502 = arith.constant 3 : i32
        %dma_wait3A_503 = arith.constant 384 : i32
        %dma_wait3A_504 = arith.constant 0 : i32
        %dma_wait3A_505 = tpu.memref_slice %arg14[%dma_wait3A_503, %dma_wait3A_504] : memref<768x128xf32, #tpu.memory_space<vmem>> -> memref<128x128xf32, #tpu.memory_space<vmem>>
        %dma_wait3A_506 = arith.constant 384 : i32
        %dma_wait3A_507 = tpu.memref_slice %arg12[%dma_wait3A_506] : memref<768xi32, #tpu.memory_space<vmem>> -> memref<128xi32, #tpu.memory_space<vmem>>
        %dma_wait3A_508 = arith.constant 0 : i32
        %dma_wait3A_509 = arith.constant 0 : i32
        %dma_wait3A_510 = tpu.memref_slice %arg15[%dma_wait3A_508, %dma_wait3A_509] : memref<2016x128xf32, #tpu.memory_space<vmem_shared>> -> memref<2016x128xf32, #tpu.memory_space<vmem_shared>>
        %dma_wait3A_511 = tpu.memref_slice %arg19[%dma_wait3A_502] : memref<6x!tpu.dma_semaphore, #tpu.memory_space<semaphore_mem>> -> memref<1x!tpu.dma_semaphore, #tpu.memory_space<semaphore_mem>>
        %dma_wait3A_512 = tpu.memref_squeeze %dma_wait3A_511 : memref<1x!tpu.dma_semaphore, #tpu.memory_space<semaphore_mem>> -> memref<!tpu.dma_semaphore, #tpu.memory_space<semaphore_mem>>
        tpu.wait_indirect_dma semaphore(%dma_wait3A_512 : memref<!tpu.dma_semaphore, #tpu.memory_space<semaphore_mem>>) src(%dma_wait3A_510 : memref<2016x128xf32, #tpu.memory_space<vmem_shared>>) dst(%dma_wait3A_505 : memref<128x128xf32, #tpu.memory_space<vmem>>)
        %dma_start3A = arith.constant 3 : i32
        %dma_start3A_513 = arith.constant 384 : i32
        %dma_start3A_514 = arith.constant 0 : i32
        %dma_start3A_515 = tpu.memref_slice %arg14[%dma_start3A_513, %dma_start3A_514] : memref<768x128xf32, #tpu.memory_space<vmem>> -> memref<128x128xf32, #tpu.memory_space<vmem>>
        %dma_start3A_516 = arith.constant 384 : i32
        %dma_start3A_517 = tpu.memref_slice %arg13[%dma_start3A_516] : memref<768xi32, #tpu.memory_space<vmem>> -> memref<128xi32, #tpu.memory_space<vmem>>
        %dma_start3A_518 = arith.constant 0 : i32
        %dma_start3A_519 = arith.constant 0 : i32
        %dma_start3A_520 = tpu.memref_slice %arg16[%dma_start3A_518, %dma_start3A_519] : memref<512x128xf32, #tpu.memory_space<vmem_shared>> -> memref<512x128xf32, #tpu.memory_space<vmem_shared>>
        %dma_start3A_521 = tpu.memref_slice %arg19[%dma_start3A] : memref<6x!tpu.dma_semaphore, #tpu.memory_space<semaphore_mem>> -> memref<1x!tpu.dma_semaphore, #tpu.memory_space<semaphore_mem>>
        %dma_start3A_522 = tpu.memref_squeeze %dma_start3A_521 : memref<1x!tpu.dma_semaphore, #tpu.memory_space<semaphore_mem>> -> memref<!tpu.dma_semaphore, #tpu.memory_space<semaphore_mem>>
        tpu.enqueue_indirect_dma source(%dma_start3A_520 : memref<512x128xf32, #tpu.memory_space<vmem_shared>>) target(%dma_start3A_515 : memref<128x128xf32, #tpu.memory_space<vmem>>) offsets(%dma_start3A_517 : memref<128xi32, #tpu.memory_space<vmem>>) semaphore(%dma_start3A_522 : memref<!tpu.dma_semaphore, #tpu.memory_space<semaphore_mem>>) {add = true}
      } else {
      }
      %sub3A_236 = arith.constant 5 : i32
      %sub3A_237 = arith.subi %add3A_185, %sub3A_236 : i32
      %ge3A_238 = arith.constant 0 : i32
      %ge3A_239 = arith.cmpi sge, %sub3A_237, %ge3A_238 : i32
      %lt3A_240 = arith.constant 50 : i32
      %lt3A_241 = arith.cmpi slt, %sub3A_237, %lt3A_240 : i32
      %and3A_242 = arith.andi %ge3A_239, %lt3A_241 : i1
      %convert_element_type3A_243 = arith.extui %and3A_242 : i1 to i32
      %cond3A_244 = arith.constant 0 : i32
      %cond3A_245 = arith.cmpi ne, %convert_element_type3A_243, %cond3A_244 : i32
      scf.if %cond3A_245 {
        %dma_wait3A_502 = arith.constant 2 : i32
        %dma_wait3A_503 = arith.constant 256 : i32
        %dma_wait3A_504 = arith.constant 0 : i32
        %dma_wait3A_505 = tpu.memref_slice %arg14[%dma_wait3A_503, %dma_wait3A_504] : memref<768x128xf32, #tpu.memory_space<vmem>> -> memref<128x128xf32, #tpu.memory_space<vmem>>
        %dma_wait3A_506 = arith.constant 256 : i32
        %dma_wait3A_507 = tpu.memref_slice %arg13[%dma_wait3A_506] : memref<768xi32, #tpu.memory_space<vmem>> -> memref<128xi32, #tpu.memory_space<vmem>>
        %dma_wait3A_508 = arith.constant 0 : i32
        %dma_wait3A_509 = arith.constant 0 : i32
        %dma_wait3A_510 = tpu.memref_slice %arg16[%dma_wait3A_508, %dma_wait3A_509] : memref<512x128xf32, #tpu.memory_space<vmem_shared>> -> memref<512x128xf32, #tpu.memory_space<vmem_shared>>
        %dma_wait3A_511 = tpu.memref_slice %arg19[%dma_wait3A_502] : memref<6x!tpu.dma_semaphore, #tpu.memory_space<semaphore_mem>> -> memref<1x!tpu.dma_semaphore, #tpu.memory_space<semaphore_mem>>
        %dma_wait3A_512 = tpu.memref_squeeze %dma_wait3A_511 : memref<1x!tpu.dma_semaphore, #tpu.memory_space<semaphore_mem>> -> memref<!tpu.dma_semaphore, #tpu.memory_space<semaphore_mem>>
        tpu.wait_indirect_dma semaphore(%dma_wait3A_512 : memref<!tpu.dma_semaphore, #tpu.memory_space<semaphore_mem>>) src(%dma_wait3A_510 : memref<512x128xf32, #tpu.memory_space<vmem_shared>>) dst(%dma_wait3A_505 : memref<128x128xf32, #tpu.memory_space<vmem>>)
        %mul3A_513 = arith.constant 128 : i32
        %mul3A_514 = arith.muli %sub3A_237, %mul3A_513 : i32
        %multiple_of3A_515 = tpu.assume_multiple %mul3A_514, 128 : i32
        %add3A_516 = arith.addi %multiple_of3A, %multiple_of3A_515 : i32
        %dma_start3A = arith.constant 2 : i32
        %dma_start3A_517 = arith.constant 256 : i32
        %dma_start3A_518 = arith.constant 0 : i32
        %dma_start3A_519 = tpu.memref_slice %arg14[%dma_start3A_517, %dma_start3A_518] : memref<768x128xf32, #tpu.memory_space<vmem>> -> memref<128x128xf32, #tpu.memory_space<vmem>>
        %dma_start3A_520 = arith.constant 0 : i32
        %dma_start3A_521 = tpu.memref_slice %arg9[%add3A_516, %dma_start3A_520] : memref<204800x128xf32, #tpu.memory_space<hbm>> -> memref<128x128xf32, #tpu.memory_space<hbm>>
        %dma_start3A_522 = tpu.memref_slice %arg20[%dma_start3A] : memref<6x!tpu.dma_semaphore, #tpu.memory_space<semaphore_mem>> -> memref<1x!tpu.dma_semaphore, #tpu.memory_space<semaphore_mem>>
        %dma_start3A_523 = tpu.memref_squeeze %dma_start3A_522 : memref<1x!tpu.dma_semaphore, #tpu.memory_space<semaphore_mem>> -> memref<!tpu.dma_semaphore, #tpu.memory_space<semaphore_mem>>
        %dma_start3A_524 = arith.constant 0 : i32
        %dma_start3A_525 = tpu.memref_slice %arg9[%add3A_516, %dma_start3A_524] : memref<204800x128xf32, #tpu.memory_space<hbm>> -> memref<128x128xf32, #tpu.memory_space<hbm>>
        %dma_start3A_526 = arith.constant 256 : i32
        %dma_start3A_527 = arith.constant 0 : i32
        %dma_start3A_528 = tpu.memref_slice %arg14[%dma_start3A_526, %dma_start3A_527] : memref<768x128xf32, #tpu.memory_space<vmem>> -> memref<128x128xf32, #tpu.memory_space<vmem>>
        tpu.enqueue_dma source(%dma_start3A_528 : memref<128x128xf32, #tpu.memory_space<vmem>>) target(%dma_start3A_525 : memref<128x128xf32, #tpu.memory_space<hbm>>) target_semaphore(%dma_start3A_523 : memref<!tpu.dma_semaphore, #tpu.memory_space<semaphore_mem>>)
      } else {
      }
      %mul3A_246 = arith.constant 6 : i32
      %mul3A_247 = arith.muli %scan3A_121, %mul3A_246 : i32
      %add3A_248 = arith.constant 2 : i32
      %add3A_249 = arith.addi %mul3A_247, %add3A_248 : i32
      %sub3A_250 = arith.constant 0 : i32
      %sub3A_251 = arith.subi %add3A_249, %sub3A_250 : i32
      %ge3A_252 = arith.constant 0 : i32
      %ge3A_253 = arith.cmpi sge, %sub3A_251, %ge3A_252 : i32
      %lt3A_254 = arith.constant 50 : i32
      %lt3A_255 = arith.cmpi slt, %sub3A_251, %lt3A_254 : i32
      %and3A_256 = arith.andi %ge3A_253, %lt3A_255 : i1
      %convert_element_type3A_257 = arith.extui %and3A_256 : i1 to i32
      %cond3A_258 = arith.constant 0 : i32
      %cond3A_259 = arith.cmpi ne, %convert_element_type3A_257, %cond3A_258 : i32
      scf.if %cond3A_259 {
        %mul3A_502 = arith.constant 128 : i32
        %mul3A_503 = arith.muli %sub3A_251, %mul3A_502 : i32
        %multiple_of3A_504 = tpu.assume_multiple %mul3A_503, 128 : i32
        %add3A_505 = arith.addi %multiple_of3A, %multiple_of3A_504 : i32
        %dma_start3A = arith.constant 2 : i32
        %dma_start3A_506 = arith.constant 256 : i32
        %dma_start3A_507 = tpu.memref_slice %arg10[%dma_start3A_506] : memref<768xi32, #tpu.memory_space<vmem>> -> memref<128xi32, #tpu.memory_space<vmem>>
        %dma_start3A_508 = tpu.memref_slice %arg2[%add3A_505] : memref<204800xi32, #tpu.memory_space<hbm>> -> memref<128xi32, #tpu.memory_space<hbm>>
        %dma_start3A_509 = tpu.memref_slice %arg17[%dma_start3A] : memref<6x!tpu.dma_semaphore, #tpu.memory_space<semaphore_mem>> -> memref<1x!tpu.dma_semaphore, #tpu.memory_space<semaphore_mem>>
        %dma_start3A_510 = tpu.memref_squeeze %dma_start3A_509 : memref<1x!tpu.dma_semaphore, #tpu.memory_space<semaphore_mem>> -> memref<!tpu.dma_semaphore, #tpu.memory_space<semaphore_mem>>
        %dma_start3A_511 = arith.constant 256 : i32
        %dma_start3A_512 = tpu.memref_slice %arg10[%dma_start3A_511] : memref<768xi32, #tpu.memory_space<vmem>> -> memref<128xi32, #tpu.memory_space<vmem>>
        %dma_start3A_513 = tpu.memref_slice %arg2[%add3A_505] : memref<204800xi32, #tpu.memory_space<hbm>> -> memref<128xi32, #tpu.memory_space<hbm>>
        tpu.enqueue_dma source(%dma_start3A_513 : memref<128xi32, #tpu.memory_space<hbm>>) target(%dma_start3A_512 : memref<128xi32, #tpu.memory_space<vmem>>) target_semaphore(%dma_start3A_510 : memref<!tpu.dma_semaphore, #tpu.memory_space<semaphore_mem>>)
      } else {
      }
      %sub3A_260 = arith.constant 1 : i32
      %sub3A_261 = arith.subi %add3A_249, %sub3A_260 : i32
      %ge3A_262 = arith.constant 0 : i32
      %ge3A_263 = arith.cmpi sge, %sub3A_261, %ge3A_262 : i32
      %lt3A_264 = arith.constant 50 : i32
      %lt3A_265 = arith.cmpi slt, %sub3A_261, %lt3A_264 : i32
      %and3A_266 = arith.andi %ge3A_263, %lt3A_265 : i1
      %convert_element_type3A_267 = arith.extui %and3A_266 : i1 to i32
      %cond3A_268 = arith.constant 0 : i32
      %cond3A_269 = arith.cmpi ne, %convert_element_type3A_267, %cond3A_268 : i32
      scf.if %cond3A_269 {
        %mul3A_502 = arith.constant 128 : i32
        %mul3A_503 = arith.muli %sub3A_261, %mul3A_502 : i32
        %multiple_of3A_504 = tpu.assume_multiple %mul3A_503, 128 : i32
        %add3A_505 = arith.addi %multiple_of3A, %multiple_of3A_504 : i32
        %dma_wait3A_506 = arith.constant 1 : i32
        %dma_wait3A_507 = arith.constant 128 : i32
        %dma_wait3A_508 = tpu.memref_slice %arg10[%dma_wait3A_507] : memref<768xi32, #tpu.memory_space<vmem>> -> memref<128xi32, #tpu.memory_space<vmem>>
        %dma_wait3A_509 = tpu.memref_slice %arg2[%add3A_505] : memref<204800xi32, #tpu.memory_space<hbm>> -> memref<128xi32, #tpu.memory_space<hbm>>
        %dma_wait3A_510 = tpu.memref_slice %arg17[%dma_wait3A_506] : memref<6x!tpu.dma_semaphore, #tpu.memory_space<semaphore_mem>> -> memref<1x!tpu.dma_semaphore, #tpu.memory_space<semaphore_mem>>
        %dma_wait3A_511 = tpu.memref_squeeze %dma_wait3A_510 : memref<1x!tpu.dma_semaphore, #tpu.memory_space<semaphore_mem>> -> memref<!tpu.dma_semaphore, #tpu.memory_space<semaphore_mem>>
        %dma_wait3A_512 = arith.constant 128 : i32
        %dma_wait3A_513 = tpu.memref_slice %arg10[%dma_wait3A_512] : memref<768xi32, #tpu.memory_space<vmem>> -> memref<128xi32, #tpu.memory_space<vmem>>
        %dma_wait3A_514 = tpu.memref_slice %arg2[%add3A_505] : memref<204800xi32, #tpu.memory_space<hbm>> -> memref<128xi32, #tpu.memory_space<hbm>>
        tpu.wait_dma2 semaphore(%dma_wait3A_511 : memref<!tpu.dma_semaphore, #tpu.memory_space<semaphore_mem>>) src(%dma_wait3A_514 : memref<128xi32, #tpu.memory_space<hbm>>) dst(%dma_wait3A_513 : memref<128xi32, #tpu.memory_space<vmem>>)
        %dma_start3A = arith.constant 1 : i32
        %dma_start3A_515 = arith.constant 128 : i32
        %dma_start3A_516 = tpu.memref_slice %arg11[%dma_start3A_515] : memref<768xi32, #tpu.memory_space<vmem>> -> memref<128xi32, #tpu.memory_space<vmem>>
        %dma_start3A_517 = arith.constant 128 : i32
        %dma_start3A_518 = tpu.memref_slice %arg10[%dma_start3A_517] : memref<768xi32, #tpu.memory_space<vmem>> -> memref<128xi32, #tpu.memory_space<vmem>>
        %dma_start3A_519 = arith.constant 0 : i32
        %dma_start3A_520 = tpu.memref_slice %arg3[%dma_start3A_519] : memref<100000xi32, #tpu.memory_space<hbm>> -> memref<100000xi32, #tpu.memory_space<hbm>>
        %dma_start3A_521 = tpu.memref_slice %arg18[%dma_start3A] : memref<6x!tpu.dma_semaphore, #tpu.memory_space<semaphore_mem>> -> memref<1x!tpu.dma_semaphore, #tpu.memory_space<semaphore_mem>>
        %dma_start3A_522 = tpu.memref_squeeze %dma_start3A_521 : memref<1x!tpu.dma_semaphore, #tpu.memory_space<semaphore_mem>> -> memref<!tpu.dma_semaphore, #tpu.memory_space<semaphore_mem>>
        tpu.enqueue_indirect_dma source(%dma_start3A_520 : memref<100000xi32, #tpu.memory_space<hbm>>) target(%dma_start3A_516 : memref<128xi32, #tpu.memory_space<vmem>>) offsets(%dma_start3A_518 : memref<128xi32, #tpu.memory_space<vmem>>) semaphore(%dma_start3A_522 : memref<!tpu.dma_semaphore, #tpu.memory_space<semaphore_mem>>)
        %dma_start3A_523 = arith.constant 1 : i32
        %dma_start3A_524 = arith.constant 128 : i32
        %dma_start3A_525 = tpu.memref_slice %arg12[%dma_start3A_524] : memref<768xi32, #tpu.memory_space<vmem>> -> memref<128xi32, #tpu.memory_space<vmem>>
        %dma_start3A_526 = arith.constant 128 : i32
        %dma_start3A_527 = tpu.memref_slice %arg10[%dma_start3A_526] : memref<768xi32, #tpu.memory_space<vmem>> -> memref<128xi32, #tpu.memory_space<vmem>>
        %dma_start3A_528 = arith.constant 0 : i32
        %dma_start3A_529 = tpu.memref_slice %arg4[%dma_start3A_528] : memref<100000xi32, #tpu.memory_space<hbm>> -> memref<100000xi32, #tpu.memory_space<hbm>>
        %dma_start3A_530 = tpu.memref_slice %arg18[%dma_start3A_523] : memref<6x!tpu.dma_semaphore, #tpu.memory_space<semaphore_mem>> -> memref<1x!tpu.dma_semaphore, #tpu.memory_space<semaphore_mem>>
        %dma_start3A_531 = tpu.memref_squeeze %dma_start3A_530 : memref<1x!tpu.dma_semaphore, #tpu.memory_space<semaphore_mem>> -> memref<!tpu.dma_semaphore, #tpu.memory_space<semaphore_mem>>
        tpu.enqueue_indirect_dma source(%dma_start3A_529 : memref<100000xi32, #tpu.memory_space<hbm>>) target(%dma_start3A_525 : memref<128xi32, #tpu.memory_space<vmem>>) offsets(%dma_start3A_527 : memref<128xi32, #tpu.memory_space<vmem>>) semaphore(%dma_start3A_531 : memref<!tpu.dma_semaphore, #tpu.memory_space<semaphore_mem>>)
        %dma_start3A_532 = arith.constant 1 : i32
        %dma_start3A_533 = arith.constant 128 : i32
        %dma_start3A_534 = tpu.memref_slice %arg13[%dma_start3A_533] : memref<768xi32, #tpu.memory_space<vmem>> -> memref<128xi32, #tpu.memory_space<vmem>>
        %dma_start3A_535 = arith.constant 128 : i32
        %dma_start3A_536 = tpu.memref_slice %arg10[%dma_start3A_535] : memref<768xi32, #tpu.memory_space<vmem>> -> memref<128xi32, #tpu.memory_space<vmem>>
        %dma_start3A_537 = arith.constant 0 : i32
        %dma_start3A_538 = tpu.memref_slice %arg5[%dma_start3A_537] : memref<100000xi32, #tpu.memory_space<hbm>> -> memref<100000xi32, #tpu.memory_space<hbm>>
        %dma_start3A_539 = tpu.memref_slice %arg18[%dma_start3A_532] : memref<6x!tpu.dma_semaphore, #tpu.memory_space<semaphore_mem>> -> memref<1x!tpu.dma_semaphore, #tpu.memory_space<semaphore_mem>>
        %dma_start3A_540 = tpu.memref_squeeze %dma_start3A_539 : memref<1x!tpu.dma_semaphore, #tpu.memory_space<semaphore_mem>> -> memref<!tpu.dma_semaphore, #tpu.memory_space<semaphore_mem>>
        tpu.enqueue_indirect_dma source(%dma_start3A_538 : memref<100000xi32, #tpu.memory_space<hbm>>) target(%dma_start3A_534 : memref<128xi32, #tpu.memory_space<vmem>>) offsets(%dma_start3A_536 : memref<128xi32, #tpu.memory_space<vmem>>) semaphore(%dma_start3A_540 : memref<!tpu.dma_semaphore, #tpu.memory_space<semaphore_mem>>)
      } else {
      }
      %sub3A_270 = arith.constant 2 : i32
      %sub3A_271 = arith.subi %add3A_249, %sub3A_270 : i32
      %ge3A_272 = arith.constant 0 : i32
      %ge3A_273 = arith.cmpi sge, %sub3A_271, %ge3A_272 : i32
      %lt3A_274 = arith.constant 50 : i32
      %lt3A_275 = arith.cmpi slt, %sub3A_271, %lt3A_274 : i32
      %and3A_276 = arith.andi %ge3A_273, %lt3A_275 : i1
      %convert_element_type3A_277 = arith.extui %and3A_276 : i1 to i32
      %cond3A_278 = arith.constant 0 : i32
      %cond3A_279 = arith.cmpi ne, %convert_element_type3A_277, %cond3A_278 : i32
      scf.if %cond3A_279 {
        %ge3A_502 = arith.constant 6 : i32
        %ge3A_503 = arith.cmpi sge, %sub3A_271, %ge3A_502 : i32
        %convert_element_type3A_504 = arith.extui %ge3A_503 : i1 to i32
        %cond3A_505 = arith.constant 0 : i32
        %cond3A_506 = arith.cmpi ne, %convert_element_type3A_504, %cond3A_505 : i32
        scf.if %cond3A_506 {
          %sub3A_746 = arith.constant 6 : i32
          %sub3A_747 = arith.subi %sub3A_271, %sub3A_746 : i32
          %mul3A_748 = arith.constant 128 : i32
          %mul3A_749 = arith.muli %sub3A_747, %mul3A_748 : i32
          %multiple_of3A_750 = tpu.assume_multiple %mul3A_749, 128 : i32
          %add3A_751 = arith.addi %multiple_of3A, %multiple_of3A_750 : i32
          %dma_wait3A_752 = arith.constant 0 : i32
          %dma_wait3A_753 = arith.constant 0 : i32
          %dma_wait3A_754 = arith.constant 0 : i32
          %dma_wait3A_755 = tpu.memref_slice %arg14[%dma_wait3A_753, %dma_wait3A_754] : memref<768x128xf32, #tpu.memory_space<vmem>> -> memref<128x128xf32, #tpu.memory_space<vmem>>
          %dma_wait3A_756 = arith.constant 0 : i32
          %dma_wait3A_757 = tpu.memref_slice %arg9[%add3A_751, %dma_wait3A_756] : memref<204800x128xf32, #tpu.memory_space<hbm>> -> memref<128x128xf32, #tpu.memory_space<hbm>>
          %dma_wait3A_758 = tpu.memref_slice %arg20[%dma_wait3A_752] : memref<6x!tpu.dma_semaphore, #tpu.memory_space<semaphore_mem>> -> memref<1x!tpu.dma_semaphore, #tpu.memory_space<semaphore_mem>>
          %dma_wait3A_759 = tpu.memref_squeeze %dma_wait3A_758 : memref<1x!tpu.dma_semaphore, #tpu.memory_space<semaphore_mem>> -> memref<!tpu.dma_semaphore, #tpu.memory_space<semaphore_mem>>
          %dma_wait3A_760 = arith.constant 0 : i32
          %dma_wait3A_761 = tpu.memref_slice %arg9[%add3A_751, %dma_wait3A_760] : memref<204800x128xf32, #tpu.memory_space<hbm>> -> memref<128x128xf32, #tpu.memory_space<hbm>>
          %dma_wait3A_762 = arith.constant 0 : i32
          %dma_wait3A_763 = arith.constant 0 : i32
          %dma_wait3A_764 = tpu.memref_slice %arg14[%dma_wait3A_762, %dma_wait3A_763] : memref<768x128xf32, #tpu.memory_space<vmem>> -> memref<128x128xf32, #tpu.memory_space<vmem>>
          tpu.wait_dma2 semaphore(%dma_wait3A_759 : memref<!tpu.dma_semaphore, #tpu.memory_space<semaphore_mem>>) src(%dma_wait3A_764 : memref<128x128xf32, #tpu.memory_space<vmem>>) dst(%dma_wait3A_761 : memref<128x128xf32, #tpu.memory_space<hbm>>)
        } else {
        }
        %dma_wait3A_507 = arith.constant 0 : i32
        %dma_wait3A_508 = arith.constant 0 : i32
        %dma_wait3A_509 = tpu.memref_slice %arg11[%dma_wait3A_508] : memref<768xi32, #tpu.memory_space<vmem>> -> memref<128xi32, #tpu.memory_space<vmem>>
        %dma_wait3A_510 = arith.constant 0 : i32
        %dma_wait3A_511 = tpu.memref_slice %arg10[%dma_wait3A_510] : memref<768xi32, #tpu.memory_space<vmem>> -> memref<128xi32, #tpu.memory_space<vmem>>
        %dma_wait3A_512 = arith.constant 0 : i32
        %dma_wait3A_513 = tpu.memref_slice %arg3[%dma_wait3A_512] : memref<100000xi32, #tpu.memory_space<hbm>> -> memref<100000xi32, #tpu.memory_space<hbm>>
        %dma_wait3A_514 = tpu.memref_slice %arg18[%dma_wait3A_507] : memref<6x!tpu.dma_semaphore, #tpu.memory_space<semaphore_mem>> -> memref<1x!tpu.dma_semaphore, #tpu.memory_space<semaphore_mem>>
        %dma_wait3A_515 = tpu.memref_squeeze %dma_wait3A_514 : memref<1x!tpu.dma_semaphore, #tpu.memory_space<semaphore_mem>> -> memref<!tpu.dma_semaphore, #tpu.memory_space<semaphore_mem>>
        tpu.wait_indirect_dma semaphore(%dma_wait3A_515 : memref<!tpu.dma_semaphore, #tpu.memory_space<semaphore_mem>>) src(%dma_wait3A_513 : memref<100000xi32, #tpu.memory_space<hbm>>) dst(%dma_wait3A_509 : memref<128xi32, #tpu.memory_space<vmem>>)
        %dma_wait3A_516 = arith.constant 0 : i32
        %dma_wait3A_517 = arith.constant 0 : i32
        %dma_wait3A_518 = tpu.memref_slice %arg12[%dma_wait3A_517] : memref<768xi32, #tpu.memory_space<vmem>> -> memref<128xi32, #tpu.memory_space<vmem>>
        %dma_wait3A_519 = arith.constant 0 : i32
        %dma_wait3A_520 = tpu.memref_slice %arg10[%dma_wait3A_519] : memref<768xi32, #tpu.memory_space<vmem>> -> memref<128xi32, #tpu.memory_space<vmem>>
        %dma_wait3A_521 = arith.constant 0 : i32
        %dma_wait3A_522 = tpu.memref_slice %arg4[%dma_wait3A_521] : memref<100000xi32, #tpu.memory_space<hbm>> -> memref<100000xi32, #tpu.memory_space<hbm>>
        %dma_wait3A_523 = tpu.memref_slice %arg18[%dma_wait3A_516] : memref<6x!tpu.dma_semaphore, #tpu.memory_space<semaphore_mem>> -> memref<1x!tpu.dma_semaphore, #tpu.memory_space<semaphore_mem>>
        %dma_wait3A_524 = tpu.memref_squeeze %dma_wait3A_523 : memref<1x!tpu.dma_semaphore, #tpu.memory_space<semaphore_mem>> -> memref<!tpu.dma_semaphore, #tpu.memory_space<semaphore_mem>>
        tpu.wait_indirect_dma semaphore(%dma_wait3A_524 : memref<!tpu.dma_semaphore, #tpu.memory_space<semaphore_mem>>) src(%dma_wait3A_522 : memref<100000xi32, #tpu.memory_space<hbm>>) dst(%dma_wait3A_518 : memref<128xi32, #tpu.memory_space<vmem>>)
        %dma_wait3A_525 = arith.constant 0 : i32
        %dma_wait3A_526 = arith.constant 0 : i32
        %dma_wait3A_527 = tpu.memref_slice %arg13[%dma_wait3A_526] : memref<768xi32, #tpu.memory_space<vmem>> -> memref<128xi32, #tpu.memory_space<vmem>>
        %dma_wait3A_528 = arith.constant 0 : i32
        %dma_wait3A_529 = tpu.memref_slice %arg10[%dma_wait3A_528] : memref<768xi32, #tpu.memory_space<vmem>> -> memref<128xi32, #tpu.memory_space<vmem>>
        %dma_wait3A_530 = arith.constant 0 : i32
        %dma_wait3A_531 = tpu.memref_slice %arg5[%dma_wait3A_530] : memref<100000xi32, #tpu.memory_space<hbm>> -> memref<100000xi32, #tpu.memory_space<hbm>>
        %dma_wait3A_532 = tpu.memref_slice %arg18[%dma_wait3A_525] : memref<6x!tpu.dma_semaphore, #tpu.memory_space<semaphore_mem>> -> memref<1x!tpu.dma_semaphore, #tpu.memory_space<semaphore_mem>>
        %dma_wait3A_533 = tpu.memref_squeeze %dma_wait3A_532 : memref<1x!tpu.dma_semaphore, #tpu.memory_space<semaphore_mem>> -> memref<!tpu.dma_semaphore, #tpu.memory_space<semaphore_mem>>
        tpu.wait_indirect_dma semaphore(%dma_wait3A_533 : memref<!tpu.dma_semaphore, #tpu.memory_space<semaphore_mem>>) src(%dma_wait3A_531 : memref<100000xi32, #tpu.memory_space<hbm>>) dst(%dma_wait3A_527 : memref<128xi32, #tpu.memory_space<vmem>>)
        %get3A = arith.constant 0 : index
        %get3A_534 = tpu.vector_load %arg12[%get3A] {strides = array<i32>} : memref<768xi32, #tpu.memory_space<vmem>>, vector<16xi32>,
        %get3A_535 = vector.shape_cast %get3A_534 : vector<16xi32> to vector<16xi32>
        %gt3A = arith.constant 0 : i32
        %gt3A_536 = vector.broadcast %gt3A : i32 to vector<16xi32>
        %gt3A_537 = arith.cmpi sgt, %get3A_535, %gt3A_536 : vector<16xi32>
        %jit3A = arith.constant 2008 : i32
        %broadcast_in_dim3A = vector.broadcast %jit3A : i32 to vector<16xi32>
        %select_n3A = arith.select %gt3A_537, %get3A_535, %broadcast_in_dim3A : vector<16xi1>, vector<16xi32>
        %swap3A = arith.constant 0 : index
        %swap3A_538 = tpu.vector_load %arg12[%swap3A] {strides = array<i32>} : memref<768xi32, #tpu.memory_space<vmem>>, vector<16xi32>,
        %swap3A_539 = vector.shape_cast %swap3A_538 : vector<16xi32> to vector<16xi32>
        %swap3A_540 = vector.shape_cast %select_n3A : vector<16xi32> to vector<16xi32>
        tpu.vector_store %arg12[%swap3A], %swap3A_540 {strides = array<i32>} : memref<768xi32, #tpu.memory_space<vmem>>, vector<16xi32>,
        %get3A_541 = arith.constant 0 : index
        %get3A_542 = tpu.vector_load %arg13[%get3A_541] {strides = array<i32>} : memref<768xi32, #tpu.memory_space<vmem>>, vector<16xi32>,
        %get3A_543 = vector.shape_cast %get3A_542 : vector<16xi32> to vector<16xi32>
        %gt3A_544 = arith.constant 0 : i32
        %gt3A_545 = vector.broadcast %gt3A_544 : i32 to vector<16xi32>
        %gt3A_546 = arith.cmpi sgt, %get3A_543, %gt3A_545 : vector<16xi32>
        %jit3A_547 = arith.constant 504 : i32
        %broadcast_in_dim3A_548 = vector.broadcast %jit3A_547 : i32 to vector<16xi32>
        %select_n3A_549 = arith.select %gt3A_546, %get3A_543, %broadcast_in_dim3A_548 : vector<16xi1>, vector<16xi32>
        %swap3A_550 = arith.constant 0 : index
        %swap3A_551 = tpu.vector_load %arg13[%swap3A_550] {strides = array<i32>} : memref<768xi32, #tpu.memory_space<vmem>>, vector<16xi32>,
        %swap3A_552 = vector.shape_cast %swap3A_551 : vector<16xi32> to vector<16xi32>
        %swap3A_553 = vector.shape_cast %select_n3A_549 : vector<16xi32> to vector<16xi32>
        tpu.vector_store %arg13[%swap3A_550], %swap3A_553 {strides = array<i32>} : memref<768xi32, #tpu.memory_space<vmem>>, vector<16xi32>,
        %get3A_554 = arith.constant 16 : index
        %get3A_555 = tpu.vector_load %arg12[%get3A_554] {strides = array<i32>} : memref<768xi32, #tpu.memory_space<vmem>>, vector<16xi32>,
        %get3A_556 = vector.shape_cast %get3A_555 : vector<16xi32> to vector<16xi32>
        %gt3A_557 = arith.constant 0 : i32
        %gt3A_558 = vector.broadcast %gt3A_557 : i32 to vector<16xi32>
        %gt3A_559 = arith.cmpi sgt, %get3A_556, %gt3A_558 : vector<16xi32>
        %jit3A_560 = arith.constant 2008 : i32
        %broadcast_in_dim3A_561 = vector.broadcast %jit3A_560 : i32 to vector<16xi32>
        %select_n3A_562 = arith.select %gt3A_559, %get3A_556, %broadcast_in_dim3A_561 : vector<16xi1>, vector<16xi32>
        %swap3A_563 = arith.constant 16 : index
        %swap3A_564 = tpu.vector_load %arg12[%swap3A_563] {strides = array<i32>} : memref<768xi32, #tpu.memory_space<vmem>>, vector<16xi32>,
        %swap3A_565 = vector.shape_cast %swap3A_564 : vector<16xi32> to vector<16xi32>
        %swap3A_566 = vector.shape_cast %select_n3A_562 : vector<16xi32> to vector<16xi32>
        tpu.vector_store %arg12[%swap3A_563], %swap3A_566 {strides = array<i32>} : memref<768xi32, #tpu.memory_space<vmem>>, vector<16xi32>,
        %get3A_567 = arith.constant 16 : index
        %get3A_568 = tpu.vector_load %arg13[%get3A_567] {strides = array<i32>} : memref<768xi32, #tpu.memory_space<vmem>>, vector<16xi32>,
        %get3A_569 = vector.shape_cast %get3A_568 : vector<16xi32> to vector<16xi32>
        %gt3A_570 = arith.constant 0 : i32
        %gt3A_571 = vector.broadcast %gt3A_570 : i32 to vector<16xi32>
        %gt3A_572 = arith.cmpi sgt, %get3A_569, %gt3A_571 : vector<16xi32>
        %jit3A_573 = arith.constant 504 : i32
        %broadcast_in_dim3A_574 = vector.broadcast %jit3A_573 : i32 to vector<16xi32>
        %select_n3A_575 = arith.select %gt3A_572, %get3A_569, %broadcast_in_dim3A_574 : vector<16xi1>, vector<16xi32>
        %swap3A_576 = arith.constant 16 : index
        %swap3A_577 = tpu.vector_load %arg13[%swap3A_576] {strides = array<i32>} : memref<768xi32, #tpu.memory_space<vmem>>, vector<16xi32>,
        %swap3A_578 = vector.shape_cast %swap3A_577 : vector<16xi32> to vector<16xi32>
        %swap3A_579 = vector.shape_cast %select_n3A_575 : vector<16xi32> to vector<16xi32>
        tpu.vector_store %arg13[%swap3A_576], %swap3A_579 {strides = array<i32>} : memref<768xi32, #tpu.memory_space<vmem>>, vector<16xi32>,
        %get3A_580 = arith.constant 32 : index
        %get3A_581 = tpu.vector_load %arg12[%get3A_580] {strides = array<i32>} : memref<768xi32, #tpu.memory_space<vmem>>, vector<16xi32>,
        %get3A_582 = vector.shape_cast %get3A_581 : vector<16xi32> to vector<16xi32>
        %gt3A_583 = arith.constant 0 : i32
        %gt3A_584 = vector.broadcast %gt3A_583 : i32 to vector<16xi32>
        %gt3A_585 = arith.cmpi sgt, %get3A_582, %gt3A_584 : vector<16xi32>
        %jit3A_586 = arith.constant 2008 : i32
        %broadcast_in_dim3A_587 = vector.broadcast %jit3A_586 : i32 to vector<16xi32>
        %select_n3A_588 = arith.select %gt3A_585, %get3A_582, %broadcast_in_dim3A_587 : vector<16xi1>, vector<16xi32>
        %swap3A_589 = arith.constant 32 : index
        %swap3A_590 = tpu.vector_load %arg12[%swap3A_589] {strides = array<i32>} : memref<768xi32, #tpu.memory_space<vmem>>, vector<16xi32>,
        %swap3A_591 = vector.shape_cast %swap3A_590 : vector<16xi32> to vector<16xi32>
        %swap3A_592 = vector.shape_cast %select_n3A_588 : vector<16xi32> to vector<16xi32>
        tpu.vector_store %arg12[%swap3A_589], %swap3A_592 {strides = array<i32>} : memref<768xi32, #tpu.memory_space<vmem>>, vector<16xi32>,
        %get3A_593 = arith.constant 32 : index
        %get3A_594 = tpu.vector_load %arg13[%get3A_593] {strides = array<i32>} : memref<768xi32, #tpu.memory_space<vmem>>, vector<16xi32>,
        %get3A_595 = vector.shape_cast %get3A_594 : vector<16xi32> to vector<16xi32>
        %gt3A_596 = arith.constant 0 : i32
        %gt3A_597 = vector.broadcast %gt3A_596 : i32 to vector<16xi32>
        %gt3A_598 = arith.cmpi sgt, %get3A_595, %gt3A_597 : vector<16xi32>
        %jit3A_599 = arith.constant 504 : i32
        %broadcast_in_dim3A_600 = vector.broadcast %jit3A_599 : i32 to vector<16xi32>
        %select_n3A_601 = arith.select %gt3A_598, %get3A_595, %broadcast_in_dim3A_600 : vector<16xi1>, vector<16xi32>
        %swap3A_602 = arith.constant 32 : index
        %swap3A_603 = tpu.vector_load %arg13[%swap3A_602] {strides = array<i32>} : memref<768xi32, #tpu.memory_space<vmem>>, vector<16xi32>,
        %swap3A_604 = vector.shape_cast %swap3A_603 : vector<16xi32> to vector<16xi32>
        %swap3A_605 = vector.shape_cast %select_n3A_601 : vector<16xi32> to vector<16xi32>
        tpu.vector_store %arg13[%swap3A_602], %swap3A_605 {strides = array<i32>} : memref<768xi32, #tpu.memory_space<vmem>>, vector<16xi32>,
        %get3A_606 = arith.constant 48 : index
        %get3A_607 = tpu.vector_load %arg12[%get3A_606] {strides = array<i32>} : memref<768xi32, #tpu.memory_space<vmem>>, vector<16xi32>,
        %get3A_608 = vector.shape_cast %get3A_607 : vector<16xi32> to vector<16xi32>
        %gt3A_609 = arith.constant 0 : i32
        %gt3A_610 = vector.broadcast %gt3A_609 : i32 to vector<16xi32>
        %gt3A_611 = arith.cmpi sgt, %get3A_608, %gt3A_610 : vector<16xi32>
        %jit3A_612 = arith.constant 2008 : i32
        %broadcast_in_dim3A_613 = vector.broadcast %jit3A_612 : i32 to vector<16xi32>
        %select_n3A_614 = arith.select %gt3A_611, %get3A_608, %broadcast_in_dim3A_613 : vector<16xi1>, vector<16xi32>
        %swap3A_615 = arith.constant 48 : index
        %swap3A_616 = tpu.vector_load %arg12[%swap3A_615] {strides = array<i32>} : memref<768xi32, #tpu.memory_space<vmem>>, vector<16xi32>,
        %swap3A_617 = vector.shape_cast %swap3A_616 : vector<16xi32> to vector<16xi32>
        %swap3A_618 = vector.shape_cast %select_n3A_614 : vector<16xi32> to vector<16xi32>
        tpu.vector_store %arg12[%swap3A_615], %swap3A_618 {strides = array<i32>} : memref<768xi32, #tpu.memory_space<vmem>>, vector<16xi32>,
        %get3A_619 = arith.constant 48 : index
        %get3A_620 = tpu.vector_load %arg13[%get3A_619] {strides = array<i32>} : memref<768xi32, #tpu.memory_space<vmem>>, vector<16xi32>,
        %get3A_621 = vector.shape_cast %get3A_620 : vector<16xi32> to vector<16xi32>
        %gt3A_622 = arith.constant 0 : i32
        %gt3A_623 = vector.broadcast %gt3A_622 : i32 to vector<16xi32>
        %gt3A_624 = arith.cmpi sgt, %get3A_621, %gt3A_623 : vector<16xi32>
        %jit3A_625 = arith.constant 504 : i32
        %broadcast_in_dim3A_626 = vector.broadcast %jit3A_625 : i32 to vector<16xi32>
        %select_n3A_627 = arith.select %gt3A_624, %get3A_621, %broadcast_in_dim3A_626 : vector<16xi1>, vector<16xi32>
        %swap3A_628 = arith.constant 48 : index
        %swap3A_629 = tpu.vector_load %arg13[%swap3A_628] {strides = array<i32>} : memref<768xi32, #tpu.memory_space<vmem>>, vector<16xi32>,
        %swap3A_630 = vector.shape_cast %swap3A_629 : vector<16xi32> to vector<16xi32>
        %swap3A_631 = vector.shape_cast %select_n3A_627 : vector<16xi32> to vector<16xi32>
        tpu.vector_store %arg13[%swap3A_628], %swap3A_631 {strides = array<i32>} : memref<768xi32, #tpu.memory_space<vmem>>, vector<16xi32>,
        %get3A_632 = arith.constant 64 : index
        %get3A_633 = tpu.vector_load %arg12[%get3A_632] {strides = array<i32>} : memref<768xi32, #tpu.memory_space<vmem>>, vector<16xi32>,
        %get3A_634 = vector.shape_cast %get3A_633 : vector<16xi32> to vector<16xi32>
        %gt3A_635 = arith.constant 0 : i32
        %gt3A_636 = vector.broadcast %gt3A_635 : i32 to vector<16xi32>
        %gt3A_637 = arith.cmpi sgt, %get3A_634, %gt3A_636 : vector<16xi32>
        %jit3A_638 = arith.constant 2008 : i32
        %broadcast_in_dim3A_639 = vector.broadcast %jit3A_638 : i32 to vector<16xi32>
        %select_n3A_640 = arith.select %gt3A_637, %get3A_634, %broadcast_in_dim3A_639 : vector<16xi1>, vector<16xi32>
        %swap3A_641 = arith.constant 64 : index
        %swap3A_642 = tpu.vector_load %arg12[%swap3A_641] {strides = array<i32>} : memref<768xi32, #tpu.memory_space<vmem>>, vector<16xi32>,
        %swap3A_643 = vector.shape_cast %swap3A_642 : vector<16xi32> to vector<16xi32>
        %swap3A_644 = vector.shape_cast %select_n3A_640 : vector<16xi32> to vector<16xi32>
        tpu.vector_store %arg12[%swap3A_641], %swap3A_644 {strides = array<i32>} : memref<768xi32, #tpu.memory_space<vmem>>, vector<16xi32>,
        %get3A_645 = arith.constant 64 : index
        %get3A_646 = tpu.vector_load %arg13[%get3A_645] {strides = array<i32>} : memref<768xi32, #tpu.memory_space<vmem>>, vector<16xi32>,
        %get3A_647 = vector.shape_cast %get3A_646 : vector<16xi32> to vector<16xi32>
        %gt3A_648 = arith.constant 0 : i32
        %gt3A_649 = vector.broadcast %gt3A_648 : i32 to vector<16xi32>
        %gt3A_650 = arith.cmpi sgt, %get3A_647, %gt3A_649 : vector<16xi32>
        %jit3A_651 = arith.constant 504 : i32
        %broadcast_in_dim3A_652 = vector.broadcast %jit3A_651 : i32 to vector<16xi32>
        %select_n3A_653 = arith.select %gt3A_650, %get3A_647, %broadcast_in_dim3A_652 : vector<16xi1>, vector<16xi32>
        %swap3A_654 = arith.constant 64 : index
        %swap3A_655 = tpu.vector_load %arg13[%swap3A_654] {strides = array<i32>} : memref<768xi32, #tpu.memory_space<vmem>>, vector<16xi32>,
        %swap3A_656 = vector.shape_cast %swap3A_655 : vector<16xi32> to vector<16xi32>
        %swap3A_657 = vector.shape_cast %select_n3A_653 : vector<16xi32> to vector<16xi32>
        tpu.vector_store %arg13[%swap3A_654], %swap3A_657 {strides = array<i32>} : memref<768xi32, #tpu.memory_space<vmem>>, vector<16xi32>,
        %get3A_658 = arith.constant 80 : index
        %get3A_659 = tpu.vector_load %arg12[%get3A_658] {strides = array<i32>} : memref<768xi32, #tpu.memory_space<vmem>>, vector<16xi32>,
        %get3A_660 = vector.shape_cast %get3A_659 : vector<16xi32> to vector<16xi32>
        %gt3A_661 = arith.constant 0 : i32
        %gt3A_662 = vector.broadcast %gt3A_661 : i32 to vector<16xi32>
        %gt3A_663 = arith.cmpi sgt, %get3A_660, %gt3A_662 : vector<16xi32>
        %jit3A_664 = arith.constant 2008 : i32
        %broadcast_in_dim3A_665 = vector.broadcast %jit3A_664 : i32 to vector<16xi32>
        %select_n3A_666 = arith.select %gt3A_663, %get3A_660, %broadcast_in_dim3A_665 : vector<16xi1>, vector<16xi32>
        %swap3A_667 = arith.constant 80 : index
        %swap3A_668 = tpu.vector_load %arg12[%swap3A_667] {strides = array<i32>} : memref<768xi32, #tpu.memory_space<vmem>>, vector<16xi32>,
        %swap3A_669 = vector.shape_cast %swap3A_668 : vector<16xi32> to vector<16xi32>
        %swap3A_670 = vector.shape_cast %select_n3A_666 : vector<16xi32> to vector<16xi32>
        tpu.vector_store %arg12[%swap3A_667], %swap3A_670 {strides = array<i32>} : memref<768xi32, #tpu.memory_space<vmem>>, vector<16xi32>,
        %get3A_671 = arith.constant 80 : index
        %get3A_672 = tpu.vector_load %arg13[%get3A_671] {strides = array<i32>} : memref<768xi32, #tpu.memory_space<vmem>>, vector<16xi32>,
        %get3A_673 = vector.shape_cast %get3A_672 : vector<16xi32> to vector<16xi32>
        %gt3A_674 = arith.constant 0 : i32
        %gt3A_675 = vector.broadcast %gt3A_674 : i32 to vector<16xi32>
        %gt3A_676 = arith.cmpi sgt, %get3A_673, %gt3A_675 : vector<16xi32>
        %jit3A_677 = arith.constant 504 : i32
        %broadcast_in_dim3A_678 = vector.broadcast %jit3A_677 : i32 to vector<16xi32>
        %select_n3A_679 = arith.select %gt3A_676, %get3A_673, %broadcast_in_dim3A_678 : vector<16xi1>, vector<16xi32>
        %swap3A_680 = arith.constant 80 : index
        %swap3A_681 = tpu.vector_load %arg13[%swap3A_680] {strides = array<i32>} : memref<768xi32, #tpu.memory_space<vmem>>, vector<16xi32>,
        %swap3A_682 = vector.shape_cast %swap3A_681 : vector<16xi32> to vector<16xi32>
        %swap3A_683 = vector.shape_cast %select_n3A_679 : vector<16xi32> to vector<16xi32>
        tpu.vector_store %arg13[%swap3A_680], %swap3A_683 {strides = array<i32>} : memref<768xi32, #tpu.memory_space<vmem>>, vector<16xi32>,
        %get3A_684 = arith.constant 96 : index
        %get3A_685 = tpu.vector_load %arg12[%get3A_684] {strides = array<i32>} : memref<768xi32, #tpu.memory_space<vmem>>, vector<16xi32>,
        %get3A_686 = vector.shape_cast %get3A_685 : vector<16xi32> to vector<16xi32>
        %gt3A_687 = arith.constant 0 : i32
        %gt3A_688 = vector.broadcast %gt3A_687 : i32 to vector<16xi32>
        %gt3A_689 = arith.cmpi sgt, %get3A_686, %gt3A_688 : vector<16xi32>
        %jit3A_690 = arith.constant 2008 : i32
        %broadcast_in_dim3A_691 = vector.broadcast %jit3A_690 : i32 to vector<16xi32>
        %select_n3A_692 = arith.select %gt3A_689, %get3A_686, %broadcast_in_dim3A_691 : vector<16xi1>, vector<16xi32>
        %swap3A_693 = arith.constant 96 : index
        %swap3A_694 = tpu.vector_load %arg12[%swap3A_693] {strides = array<i32>} : memref<768xi32, #tpu.memory_space<vmem>>, vector<16xi32>,
        %swap3A_695 = vector.shape_cast %swap3A_694 : vector<16xi32> to vector<16xi32>
        %swap3A_696 = vector.shape_cast %select_n3A_692 : vector<16xi32> to vector<16xi32>
        tpu.vector_store %arg12[%swap3A_693], %swap3A_696 {strides = array<i32>} : memref<768xi32, #tpu.memory_space<vmem>>, vector<16xi32>,
        %get3A_697 = arith.constant 96 : index
        %get3A_698 = tpu.vector_load %arg13[%get3A_697] {strides = array<i32>} : memref<768xi32, #tpu.memory_space<vmem>>, vector<16xi32>,
        %get3A_699 = vector.shape_cast %get3A_698 : vector<16xi32> to vector<16xi32>
        %gt3A_700 = arith.constant 0 : i32
        %gt3A_701 = vector.broadcast %gt3A_700 : i32 to vector<16xi32>
        %gt3A_702 = arith.cmpi sgt, %get3A_699, %gt3A_701 : vector<16xi32>
        %jit3A_703 = arith.constant 504 : i32
        %broadcast_in_dim3A_704 = vector.broadcast %jit3A_703 : i32 to vector<16xi32>
        %select_n3A_705 = arith.select %gt3A_702, %get3A_699, %broadcast_in_dim3A_704 : vector<16xi1>, vector<16xi32>
        %swap3A_706 = arith.constant 96 : index
        %swap3A_707 = tpu.vector_load %arg13[%swap3A_706] {strides = array<i32>} : memref<768xi32, #tpu.memory_space<vmem>>, vector<16xi32>,
        %swap3A_708 = vector.shape_cast %swap3A_707 : vector<16xi32> to vector<16xi32>
        %swap3A_709 = vector.shape_cast %select_n3A_705 : vector<16xi32> to vector<16xi32>
        tpu.vector_store %arg13[%swap3A_706], %swap3A_709 {strides = array<i32>} : memref<768xi32, #tpu.memory_space<vmem>>, vector<16xi32>,
        %get3A_710 = arith.constant 112 : index
        %get3A_711 = tpu.vector_load %arg12[%get3A_710] {strides = array<i32>} : memref<768xi32, #tpu.memory_space<vmem>>, vector<16xi32>,
        %get3A_712 = vector.shape_cast %get3A_711 : vector<16xi32> to vector<16xi32>
        %gt3A_713 = arith.constant 0 : i32
        %gt3A_714 = vector.broadcast %gt3A_713 : i32 to vector<16xi32>
        %gt3A_715 = arith.cmpi sgt, %get3A_712, %gt3A_714 : vector<16xi32>
        %jit3A_716 = arith.constant 2008 : i32
        %broadcast_in_dim3A_717 = vector.broadcast %jit3A_716 : i32 to vector<16xi32>
        %select_n3A_718 = arith.select %gt3A_715, %get3A_712, %broadcast_in_dim3A_717 : vector<16xi1>, vector<16xi32>
        %swap3A_719 = arith.constant 112 : index
        %swap3A_720 = tpu.vector_load %arg12[%swap3A_719] {strides = array<i32>} : memref<768xi32, #tpu.memory_space<vmem>>, vector<16xi32>,
        %swap3A_721 = vector.shape_cast %swap3A_720 : vector<16xi32> to vector<16xi32>
        %swap3A_722 = vector.shape_cast %select_n3A_718 : vector<16xi32> to vector<16xi32>
        tpu.vector_store %arg12[%swap3A_719], %swap3A_722 {strides = array<i32>} : memref<768xi32, #tpu.memory_space<vmem>>, vector<16xi32>,
        %get3A_723 = arith.constant 112 : index
        %get3A_724 = tpu.vector_load %arg13[%get3A_723] {strides = array<i32>} : memref<768xi32, #tpu.memory_space<vmem>>, vector<16xi32>,
        %get3A_725 = vector.shape_cast %get3A_724 : vector<16xi32> to vector<16xi32>
        %gt3A_726 = arith.constant 0 : i32
        %gt3A_727 = vector.broadcast %gt3A_726 : i32 to vector<16xi32>
        %gt3A_728 = arith.cmpi sgt, %get3A_725, %gt3A_727 : vector<16xi32>
        %jit3A_729 = arith.constant 504 : i32
        %broadcast_in_dim3A_730 = vector.broadcast %jit3A_729 : i32 to vector<16xi32>
        %select_n3A_731 = arith.select %gt3A_728, %get3A_725, %broadcast_in_dim3A_730 : vector<16xi1>, vector<16xi32>
        %swap3A_732 = arith.constant 112 : index
        %swap3A_733 = tpu.vector_load %arg13[%swap3A_732] {strides = array<i32>} : memref<768xi32, #tpu.memory_space<vmem>>, vector<16xi32>,
        %swap3A_734 = vector.shape_cast %swap3A_733 : vector<16xi32> to vector<16xi32>
        %swap3A_735 = vector.shape_cast %select_n3A_731 : vector<16xi32> to vector<16xi32>
        tpu.vector_store %arg13[%swap3A_732], %swap3A_735 {strides = array<i32>} : memref<768xi32, #tpu.memory_space<vmem>>, vector<16xi32>,
        %dma_start3A = arith.constant 0 : i32
        %dma_start3A_736 = arith.constant 0 : i32
        %dma_start3A_737 = arith.constant 0 : i32
        %dma_start3A_738 = tpu.memref_slice %arg14[%dma_start3A_736, %dma_start3A_737] : memref<768x128xf32, #tpu.memory_space<vmem>> -> memref<128x128xf32, #tpu.memory_space<vmem>>
        %dma_start3A_739 = arith.constant 0 : i32
        %dma_start3A_740 = tpu.memref_slice %arg11[%dma_start3A_739] : memref<768xi32, #tpu.memory_space<vmem>> -> memref<128xi32, #tpu.memory_space<vmem>>
        %dma_start3A_741 = arith.constant 0 : i32
        %dma_start3A_742 = arith.constant 0 : i32
        %dma_start3A_743 = tpu.memref_slice %arg6[%dma_start3A_741, %dma_start3A_742] : memref<5000x128xf32, #tpu.memory_space<hbm>> -> memref<5000x128xf32, #tpu.memory_space<hbm>>
        %dma_start3A_744 = tpu.memref_slice %arg19[%dma_start3A] : memref<6x!tpu.dma_semaphore, #tpu.memory_space<semaphore_mem>> -> memref<1x!tpu.dma_semaphore, #tpu.memory_space<semaphore_mem>>
        %dma_start3A_745 = tpu.memref_squeeze %dma_start3A_744 : memref<1x!tpu.dma_semaphore, #tpu.memory_space<semaphore_mem>> -> memref<!tpu.dma_semaphore, #tpu.memory_space<semaphore_mem>>
        tpu.enqueue_indirect_dma source(%dma_start3A_743 : memref<5000x128xf32, #tpu.memory_space<hbm>>) target(%dma_start3A_738 : memref<128x128xf32, #tpu.memory_space<vmem>>) offsets(%dma_start3A_740 : memref<128xi32, #tpu.memory_space<vmem>>) semaphore(%dma_start3A_745 : memref<!tpu.dma_semaphore, #tpu.memory_space<semaphore_mem>>)
      } else {
      }
      %sub3A_280 = arith.constant 3 : i32
      %sub3A_281 = arith.subi %add3A_249, %sub3A_280 : i32
      %ge3A_282 = arith.constant 0 : i32
      %ge3A_283 = arith.cmpi sge, %sub3A_281, %ge3A_282 : i32
      %lt3A_284 = arith.constant 50 : i32
      %lt3A_285 = arith.cmpi slt, %sub3A_281, %lt3A_284 : i32
      %and3A_286 = arith.andi %ge3A_283, %lt3A_285 : i1
      %convert_element_type3A_287 = arith.extui %and3A_286 : i1 to i32
      %cond3A_288 = arith.constant 0 : i32
      %cond3A_289 = arith.cmpi ne, %convert_element_type3A_287, %cond3A_288 : i32
      scf.if %cond3A_289 {
        %dma_wait3A_502 = arith.constant 5 : i32
        %dma_wait3A_503 = arith.constant 640 : i32
        %dma_wait3A_504 = arith.constant 0 : i32
        %dma_wait3A_505 = tpu.memref_slice %arg14[%dma_wait3A_503, %dma_wait3A_504] : memref<768x128xf32, #tpu.memory_space<vmem>> -> memref<128x128xf32, #tpu.memory_space<vmem>>
        %dma_wait3A_506 = arith.constant 640 : i32
        %dma_wait3A_507 = tpu.memref_slice %arg11[%dma_wait3A_506] : memref<768xi32, #tpu.memory_space<vmem>> -> memref<128xi32, #tpu.memory_space<vmem>>
        %dma_wait3A_508 = arith.constant 0 : i32
        %dma_wait3A_509 = arith.constant 0 : i32
        %dma_wait3A_510 = tpu.memref_slice %arg6[%dma_wait3A_508, %dma_wait3A_509] : memref<5000x128xf32, #tpu.memory_space<hbm>> -> memref<5000x128xf32, #tpu.memory_space<hbm>>
        %dma_wait3A_511 = tpu.memref_slice %arg19[%dma_wait3A_502] : memref<6x!tpu.dma_semaphore, #tpu.memory_space<semaphore_mem>> -> memref<1x!tpu.dma_semaphore, #tpu.memory_space<semaphore_mem>>
        %dma_wait3A_512 = tpu.memref_squeeze %dma_wait3A_511 : memref<1x!tpu.dma_semaphore, #tpu.memory_space<semaphore_mem>> -> memref<!tpu.dma_semaphore, #tpu.memory_space<semaphore_mem>>
        tpu.wait_indirect_dma semaphore(%dma_wait3A_512 : memref<!tpu.dma_semaphore, #tpu.memory_space<semaphore_mem>>) src(%dma_wait3A_510 : memref<5000x128xf32, #tpu.memory_space<hbm>>) dst(%dma_wait3A_505 : memref<128x128xf32, #tpu.memory_space<vmem>>)
        %dma_start3A = arith.constant 5 : i32
        %dma_start3A_513 = arith.constant 640 : i32
        %dma_start3A_514 = arith.constant 0 : i32
        %dma_start3A_515 = tpu.memref_slice %arg14[%dma_start3A_513, %dma_start3A_514] : memref<768x128xf32, #tpu.memory_space<vmem>> -> memref<128x128xf32, #tpu.memory_space<vmem>>
        %dma_start3A_516 = arith.constant 640 : i32
        %dma_start3A_517 = tpu.memref_slice %arg12[%dma_start3A_516] : memref<768xi32, #tpu.memory_space<vmem>> -> memref<128xi32, #tpu.memory_space<vmem>>
        %dma_start3A_518 = arith.constant 0 : i32
        %dma_start3A_519 = arith.constant 0 : i32
        %dma_start3A_520 = tpu.memref_slice %arg15[%dma_start3A_518, %dma_start3A_519] : memref<2016x128xf32, #tpu.memory_space<vmem_shared>> -> memref<2016x128xf32, #tpu.memory_space<vmem_shared>>
        %dma_start3A_521 = tpu.memref_slice %arg19[%dma_start3A] : memref<6x!tpu.dma_semaphore, #tpu.memory_space<semaphore_mem>> -> memref<1x!tpu.dma_semaphore, #tpu.memory_space<semaphore_mem>>
        %dma_start3A_522 = tpu.memref_squeeze %dma_start3A_521 : memref<1x!tpu.dma_semaphore, #tpu.memory_space<semaphore_mem>> -> memref<!tpu.dma_semaphore, #tpu.memory_space<semaphore_mem>>
        tpu.enqueue_indirect_dma source(%dma_start3A_520 : memref<2016x128xf32, #tpu.memory_space<vmem_shared>>) target(%dma_start3A_515 : memref<128x128xf32, #tpu.memory_space<vmem>>) offsets(%dma_start3A_517 : memref<128xi32, #tpu.memory_space<vmem>>) semaphore(%dma_start3A_522 : memref<!tpu.dma_semaphore, #tpu.memory_space<semaphore_mem>>) {add = true}
      } else {
      }
      %sub3A_290 = arith.constant 4 : i32
      %sub3A_291 = arith.subi %add3A_249, %sub3A_290 : i32
      %ge3A_292 = arith.constant 0 : i32
      %ge3A_293 = arith.cmpi sge, %sub3A_291, %ge3A_292 : i32
      %lt3A_294 = arith.constant 50 : i32
      %lt3A_295 = arith.cmpi slt, %sub3A_291, %lt3A_294 : i32
      %and3A_296 = arith.andi %ge3A_293, %lt3A_295 : i1
      %convert_element_type3A_297 = arith.extui %and3A_296 : i1 to i32
      %cond3A_298 = arith.constant 0 : i32
      %cond3A_299 = arith.cmpi ne, %convert_element_type3A_297, %cond3A_298 : i32
      scf.if %cond3A_299 {
        %dma_wait3A_502 = arith.constant 4 : i32
        %dma_wait3A_503 = arith.constant 512 : i32
        %dma_wait3A_504 = arith.constant 0 : i32
        %dma_wait3A_505 = tpu.memref_slice %arg14[%dma_wait3A_503, %dma_wait3A_504] : memref<768x128xf32, #tpu.memory_space<vmem>> -> memref<128x128xf32, #tpu.memory_space<vmem>>
        %dma_wait3A_506 = arith.constant 512 : i32
        %dma_wait3A_507 = tpu.memref_slice %arg12[%dma_wait3A_506] : memref<768xi32, #tpu.memory_space<vmem>> -> memref<128xi32, #tpu.memory_space<vmem>>
        %dma_wait3A_508 = arith.constant 0 : i32
        %dma_wait3A_509 = arith.constant 0 : i32
        %dma_wait3A_510 = tpu.memref_slice %arg15[%dma_wait3A_508, %dma_wait3A_509] : memref<2016x128xf32, #tpu.memory_space<vmem_shared>> -> memref<2016x128xf32, #tpu.memory_space<vmem_shared>>
        %dma_wait3A_511 = tpu.memref_slice %arg19[%dma_wait3A_502] : memref<6x!tpu.dma_semaphore, #tpu.memory_space<semaphore_mem>> -> memref<1x!tpu.dma_semaphore, #tpu.memory_space<semaphore_mem>>
        %dma_wait3A_512 = tpu.memref_squeeze %dma_wait3A_511 : memref<1x!tpu.dma_semaphore, #tpu.memory_space<semaphore_mem>> -> memref<!tpu.dma_semaphore, #tpu.memory_space<semaphore_mem>>
        tpu.wait_indirect_dma semaphore(%dma_wait3A_512 : memref<!tpu.dma_semaphore, #tpu.memory_space<semaphore_mem>>) src(%dma_wait3A_510 : memref<2016x128xf32, #tpu.memory_space<vmem_shared>>) dst(%dma_wait3A_505 : memref<128x128xf32, #tpu.memory_space<vmem>>)
        %dma_start3A = arith.constant 4 : i32
        %dma_start3A_513 = arith.constant 512 : i32
        %dma_start3A_514 = arith.constant 0 : i32
        %dma_start3A_515 = tpu.memref_slice %arg14[%dma_start3A_513, %dma_start3A_514] : memref<768x128xf32, #tpu.memory_space<vmem>> -> memref<128x128xf32, #tpu.memory_space<vmem>>
        %dma_start3A_516 = arith.constant 512 : i32
        %dma_start3A_517 = tpu.memref_slice %arg13[%dma_start3A_516] : memref<768xi32, #tpu.memory_space<vmem>> -> memref<128xi32, #tpu.memory_space<vmem>>
        %dma_start3A_518 = arith.constant 0 : i32
        %dma_start3A_519 = arith.constant 0 : i32
        %dma_start3A_520 = tpu.memref_slice %arg16[%dma_start3A_518, %dma_start3A_519] : memref<512x128xf32, #tpu.memory_space<vmem_shared>> -> memref<512x128xf32, #tpu.memory_space<vmem_shared>>
        %dma_start3A_521 = tpu.memref_slice %arg19[%dma_start3A] : memref<6x!tpu.dma_semaphore, #tpu.memory_space<semaphore_mem>> -> memref<1x!tpu.dma_semaphore, #tpu.memory_space<semaphore_mem>>
        %dma_start3A_522 = tpu.memref_squeeze %dma_start3A_521 : memref<1x!tpu.dma_semaphore, #tpu.memory_space<semaphore_mem>> -> memref<!tpu.dma_semaphore, #tpu.memory_space<semaphore_mem>>
        tpu.enqueue_indirect_dma source(%dma_start3A_520 : memref<512x128xf32, #tpu.memory_space<vmem_shared>>) target(%dma_start3A_515 : memref<128x128xf32, #tpu.memory_space<vmem>>) offsets(%dma_start3A_517 : memref<128xi32, #tpu.memory_space<vmem>>) semaphore(%dma_start3A_522 : memref<!tpu.dma_semaphore, #tpu.memory_space<semaphore_mem>>) {add = true}
      } else {
      }
      %sub3A_300 = arith.constant 5 : i32
      %sub3A_301 = arith.subi %add3A_249, %sub3A_300 : i32
      %ge3A_302 = arith.constant 0 : i32
      %ge3A_303 = arith.cmpi sge, %sub3A_301, %ge3A_302 : i32
      %lt3A_304 = arith.constant 50 : i32
      %lt3A_305 = arith.cmpi slt, %sub3A_301, %lt3A_304 : i32
      %and3A_306 = arith.andi %ge3A_303, %lt3A_305 : i1
      %convert_element_type3A_307 = arith.extui %and3A_306 : i1 to i32
      %cond3A_308 = arith.constant 0 : i32
      %cond3A_309 = arith.cmpi ne, %convert_element_type3A_307, %cond3A_308 : i32
      scf.if %cond3A_309 {
        %dma_wait3A_502 = arith.constant 3 : i32
        %dma_wait3A_503 = arith.constant 384 : i32
        %dma_wait3A_504 = arith.constant 0 : i32
        %dma_wait3A_505 = tpu.memref_slice %arg14[%dma_wait3A_503, %dma_wait3A_504] : memref<768x128xf32, #tpu.memory_space<vmem>> -> memref<128x128xf32, #tpu.memory_space<vmem>>
        %dma_wait3A_506 = arith.constant 384 : i32
        %dma_wait3A_507 = tpu.memref_slice %arg13[%dma_wait3A_506] : memref<768xi32, #tpu.memory_space<vmem>> -> memref<128xi32, #tpu.memory_space<vmem>>
        %dma_wait3A_508 = arith.constant 0 : i32
        %dma_wait3A_509 = arith.constant 0 : i32
        %dma_wait3A_510 = tpu.memref_slice %arg16[%dma_wait3A_508, %dma_wait3A_509] : memref<512x128xf32, #tpu.memory_space<vmem_shared>> -> memref<512x128xf32, #tpu.memory_space<vmem_shared>>
        %dma_wait3A_511 = tpu.memref_slice %arg19[%dma_wait3A_502] : memref<6x!tpu.dma_semaphore, #tpu.memory_space<semaphore_mem>> -> memref<1x!tpu.dma_semaphore, #tpu.memory_space<semaphore_mem>>
        %dma_wait3A_512 = tpu.memref_squeeze %dma_wait3A_511 : memref<1x!tpu.dma_semaphore, #tpu.memory_space<semaphore_mem>> -> memref<!tpu.dma_semaphore, #tpu.memory_space<semaphore_mem>>
        tpu.wait_indirect_dma semaphore(%dma_wait3A_512 : memref<!tpu.dma_semaphore, #tpu.memory_space<semaphore_mem>>) src(%dma_wait3A_510 : memref<512x128xf32, #tpu.memory_space<vmem_shared>>) dst(%dma_wait3A_505 : memref<128x128xf32, #tpu.memory_space<vmem>>)
        %mul3A_513 = arith.constant 128 : i32
        %mul3A_514 = arith.muli %sub3A_301, %mul3A_513 : i32
        %multiple_of3A_515 = tpu.assume_multiple %mul3A_514, 128 : i32
        %add3A_516 = arith.addi %multiple_of3A, %multiple_of3A_515 : i32
        %dma_start3A = arith.constant 3 : i32
        %dma_start3A_517 = arith.constant 384 : i32
        %dma_start3A_518 = arith.constant 0 : i32
        %dma_start3A_519 = tpu.memref_slice %arg14[%dma_start3A_517, %dma_start3A_518] : memref<768x128xf32, #tpu.memory_space<vmem>> -> memref<128x128xf32, #tpu.memory_space<vmem>>
        %dma_start3A_520 = arith.constant 0 : i32
        %dma_start3A_521 = tpu.memref_slice %arg9[%add3A_516, %dma_start3A_520] : memref<204800x128xf32, #tpu.memory_space<hbm>> -> memref<128x128xf32, #tpu.memory_space<hbm>>
        %dma_start3A_522 = tpu.memref_slice %arg20[%dma_start3A] : memref<6x!tpu.dma_semaphore, #tpu.memory_space<semaphore_mem>> -> memref<1x!tpu.dma_semaphore, #tpu.memory_space<semaphore_mem>>
        %dma_start3A_523 = tpu.memref_squeeze %dma_start3A_522 : memref<1x!tpu.dma_semaphore, #tpu.memory_space<semaphore_mem>> -> memref<!tpu.dma_semaphore, #tpu.memory_space<semaphore_mem>>
        %dma_start3A_524 = arith.constant 0 : i32
        %dma_start3A_525 = tpu.memref_slice %arg9[%add3A_516, %dma_start3A_524] : memref<204800x128xf32, #tpu.memory_space<hbm>> -> memref<128x128xf32, #tpu.memory_space<hbm>>
        %dma_start3A_526 = arith.constant 384 : i32
        %dma_start3A_527 = arith.constant 0 : i32
        %dma_start3A_528 = tpu.memref_slice %arg14[%dma_start3A_526, %dma_start3A_527] : memref<768x128xf32, #tpu.memory_space<vmem>> -> memref<128x128xf32, #tpu.memory_space<vmem>>
        tpu.enqueue_dma source(%dma_start3A_528 : memref<128x128xf32, #tpu.memory_space<vmem>>) target(%dma_start3A_525 : memref<128x128xf32, #tpu.memory_space<hbm>>) target_semaphore(%dma_start3A_523 : memref<!tpu.dma_semaphore, #tpu.memory_space<semaphore_mem>>)
      } else {
      }
      %mul3A_310 = arith.constant 6 : i32
      %mul3A_311 = arith.muli %scan3A_121, %mul3A_310 : i32
      %add3A_312 = arith.constant 3 : i32
      %add3A_313 = arith.addi %mul3A_311, %add3A_312 : i32
      %sub3A_314 = arith.constant 0 : i32
      %sub3A_315 = arith.subi %add3A_313, %sub3A_314 : i32
      %ge3A_316 = arith.constant 0 : i32
      %ge3A_317 = arith.cmpi sge, %sub3A_315, %ge3A_316 : i32
      %lt3A_318 = arith.constant 50 : i32
      %lt3A_319 = arith.cmpi slt, %sub3A_315, %lt3A_318 : i32
      %and3A_320 = arith.andi %ge3A_317, %lt3A_319 : i1
      %convert_element_type3A_321 = arith.extui %and3A_320 : i1 to i32
      %cond3A_322 = arith.constant 0 : i32
      %cond3A_323 = arith.cmpi ne, %convert_element_type3A_321, %cond3A_322 : i32
      scf.if %cond3A_323 {
        %mul3A_502 = arith.constant 128 : i32
        %mul3A_503 = arith.muli %sub3A_315, %mul3A_502 : i32
        %multiple_of3A_504 = tpu.assume_multiple %mul3A_503, 128 : i32
        %add3A_505 = arith.addi %multiple_of3A, %multiple_of3A_504 : i32
        %dma_start3A = arith.constant 3 : i32
        %dma_start3A_506 = arith.constant 384 : i32
        %dma_start3A_507 = tpu.memref_slice %arg10[%dma_start3A_506] : memref<768xi32, #tpu.memory_space<vmem>> -> memref<128xi32, #tpu.memory_space<vmem>>
        %dma_start3A_508 = tpu.memref_slice %arg2[%add3A_505] : memref<204800xi32, #tpu.memory_space<hbm>> -> memref<128xi32, #tpu.memory_space<hbm>>
        %dma_start3A_509 = tpu.memref_slice %arg17[%dma_start3A] : memref<6x!tpu.dma_semaphore, #tpu.memory_space<semaphore_mem>> -> memref<1x!tpu.dma_semaphore, #tpu.memory_space<semaphore_mem>>
        %dma_start3A_510 = tpu.memref_squeeze %dma_start3A_509 : memref<1x!tpu.dma_semaphore, #tpu.memory_space<semaphore_mem>> -> memref<!tpu.dma_semaphore, #tpu.memory_space<semaphore_mem>>
        %dma_start3A_511 = arith.constant 384 : i32
        %dma_start3A_512 = tpu.memref_slice %arg10[%dma_start3A_511] : memref<768xi32, #tpu.memory_space<vmem>> -> memref<128xi32, #tpu.memory_space<vmem>>
        %dma_start3A_513 = tpu.memref_slice %arg2[%add3A_505] : memref<204800xi32, #tpu.memory_space<hbm>> -> memref<128xi32, #tpu.memory_space<hbm>>
        tpu.enqueue_dma source(%dma_start3A_513 : memref<128xi32, #tpu.memory_space<hbm>>) target(%dma_start3A_512 : memref<128xi32, #tpu.memory_space<vmem>>) target_semaphore(%dma_start3A_510 : memref<!tpu.dma_semaphore, #tpu.memory_space<semaphore_mem>>)
      } else {
      }
      %sub3A_324 = arith.constant 1 : i32
      %sub3A_325 = arith.subi %add3A_313, %sub3A_324 : i32
      %ge3A_326 = arith.constant 0 : i32
      %ge3A_327 = arith.cmpi sge, %sub3A_325, %ge3A_326 : i32
      %lt3A_328 = arith.constant 50 : i32
      %lt3A_329 = arith.cmpi slt, %sub3A_325, %lt3A_328 : i32
      %and3A_330 = arith.andi %ge3A_327, %lt3A_329 : i1
      %convert_element_type3A_331 = arith.extui %and3A_330 : i1 to i32
      %cond3A_332 = arith.constant 0 : i32
      %cond3A_333 = arith.cmpi ne, %convert_element_type3A_331, %cond3A_332 : i32
      scf.if %cond3A_333 {
        %mul3A_502 = arith.constant 128 : i32
        %mul3A_503 = arith.muli %sub3A_325, %mul3A_502 : i32
        %multiple_of3A_504 = tpu.assume_multiple %mul3A_503, 128 : i32
        %add3A_505 = arith.addi %multiple_of3A, %multiple_of3A_504 : i32
        %dma_wait3A_506 = arith.constant 2 : i32
        %dma_wait3A_507 = arith.constant 256 : i32
        %dma_wait3A_508 = tpu.memref_slice %arg10[%dma_wait3A_507] : memref<768xi32, #tpu.memory_space<vmem>> -> memref<128xi32, #tpu.memory_space<vmem>>
        %dma_wait3A_509 = tpu.memref_slice %arg2[%add3A_505] : memref<204800xi32, #tpu.memory_space<hbm>> -> memref<128xi32, #tpu.memory_space<hbm>>
        %dma_wait3A_510 = tpu.memref_slice %arg17[%dma_wait3A_506] : memref<6x!tpu.dma_semaphore, #tpu.memory_space<semaphore_mem>> -> memref<1x!tpu.dma_semaphore, #tpu.memory_space<semaphore_mem>>
        %dma_wait3A_511 = tpu.memref_squeeze %dma_wait3A_510 : memref<1x!tpu.dma_semaphore, #tpu.memory_space<semaphore_mem>> -> memref<!tpu.dma_semaphore, #tpu.memory_space<semaphore_mem>>
        %dma_wait3A_512 = arith.constant 256 : i32
        %dma_wait3A_513 = tpu.memref_slice %arg10[%dma_wait3A_512] : memref<768xi32, #tpu.memory_space<vmem>> -> memref<128xi32, #tpu.memory_space<vmem>>
        %dma_wait3A_514 = tpu.memref_slice %arg2[%add3A_505] : memref<204800xi32, #tpu.memory_space<hbm>> -> memref<128xi32, #tpu.memory_space<hbm>>
        tpu.wait_dma2 semaphore(%dma_wait3A_511 : memref<!tpu.dma_semaphore, #tpu.memory_space<semaphore_mem>>) src(%dma_wait3A_514 : memref<128xi32, #tpu.memory_space<hbm>>) dst(%dma_wait3A_513 : memref<128xi32, #tpu.memory_space<vmem>>)
        %dma_start3A = arith.constant 2 : i32
        %dma_start3A_515 = arith.constant 256 : i32
        %dma_start3A_516 = tpu.memref_slice %arg11[%dma_start3A_515] : memref<768xi32, #tpu.memory_space<vmem>> -> memref<128xi32, #tpu.memory_space<vmem>>
        %dma_start3A_517 = arith.constant 256 : i32
        %dma_start3A_518 = tpu.memref_slice %arg10[%dma_start3A_517] : memref<768xi32, #tpu.memory_space<vmem>> -> memref<128xi32, #tpu.memory_space<vmem>>
        %dma_start3A_519 = arith.constant 0 : i32
        %dma_start3A_520 = tpu.memref_slice %arg3[%dma_start3A_519] : memref<100000xi32, #tpu.memory_space<hbm>> -> memref<100000xi32, #tpu.memory_space<hbm>>
        %dma_start3A_521 = tpu.memref_slice %arg18[%dma_start3A] : memref<6x!tpu.dma_semaphore, #tpu.memory_space<semaphore_mem>> -> memref<1x!tpu.dma_semaphore, #tpu.memory_space<semaphore_mem>>
        %dma_start3A_522 = tpu.memref_squeeze %dma_start3A_521 : memref<1x!tpu.dma_semaphore, #tpu.memory_space<semaphore_mem>> -> memref<!tpu.dma_semaphore, #tpu.memory_space<semaphore_mem>>
        tpu.enqueue_indirect_dma source(%dma_start3A_520 : memref<100000xi32, #tpu.memory_space<hbm>>) target(%dma_start3A_516 : memref<128xi32, #tpu.memory_space<vmem>>) offsets(%dma_start3A_518 : memref<128xi32, #tpu.memory_space<vmem>>) semaphore(%dma_start3A_522 : memref<!tpu.dma_semaphore, #tpu.memory_space<semaphore_mem>>)
        %dma_start3A_523 = arith.constant 2 : i32
        %dma_start3A_524 = arith.constant 256 : i32
        %dma_start3A_525 = tpu.memref_slice %arg12[%dma_start3A_524] : memref<768xi32, #tpu.memory_space<vmem>> -> memref<128xi32, #tpu.memory_space<vmem>>
        %dma_start3A_526 = arith.constant 256 : i32
        %dma_start3A_527 = tpu.memref_slice %arg10[%dma_start3A_526] : memref<768xi32, #tpu.memory_space<vmem>> -> memref<128xi32, #tpu.memory_space<vmem>>
        %dma_start3A_528 = arith.constant 0 : i32
        %dma_start3A_529 = tpu.memref_slice %arg4[%dma_start3A_528] : memref<100000xi32, #tpu.memory_space<hbm>> -> memref<100000xi32, #tpu.memory_space<hbm>>
        %dma_start3A_530 = tpu.memref_slice %arg18[%dma_start3A_523] : memref<6x!tpu.dma_semaphore, #tpu.memory_space<semaphore_mem>> -> memref<1x!tpu.dma_semaphore, #tpu.memory_space<semaphore_mem>>
        %dma_start3A_531 = tpu.memref_squeeze %dma_start3A_530 : memref<1x!tpu.dma_semaphore, #tpu.memory_space<semaphore_mem>> -> memref<!tpu.dma_semaphore, #tpu.memory_space<semaphore_mem>>
        tpu.enqueue_indirect_dma source(%dma_start3A_529 : memref<100000xi32, #tpu.memory_space<hbm>>) target(%dma_start3A_525 : memref<128xi32, #tpu.memory_space<vmem>>) offsets(%dma_start3A_527 : memref<128xi32, #tpu.memory_space<vmem>>) semaphore(%dma_start3A_531 : memref<!tpu.dma_semaphore, #tpu.memory_space<semaphore_mem>>)
        %dma_start3A_532 = arith.constant 2 : i32
        %dma_start3A_533 = arith.constant 256 : i32
        %dma_start3A_534 = tpu.memref_slice %arg13[%dma_start3A_533] : memref<768xi32, #tpu.memory_space<vmem>> -> memref<128xi32, #tpu.memory_space<vmem>>
        %dma_start3A_535 = arith.constant 256 : i32
        %dma_start3A_536 = tpu.memref_slice %arg10[%dma_start3A_535] : memref<768xi32, #tpu.memory_space<vmem>> -> memref<128xi32, #tpu.memory_space<vmem>>
        %dma_start3A_537 = arith.constant 0 : i32
        %dma_start3A_538 = tpu.memref_slice %arg5[%dma_start3A_537] : memref<100000xi32, #tpu.memory_space<hbm>> -> memref<100000xi32, #tpu.memory_space<hbm>>
        %dma_start3A_539 = tpu.memref_slice %arg18[%dma_start3A_532] : memref<6x!tpu.dma_semaphore, #tpu.memory_space<semaphore_mem>> -> memref<1x!tpu.dma_semaphore, #tpu.memory_space<semaphore_mem>>
        %dma_start3A_540 = tpu.memref_squeeze %dma_start3A_539 : memref<1x!tpu.dma_semaphore, #tpu.memory_space<semaphore_mem>> -> memref<!tpu.dma_semaphore, #tpu.memory_space<semaphore_mem>>
        tpu.enqueue_indirect_dma source(%dma_start3A_538 : memref<100000xi32, #tpu.memory_space<hbm>>) target(%dma_start3A_534 : memref<128xi32, #tpu.memory_space<vmem>>) offsets(%dma_start3A_536 : memref<128xi32, #tpu.memory_space<vmem>>) semaphore(%dma_start3A_540 : memref<!tpu.dma_semaphore, #tpu.memory_space<semaphore_mem>>)
      } else {
      }
      %sub3A_334 = arith.constant 2 : i32
      %sub3A_335 = arith.subi %add3A_313, %sub3A_334 : i32
      %ge3A_336 = arith.constant 0 : i32
      %ge3A_337 = arith.cmpi sge, %sub3A_335, %ge3A_336 : i32
      %lt3A_338 = arith.constant 50 : i32
      %lt3A_339 = arith.cmpi slt, %sub3A_335, %lt3A_338 : i32
      %and3A_340 = arith.andi %ge3A_337, %lt3A_339 : i1
      %convert_element_type3A_341 = arith.extui %and3A_340 : i1 to i32
      %cond3A_342 = arith.constant 0 : i32
      %cond3A_343 = arith.cmpi ne, %convert_element_type3A_341, %cond3A_342 : i32
      scf.if %cond3A_343 {
        %ge3A_502 = arith.constant 6 : i32
        %ge3A_503 = arith.cmpi sge, %sub3A_335, %ge3A_502 : i32
        %convert_element_type3A_504 = arith.extui %ge3A_503 : i1 to i32
        %cond3A_505 = arith.constant 0 : i32
        %cond3A_506 = arith.cmpi ne, %convert_element_type3A_504, %cond3A_505 : i32
        scf.if %cond3A_506 {
          %sub3A_746 = arith.constant 6 : i32
          %sub3A_747 = arith.subi %sub3A_335, %sub3A_746 : i32
          %mul3A_748 = arith.constant 128 : i32
          %mul3A_749 = arith.muli %sub3A_747, %mul3A_748 : i32
          %multiple_of3A_750 = tpu.assume_multiple %mul3A_749, 128 : i32
          %add3A_751 = arith.addi %multiple_of3A, %multiple_of3A_750 : i32
          %dma_wait3A_752 = arith.constant 1 : i32
          %dma_wait3A_753 = arith.constant 128 : i32
          %dma_wait3A_754 = arith.constant 0 : i32
          %dma_wait3A_755 = tpu.memref_slice %arg14[%dma_wait3A_753, %dma_wait3A_754] : memref<768x128xf32, #tpu.memory_space<vmem>> -> memref<128x128xf32, #tpu.memory_space<vmem>>
          %dma_wait3A_756 = arith.constant 0 : i32
          %dma_wait3A_757 = tpu.memref_slice %arg9[%add3A_751, %dma_wait3A_756] : memref<204800x128xf32, #tpu.memory_space<hbm>> -> memref<128x128xf32, #tpu.memory_space<hbm>>
          %dma_wait3A_758 = tpu.memref_slice %arg20[%dma_wait3A_752] : memref<6x!tpu.dma_semaphore, #tpu.memory_space<semaphore_mem>> -> memref<1x!tpu.dma_semaphore, #tpu.memory_space<semaphore_mem>>
          %dma_wait3A_759 = tpu.memref_squeeze %dma_wait3A_758 : memref<1x!tpu.dma_semaphore, #tpu.memory_space<semaphore_mem>> -> memref<!tpu.dma_semaphore, #tpu.memory_space<semaphore_mem>>
          %dma_wait3A_760 = arith.constant 0 : i32
          %dma_wait3A_761 = tpu.memref_slice %arg9[%add3A_751, %dma_wait3A_760] : memref<204800x128xf32, #tpu.memory_space<hbm>> -> memref<128x128xf32, #tpu.memory_space<hbm>>
          %dma_wait3A_762 = arith.constant 128 : i32
          %dma_wait3A_763 = arith.constant 0 : i32
          %dma_wait3A_764 = tpu.memref_slice %arg14[%dma_wait3A_762, %dma_wait3A_763] : memref<768x128xf32, #tpu.memory_space<vmem>> -> memref<128x128xf32, #tpu.memory_space<vmem>>
          tpu.wait_dma2 semaphore(%dma_wait3A_759 : memref<!tpu.dma_semaphore, #tpu.memory_space<semaphore_mem>>) src(%dma_wait3A_764 : memref<128x128xf32, #tpu.memory_space<vmem>>) dst(%dma_wait3A_761 : memref<128x128xf32, #tpu.memory_space<hbm>>)
        } else {
        }
        %dma_wait3A_507 = arith.constant 1 : i32
        %dma_wait3A_508 = arith.constant 128 : i32
        %dma_wait3A_509 = tpu.memref_slice %arg11[%dma_wait3A_508] : memref<768xi32, #tpu.memory_space<vmem>> -> memref<128xi32, #tpu.memory_space<vmem>>
        %dma_wait3A_510 = arith.constant 128 : i32
        %dma_wait3A_511 = tpu.memref_slice %arg10[%dma_wait3A_510] : memref<768xi32, #tpu.memory_space<vmem>> -> memref<128xi32, #tpu.memory_space<vmem>>
        %dma_wait3A_512 = arith.constant 0 : i32
        %dma_wait3A_513 = tpu.memref_slice %arg3[%dma_wait3A_512] : memref<100000xi32, #tpu.memory_space<hbm>> -> memref<100000xi32, #tpu.memory_space<hbm>>
        %dma_wait3A_514 = tpu.memref_slice %arg18[%dma_wait3A_507] : memref<6x!tpu.dma_semaphore, #tpu.memory_space<semaphore_mem>> -> memref<1x!tpu.dma_semaphore, #tpu.memory_space<semaphore_mem>>
        %dma_wait3A_515 = tpu.memref_squeeze %dma_wait3A_514 : memref<1x!tpu.dma_semaphore, #tpu.memory_space<semaphore_mem>> -> memref<!tpu.dma_semaphore, #tpu.memory_space<semaphore_mem>>
        tpu.wait_indirect_dma semaphore(%dma_wait3A_515 : memref<!tpu.dma_semaphore, #tpu.memory_space<semaphore_mem>>) src(%dma_wait3A_513 : memref<100000xi32, #tpu.memory_space<hbm>>) dst(%dma_wait3A_509 : memref<128xi32, #tpu.memory_space<vmem>>)
        %dma_wait3A_516 = arith.constant 1 : i32
        %dma_wait3A_517 = arith.constant 128 : i32
        %dma_wait3A_518 = tpu.memref_slice %arg12[%dma_wait3A_517] : memref<768xi32, #tpu.memory_space<vmem>> -> memref<128xi32, #tpu.memory_space<vmem>>
        %dma_wait3A_519 = arith.constant 128 : i32
        %dma_wait3A_520 = tpu.memref_slice %arg10[%dma_wait3A_519] : memref<768xi32, #tpu.memory_space<vmem>> -> memref<128xi32, #tpu.memory_space<vmem>>
        %dma_wait3A_521 = arith.constant 0 : i32
        %dma_wait3A_522 = tpu.memref_slice %arg4[%dma_wait3A_521] : memref<100000xi32, #tpu.memory_space<hbm>> -> memref<100000xi32, #tpu.memory_space<hbm>>
        %dma_wait3A_523 = tpu.memref_slice %arg18[%dma_wait3A_516] : memref<6x!tpu.dma_semaphore, #tpu.memory_space<semaphore_mem>> -> memref<1x!tpu.dma_semaphore, #tpu.memory_space<semaphore_mem>>
        %dma_wait3A_524 = tpu.memref_squeeze %dma_wait3A_523 : memref<1x!tpu.dma_semaphore, #tpu.memory_space<semaphore_mem>> -> memref<!tpu.dma_semaphore, #tpu.memory_space<semaphore_mem>>
        tpu.wait_indirect_dma semaphore(%dma_wait3A_524 : memref<!tpu.dma_semaphore, #tpu.memory_space<semaphore_mem>>) src(%dma_wait3A_522 : memref<100000xi32, #tpu.memory_space<hbm>>) dst(%dma_wait3A_518 : memref<128xi32, #tpu.memory_space<vmem>>)
        %dma_wait3A_525 = arith.constant 1 : i32
        %dma_wait3A_526 = arith.constant 128 : i32
        %dma_wait3A_527 = tpu.memref_slice %arg13[%dma_wait3A_526] : memref<768xi32, #tpu.memory_space<vmem>> -> memref<128xi32, #tpu.memory_space<vmem>>
        %dma_wait3A_528 = arith.constant 128 : i32
        %dma_wait3A_529 = tpu.memref_slice %arg10[%dma_wait3A_528] : memref<768xi32, #tpu.memory_space<vmem>> -> memref<128xi32, #tpu.memory_space<vmem>>
        %dma_wait3A_530 = arith.constant 0 : i32
        %dma_wait3A_531 = tpu.memref_slice %arg5[%dma_wait3A_530] : memref<100000xi32, #tpu.memory_space<hbm>> -> memref<100000xi32, #tpu.memory_space<hbm>>
        %dma_wait3A_532 = tpu.memref_slice %arg18[%dma_wait3A_525] : memref<6x!tpu.dma_semaphore, #tpu.memory_space<semaphore_mem>> -> memref<1x!tpu.dma_semaphore, #tpu.memory_space<semaphore_mem>>
        %dma_wait3A_533 = tpu.memref_squeeze %dma_wait3A_532 : memref<1x!tpu.dma_semaphore, #tpu.memory_space<semaphore_mem>> -> memref<!tpu.dma_semaphore, #tpu.memory_space<semaphore_mem>>
        tpu.wait_indirect_dma semaphore(%dma_wait3A_533 : memref<!tpu.dma_semaphore, #tpu.memory_space<semaphore_mem>>) src(%dma_wait3A_531 : memref<100000xi32, #tpu.memory_space<hbm>>) dst(%dma_wait3A_527 : memref<128xi32, #tpu.memory_space<vmem>>)
        %get3A = arith.constant 128 : index
        %get3A_534 = tpu.vector_load %arg12[%get3A] {strides = array<i32>} : memref<768xi32, #tpu.memory_space<vmem>>, vector<16xi32>,
        %get3A_535 = vector.shape_cast %get3A_534 : vector<16xi32> to vector<16xi32>
        %gt3A = arith.constant 0 : i32
        %gt3A_536 = vector.broadcast %gt3A : i32 to vector<16xi32>
        %gt3A_537 = arith.cmpi sgt, %get3A_535, %gt3A_536 : vector<16xi32>
        %jit3A = arith.constant 2008 : i32
        %broadcast_in_dim3A = vector.broadcast %jit3A : i32 to vector<16xi32>
        %select_n3A = arith.select %gt3A_537, %get3A_535, %broadcast_in_dim3A : vector<16xi1>, vector<16xi32>
        %swap3A = arith.constant 128 : index
        %swap3A_538 = tpu.vector_load %arg12[%swap3A] {strides = array<i32>} : memref<768xi32, #tpu.memory_space<vmem>>, vector<16xi32>,
        %swap3A_539 = vector.shape_cast %swap3A_538 : vector<16xi32> to vector<16xi32>
        %swap3A_540 = vector.shape_cast %select_n3A : vector<16xi32> to vector<16xi32>
        tpu.vector_store %arg12[%swap3A], %swap3A_540 {strides = array<i32>} : memref<768xi32, #tpu.memory_space<vmem>>, vector<16xi32>,
        %get3A_541 = arith.constant 128 : index
        %get3A_542 = tpu.vector_load %arg13[%get3A_541] {strides = array<i32>} : memref<768xi32, #tpu.memory_space<vmem>>, vector<16xi32>,
        %get3A_543 = vector.shape_cast %get3A_542 : vector<16xi32> to vector<16xi32>
        %gt3A_544 = arith.constant 0 : i32
        %gt3A_545 = vector.broadcast %gt3A_544 : i32 to vector<16xi32>
        %gt3A_546 = arith.cmpi sgt, %get3A_543, %gt3A_545 : vector<16xi32>
        %jit3A_547 = arith.constant 504 : i32
        %broadcast_in_dim3A_548 = vector.broadcast %jit3A_547 : i32 to vector<16xi32>
        %select_n3A_549 = arith.select %gt3A_546, %get3A_543, %broadcast_in_dim3A_548 : vector<16xi1>, vector<16xi32>
        %swap3A_550 = arith.constant 128 : index
        %swap3A_551 = tpu.vector_load %arg13[%swap3A_550] {strides = array<i32>} : memref<768xi32, #tpu.memory_space<vmem>>, vector<16xi32>,
        %swap3A_552 = vector.shape_cast %swap3A_551 : vector<16xi32> to vector<16xi32>
        %swap3A_553 = vector.shape_cast %select_n3A_549 : vector<16xi32> to vector<16xi32>
        tpu.vector_store %arg13[%swap3A_550], %swap3A_553 {strides = array<i32>} : memref<768xi32, #tpu.memory_space<vmem>>, vector<16xi32>,
        %get3A_554 = arith.constant 144 : index
        %get3A_555 = tpu.vector_load %arg12[%get3A_554] {strides = array<i32>} : memref<768xi32, #tpu.memory_space<vmem>>, vector<16xi32>,
        %get3A_556 = vector.shape_cast %get3A_555 : vector<16xi32> to vector<16xi32>
        %gt3A_557 = arith.constant 0 : i32
        %gt3A_558 = vector.broadcast %gt3A_557 : i32 to vector<16xi32>
        %gt3A_559 = arith.cmpi sgt, %get3A_556, %gt3A_558 : vector<16xi32>
        %jit3A_560 = arith.constant 2008 : i32
        %broadcast_in_dim3A_561 = vector.broadcast %jit3A_560 : i32 to vector<16xi32>
        %select_n3A_562 = arith.select %gt3A_559, %get3A_556, %broadcast_in_dim3A_561 : vector<16xi1>, vector<16xi32>
        %swap3A_563 = arith.constant 144 : index
        %swap3A_564 = tpu.vector_load %arg12[%swap3A_563] {strides = array<i32>} : memref<768xi32, #tpu.memory_space<vmem>>, vector<16xi32>,
        %swap3A_565 = vector.shape_cast %swap3A_564 : vector<16xi32> to vector<16xi32>
        %swap3A_566 = vector.shape_cast %select_n3A_562 : vector<16xi32> to vector<16xi32>
        tpu.vector_store %arg12[%swap3A_563], %swap3A_566 {strides = array<i32>} : memref<768xi32, #tpu.memory_space<vmem>>, vector<16xi32>,
        %get3A_567 = arith.constant 144 : index
        %get3A_568 = tpu.vector_load %arg13[%get3A_567] {strides = array<i32>} : memref<768xi32, #tpu.memory_space<vmem>>, vector<16xi32>,
        %get3A_569 = vector.shape_cast %get3A_568 : vector<16xi32> to vector<16xi32>
        %gt3A_570 = arith.constant 0 : i32
        %gt3A_571 = vector.broadcast %gt3A_570 : i32 to vector<16xi32>
        %gt3A_572 = arith.cmpi sgt, %get3A_569, %gt3A_571 : vector<16xi32>
        %jit3A_573 = arith.constant 504 : i32
        %broadcast_in_dim3A_574 = vector.broadcast %jit3A_573 : i32 to vector<16xi32>
        %select_n3A_575 = arith.select %gt3A_572, %get3A_569, %broadcast_in_dim3A_574 : vector<16xi1>, vector<16xi32>
        %swap3A_576 = arith.constant 144 : index
        %swap3A_577 = tpu.vector_load %arg13[%swap3A_576] {strides = array<i32>} : memref<768xi32, #tpu.memory_space<vmem>>, vector<16xi32>,
        %swap3A_578 = vector.shape_cast %swap3A_577 : vector<16xi32> to vector<16xi32>
        %swap3A_579 = vector.shape_cast %select_n3A_575 : vector<16xi32> to vector<16xi32>
        tpu.vector_store %arg13[%swap3A_576], %swap3A_579 {strides = array<i32>} : memref<768xi32, #tpu.memory_space<vmem>>, vector<16xi32>,
        %get3A_580 = arith.constant 160 : index
        %get3A_581 = tpu.vector_load %arg12[%get3A_580] {strides = array<i32>} : memref<768xi32, #tpu.memory_space<vmem>>, vector<16xi32>,
        %get3A_582 = vector.shape_cast %get3A_581 : vector<16xi32> to vector<16xi32>
        %gt3A_583 = arith.constant 0 : i32
        %gt3A_584 = vector.broadcast %gt3A_583 : i32 to vector<16xi32>
        %gt3A_585 = arith.cmpi sgt, %get3A_582, %gt3A_584 : vector<16xi32>
        %jit3A_586 = arith.constant 2008 : i32
        %broadcast_in_dim3A_587 = vector.broadcast %jit3A_586 : i32 to vector<16xi32>
        %select_n3A_588 = arith.select %gt3A_585, %get3A_582, %broadcast_in_dim3A_587 : vector<16xi1>, vector<16xi32>
        %swap3A_589 = arith.constant 160 : index
        %swap3A_590 = tpu.vector_load %arg12[%swap3A_589] {strides = array<i32>} : memref<768xi32, #tpu.memory_space<vmem>>, vector<16xi32>,
        %swap3A_591 = vector.shape_cast %swap3A_590 : vector<16xi32> to vector<16xi32>
        %swap3A_592 = vector.shape_cast %select_n3A_588 : vector<16xi32> to vector<16xi32>
        tpu.vector_store %arg12[%swap3A_589], %swap3A_592 {strides = array<i32>} : memref<768xi32, #tpu.memory_space<vmem>>, vector<16xi32>,
        %get3A_593 = arith.constant 160 : index
        %get3A_594 = tpu.vector_load %arg13[%get3A_593] {strides = array<i32>} : memref<768xi32, #tpu.memory_space<vmem>>, vector<16xi32>,
        %get3A_595 = vector.shape_cast %get3A_594 : vector<16xi32> to vector<16xi32>
        %gt3A_596 = arith.constant 0 : i32
        %gt3A_597 = vector.broadcast %gt3A_596 : i32 to vector<16xi32>
        %gt3A_598 = arith.cmpi sgt, %get3A_595, %gt3A_597 : vector<16xi32>
        %jit3A_599 = arith.constant 504 : i32
        %broadcast_in_dim3A_600 = vector.broadcast %jit3A_599 : i32 to vector<16xi32>
        %select_n3A_601 = arith.select %gt3A_598, %get3A_595, %broadcast_in_dim3A_600 : vector<16xi1>, vector<16xi32>
        %swap3A_602 = arith.constant 160 : index
        %swap3A_603 = tpu.vector_load %arg13[%swap3A_602] {strides = array<i32>} : memref<768xi32, #tpu.memory_space<vmem>>, vector<16xi32>,
        %swap3A_604 = vector.shape_cast %swap3A_603 : vector<16xi32> to vector<16xi32>
        %swap3A_605 = vector.shape_cast %select_n3A_601 : vector<16xi32> to vector<16xi32>
        tpu.vector_store %arg13[%swap3A_602], %swap3A_605 {strides = array<i32>} : memref<768xi32, #tpu.memory_space<vmem>>, vector<16xi32>,
        %get3A_606 = arith.constant 176 : index
        %get3A_607 = tpu.vector_load %arg12[%get3A_606] {strides = array<i32>} : memref<768xi32, #tpu.memory_space<vmem>>, vector<16xi32>,
        %get3A_608 = vector.shape_cast %get3A_607 : vector<16xi32> to vector<16xi32>
        %gt3A_609 = arith.constant 0 : i32
        %gt3A_610 = vector.broadcast %gt3A_609 : i32 to vector<16xi32>
        %gt3A_611 = arith.cmpi sgt, %get3A_608, %gt3A_610 : vector<16xi32>
        %jit3A_612 = arith.constant 2008 : i32
        %broadcast_in_dim3A_613 = vector.broadcast %jit3A_612 : i32 to vector<16xi32>
        %select_n3A_614 = arith.select %gt3A_611, %get3A_608, %broadcast_in_dim3A_613 : vector<16xi1>, vector<16xi32>
        %swap3A_615 = arith.constant 176 : index
        %swap3A_616 = tpu.vector_load %arg12[%swap3A_615] {strides = array<i32>} : memref<768xi32, #tpu.memory_space<vmem>>, vector<16xi32>,
        %swap3A_617 = vector.shape_cast %swap3A_616 : vector<16xi32> to vector<16xi32>
        %swap3A_618 = vector.shape_cast %select_n3A_614 : vector<16xi32> to vector<16xi32>
        tpu.vector_store %arg12[%swap3A_615], %swap3A_618 {strides = array<i32>} : memref<768xi32, #tpu.memory_space<vmem>>, vector<16xi32>,
        %get3A_619 = arith.constant 176 : index
        %get3A_620 = tpu.vector_load %arg13[%get3A_619] {strides = array<i32>} : memref<768xi32, #tpu.memory_space<vmem>>, vector<16xi32>,
        %get3A_621 = vector.shape_cast %get3A_620 : vector<16xi32> to vector<16xi32>
        %gt3A_622 = arith.constant 0 : i32
        %gt3A_623 = vector.broadcast %gt3A_622 : i32 to vector<16xi32>
        %gt3A_624 = arith.cmpi sgt, %get3A_621, %gt3A_623 : vector<16xi32>
        %jit3A_625 = arith.constant 504 : i32
        %broadcast_in_dim3A_626 = vector.broadcast %jit3A_625 : i32 to vector<16xi32>
        %select_n3A_627 = arith.select %gt3A_624, %get3A_621, %broadcast_in_dim3A_626 : vector<16xi1>, vector<16xi32>
        %swap3A_628 = arith.constant 176 : index
        %swap3A_629 = tpu.vector_load %arg13[%swap3A_628] {strides = array<i32>} : memref<768xi32, #tpu.memory_space<vmem>>, vector<16xi32>,
        %swap3A_630 = vector.shape_cast %swap3A_629 : vector<16xi32> to vector<16xi32>
        %swap3A_631 = vector.shape_cast %select_n3A_627 : vector<16xi32> to vector<16xi32>
        tpu.vector_store %arg13[%swap3A_628], %swap3A_631 {strides = array<i32>} : memref<768xi32, #tpu.memory_space<vmem>>, vector<16xi32>,
        %get3A_632 = arith.constant 192 : index
        %get3A_633 = tpu.vector_load %arg12[%get3A_632] {strides = array<i32>} : memref<768xi32, #tpu.memory_space<vmem>>, vector<16xi32>,
        %get3A_634 = vector.shape_cast %get3A_633 : vector<16xi32> to vector<16xi32>
        %gt3A_635 = arith.constant 0 : i32
        %gt3A_636 = vector.broadcast %gt3A_635 : i32 to vector<16xi32>
        %gt3A_637 = arith.cmpi sgt, %get3A_634, %gt3A_636 : vector<16xi32>
        %jit3A_638 = arith.constant 2008 : i32
        %broadcast_in_dim3A_639 = vector.broadcast %jit3A_638 : i32 to vector<16xi32>
        %select_n3A_640 = arith.select %gt3A_637, %get3A_634, %broadcast_in_dim3A_639 : vector<16xi1>, vector<16xi32>
        %swap3A_641 = arith.constant 192 : index
        %swap3A_642 = tpu.vector_load %arg12[%swap3A_641] {strides = array<i32>} : memref<768xi32, #tpu.memory_space<vmem>>, vector<16xi32>,
        %swap3A_643 = vector.shape_cast %swap3A_642 : vector<16xi32> to vector<16xi32>
        %swap3A_644 = vector.shape_cast %select_n3A_640 : vector<16xi32> to vector<16xi32>
        tpu.vector_store %arg12[%swap3A_641], %swap3A_644 {strides = array<i32>} : memref<768xi32, #tpu.memory_space<vmem>>, vector<16xi32>,
        %get3A_645 = arith.constant 192 : index
        %get3A_646 = tpu.vector_load %arg13[%get3A_645] {strides = array<i32>} : memref<768xi32, #tpu.memory_space<vmem>>, vector<16xi32>,
        %get3A_647 = vector.shape_cast %get3A_646 : vector<16xi32> to vector<16xi32>
        %gt3A_648 = arith.constant 0 : i32
        %gt3A_649 = vector.broadcast %gt3A_648 : i32 to vector<16xi32>
        %gt3A_650 = arith.cmpi sgt, %get3A_647, %gt3A_649 : vector<16xi32>
        %jit3A_651 = arith.constant 504 : i32
        %broadcast_in_dim3A_652 = vector.broadcast %jit3A_651 : i32 to vector<16xi32>
        %select_n3A_653 = arith.select %gt3A_650, %get3A_647, %broadcast_in_dim3A_652 : vector<16xi1>, vector<16xi32>
        %swap3A_654 = arith.constant 192 : index
        %swap3A_655 = tpu.vector_load %arg13[%swap3A_654] {strides = array<i32>} : memref<768xi32, #tpu.memory_space<vmem>>, vector<16xi32>,
        %swap3A_656 = vector.shape_cast %swap3A_655 : vector<16xi32> to vector<16xi32>
        %swap3A_657 = vector.shape_cast %select_n3A_653 : vector<16xi32> to vector<16xi32>
        tpu.vector_store %arg13[%swap3A_654], %swap3A_657 {strides = array<i32>} : memref<768xi32, #tpu.memory_space<vmem>>, vector<16xi32>,
        %get3A_658 = arith.constant 208 : index
        %get3A_659 = tpu.vector_load %arg12[%get3A_658] {strides = array<i32>} : memref<768xi32, #tpu.memory_space<vmem>>, vector<16xi32>,
        %get3A_660 = vector.shape_cast %get3A_659 : vector<16xi32> to vector<16xi32>
        %gt3A_661 = arith.constant 0 : i32
        %gt3A_662 = vector.broadcast %gt3A_661 : i32 to vector<16xi32>
        %gt3A_663 = arith.cmpi sgt, %get3A_660, %gt3A_662 : vector<16xi32>
        %jit3A_664 = arith.constant 2008 : i32
        %broadcast_in_dim3A_665 = vector.broadcast %jit3A_664 : i32 to vector<16xi32>
        %select_n3A_666 = arith.select %gt3A_663, %get3A_660, %broadcast_in_dim3A_665 : vector<16xi1>, vector<16xi32>
        %swap3A_667 = arith.constant 208 : index
        %swap3A_668 = tpu.vector_load %arg12[%swap3A_667] {strides = array<i32>} : memref<768xi32, #tpu.memory_space<vmem>>, vector<16xi32>,
        %swap3A_669 = vector.shape_cast %swap3A_668 : vector<16xi32> to vector<16xi32>
        %swap3A_670 = vector.shape_cast %select_n3A_666 : vector<16xi32> to vector<16xi32>
        tpu.vector_store %arg12[%swap3A_667], %swap3A_670 {strides = array<i32>} : memref<768xi32, #tpu.memory_space<vmem>>, vector<16xi32>,
        %get3A_671 = arith.constant 208 : index
        %get3A_672 = tpu.vector_load %arg13[%get3A_671] {strides = array<i32>} : memref<768xi32, #tpu.memory_space<vmem>>, vector<16xi32>,
        %get3A_673 = vector.shape_cast %get3A_672 : vector<16xi32> to vector<16xi32>
        %gt3A_674 = arith.constant 0 : i32
        %gt3A_675 = vector.broadcast %gt3A_674 : i32 to vector<16xi32>
        %gt3A_676 = arith.cmpi sgt, %get3A_673, %gt3A_675 : vector<16xi32>
        %jit3A_677 = arith.constant 504 : i32
        %broadcast_in_dim3A_678 = vector.broadcast %jit3A_677 : i32 to vector<16xi32>
        %select_n3A_679 = arith.select %gt3A_676, %get3A_673, %broadcast_in_dim3A_678 : vector<16xi1>, vector<16xi32>
        %swap3A_680 = arith.constant 208 : index
        %swap3A_681 = tpu.vector_load %arg13[%swap3A_680] {strides = array<i32>} : memref<768xi32, #tpu.memory_space<vmem>>, vector<16xi32>,
        %swap3A_682 = vector.shape_cast %swap3A_681 : vector<16xi32> to vector<16xi32>
        %swap3A_683 = vector.shape_cast %select_n3A_679 : vector<16xi32> to vector<16xi32>
        tpu.vector_store %arg13[%swap3A_680], %swap3A_683 {strides = array<i32>} : memref<768xi32, #tpu.memory_space<vmem>>, vector<16xi32>,
        %get3A_684 = arith.constant 224 : index
        %get3A_685 = tpu.vector_load %arg12[%get3A_684] {strides = array<i32>} : memref<768xi32, #tpu.memory_space<vmem>>, vector<16xi32>,
        %get3A_686 = vector.shape_cast %get3A_685 : vector<16xi32> to vector<16xi32>
        %gt3A_687 = arith.constant 0 : i32
        %gt3A_688 = vector.broadcast %gt3A_687 : i32 to vector<16xi32>
        %gt3A_689 = arith.cmpi sgt, %get3A_686, %gt3A_688 : vector<16xi32>
        %jit3A_690 = arith.constant 2008 : i32
        %broadcast_in_dim3A_691 = vector.broadcast %jit3A_690 : i32 to vector<16xi32>
        %select_n3A_692 = arith.select %gt3A_689, %get3A_686, %broadcast_in_dim3A_691 : vector<16xi1>, vector<16xi32>
        %swap3A_693 = arith.constant 224 : index
        %swap3A_694 = tpu.vector_load %arg12[%swap3A_693] {strides = array<i32>} : memref<768xi32, #tpu.memory_space<vmem>>, vector<16xi32>,
        %swap3A_695 = vector.shape_cast %swap3A_694 : vector<16xi32> to vector<16xi32>
        %swap3A_696 = vector.shape_cast %select_n3A_692 : vector<16xi32> to vector<16xi32>
        tpu.vector_store %arg12[%swap3A_693], %swap3A_696 {strides = array<i32>} : memref<768xi32, #tpu.memory_space<vmem>>, vector<16xi32>,
        %get3A_697 = arith.constant 224 : index
        %get3A_698 = tpu.vector_load %arg13[%get3A_697] {strides = array<i32>} : memref<768xi32, #tpu.memory_space<vmem>>, vector<16xi32>,
        %get3A_699 = vector.shape_cast %get3A_698 : vector<16xi32> to vector<16xi32>
        %gt3A_700 = arith.constant 0 : i32
        %gt3A_701 = vector.broadcast %gt3A_700 : i32 to vector<16xi32>
        %gt3A_702 = arith.cmpi sgt, %get3A_699, %gt3A_701 : vector<16xi32>
        %jit3A_703 = arith.constant 504 : i32
        %broadcast_in_dim3A_704 = vector.broadcast %jit3A_703 : i32 to vector<16xi32>
        %select_n3A_705 = arith.select %gt3A_702, %get3A_699, %broadcast_in_dim3A_704 : vector<16xi1>, vector<16xi32>
        %swap3A_706 = arith.constant 224 : index
        %swap3A_707 = tpu.vector_load %arg13[%swap3A_706] {strides = array<i32>} : memref<768xi32, #tpu.memory_space<vmem>>, vector<16xi32>,
        %swap3A_708 = vector.shape_cast %swap3A_707 : vector<16xi32> to vector<16xi32>
        %swap3A_709 = vector.shape_cast %select_n3A_705 : vector<16xi32> to vector<16xi32>
        tpu.vector_store %arg13[%swap3A_706], %swap3A_709 {strides = array<i32>} : memref<768xi32, #tpu.memory_space<vmem>>, vector<16xi32>,
        %get3A_710 = arith.constant 240 : index
        %get3A_711 = tpu.vector_load %arg12[%get3A_710] {strides = array<i32>} : memref<768xi32, #tpu.memory_space<vmem>>, vector<16xi32>,
        %get3A_712 = vector.shape_cast %get3A_711 : vector<16xi32> to vector<16xi32>
        %gt3A_713 = arith.constant 0 : i32
        %gt3A_714 = vector.broadcast %gt3A_713 : i32 to vector<16xi32>
        %gt3A_715 = arith.cmpi sgt, %get3A_712, %gt3A_714 : vector<16xi32>
        %jit3A_716 = arith.constant 2008 : i32
        %broadcast_in_dim3A_717 = vector.broadcast %jit3A_716 : i32 to vector<16xi32>
        %select_n3A_718 = arith.select %gt3A_715, %get3A_712, %broadcast_in_dim3A_717 : vector<16xi1>, vector<16xi32>
        %swap3A_719 = arith.constant 240 : index
        %swap3A_720 = tpu.vector_load %arg12[%swap3A_719] {strides = array<i32>} : memref<768xi32, #tpu.memory_space<vmem>>, vector<16xi32>,
        %swap3A_721 = vector.shape_cast %swap3A_720 : vector<16xi32> to vector<16xi32>
        %swap3A_722 = vector.shape_cast %select_n3A_718 : vector<16xi32> to vector<16xi32>
        tpu.vector_store %arg12[%swap3A_719], %swap3A_722 {strides = array<i32>} : memref<768xi32, #tpu.memory_space<vmem>>, vector<16xi32>,
        %get3A_723 = arith.constant 240 : index
        %get3A_724 = tpu.vector_load %arg13[%get3A_723] {strides = array<i32>} : memref<768xi32, #tpu.memory_space<vmem>>, vector<16xi32>,
        %get3A_725 = vector.shape_cast %get3A_724 : vector<16xi32> to vector<16xi32>
        %gt3A_726 = arith.constant 0 : i32
        %gt3A_727 = vector.broadcast %gt3A_726 : i32 to vector<16xi32>
        %gt3A_728 = arith.cmpi sgt, %get3A_725, %gt3A_727 : vector<16xi32>
        %jit3A_729 = arith.constant 504 : i32
        %broadcast_in_dim3A_730 = vector.broadcast %jit3A_729 : i32 to vector<16xi32>
        %select_n3A_731 = arith.select %gt3A_728, %get3A_725, %broadcast_in_dim3A_730 : vector<16xi1>, vector<16xi32>
        %swap3A_732 = arith.constant 240 : index
        %swap3A_733 = tpu.vector_load %arg13[%swap3A_732] {strides = array<i32>} : memref<768xi32, #tpu.memory_space<vmem>>, vector<16xi32>,
        %swap3A_734 = vector.shape_cast %swap3A_733 : vector<16xi32> to vector<16xi32>
        %swap3A_735 = vector.shape_cast %select_n3A_731 : vector<16xi32> to vector<16xi32>
        tpu.vector_store %arg13[%swap3A_732], %swap3A_735 {strides = array<i32>} : memref<768xi32, #tpu.memory_space<vmem>>, vector<16xi32>,
        %dma_start3A = arith.constant 1 : i32
        %dma_start3A_736 = arith.constant 128 : i32
        %dma_start3A_737 = arith.constant 0 : i32
        %dma_start3A_738 = tpu.memref_slice %arg14[%dma_start3A_736, %dma_start3A_737] : memref<768x128xf32, #tpu.memory_space<vmem>> -> memref<128x128xf32, #tpu.memory_space<vmem>>
        %dma_start3A_739 = arith.constant 128 : i32
        %dma_start3A_740 = tpu.memref_slice %arg11[%dma_start3A_739] : memref<768xi32, #tpu.memory_space<vmem>> -> memref<128xi32, #tpu.memory_space<vmem>>
        %dma_start3A_741 = arith.constant 0 : i32
        %dma_start3A_742 = arith.constant 0 : i32
        %dma_start3A_743 = tpu.memref_slice %arg6[%dma_start3A_741, %dma_start3A_742] : memref<5000x128xf32, #tpu.memory_space<hbm>> -> memref<5000x128xf32, #tpu.memory_space<hbm>>
        %dma_start3A_744 = tpu.memref_slice %arg19[%dma_start3A] : memref<6x!tpu.dma_semaphore, #tpu.memory_space<semaphore_mem>> -> memref<1x!tpu.dma_semaphore, #tpu.memory_space<semaphore_mem>>
        %dma_start3A_745 = tpu.memref_squeeze %dma_start3A_744 : memref<1x!tpu.dma_semaphore, #tpu.memory_space<semaphore_mem>> -> memref<!tpu.dma_semaphore, #tpu.memory_space<semaphore_mem>>
        tpu.enqueue_indirect_dma source(%dma_start3A_743 : memref<5000x128xf32, #tpu.memory_space<hbm>>) target(%dma_start3A_738 : memref<128x128xf32, #tpu.memory_space<vmem>>) offsets(%dma_start3A_740 : memref<128xi32, #tpu.memory_space<vmem>>) semaphore(%dma_start3A_745 : memref<!tpu.dma_semaphore, #tpu.memory_space<semaphore_mem>>)
      } else {
      }
      %sub3A_344 = arith.constant 3 : i32
      %sub3A_345 = arith.subi %add3A_313, %sub3A_344 : i32
      %ge3A_346 = arith.constant 0 : i32
      %ge3A_347 = arith.cmpi sge, %sub3A_345, %ge3A_346 : i32
      %lt3A_348 = arith.constant 50 : i32
      %lt3A_349 = arith.cmpi slt, %sub3A_345, %lt3A_348 : i32
      %and3A_350 = arith.andi %ge3A_347, %lt3A_349 : i1
      %convert_element_type3A_351 = arith.extui %and3A_350 : i1 to i32
      %cond3A_352 = arith.constant 0 : i32
      %cond3A_353 = arith.cmpi ne, %convert_element_type3A_351, %cond3A_352 : i32
      scf.if %cond3A_353 {
        %dma_wait3A_502 = arith.constant 0 : i32
        %dma_wait3A_503 = arith.constant 0 : i32
        %dma_wait3A_504 = arith.constant 0 : i32
        %dma_wait3A_505 = tpu.memref_slice %arg14[%dma_wait3A_503, %dma_wait3A_504] : memref<768x128xf32, #tpu.memory_space<vmem>> -> memref<128x128xf32, #tpu.memory_space<vmem>>
        %dma_wait3A_506 = arith.constant 0 : i32
        %dma_wait3A_507 = tpu.memref_slice %arg11[%dma_wait3A_506] : memref<768xi32, #tpu.memory_space<vmem>> -> memref<128xi32, #tpu.memory_space<vmem>>
        %dma_wait3A_508 = arith.constant 0 : i32
        %dma_wait3A_509 = arith.constant 0 : i32
        %dma_wait3A_510 = tpu.memref_slice %arg6[%dma_wait3A_508, %dma_wait3A_509] : memref<5000x128xf32, #tpu.memory_space<hbm>> -> memref<5000x128xf32, #tpu.memory_space<hbm>>
        %dma_wait3A_511 = tpu.memref_slice %arg19[%dma_wait3A_502] : memref<6x!tpu.dma_semaphore, #tpu.memory_space<semaphore_mem>> -> memref<1x!tpu.dma_semaphore, #tpu.memory_space<semaphore_mem>>
        %dma_wait3A_512 = tpu.memref_squeeze %dma_wait3A_511 : memref<1x!tpu.dma_semaphore, #tpu.memory_space<semaphore_mem>> -> memref<!tpu.dma_semaphore, #tpu.memory_space<semaphore_mem>>
        tpu.wait_indirect_dma semaphore(%dma_wait3A_512 : memref<!tpu.dma_semaphore, #tpu.memory_space<semaphore_mem>>) src(%dma_wait3A_510 : memref<5000x128xf32, #tpu.memory_space<hbm>>) dst(%dma_wait3A_505 : memref<128x128xf32, #tpu.memory_space<vmem>>)
        %dma_start3A = arith.constant 0 : i32
        %dma_start3A_513 = arith.constant 0 : i32
        %dma_start3A_514 = arith.constant 0 : i32
        %dma_start3A_515 = tpu.memref_slice %arg14[%dma_start3A_513, %dma_start3A_514] : memref<768x128xf32, #tpu.memory_space<vmem>> -> memref<128x128xf32, #tpu.memory_space<vmem>>
        %dma_start3A_516 = arith.constant 0 : i32
        %dma_start3A_517 = tpu.memref_slice %arg12[%dma_start3A_516] : memref<768xi32, #tpu.memory_space<vmem>> -> memref<128xi32, #tpu.memory_space<vmem>>
        %dma_start3A_518 = arith.constant 0 : i32
        %dma_start3A_519 = arith.constant 0 : i32
        %dma_start3A_520 = tpu.memref_slice %arg15[%dma_start3A_518, %dma_start3A_519] : memref<2016x128xf32, #tpu.memory_space<vmem_shared>> -> memref<2016x128xf32, #tpu.memory_space<vmem_shared>>
        %dma_start3A_521 = tpu.memref_slice %arg19[%dma_start3A] : memref<6x!tpu.dma_semaphore, #tpu.memory_space<semaphore_mem>> -> memref<1x!tpu.dma_semaphore, #tpu.memory_space<semaphore_mem>>
        %dma_start3A_522 = tpu.memref_squeeze %dma_start3A_521 : memref<1x!tpu.dma_semaphore, #tpu.memory_space<semaphore_mem>> -> memref<!tpu.dma_semaphore, #tpu.memory_space<semaphore_mem>>
        tpu.enqueue_indirect_dma source(%dma_start3A_520 : memref<2016x128xf32, #tpu.memory_space<vmem_shared>>) target(%dma_start3A_515 : memref<128x128xf32, #tpu.memory_space<vmem>>) offsets(%dma_start3A_517 : memref<128xi32, #tpu.memory_space<vmem>>) semaphore(%dma_start3A_522 : memref<!tpu.dma_semaphore, #tpu.memory_space<semaphore_mem>>) {add = true}
      } else {
      }
      %sub3A_354 = arith.constant 4 : i32
      %sub3A_355 = arith.subi %add3A_313, %sub3A_354 : i32
      %ge3A_356 = arith.constant 0 : i32
      %ge3A_357 = arith.cmpi sge, %sub3A_355, %ge3A_356 : i32
      %lt3A_358 = arith.constant 50 : i32
      %lt3A_359 = arith.cmpi slt, %sub3A_355, %lt3A_358 : i32
      %and3A_360 = arith.andi %ge3A_357, %lt3A_359 : i1
      %convert_element_type3A_361 = arith.extui %and3A_360 : i1 to i32
      %cond3A_362 = arith.constant 0 : i32
      %cond3A_363 = arith.cmpi ne, %convert_element_type3A_361, %cond3A_362 : i32
      scf.if %cond3A_363 {
        %dma_wait3A_502 = arith.constant 5 : i32
        %dma_wait3A_503 = arith.constant 640 : i32
        %dma_wait3A_504 = arith.constant 0 : i32
        %dma_wait3A_505 = tpu.memref_slice %arg14[%dma_wait3A_503, %dma_wait3A_504] : memref<768x128xf32, #tpu.memory_space<vmem>> -> memref<128x128xf32, #tpu.memory_space<vmem>>
        %dma_wait3A_506 = arith.constant 640 : i32
        %dma_wait3A_507 = tpu.memref_slice %arg12[%dma_wait3A_506] : memref<768xi32, #tpu.memory_space<vmem>> -> memref<128xi32, #tpu.memory_space<vmem>>
        %dma_wait3A_508 = arith.constant 0 : i32
        %dma_wait3A_509 = arith.constant 0 : i32
        %dma_wait3A_510 = tpu.memref_slice %arg15[%dma_wait3A_508, %dma_wait3A_509] : memref<2016x128xf32, #tpu.memory_space<vmem_shared>> -> memref<2016x128xf32, #tpu.memory_space<vmem_shared>>
        %dma_wait3A_511 = tpu.memref_slice %arg19[%dma_wait3A_502] : memref<6x!tpu.dma_semaphore, #tpu.memory_space<semaphore_mem>> -> memref<1x!tpu.dma_semaphore, #tpu.memory_space<semaphore_mem>>
        %dma_wait3A_512 = tpu.memref_squeeze %dma_wait3A_511 : memref<1x!tpu.dma_semaphore, #tpu.memory_space<semaphore_mem>> -> memref<!tpu.dma_semaphore, #tpu.memory_space<semaphore_mem>>
        tpu.wait_indirect_dma semaphore(%dma_wait3A_512 : memref<!tpu.dma_semaphore, #tpu.memory_space<semaphore_mem>>) src(%dma_wait3A_510 : memref<2016x128xf32, #tpu.memory_space<vmem_shared>>) dst(%dma_wait3A_505 : memref<128x128xf32, #tpu.memory_space<vmem>>)
        %dma_start3A = arith.constant 5 : i32
        %dma_start3A_513 = arith.constant 640 : i32
        %dma_start3A_514 = arith.constant 0 : i32
        %dma_start3A_515 = tpu.memref_slice %arg14[%dma_start3A_513, %dma_start3A_514] : memref<768x128xf32, #tpu.memory_space<vmem>> -> memref<128x128xf32, #tpu.memory_space<vmem>>
        %dma_start3A_516 = arith.constant 640 : i32
        %dma_start3A_517 = tpu.memref_slice %arg13[%dma_start3A_516] : memref<768xi32, #tpu.memory_space<vmem>> -> memref<128xi32, #tpu.memory_space<vmem>>
        %dma_start3A_518 = arith.constant 0 : i32
        %dma_start3A_519 = arith.constant 0 : i32
        %dma_start3A_520 = tpu.memref_slice %arg16[%dma_start3A_518, %dma_start3A_519] : memref<512x128xf32, #tpu.memory_space<vmem_shared>> -> memref<512x128xf32, #tpu.memory_space<vmem_shared>>
        %dma_start3A_521 = tpu.memref_slice %arg19[%dma_start3A] : memref<6x!tpu.dma_semaphore, #tpu.memory_space<semaphore_mem>> -> memref<1x!tpu.dma_semaphore, #tpu.memory_space<semaphore_mem>>
        %dma_start3A_522 = tpu.memref_squeeze %dma_start3A_521 : memref<1x!tpu.dma_semaphore, #tpu.memory_space<semaphore_mem>> -> memref<!tpu.dma_semaphore, #tpu.memory_space<semaphore_mem>>
        tpu.enqueue_indirect_dma source(%dma_start3A_520 : memref<512x128xf32, #tpu.memory_space<vmem_shared>>) target(%dma_start3A_515 : memref<128x128xf32, #tpu.memory_space<vmem>>) offsets(%dma_start3A_517 : memref<128xi32, #tpu.memory_space<vmem>>) semaphore(%dma_start3A_522 : memref<!tpu.dma_semaphore, #tpu.memory_space<semaphore_mem>>) {add = true}
      } else {
      }
      %sub3A_364 = arith.constant 5 : i32
      %sub3A_365 = arith.subi %add3A_313, %sub3A_364 : i32
      %ge3A_366 = arith.constant 0 : i32
      %ge3A_367 = arith.cmpi sge, %sub3A_365, %ge3A_366 : i32
      %lt3A_368 = arith.constant 50 : i32
      %lt3A_369 = arith.cmpi slt, %sub3A_365, %lt3A_368 : i32
      %and3A_370 = arith.andi %ge3A_367, %lt3A_369 : i1
      %convert_element_type3A_371 = arith.extui %and3A_370 : i1 to i32
      %cond3A_372 = arith.constant 0 : i32
      %cond3A_373 = arith.cmpi ne, %convert_element_type3A_371, %cond3A_372 : i32
      scf.if %cond3A_373 {
        %dma_wait3A_502 = arith.constant 4 : i32
        %dma_wait3A_503 = arith.constant 512 : i32
        %dma_wait3A_504 = arith.constant 0 : i32
        %dma_wait3A_505 = tpu.memref_slice %arg14[%dma_wait3A_503, %dma_wait3A_504] : memref<768x128xf32, #tpu.memory_space<vmem>> -> memref<128x128xf32, #tpu.memory_space<vmem>>
        %dma_wait3A_506 = arith.constant 512 : i32
        %dma_wait3A_507 = tpu.memref_slice %arg13[%dma_wait3A_506] : memref<768xi32, #tpu.memory_space<vmem>> -> memref<128xi32, #tpu.memory_space<vmem>>
        %dma_wait3A_508 = arith.constant 0 : i32
        %dma_wait3A_509 = arith.constant 0 : i32
        %dma_wait3A_510 = tpu.memref_slice %arg16[%dma_wait3A_508, %dma_wait3A_509] : memref<512x128xf32, #tpu.memory_space<vmem_shared>> -> memref<512x128xf32, #tpu.memory_space<vmem_shared>>
        %dma_wait3A_511 = tpu.memref_slice %arg19[%dma_wait3A_502] : memref<6x!tpu.dma_semaphore, #tpu.memory_space<semaphore_mem>> -> memref<1x!tpu.dma_semaphore, #tpu.memory_space<semaphore_mem>>
        %dma_wait3A_512 = tpu.memref_squeeze %dma_wait3A_511 : memref<1x!tpu.dma_semaphore, #tpu.memory_space<semaphore_mem>> -> memref<!tpu.dma_semaphore, #tpu.memory_space<semaphore_mem>>
        tpu.wait_indirect_dma semaphore(%dma_wait3A_512 : memref<!tpu.dma_semaphore, #tpu.memory_space<semaphore_mem>>) src(%dma_wait3A_510 : memref<512x128xf32, #tpu.memory_space<vmem_shared>>) dst(%dma_wait3A_505 : memref<128x128xf32, #tpu.memory_space<vmem>>)
        %mul3A_513 = arith.constant 128 : i32
        %mul3A_514 = arith.muli %sub3A_365, %mul3A_513 : i32
        %multiple_of3A_515 = tpu.assume_multiple %mul3A_514, 128 : i32
        %add3A_516 = arith.addi %multiple_of3A, %multiple_of3A_515 : i32
        %dma_start3A = arith.constant 4 : i32
        %dma_start3A_517 = arith.constant 512 : i32
        %dma_start3A_518 = arith.constant 0 : i32
        %dma_start3A_519 = tpu.memref_slice %arg14[%dma_start3A_517, %dma_start3A_518] : memref<768x128xf32, #tpu.memory_space<vmem>> -> memref<128x128xf32, #tpu.memory_space<vmem>>
        %dma_start3A_520 = arith.constant 0 : i32
        %dma_start3A_521 = tpu.memref_slice %arg9[%add3A_516, %dma_start3A_520] : memref<204800x128xf32, #tpu.memory_space<hbm>> -> memref<128x128xf32, #tpu.memory_space<hbm>>
        %dma_start3A_522 = tpu.memref_slice %arg20[%dma_start3A] : memref<6x!tpu.dma_semaphore, #tpu.memory_space<semaphore_mem>> -> memref<1x!tpu.dma_semaphore, #tpu.memory_space<semaphore_mem>>
        %dma_start3A_523 = tpu.memref_squeeze %dma_start3A_522 : memref<1x!tpu.dma_semaphore, #tpu.memory_space<semaphore_mem>> -> memref<!tpu.dma_semaphore, #tpu.memory_space<semaphore_mem>>
        %dma_start3A_524 = arith.constant 0 : i32
        %dma_start3A_525 = tpu.memref_slice %arg9[%add3A_516, %dma_start3A_524] : memref<204800x128xf32, #tpu.memory_space<hbm>> -> memref<128x128xf32, #tpu.memory_space<hbm>>
        %dma_start3A_526 = arith.constant 512 : i32
        %dma_start3A_527 = arith.constant 0 : i32
        %dma_start3A_528 = tpu.memref_slice %arg14[%dma_start3A_526, %dma_start3A_527] : memref<768x128xf32, #tpu.memory_space<vmem>> -> memref<128x128xf32, #tpu.memory_space<vmem>>
        tpu.enqueue_dma source(%dma_start3A_528 : memref<128x128xf32, #tpu.memory_space<vmem>>) target(%dma_start3A_525 : memref<128x128xf32, #tpu.memory_space<hbm>>) target_semaphore(%dma_start3A_523 : memref<!tpu.dma_semaphore, #tpu.memory_space<semaphore_mem>>)
      } else {
      }
      %mul3A_374 = arith.constant 6 : i32
      %mul3A_375 = arith.muli %scan3A_121, %mul3A_374 : i32
      %add3A_376 = arith.constant 4 : i32
      %add3A_377 = arith.addi %mul3A_375, %add3A_376 : i32
      %sub3A_378 = arith.constant 0 : i32
      %sub3A_379 = arith.subi %add3A_377, %sub3A_378 : i32
      %ge3A_380 = arith.constant 0 : i32
      %ge3A_381 = arith.cmpi sge, %sub3A_379, %ge3A_380 : i32
      %lt3A_382 = arith.constant 50 : i32
      %lt3A_383 = arith.cmpi slt, %sub3A_379, %lt3A_382 : i32
      %and3A_384 = arith.andi %ge3A_381, %lt3A_383 : i1
      %convert_element_type3A_385 = arith.extui %and3A_384 : i1 to i32
      %cond3A_386 = arith.constant 0 : i32
      %cond3A_387 = arith.cmpi ne, %convert_element_type3A_385, %cond3A_386 : i32
      scf.if %cond3A_387 {
        %mul3A_502 = arith.constant 128 : i32
        %mul3A_503 = arith.muli %sub3A_379, %mul3A_502 : i32
        %multiple_of3A_504 = tpu.assume_multiple %mul3A_503, 128 : i32
        %add3A_505 = arith.addi %multiple_of3A, %multiple_of3A_504 : i32
        %dma_start3A = arith.constant 4 : i32
        %dma_start3A_506 = arith.constant 512 : i32
        %dma_start3A_507 = tpu.memref_slice %arg10[%dma_start3A_506] : memref<768xi32, #tpu.memory_space<vmem>> -> memref<128xi32, #tpu.memory_space<vmem>>
        %dma_start3A_508 = tpu.memref_slice %arg2[%add3A_505] : memref<204800xi32, #tpu.memory_space<hbm>> -> memref<128xi32, #tpu.memory_space<hbm>>
        %dma_start3A_509 = tpu.memref_slice %arg17[%dma_start3A] : memref<6x!tpu.dma_semaphore, #tpu.memory_space<semaphore_mem>> -> memref<1x!tpu.dma_semaphore, #tpu.memory_space<semaphore_mem>>
        %dma_start3A_510 = tpu.memref_squeeze %dma_start3A_509 : memref<1x!tpu.dma_semaphore, #tpu.memory_space<semaphore_mem>> -> memref<!tpu.dma_semaphore, #tpu.memory_space<semaphore_mem>>
        %dma_start3A_511 = arith.constant 512 : i32
        %dma_start3A_512 = tpu.memref_slice %arg10[%dma_start3A_511] : memref<768xi32, #tpu.memory_space<vmem>> -> memref<128xi32, #tpu.memory_space<vmem>>
        %dma_start3A_513 = tpu.memref_slice %arg2[%add3A_505] : memref<204800xi32, #tpu.memory_space<hbm>> -> memref<128xi32, #tpu.memory_space<hbm>>
        tpu.enqueue_dma source(%dma_start3A_513 : memref<128xi32, #tpu.memory_space<hbm>>) target(%dma_start3A_512 : memref<128xi32, #tpu.memory_space<vmem>>) target_semaphore(%dma_start3A_510 : memref<!tpu.dma_semaphore, #tpu.memory_space<semaphore_mem>>)
      } else {
      }
      %sub3A_388 = arith.constant 1 : i32
      %sub3A_389 = arith.subi %add3A_377, %sub3A_388 : i32
      %ge3A_390 = arith.constant 0 : i32
      %ge3A_391 = arith.cmpi sge, %sub3A_389, %ge3A_390 : i32
      %lt3A_392 = arith.constant 50 : i32
      %lt3A_393 = arith.cmpi slt, %sub3A_389, %lt3A_392 : i32
      %and3A_394 = arith.andi %ge3A_391, %lt3A_393 : i1
      %convert_element_type3A_395 = arith.extui %and3A_394 : i1 to i32
      %cond3A_396 = arith.constant 0 : i32
      %cond3A_397 = arith.cmpi ne, %convert_element_type3A_395, %cond3A_396 : i32
      scf.if %cond3A_397 {
        %mul3A_502 = arith.constant 128 : i32
        %mul3A_503 = arith.muli %sub3A_389, %mul3A_502 : i32
        %multiple_of3A_504 = tpu.assume_multiple %mul3A_503, 128 : i32
        %add3A_505 = arith.addi %multiple_of3A, %multiple_of3A_504 : i32
        %dma_wait3A_506 = arith.constant 3 : i32
        %dma_wait3A_507 = arith.constant 384 : i32
        %dma_wait3A_508 = tpu.memref_slice %arg10[%dma_wait3A_507] : memref<768xi32, #tpu.memory_space<vmem>> -> memref<128xi32, #tpu.memory_space<vmem>>
        %dma_wait3A_509 = tpu.memref_slice %arg2[%add3A_505] : memref<204800xi32, #tpu.memory_space<hbm>> -> memref<128xi32, #tpu.memory_space<hbm>>
        %dma_wait3A_510 = tpu.memref_slice %arg17[%dma_wait3A_506] : memref<6x!tpu.dma_semaphore, #tpu.memory_space<semaphore_mem>> -> memref<1x!tpu.dma_semaphore, #tpu.memory_space<semaphore_mem>>
        %dma_wait3A_511 = tpu.memref_squeeze %dma_wait3A_510 : memref<1x!tpu.dma_semaphore, #tpu.memory_space<semaphore_mem>> -> memref<!tpu.dma_semaphore, #tpu.memory_space<semaphore_mem>>
        %dma_wait3A_512 = arith.constant 384 : i32
        %dma_wait3A_513 = tpu.memref_slice %arg10[%dma_wait3A_512] : memref<768xi32, #tpu.memory_space<vmem>> -> memref<128xi32, #tpu.memory_space<vmem>>
        %dma_wait3A_514 = tpu.memref_slice %arg2[%add3A_505] : memref<204800xi32, #tpu.memory_space<hbm>> -> memref<128xi32, #tpu.memory_space<hbm>>
        tpu.wait_dma2 semaphore(%dma_wait3A_511 : memref<!tpu.dma_semaphore, #tpu.memory_space<semaphore_mem>>) src(%dma_wait3A_514 : memref<128xi32, #tpu.memory_space<hbm>>) dst(%dma_wait3A_513 : memref<128xi32, #tpu.memory_space<vmem>>)
        %dma_start3A = arith.constant 3 : i32
        %dma_start3A_515 = arith.constant 384 : i32
        %dma_start3A_516 = tpu.memref_slice %arg11[%dma_start3A_515] : memref<768xi32, #tpu.memory_space<vmem>> -> memref<128xi32, #tpu.memory_space<vmem>>
        %dma_start3A_517 = arith.constant 384 : i32
        %dma_start3A_518 = tpu.memref_slice %arg10[%dma_start3A_517] : memref<768xi32, #tpu.memory_space<vmem>> -> memref<128xi32, #tpu.memory_space<vmem>>
        %dma_start3A_519 = arith.constant 0 : i32
        %dma_start3A_520 = tpu.memref_slice %arg3[%dma_start3A_519] : memref<100000xi32, #tpu.memory_space<hbm>> -> memref<100000xi32, #tpu.memory_space<hbm>>
        %dma_start3A_521 = tpu.memref_slice %arg18[%dma_start3A] : memref<6x!tpu.dma_semaphore, #tpu.memory_space<semaphore_mem>> -> memref<1x!tpu.dma_semaphore, #tpu.memory_space<semaphore_mem>>
        %dma_start3A_522 = tpu.memref_squeeze %dma_start3A_521 : memref<1x!tpu.dma_semaphore, #tpu.memory_space<semaphore_mem>> -> memref<!tpu.dma_semaphore, #tpu.memory_space<semaphore_mem>>
        tpu.enqueue_indirect_dma source(%dma_start3A_520 : memref<100000xi32, #tpu.memory_space<hbm>>) target(%dma_start3A_516 : memref<128xi32, #tpu.memory_space<vmem>>) offsets(%dma_start3A_518 : memref<128xi32, #tpu.memory_space<vmem>>) semaphore(%dma_start3A_522 : memref<!tpu.dma_semaphore, #tpu.memory_space<semaphore_mem>>)
        %dma_start3A_523 = arith.constant 3 : i32
        %dma_start3A_524 = arith.constant 384 : i32
        %dma_start3A_525 = tpu.memref_slice %arg12[%dma_start3A_524] : memref<768xi32, #tpu.memory_space<vmem>> -> memref<128xi32, #tpu.memory_space<vmem>>
        %dma_start3A_526 = arith.constant 384 : i32
        %dma_start3A_527 = tpu.memref_slice %arg10[%dma_start3A_526] : memref<768xi32, #tpu.memory_space<vmem>> -> memref<128xi32, #tpu.memory_space<vmem>>
        %dma_start3A_528 = arith.constant 0 : i32
        %dma_start3A_529 = tpu.memref_slice %arg4[%dma_start3A_528] : memref<100000xi32, #tpu.memory_space<hbm>> -> memref<100000xi32, #tpu.memory_space<hbm>>
        %dma_start3A_530 = tpu.memref_slice %arg18[%dma_start3A_523] : memref<6x!tpu.dma_semaphore, #tpu.memory_space<semaphore_mem>> -> memref<1x!tpu.dma_semaphore, #tpu.memory_space<semaphore_mem>>
        %dma_start3A_531 = tpu.memref_squeeze %dma_start3A_530 : memref<1x!tpu.dma_semaphore, #tpu.memory_space<semaphore_mem>> -> memref<!tpu.dma_semaphore, #tpu.memory_space<semaphore_mem>>
        tpu.enqueue_indirect_dma source(%dma_start3A_529 : memref<100000xi32, #tpu.memory_space<hbm>>) target(%dma_start3A_525 : memref<128xi32, #tpu.memory_space<vmem>>) offsets(%dma_start3A_527 : memref<128xi32, #tpu.memory_space<vmem>>) semaphore(%dma_start3A_531 : memref<!tpu.dma_semaphore, #tpu.memory_space<semaphore_mem>>)
        %dma_start3A_532 = arith.constant 3 : i32
        %dma_start3A_533 = arith.constant 384 : i32
        %dma_start3A_534 = tpu.memref_slice %arg13[%dma_start3A_533] : memref<768xi32, #tpu.memory_space<vmem>> -> memref<128xi32, #tpu.memory_space<vmem>>
        %dma_start3A_535 = arith.constant 384 : i32
        %dma_start3A_536 = tpu.memref_slice %arg10[%dma_start3A_535] : memref<768xi32, #tpu.memory_space<vmem>> -> memref<128xi32, #tpu.memory_space<vmem>>
        %dma_start3A_537 = arith.constant 0 : i32
        %dma_start3A_538 = tpu.memref_slice %arg5[%dma_start3A_537] : memref<100000xi32, #tpu.memory_space<hbm>> -> memref<100000xi32, #tpu.memory_space<hbm>>
        %dma_start3A_539 = tpu.memref_slice %arg18[%dma_start3A_532] : memref<6x!tpu.dma_semaphore, #tpu.memory_space<semaphore_mem>> -> memref<1x!tpu.dma_semaphore, #tpu.memory_space<semaphore_mem>>
        %dma_start3A_540 = tpu.memref_squeeze %dma_start3A_539 : memref<1x!tpu.dma_semaphore, #tpu.memory_space<semaphore_mem>> -> memref<!tpu.dma_semaphore, #tpu.memory_space<semaphore_mem>>
        tpu.enqueue_indirect_dma source(%dma_start3A_538 : memref<100000xi32, #tpu.memory_space<hbm>>) target(%dma_start3A_534 : memref<128xi32, #tpu.memory_space<vmem>>) offsets(%dma_start3A_536 : memref<128xi32, #tpu.memory_space<vmem>>) semaphore(%dma_start3A_540 : memref<!tpu.dma_semaphore, #tpu.memory_space<semaphore_mem>>)
      } else {
      }
      %sub3A_398 = arith.constant 2 : i32
      %sub3A_399 = arith.subi %add3A_377, %sub3A_398 : i32
      %ge3A_400 = arith.constant 0 : i32
      %ge3A_401 = arith.cmpi sge, %sub3A_399, %ge3A_400 : i32
      %lt3A_402 = arith.constant 50 : i32
      %lt3A_403 = arith.cmpi slt, %sub3A_399, %lt3A_402 : i32
      %and3A_404 = arith.andi %ge3A_401, %lt3A_403 : i1
      %convert_element_type3A_405 = arith.extui %and3A_404 : i1 to i32
      %cond3A_406 = arith.constant 0 : i32
      %cond3A_407 = arith.cmpi ne, %convert_element_type3A_405, %cond3A_406 : i32
      scf.if %cond3A_407 {
        %ge3A_502 = arith.constant 6 : i32
        %ge3A_503 = arith.cmpi sge, %sub3A_399, %ge3A_502 : i32
        %convert_element_type3A_504 = arith.extui %ge3A_503 : i1 to i32
        %cond3A_505 = arith.constant 0 : i32
        %cond3A_506 = arith.cmpi ne, %convert_element_type3A_504, %cond3A_505 : i32
        scf.if %cond3A_506 {
          %sub3A_746 = arith.constant 6 : i32
          %sub3A_747 = arith.subi %sub3A_399, %sub3A_746 : i32
          %mul3A_748 = arith.constant 128 : i32
          %mul3A_749 = arith.muli %sub3A_747, %mul3A_748 : i32
          %multiple_of3A_750 = tpu.assume_multiple %mul3A_749, 128 : i32
          %add3A_751 = arith.addi %multiple_of3A, %multiple_of3A_750 : i32
          %dma_wait3A_752 = arith.constant 2 : i32
          %dma_wait3A_753 = arith.constant 256 : i32
          %dma_wait3A_754 = arith.constant 0 : i32
          %dma_wait3A_755 = tpu.memref_slice %arg14[%dma_wait3A_753, %dma_wait3A_754] : memref<768x128xf32, #tpu.memory_space<vmem>> -> memref<128x128xf32, #tpu.memory_space<vmem>>
          %dma_wait3A_756 = arith.constant 0 : i32
          %dma_wait3A_757 = tpu.memref_slice %arg9[%add3A_751, %dma_wait3A_756] : memref<204800x128xf32, #tpu.memory_space<hbm>> -> memref<128x128xf32, #tpu.memory_space<hbm>>
          %dma_wait3A_758 = tpu.memref_slice %arg20[%dma_wait3A_752] : memref<6x!tpu.dma_semaphore, #tpu.memory_space<semaphore_mem>> -> memref<1x!tpu.dma_semaphore, #tpu.memory_space<semaphore_mem>>
          %dma_wait3A_759 = tpu.memref_squeeze %dma_wait3A_758 : memref<1x!tpu.dma_semaphore, #tpu.memory_space<semaphore_mem>> -> memref<!tpu.dma_semaphore, #tpu.memory_space<semaphore_mem>>
          %dma_wait3A_760 = arith.constant 0 : i32
          %dma_wait3A_761 = tpu.memref_slice %arg9[%add3A_751, %dma_wait3A_760] : memref<204800x128xf32, #tpu.memory_space<hbm>> -> memref<128x128xf32, #tpu.memory_space<hbm>>
          %dma_wait3A_762 = arith.constant 256 : i32
          %dma_wait3A_763 = arith.constant 0 : i32
          %dma_wait3A_764 = tpu.memref_slice %arg14[%dma_wait3A_762, %dma_wait3A_763] : memref<768x128xf32, #tpu.memory_space<vmem>> -> memref<128x128xf32, #tpu.memory_space<vmem>>
          tpu.wait_dma2 semaphore(%dma_wait3A_759 : memref<!tpu.dma_semaphore, #tpu.memory_space<semaphore_mem>>) src(%dma_wait3A_764 : memref<128x128xf32, #tpu.memory_space<vmem>>) dst(%dma_wait3A_761 : memref<128x128xf32, #tpu.memory_space<hbm>>)
        } else {
        }
        %dma_wait3A_507 = arith.constant 2 : i32
        %dma_wait3A_508 = arith.constant 256 : i32
        %dma_wait3A_509 = tpu.memref_slice %arg11[%dma_wait3A_508] : memref<768xi32, #tpu.memory_space<vmem>> -> memref<128xi32, #tpu.memory_space<vmem>>
        %dma_wait3A_510 = arith.constant 256 : i32
        %dma_wait3A_511 = tpu.memref_slice %arg10[%dma_wait3A_510] : memref<768xi32, #tpu.memory_space<vmem>> -> memref<128xi32, #tpu.memory_space<vmem>>
        %dma_wait3A_512 = arith.constant 0 : i32
        %dma_wait3A_513 = tpu.memref_slice %arg3[%dma_wait3A_512] : memref<100000xi32, #tpu.memory_space<hbm>> -> memref<100000xi32, #tpu.memory_space<hbm>>
        %dma_wait3A_514 = tpu.memref_slice %arg18[%dma_wait3A_507] : memref<6x!tpu.dma_semaphore, #tpu.memory_space<semaphore_mem>> -> memref<1x!tpu.dma_semaphore, #tpu.memory_space<semaphore_mem>>
        %dma_wait3A_515 = tpu.memref_squeeze %dma_wait3A_514 : memref<1x!tpu.dma_semaphore, #tpu.memory_space<semaphore_mem>> -> memref<!tpu.dma_semaphore, #tpu.memory_space<semaphore_mem>>
        tpu.wait_indirect_dma semaphore(%dma_wait3A_515 : memref<!tpu.dma_semaphore, #tpu.memory_space<semaphore_mem>>) src(%dma_wait3A_513 : memref<100000xi32, #tpu.memory_space<hbm>>) dst(%dma_wait3A_509 : memref<128xi32, #tpu.memory_space<vmem>>)
        %dma_wait3A_516 = arith.constant 2 : i32
        %dma_wait3A_517 = arith.constant 256 : i32
        %dma_wait3A_518 = tpu.memref_slice %arg12[%dma_wait3A_517] : memref<768xi32, #tpu.memory_space<vmem>> -> memref<128xi32, #tpu.memory_space<vmem>>
        %dma_wait3A_519 = arith.constant 256 : i32
        %dma_wait3A_520 = tpu.memref_slice %arg10[%dma_wait3A_519] : memref<768xi32, #tpu.memory_space<vmem>> -> memref<128xi32, #tpu.memory_space<vmem>>
        %dma_wait3A_521 = arith.constant 0 : i32
        %dma_wait3A_522 = tpu.memref_slice %arg4[%dma_wait3A_521] : memref<100000xi32, #tpu.memory_space<hbm>> -> memref<100000xi32, #tpu.memory_space<hbm>>
        %dma_wait3A_523 = tpu.memref_slice %arg18[%dma_wait3A_516] : memref<6x!tpu.dma_semaphore, #tpu.memory_space<semaphore_mem>> -> memref<1x!tpu.dma_semaphore, #tpu.memory_space<semaphore_mem>>
        %dma_wait3A_524 = tpu.memref_squeeze %dma_wait3A_523 : memref<1x!tpu.dma_semaphore, #tpu.memory_space<semaphore_mem>> -> memref<!tpu.dma_semaphore, #tpu.memory_space<semaphore_mem>>
        tpu.wait_indirect_dma semaphore(%dma_wait3A_524 : memref<!tpu.dma_semaphore, #tpu.memory_space<semaphore_mem>>) src(%dma_wait3A_522 : memref<100000xi32, #tpu.memory_space<hbm>>) dst(%dma_wait3A_518 : memref<128xi32, #tpu.memory_space<vmem>>)
        %dma_wait3A_525 = arith.constant 2 : i32
        %dma_wait3A_526 = arith.constant 256 : i32
        %dma_wait3A_527 = tpu.memref_slice %arg13[%dma_wait3A_526] : memref<768xi32, #tpu.memory_space<vmem>> -> memref<128xi32, #tpu.memory_space<vmem>>
        %dma_wait3A_528 = arith.constant 256 : i32
        %dma_wait3A_529 = tpu.memref_slice %arg10[%dma_wait3A_528] : memref<768xi32, #tpu.memory_space<vmem>> -> memref<128xi32, #tpu.memory_space<vmem>>
        %dma_wait3A_530 = arith.constant 0 : i32
        %dma_wait3A_531 = tpu.memref_slice %arg5[%dma_wait3A_530] : memref<100000xi32, #tpu.memory_space<hbm>> -> memref<100000xi32, #tpu.memory_space<hbm>>
        %dma_wait3A_532 = tpu.memref_slice %arg18[%dma_wait3A_525] : memref<6x!tpu.dma_semaphore, #tpu.memory_space<semaphore_mem>> -> memref<1x!tpu.dma_semaphore, #tpu.memory_space<semaphore_mem>>
        %dma_wait3A_533 = tpu.memref_squeeze %dma_wait3A_532 : memref<1x!tpu.dma_semaphore, #tpu.memory_space<semaphore_mem>> -> memref<!tpu.dma_semaphore, #tpu.memory_space<semaphore_mem>>
        tpu.wait_indirect_dma semaphore(%dma_wait3A_533 : memref<!tpu.dma_semaphore, #tpu.memory_space<semaphore_mem>>) src(%dma_wait3A_531 : memref<100000xi32, #tpu.memory_space<hbm>>) dst(%dma_wait3A_527 : memref<128xi32, #tpu.memory_space<vmem>>)
        %get3A = arith.constant 256 : index
        %get3A_534 = tpu.vector_load %arg12[%get3A] {strides = array<i32>} : memref<768xi32, #tpu.memory_space<vmem>>, vector<16xi32>,
        %get3A_535 = vector.shape_cast %get3A_534 : vector<16xi32> to vector<16xi32>
        %gt3A = arith.constant 0 : i32
        %gt3A_536 = vector.broadcast %gt3A : i32 to vector<16xi32>
        %gt3A_537 = arith.cmpi sgt, %get3A_535, %gt3A_536 : vector<16xi32>
        %jit3A = arith.constant 2008 : i32
        %broadcast_in_dim3A = vector.broadcast %jit3A : i32 to vector<16xi32>
        %select_n3A = arith.select %gt3A_537, %get3A_535, %broadcast_in_dim3A : vector<16xi1>, vector<16xi32>
        %swap3A = arith.constant 256 : index
        %swap3A_538 = tpu.vector_load %arg12[%swap3A] {strides = array<i32>} : memref<768xi32, #tpu.memory_space<vmem>>, vector<16xi32>,
        %swap3A_539 = vector.shape_cast %swap3A_538 : vector<16xi32> to vector<16xi32>
        %swap3A_540 = vector.shape_cast %select_n3A : vector<16xi32> to vector<16xi32>
        tpu.vector_store %arg12[%swap3A], %swap3A_540 {strides = array<i32>} : memref<768xi32, #tpu.memory_space<vmem>>, vector<16xi32>,
        %get3A_541 = arith.constant 256 : index
        %get3A_542 = tpu.vector_load %arg13[%get3A_541] {strides = array<i32>} : memref<768xi32, #tpu.memory_space<vmem>>, vector<16xi32>,
        %get3A_543 = vector.shape_cast %get3A_542 : vector<16xi32> to vector<16xi32>
        %gt3A_544 = arith.constant 0 : i32
        %gt3A_545 = vector.broadcast %gt3A_544 : i32 to vector<16xi32>
        %gt3A_546 = arith.cmpi sgt, %get3A_543, %gt3A_545 : vector<16xi32>
        %jit3A_547 = arith.constant 504 : i32
        %broadcast_in_dim3A_548 = vector.broadcast %jit3A_547 : i32 to vector<16xi32>
        %select_n3A_549 = arith.select %gt3A_546, %get3A_543, %broadcast_in_dim3A_548 : vector<16xi1>, vector<16xi32>
        %swap3A_550 = arith.constant 256 : index
        %swap3A_551 = tpu.vector_load %arg13[%swap3A_550] {strides = array<i32>} : memref<768xi32, #tpu.memory_space<vmem>>, vector<16xi32>,
        %swap3A_552 = vector.shape_cast %swap3A_551 : vector<16xi32> to vector<16xi32>
        %swap3A_553 = vector.shape_cast %select_n3A_549 : vector<16xi32> to vector<16xi32>
        tpu.vector_store %arg13[%swap3A_550], %swap3A_553 {strides = array<i32>} : memref<768xi32, #tpu.memory_space<vmem>>, vector<16xi32>,
        %get3A_554 = arith.constant 272 : index
        %get3A_555 = tpu.vector_load %arg12[%get3A_554] {strides = array<i32>} : memref<768xi32, #tpu.memory_space<vmem>>, vector<16xi32>,
        %get3A_556 = vector.shape_cast %get3A_555 : vector<16xi32> to vector<16xi32>
        %gt3A_557 = arith.constant 0 : i32
        %gt3A_558 = vector.broadcast %gt3A_557 : i32 to vector<16xi32>
        %gt3A_559 = arith.cmpi sgt, %get3A_556, %gt3A_558 : vector<16xi32>
        %jit3A_560 = arith.constant 2008 : i32
        %broadcast_in_dim3A_561 = vector.broadcast %jit3A_560 : i32 to vector<16xi32>
        %select_n3A_562 = arith.select %gt3A_559, %get3A_556, %broadcast_in_dim3A_561 : vector<16xi1>, vector<16xi32>
        %swap3A_563 = arith.constant 272 : index
        %swap3A_564 = tpu.vector_load %arg12[%swap3A_563] {strides = array<i32>} : memref<768xi32, #tpu.memory_space<vmem>>, vector<16xi32>,
        %swap3A_565 = vector.shape_cast %swap3A_564 : vector<16xi32> to vector<16xi32>
        %swap3A_566 = vector.shape_cast %select_n3A_562 : vector<16xi32> to vector<16xi32>
        tpu.vector_store %arg12[%swap3A_563], %swap3A_566 {strides = array<i32>} : memref<768xi32, #tpu.memory_space<vmem>>, vector<16xi32>,
        %get3A_567 = arith.constant 272 : index
        %get3A_568 = tpu.vector_load %arg13[%get3A_567] {strides = array<i32>} : memref<768xi32, #tpu.memory_space<vmem>>, vector<16xi32>,
        %get3A_569 = vector.shape_cast %get3A_568 : vector<16xi32> to vector<16xi32>
        %gt3A_570 = arith.constant 0 : i32
        %gt3A_571 = vector.broadcast %gt3A_570 : i32 to vector<16xi32>
        %gt3A_572 = arith.cmpi sgt, %get3A_569, %gt3A_571 : vector<16xi32>
        %jit3A_573 = arith.constant 504 : i32
        %broadcast_in_dim3A_574 = vector.broadcast %jit3A_573 : i32 to vector<16xi32>
        %select_n3A_575 = arith.select %gt3A_572, %get3A_569, %broadcast_in_dim3A_574 : vector<16xi1>, vector<16xi32>
        %swap3A_576 = arith.constant 272 : index
        %swap3A_577 = tpu.vector_load %arg13[%swap3A_576] {strides = array<i32>} : memref<768xi32, #tpu.memory_space<vmem>>, vector<16xi32>,
        %swap3A_578 = vector.shape_cast %swap3A_577 : vector<16xi32> to vector<16xi32>
        %swap3A_579 = vector.shape_cast %select_n3A_575 : vector<16xi32> to vector<16xi32>
        tpu.vector_store %arg13[%swap3A_576], %swap3A_579 {strides = array<i32>} : memref<768xi32, #tpu.memory_space<vmem>>, vector<16xi32>,
        %get3A_580 = arith.constant 288 : index
        %get3A_581 = tpu.vector_load %arg12[%get3A_580] {strides = array<i32>} : memref<768xi32, #tpu.memory_space<vmem>>, vector<16xi32>,
        %get3A_582 = vector.shape_cast %get3A_581 : vector<16xi32> to vector<16xi32>
        %gt3A_583 = arith.constant 0 : i32
        %gt3A_584 = vector.broadcast %gt3A_583 : i32 to vector<16xi32>
        %gt3A_585 = arith.cmpi sgt, %get3A_582, %gt3A_584 : vector<16xi32>
        %jit3A_586 = arith.constant 2008 : i32
        %broadcast_in_dim3A_587 = vector.broadcast %jit3A_586 : i32 to vector<16xi32>
        %select_n3A_588 = arith.select %gt3A_585, %get3A_582, %broadcast_in_dim3A_587 : vector<16xi1>, vector<16xi32>
        %swap3A_589 = arith.constant 288 : index
        %swap3A_590 = tpu.vector_load %arg12[%swap3A_589] {strides = array<i32>} : memref<768xi32, #tpu.memory_space<vmem>>, vector<16xi32>,
        %swap3A_591 = vector.shape_cast %swap3A_590 : vector<16xi32> to vector<16xi32>
        %swap3A_592 = vector.shape_cast %select_n3A_588 : vector<16xi32> to vector<16xi32>
        tpu.vector_store %arg12[%swap3A_589], %swap3A_592 {strides = array<i32>} : memref<768xi32, #tpu.memory_space<vmem>>, vector<16xi32>,
        %get3A_593 = arith.constant 288 : index
        %get3A_594 = tpu.vector_load %arg13[%get3A_593] {strides = array<i32>} : memref<768xi32, #tpu.memory_space<vmem>>, vector<16xi32>,
        %get3A_595 = vector.shape_cast %get3A_594 : vector<16xi32> to vector<16xi32>
        %gt3A_596 = arith.constant 0 : i32
        %gt3A_597 = vector.broadcast %gt3A_596 : i32 to vector<16xi32>
        %gt3A_598 = arith.cmpi sgt, %get3A_595, %gt3A_597 : vector<16xi32>
        %jit3A_599 = arith.constant 504 : i32
        %broadcast_in_dim3A_600 = vector.broadcast %jit3A_599 : i32 to vector<16xi32>
        %select_n3A_601 = arith.select %gt3A_598, %get3A_595, %broadcast_in_dim3A_600 : vector<16xi1>, vector<16xi32>
        %swap3A_602 = arith.constant 288 : index
        %swap3A_603 = tpu.vector_load %arg13[%swap3A_602] {strides = array<i32>} : memref<768xi32, #tpu.memory_space<vmem>>, vector<16xi32>,
        %swap3A_604 = vector.shape_cast %swap3A_603 : vector<16xi32> to vector<16xi32>
        %swap3A_605 = vector.shape_cast %select_n3A_601 : vector<16xi32> to vector<16xi32>
        tpu.vector_store %arg13[%swap3A_602], %swap3A_605 {strides = array<i32>} : memref<768xi32, #tpu.memory_space<vmem>>, vector<16xi32>,
        %get3A_606 = arith.constant 304 : index
        %get3A_607 = tpu.vector_load %arg12[%get3A_606] {strides = array<i32>} : memref<768xi32, #tpu.memory_space<vmem>>, vector<16xi32>,
        %get3A_608 = vector.shape_cast %get3A_607 : vector<16xi32> to vector<16xi32>
        %gt3A_609 = arith.constant 0 : i32
        %gt3A_610 = vector.broadcast %gt3A_609 : i32 to vector<16xi32>
        %gt3A_611 = arith.cmpi sgt, %get3A_608, %gt3A_610 : vector<16xi32>
        %jit3A_612 = arith.constant 2008 : i32
        %broadcast_in_dim3A_613 = vector.broadcast %jit3A_612 : i32 to vector<16xi32>
        %select_n3A_614 = arith.select %gt3A_611, %get3A_608, %broadcast_in_dim3A_613 : vector<16xi1>, vector<16xi32>
        %swap3A_615 = arith.constant 304 : index
        %swap3A_616 = tpu.vector_load %arg12[%swap3A_615] {strides = array<i32>} : memref<768xi32, #tpu.memory_space<vmem>>, vector<16xi32>,
        %swap3A_617 = vector.shape_cast %swap3A_616 : vector<16xi32> to vector<16xi32>
        %swap3A_618 = vector.shape_cast %select_n3A_614 : vector<16xi32> to vector<16xi32>
        tpu.vector_store %arg12[%swap3A_615], %swap3A_618 {strides = array<i32>} : memref<768xi32, #tpu.memory_space<vmem>>, vector<16xi32>,
        %get3A_619 = arith.constant 304 : index
        %get3A_620 = tpu.vector_load %arg13[%get3A_619] {strides = array<i32>} : memref<768xi32, #tpu.memory_space<vmem>>, vector<16xi32>,
        %get3A_621 = vector.shape_cast %get3A_620 : vector<16xi32> to vector<16xi32>
        %gt3A_622 = arith.constant 0 : i32
        %gt3A_623 = vector.broadcast %gt3A_622 : i32 to vector<16xi32>
        %gt3A_624 = arith.cmpi sgt, %get3A_621, %gt3A_623 : vector<16xi32>
        %jit3A_625 = arith.constant 504 : i32
        %broadcast_in_dim3A_626 = vector.broadcast %jit3A_625 : i32 to vector<16xi32>
        %select_n3A_627 = arith.select %gt3A_624, %get3A_621, %broadcast_in_dim3A_626 : vector<16xi1>, vector<16xi32>
        %swap3A_628 = arith.constant 304 : index
        %swap3A_629 = tpu.vector_load %arg13[%swap3A_628] {strides = array<i32>} : memref<768xi32, #tpu.memory_space<vmem>>, vector<16xi32>,
        %swap3A_630 = vector.shape_cast %swap3A_629 : vector<16xi32> to vector<16xi32>
        %swap3A_631 = vector.shape_cast %select_n3A_627 : vector<16xi32> to vector<16xi32>
        tpu.vector_store %arg13[%swap3A_628], %swap3A_631 {strides = array<i32>} : memref<768xi32, #tpu.memory_space<vmem>>, vector<16xi32>,
        %get3A_632 = arith.constant 320 : index
        %get3A_633 = tpu.vector_load %arg12[%get3A_632] {strides = array<i32>} : memref<768xi32, #tpu.memory_space<vmem>>, vector<16xi32>,
        %get3A_634 = vector.shape_cast %get3A_633 : vector<16xi32> to vector<16xi32>
        %gt3A_635 = arith.constant 0 : i32
        %gt3A_636 = vector.broadcast %gt3A_635 : i32 to vector<16xi32>
        %gt3A_637 = arith.cmpi sgt, %get3A_634, %gt3A_636 : vector<16xi32>
        %jit3A_638 = arith.constant 2008 : i32
        %broadcast_in_dim3A_639 = vector.broadcast %jit3A_638 : i32 to vector<16xi32>
        %select_n3A_640 = arith.select %gt3A_637, %get3A_634, %broadcast_in_dim3A_639 : vector<16xi1>, vector<16xi32>
        %swap3A_641 = arith.constant 320 : index
        %swap3A_642 = tpu.vector_load %arg12[%swap3A_641] {strides = array<i32>} : memref<768xi32, #tpu.memory_space<vmem>>, vector<16xi32>,
        %swap3A_643 = vector.shape_cast %swap3A_642 : vector<16xi32> to vector<16xi32>
        %swap3A_644 = vector.shape_cast %select_n3A_640 : vector<16xi32> to vector<16xi32>
        tpu.vector_store %arg12[%swap3A_641], %swap3A_644 {strides = array<i32>} : memref<768xi32, #tpu.memory_space<vmem>>, vector<16xi32>,
        %get3A_645 = arith.constant 320 : index
        %get3A_646 = tpu.vector_load %arg13[%get3A_645] {strides = array<i32>} : memref<768xi32, #tpu.memory_space<vmem>>, vector<16xi32>,
        %get3A_647 = vector.shape_cast %get3A_646 : vector<16xi32> to vector<16xi32>
        %gt3A_648 = arith.constant 0 : i32
        %gt3A_649 = vector.broadcast %gt3A_648 : i32 to vector<16xi32>
        %gt3A_650 = arith.cmpi sgt, %get3A_647, %gt3A_649 : vector<16xi32>
        %jit3A_651 = arith.constant 504 : i32
        %broadcast_in_dim3A_652 = vector.broadcast %jit3A_651 : i32 to vector<16xi32>
        %select_n3A_653 = arith.select %gt3A_650, %get3A_647, %broadcast_in_dim3A_652 : vector<16xi1>, vector<16xi32>
        %swap3A_654 = arith.constant 320 : index
        %swap3A_655 = tpu.vector_load %arg13[%swap3A_654] {strides = array<i32>} : memref<768xi32, #tpu.memory_space<vmem>>, vector<16xi32>,
        %swap3A_656 = vector.shape_cast %swap3A_655 : vector<16xi32> to vector<16xi32>
        %swap3A_657 = vector.shape_cast %select_n3A_653 : vector<16xi32> to vector<16xi32>
        tpu.vector_store %arg13[%swap3A_654], %swap3A_657 {strides = array<i32>} : memref<768xi32, #tpu.memory_space<vmem>>, vector<16xi32>,
        %get3A_658 = arith.constant 336 : index
        %get3A_659 = tpu.vector_load %arg12[%get3A_658] {strides = array<i32>} : memref<768xi32, #tpu.memory_space<vmem>>, vector<16xi32>,
        %get3A_660 = vector.shape_cast %get3A_659 : vector<16xi32> to vector<16xi32>
        %gt3A_661 = arith.constant 0 : i32
        %gt3A_662 = vector.broadcast %gt3A_661 : i32 to vector<16xi32>
        %gt3A_663 = arith.cmpi sgt, %get3A_660, %gt3A_662 : vector<16xi32>
        %jit3A_664 = arith.constant 2008 : i32
        %broadcast_in_dim3A_665 = vector.broadcast %jit3A_664 : i32 to vector<16xi32>
        %select_n3A_666 = arith.select %gt3A_663, %get3A_660, %broadcast_in_dim3A_665 : vector<16xi1>, vector<16xi32>
        %swap3A_667 = arith.constant 336 : index
        %swap3A_668 = tpu.vector_load %arg12[%swap3A_667] {strides = array<i32>} : memref<768xi32, #tpu.memory_space<vmem>>, vector<16xi32>,
        %swap3A_669 = vector.shape_cast %swap3A_668 : vector<16xi32> to vector<16xi32>
        %swap3A_670 = vector.shape_cast %select_n3A_666 : vector<16xi32> to vector<16xi32>
        tpu.vector_store %arg12[%swap3A_667], %swap3A_670 {strides = array<i32>} : memref<768xi32, #tpu.memory_space<vmem>>, vector<16xi32>,
        %get3A_671 = arith.constant 336 : index
        %get3A_672 = tpu.vector_load %arg13[%get3A_671] {strides = array<i32>} : memref<768xi32, #tpu.memory_space<vmem>>, vector<16xi32>,
        %get3A_673 = vector.shape_cast %get3A_672 : vector<16xi32> to vector<16xi32>
        %gt3A_674 = arith.constant 0 : i32
        %gt3A_675 = vector.broadcast %gt3A_674 : i32 to vector<16xi32>
        %gt3A_676 = arith.cmpi sgt, %get3A_673, %gt3A_675 : vector<16xi32>
        %jit3A_677 = arith.constant 504 : i32
        %broadcast_in_dim3A_678 = vector.broadcast %jit3A_677 : i32 to vector<16xi32>
        %select_n3A_679 = arith.select %gt3A_676, %get3A_673, %broadcast_in_dim3A_678 : vector<16xi1>, vector<16xi32>
        %swap3A_680 = arith.constant 336 : index
        %swap3A_681 = tpu.vector_load %arg13[%swap3A_680] {strides = array<i32>} : memref<768xi32, #tpu.memory_space<vmem>>, vector<16xi32>,
        %swap3A_682 = vector.shape_cast %swap3A_681 : vector<16xi32> to vector<16xi32>
        %swap3A_683 = vector.shape_cast %select_n3A_679 : vector<16xi32> to vector<16xi32>
        tpu.vector_store %arg13[%swap3A_680], %swap3A_683 {strides = array<i32>} : memref<768xi32, #tpu.memory_space<vmem>>, vector<16xi32>,
        %get3A_684 = arith.constant 352 : index
        %get3A_685 = tpu.vector_load %arg12[%get3A_684] {strides = array<i32>} : memref<768xi32, #tpu.memory_space<vmem>>, vector<16xi32>,
        %get3A_686 = vector.shape_cast %get3A_685 : vector<16xi32> to vector<16xi32>
        %gt3A_687 = arith.constant 0 : i32
        %gt3A_688 = vector.broadcast %gt3A_687 : i32 to vector<16xi32>
        %gt3A_689 = arith.cmpi sgt, %get3A_686, %gt3A_688 : vector<16xi32>
        %jit3A_690 = arith.constant 2008 : i32
        %broadcast_in_dim3A_691 = vector.broadcast %jit3A_690 : i32 to vector<16xi32>
        %select_n3A_692 = arith.select %gt3A_689, %get3A_686, %broadcast_in_dim3A_691 : vector<16xi1>, vector<16xi32>
        %swap3A_693 = arith.constant 352 : index
        %swap3A_694 = tpu.vector_load %arg12[%swap3A_693] {strides = array<i32>} : memref<768xi32, #tpu.memory_space<vmem>>, vector<16xi32>,
        %swap3A_695 = vector.shape_cast %swap3A_694 : vector<16xi32> to vector<16xi32>
        %swap3A_696 = vector.shape_cast %select_n3A_692 : vector<16xi32> to vector<16xi32>
        tpu.vector_store %arg12[%swap3A_693], %swap3A_696 {strides = array<i32>} : memref<768xi32, #tpu.memory_space<vmem>>, vector<16xi32>,
        %get3A_697 = arith.constant 352 : index
        %get3A_698 = tpu.vector_load %arg13[%get3A_697] {strides = array<i32>} : memref<768xi32, #tpu.memory_space<vmem>>, vector<16xi32>,
        %get3A_699 = vector.shape_cast %get3A_698 : vector<16xi32> to vector<16xi32>
        %gt3A_700 = arith.constant 0 : i32
        %gt3A_701 = vector.broadcast %gt3A_700 : i32 to vector<16xi32>
        %gt3A_702 = arith.cmpi sgt, %get3A_699, %gt3A_701 : vector<16xi32>
        %jit3A_703 = arith.constant 504 : i32
        %broadcast_in_dim3A_704 = vector.broadcast %jit3A_703 : i32 to vector<16xi32>
        %select_n3A_705 = arith.select %gt3A_702, %get3A_699, %broadcast_in_dim3A_704 : vector<16xi1>, vector<16xi32>
        %swap3A_706 = arith.constant 352 : index
        %swap3A_707 = tpu.vector_load %arg13[%swap3A_706] {strides = array<i32>} : memref<768xi32, #tpu.memory_space<vmem>>, vector<16xi32>,
        %swap3A_708 = vector.shape_cast %swap3A_707 : vector<16xi32> to vector<16xi32>
        %swap3A_709 = vector.shape_cast %select_n3A_705 : vector<16xi32> to vector<16xi32>
        tpu.vector_store %arg13[%swap3A_706], %swap3A_709 {strides = array<i32>} : memref<768xi32, #tpu.memory_space<vmem>>, vector<16xi32>,
        %get3A_710 = arith.constant 368 : index
        %get3A_711 = tpu.vector_load %arg12[%get3A_710] {strides = array<i32>} : memref<768xi32, #tpu.memory_space<vmem>>, vector<16xi32>,
        %get3A_712 = vector.shape_cast %get3A_711 : vector<16xi32> to vector<16xi32>
        %gt3A_713 = arith.constant 0 : i32
        %gt3A_714 = vector.broadcast %gt3A_713 : i32 to vector<16xi32>
        %gt3A_715 = arith.cmpi sgt, %get3A_712, %gt3A_714 : vector<16xi32>
        %jit3A_716 = arith.constant 2008 : i32
        %broadcast_in_dim3A_717 = vector.broadcast %jit3A_716 : i32 to vector<16xi32>
        %select_n3A_718 = arith.select %gt3A_715, %get3A_712, %broadcast_in_dim3A_717 : vector<16xi1>, vector<16xi32>
        %swap3A_719 = arith.constant 368 : index
        %swap3A_720 = tpu.vector_load %arg12[%swap3A_719] {strides = array<i32>} : memref<768xi32, #tpu.memory_space<vmem>>, vector<16xi32>,
        %swap3A_721 = vector.shape_cast %swap3A_720 : vector<16xi32> to vector<16xi32>
        %swap3A_722 = vector.shape_cast %select_n3A_718 : vector<16xi32> to vector<16xi32>
        tpu.vector_store %arg12[%swap3A_719], %swap3A_722 {strides = array<i32>} : memref<768xi32, #tpu.memory_space<vmem>>, vector<16xi32>,
        %get3A_723 = arith.constant 368 : index
        %get3A_724 = tpu.vector_load %arg13[%get3A_723] {strides = array<i32>} : memref<768xi32, #tpu.memory_space<vmem>>, vector<16xi32>,
        %get3A_725 = vector.shape_cast %get3A_724 : vector<16xi32> to vector<16xi32>
        %gt3A_726 = arith.constant 0 : i32
        %gt3A_727 = vector.broadcast %gt3A_726 : i32 to vector<16xi32>
        %gt3A_728 = arith.cmpi sgt, %get3A_725, %gt3A_727 : vector<16xi32>
        %jit3A_729 = arith.constant 504 : i32
        %broadcast_in_dim3A_730 = vector.broadcast %jit3A_729 : i32 to vector<16xi32>
        %select_n3A_731 = arith.select %gt3A_728, %get3A_725, %broadcast_in_dim3A_730 : vector<16xi1>, vector<16xi32>
        %swap3A_732 = arith.constant 368 : index
        %swap3A_733 = tpu.vector_load %arg13[%swap3A_732] {strides = array<i32>} : memref<768xi32, #tpu.memory_space<vmem>>, vector<16xi32>,
        %swap3A_734 = vector.shape_cast %swap3A_733 : vector<16xi32> to vector<16xi32>
        %swap3A_735 = vector.shape_cast %select_n3A_731 : vector<16xi32> to vector<16xi32>
        tpu.vector_store %arg13[%swap3A_732], %swap3A_735 {strides = array<i32>} : memref<768xi32, #tpu.memory_space<vmem>>, vector<16xi32>,
        %dma_start3A = arith.constant 2 : i32
        %dma_start3A_736 = arith.constant 256 : i32
        %dma_start3A_737 = arith.constant 0 : i32
        %dma_start3A_738 = tpu.memref_slice %arg14[%dma_start3A_736, %dma_start3A_737] : memref<768x128xf32, #tpu.memory_space<vmem>> -> memref<128x128xf32, #tpu.memory_space<vmem>>
        %dma_start3A_739 = arith.constant 256 : i32
        %dma_start3A_740 = tpu.memref_slice %arg11[%dma_start3A_739] : memref<768xi32, #tpu.memory_space<vmem>> -> memref<128xi32, #tpu.memory_space<vmem>>
        %dma_start3A_741 = arith.constant 0 : i32
        %dma_start3A_742 = arith.constant 0 : i32
        %dma_start3A_743 = tpu.memref_slice %arg6[%dma_start3A_741, %dma_start3A_742] : memref<5000x128xf32, #tpu.memory_space<hbm>> -> memref<5000x128xf32, #tpu.memory_space<hbm>>
        %dma_start3A_744 = tpu.memref_slice %arg19[%dma_start3A] : memref<6x!tpu.dma_semaphore, #tpu.memory_space<semaphore_mem>> -> memref<1x!tpu.dma_semaphore, #tpu.memory_space<semaphore_mem>>
        %dma_start3A_745 = tpu.memref_squeeze %dma_start3A_744 : memref<1x!tpu.dma_semaphore, #tpu.memory_space<semaphore_mem>> -> memref<!tpu.dma_semaphore, #tpu.memory_space<semaphore_mem>>
        tpu.enqueue_indirect_dma source(%dma_start3A_743 : memref<5000x128xf32, #tpu.memory_space<hbm>>) target(%dma_start3A_738 : memref<128x128xf32, #tpu.memory_space<vmem>>) offsets(%dma_start3A_740 : memref<128xi32, #tpu.memory_space<vmem>>) semaphore(%dma_start3A_745 : memref<!tpu.dma_semaphore, #tpu.memory_space<semaphore_mem>>)
      } else {
      }
      %sub3A_408 = arith.constant 3 : i32
      %sub3A_409 = arith.subi %add3A_377, %sub3A_408 : i32
      %ge3A_410 = arith.constant 0 : i32
      %ge3A_411 = arith.cmpi sge, %sub3A_409, %ge3A_410 : i32
      %lt3A_412 = arith.constant 50 : i32
      %lt3A_413 = arith.cmpi slt, %sub3A_409, %lt3A_412 : i32
      %and3A_414 = arith.andi %ge3A_411, %lt3A_413 : i1
      %convert_element_type3A_415 = arith.extui %and3A_414 : i1 to i32
      %cond3A_416 = arith.constant 0 : i32
      %cond3A_417 = arith.cmpi ne, %convert_element_type3A_415, %cond3A_416 : i32
      scf.if %cond3A_417 {
        %dma_wait3A_502 = arith.constant 1 : i32
        %dma_wait3A_503 = arith.constant 128 : i32
        %dma_wait3A_504 = arith.constant 0 : i32
        %dma_wait3A_505 = tpu.memref_slice %arg14[%dma_wait3A_503, %dma_wait3A_504] : memref<768x128xf32, #tpu.memory_space<vmem>> -> memref<128x128xf32, #tpu.memory_space<vmem>>
        %dma_wait3A_506 = arith.constant 128 : i32
        %dma_wait3A_507 = tpu.memref_slice %arg11[%dma_wait3A_506] : memref<768xi32, #tpu.memory_space<vmem>> -> memref<128xi32, #tpu.memory_space<vmem>>
        %dma_wait3A_508 = arith.constant 0 : i32
        %dma_wait3A_509 = arith.constant 0 : i32
        %dma_wait3A_510 = tpu.memref_slice %arg6[%dma_wait3A_508, %dma_wait3A_509] : memref<5000x128xf32, #tpu.memory_space<hbm>> -> memref<5000x128xf32, #tpu.memory_space<hbm>>
        %dma_wait3A_511 = tpu.memref_slice %arg19[%dma_wait3A_502] : memref<6x!tpu.dma_semaphore, #tpu.memory_space<semaphore_mem>> -> memref<1x!tpu.dma_semaphore, #tpu.memory_space<semaphore_mem>>
        %dma_wait3A_512 = tpu.memref_squeeze %dma_wait3A_511 : memref<1x!tpu.dma_semaphore, #tpu.memory_space<semaphore_mem>> -> memref<!tpu.dma_semaphore, #tpu.memory_space<semaphore_mem>>
        tpu.wait_indirect_dma semaphore(%dma_wait3A_512 : memref<!tpu.dma_semaphore, #tpu.memory_space<semaphore_mem>>) src(%dma_wait3A_510 : memref<5000x128xf32, #tpu.memory_space<hbm>>) dst(%dma_wait3A_505 : memref<128x128xf32, #tpu.memory_space<vmem>>)
        %dma_start3A = arith.constant 1 : i32
        %dma_start3A_513 = arith.constant 128 : i32
        %dma_start3A_514 = arith.constant 0 : i32
        %dma_start3A_515 = tpu.memref_slice %arg14[%dma_start3A_513, %dma_start3A_514] : memref<768x128xf32, #tpu.memory_space<vmem>> -> memref<128x128xf32, #tpu.memory_space<vmem>>
        %dma_start3A_516 = arith.constant 128 : i32
        %dma_start3A_517 = tpu.memref_slice %arg12[%dma_start3A_516] : memref<768xi32, #tpu.memory_space<vmem>> -> memref<128xi32, #tpu.memory_space<vmem>>
        %dma_start3A_518 = arith.constant 0 : i32
        %dma_start3A_519 = arith.constant 0 : i32
        %dma_start3A_520 = tpu.memref_slice %arg15[%dma_start3A_518, %dma_start3A_519] : memref<2016x128xf32, #tpu.memory_space<vmem_shared>> -> memref<2016x128xf32, #tpu.memory_space<vmem_shared>>
        %dma_start3A_521 = tpu.memref_slice %arg19[%dma_start3A] : memref<6x!tpu.dma_semaphore, #tpu.memory_space<semaphore_mem>> -> memref<1x!tpu.dma_semaphore, #tpu.memory_space<semaphore_mem>>
        %dma_start3A_522 = tpu.memref_squeeze %dma_start3A_521 : memref<1x!tpu.dma_semaphore, #tpu.memory_space<semaphore_mem>> -> memref<!tpu.dma_semaphore, #tpu.memory_space<semaphore_mem>>
        tpu.enqueue_indirect_dma source(%dma_start3A_520 : memref<2016x128xf32, #tpu.memory_space<vmem_shared>>) target(%dma_start3A_515 : memref<128x128xf32, #tpu.memory_space<vmem>>) offsets(%dma_start3A_517 : memref<128xi32, #tpu.memory_space<vmem>>) semaphore(%dma_start3A_522 : memref<!tpu.dma_semaphore, #tpu.memory_space<semaphore_mem>>) {add = true}
      } else {
      }
      %sub3A_418 = arith.constant 4 : i32
      %sub3A_419 = arith.subi %add3A_377, %sub3A_418 : i32
      %ge3A_420 = arith.constant 0 : i32
      %ge3A_421 = arith.cmpi sge, %sub3A_419, %ge3A_420 : i32
      %lt3A_422 = arith.constant 50 : i32
      %lt3A_423 = arith.cmpi slt, %sub3A_419, %lt3A_422 : i32
      %and3A_424 = arith.andi %ge3A_421, %lt3A_423 : i1
      %convert_element_type3A_425 = arith.extui %and3A_424 : i1 to i32
      %cond3A_426 = arith.constant 0 : i32
      %cond3A_427 = arith.cmpi ne, %convert_element_type3A_425, %cond3A_426 : i32
      scf.if %cond3A_427 {
        %dma_wait3A_502 = arith.constant 0 : i32
        %dma_wait3A_503 = arith.constant 0 : i32
        %dma_wait3A_504 = arith.constant 0 : i32
        %dma_wait3A_505 = tpu.memref_slice %arg14[%dma_wait3A_503, %dma_wait3A_504] : memref<768x128xf32, #tpu.memory_space<vmem>> -> memref<128x128xf32, #tpu.memory_space<vmem>>
        %dma_wait3A_506 = arith.constant 0 : i32
        %dma_wait3A_507 = tpu.memref_slice %arg12[%dma_wait3A_506] : memref<768xi32, #tpu.memory_space<vmem>> -> memref<128xi32, #tpu.memory_space<vmem>>
        %dma_wait3A_508 = arith.constant 0 : i32
        %dma_wait3A_509 = arith.constant 0 : i32
        %dma_wait3A_510 = tpu.memref_slice %arg15[%dma_wait3A_508, %dma_wait3A_509] : memref<2016x128xf32, #tpu.memory_space<vmem_shared>> -> memref<2016x128xf32, #tpu.memory_space<vmem_shared>>
        %dma_wait3A_511 = tpu.memref_slice %arg19[%dma_wait3A_502] : memref<6x!tpu.dma_semaphore, #tpu.memory_space<semaphore_mem>> -> memref<1x!tpu.dma_semaphore, #tpu.memory_space<semaphore_mem>>
        %dma_wait3A_512 = tpu.memref_squeeze %dma_wait3A_511 : memref<1x!tpu.dma_semaphore, #tpu.memory_space<semaphore_mem>> -> memref<!tpu.dma_semaphore, #tpu.memory_space<semaphore_mem>>
        tpu.wait_indirect_dma semaphore(%dma_wait3A_512 : memref<!tpu.dma_semaphore, #tpu.memory_space<semaphore_mem>>) src(%dma_wait3A_510 : memref<2016x128xf32, #tpu.memory_space<vmem_shared>>) dst(%dma_wait3A_505 : memref<128x128xf32, #tpu.memory_space<vmem>>)
        %dma_start3A = arith.constant 0 : i32
        %dma_start3A_513 = arith.constant 0 : i32
        %dma_start3A_514 = arith.constant 0 : i32
        %dma_start3A_515 = tpu.memref_slice %arg14[%dma_start3A_513, %dma_start3A_514] : memref<768x128xf32, #tpu.memory_space<vmem>> -> memref<128x128xf32, #tpu.memory_space<vmem>>
        %dma_start3A_516 = arith.constant 0 : i32
        %dma_start3A_517 = tpu.memref_slice %arg13[%dma_start3A_516] : memref<768xi32, #tpu.memory_space<vmem>> -> memref<128xi32, #tpu.memory_space<vmem>>
        %dma_start3A_518 = arith.constant 0 : i32
        %dma_start3A_519 = arith.constant 0 : i32
        %dma_start3A_520 = tpu.memref_slice %arg16[%dma_start3A_518, %dma_start3A_519] : memref<512x128xf32, #tpu.memory_space<vmem_shared>> -> memref<512x128xf32, #tpu.memory_space<vmem_shared>>
        %dma_start3A_521 = tpu.memref_slice %arg19[%dma_start3A] : memref<6x!tpu.dma_semaphore, #tpu.memory_space<semaphore_mem>> -> memref<1x!tpu.dma_semaphore, #tpu.memory_space<semaphore_mem>>
        %dma_start3A_522 = tpu.memref_squeeze %dma_start3A_521 : memref<1x!tpu.dma_semaphore, #tpu.memory_space<semaphore_mem>> -> memref<!tpu.dma_semaphore, #tpu.memory_space<semaphore_mem>>
        tpu.enqueue_indirect_dma source(%dma_start3A_520 : memref<512x128xf32, #tpu.memory_space<vmem_shared>>) target(%dma_start3A_515 : memref<128x128xf32, #tpu.memory_space<vmem>>) offsets(%dma_start3A_517 : memref<128xi32, #tpu.memory_space<vmem>>) semaphore(%dma_start3A_522 : memref<!tpu.dma_semaphore, #tpu.memory_space<semaphore_mem>>) {add = true}
      } else {
      }
      %sub3A_428 = arith.constant 5 : i32
      %sub3A_429 = arith.subi %add3A_377, %sub3A_428 : i32
      %ge3A_430 = arith.constant 0 : i32
      %ge3A_431 = arith.cmpi sge, %sub3A_429, %ge3A_430 : i32
      %lt3A_432 = arith.constant 50 : i32
      %lt3A_433 = arith.cmpi slt, %sub3A_429, %lt3A_432 : i32
      %and3A_434 = arith.andi %ge3A_431, %lt3A_433 : i1
      %convert_element_type3A_435 = arith.extui %and3A_434 : i1 to i32
      %cond3A_436 = arith.constant 0 : i32
      %cond3A_437 = arith.cmpi ne, %convert_element_type3A_435, %cond3A_436 : i32
      scf.if %cond3A_437 {
        %dma_wait3A_502 = arith.constant 5 : i32
        %dma_wait3A_503 = arith.constant 640 : i32
        %dma_wait3A_504 = arith.constant 0 : i32
        %dma_wait3A_505 = tpu.memref_slice %arg14[%dma_wait3A_503, %dma_wait3A_504] : memref<768x128xf32, #tpu.memory_space<vmem>> -> memref<128x128xf32, #tpu.memory_space<vmem>>
        %dma_wait3A_506 = arith.constant 640 : i32
        %dma_wait3A_507 = tpu.memref_slice %arg13[%dma_wait3A_506] : memref<768xi32, #tpu.memory_space<vmem>> -> memref<128xi32, #tpu.memory_space<vmem>>
        %dma_wait3A_508 = arith.constant 0 : i32
        %dma_wait3A_509 = arith.constant 0 : i32
        %dma_wait3A_510 = tpu.memref_slice %arg16[%dma_wait3A_508, %dma_wait3A_509] : memref<512x128xf32, #tpu.memory_space<vmem_shared>> -> memref<512x128xf32, #tpu.memory_space<vmem_shared>>
        %dma_wait3A_511 = tpu.memref_slice %arg19[%dma_wait3A_502] : memref<6x!tpu.dma_semaphore, #tpu.memory_space<semaphore_mem>> -> memref<1x!tpu.dma_semaphore, #tpu.memory_space<semaphore_mem>>
        %dma_wait3A_512 = tpu.memref_squeeze %dma_wait3A_511 : memref<1x!tpu.dma_semaphore, #tpu.memory_space<semaphore_mem>> -> memref<!tpu.dma_semaphore, #tpu.memory_space<semaphore_mem>>
        tpu.wait_indirect_dma semaphore(%dma_wait3A_512 : memref<!tpu.dma_semaphore, #tpu.memory_space<semaphore_mem>>) src(%dma_wait3A_510 : memref<512x128xf32, #tpu.memory_space<vmem_shared>>) dst(%dma_wait3A_505 : memref<128x128xf32, #tpu.memory_space<vmem>>)
        %mul3A_513 = arith.constant 128 : i32
        %mul3A_514 = arith.muli %sub3A_429, %mul3A_513 : i32
        %multiple_of3A_515 = tpu.assume_multiple %mul3A_514, 128 : i32
        %add3A_516 = arith.addi %multiple_of3A, %multiple_of3A_515 : i32
        %dma_start3A = arith.constant 5 : i32
        %dma_start3A_517 = arith.constant 640 : i32
        %dma_start3A_518 = arith.constant 0 : i32
        %dma_start3A_519 = tpu.memref_slice %arg14[%dma_start3A_517, %dma_start3A_518] : memref<768x128xf32, #tpu.memory_space<vmem>> -> memref<128x128xf32, #tpu.memory_space<vmem>>
        %dma_start3A_520 = arith.constant 0 : i32
        %dma_start3A_521 = tpu.memref_slice %arg9[%add3A_516, %dma_start3A_520] : memref<204800x128xf32, #tpu.memory_space<hbm>> -> memref<128x128xf32, #tpu.memory_space<hbm>>
        %dma_start3A_522 = tpu.memref_slice %arg20[%dma_start3A] : memref<6x!tpu.dma_semaphore, #tpu.memory_space<semaphore_mem>> -> memref<1x!tpu.dma_semaphore, #tpu.memory_space<semaphore_mem>>
        %dma_start3A_523 = tpu.memref_squeeze %dma_start3A_522 : memref<1x!tpu.dma_semaphore, #tpu.memory_space<semaphore_mem>> -> memref<!tpu.dma_semaphore, #tpu.memory_space<semaphore_mem>>
        %dma_start3A_524 = arith.constant 0 : i32
        %dma_start3A_525 = tpu.memref_slice %arg9[%add3A_516, %dma_start3A_524] : memref<204800x128xf32, #tpu.memory_space<hbm>> -> memref<128x128xf32, #tpu.memory_space<hbm>>
        %dma_start3A_526 = arith.constant 640 : i32
        %dma_start3A_527 = arith.constant 0 : i32
        %dma_start3A_528 = tpu.memref_slice %arg14[%dma_start3A_526, %dma_start3A_527] : memref<768x128xf32, #tpu.memory_space<vmem>> -> memref<128x128xf32, #tpu.memory_space<vmem>>
        tpu.enqueue_dma source(%dma_start3A_528 : memref<128x128xf32, #tpu.memory_space<vmem>>) target(%dma_start3A_525 : memref<128x128xf32, #tpu.memory_space<hbm>>) target_semaphore(%dma_start3A_523 : memref<!tpu.dma_semaphore, #tpu.memory_space<semaphore_mem>>)
      } else {
      }
      %mul3A_438 = arith.constant 6 : i32
      %mul3A_439 = arith.muli %scan3A_121, %mul3A_438 : i32
      %add3A_440 = arith.constant 5 : i32
      %add3A_441 = arith.addi %mul3A_439, %add3A_440 : i32
      %sub3A_442 = arith.constant 0 : i32
      %sub3A_443 = arith.subi %add3A_441, %sub3A_442 : i32
      %ge3A_444 = arith.constant 0 : i32
      %ge3A_445 = arith.cmpi sge, %sub3A_443, %ge3A_444 : i32
      %lt3A_446 = arith.constant 50 : i32
      %lt3A_447 = arith.cmpi slt, %sub3A_443, %lt3A_446 : i32
      %and3A_448 = arith.andi %ge3A_445, %lt3A_447 : i1
      %convert_element_type3A_449 = arith.extui %and3A_448 : i1 to i32
      %cond3A_450 = arith.constant 0 : i32
      %cond3A_451 = arith.cmpi ne, %convert_element_type3A_449, %cond3A_450 : i32
      scf.if %cond3A_451 {
        %mul3A_502 = arith.constant 128 : i32
        %mul3A_503 = arith.muli %sub3A_443, %mul3A_502 : i32
        %multiple_of3A_504 = tpu.assume_multiple %mul3A_503, 128 : i32
        %add3A_505 = arith.addi %multiple_of3A, %multiple_of3A_504 : i32
        %dma_start3A = arith.constant 5 : i32
        %dma_start3A_506 = arith.constant 640 : i32
        %dma_start3A_507 = tpu.memref_slice %arg10[%dma_start3A_506] : memref<768xi32, #tpu.memory_space<vmem>> -> memref<128xi32, #tpu.memory_space<vmem>>
        %dma_start3A_508 = tpu.memref_slice %arg2[%add3A_505] : memref<204800xi32, #tpu.memory_space<hbm>> -> memref<128xi32, #tpu.memory_space<hbm>>
        %dma_start3A_509 = tpu.memref_slice %arg17[%dma_start3A] : memref<6x!tpu.dma_semaphore, #tpu.memory_space<semaphore_mem>> -> memref<1x!tpu.dma_semaphore, #tpu.memory_space<semaphore_mem>>
        %dma_start3A_510 = tpu.memref_squeeze %dma_start3A_509 : memref<1x!tpu.dma_semaphore, #tpu.memory_space<semaphore_mem>> -> memref<!tpu.dma_semaphore, #tpu.memory_space<semaphore_mem>>
        %dma_start3A_511 = arith.constant 640 : i32
        %dma_start3A_512 = tpu.memref_slice %arg10[%dma_start3A_511] : memref<768xi32, #tpu.memory_space<vmem>> -> memref<128xi32, #tpu.memory_space<vmem>>
        %dma_start3A_513 = tpu.memref_slice %arg2[%add3A_505] : memref<204800xi32, #tpu.memory_space<hbm>> -> memref<128xi32, #tpu.memory_space<hbm>>
        tpu.enqueue_dma source(%dma_start3A_513 : memref<128xi32, #tpu.memory_space<hbm>>) target(%dma_start3A_512 : memref<128xi32, #tpu.memory_space<vmem>>) target_semaphore(%dma_start3A_510 : memref<!tpu.dma_semaphore, #tpu.memory_space<semaphore_mem>>)
      } else {
      }
      %sub3A_452 = arith.constant 1 : i32
      %sub3A_453 = arith.subi %add3A_441, %sub3A_452 : i32
      %ge3A_454 = arith.constant 0 : i32
      %ge3A_455 = arith.cmpi sge, %sub3A_453, %ge3A_454 : i32
      %lt3A_456 = arith.constant 50 : i32
      %lt3A_457 = arith.cmpi slt, %sub3A_453, %lt3A_456 : i32
      %and3A_458 = arith.andi %ge3A_455, %lt3A_457 : i1
      %convert_element_type3A_459 = arith.extui %and3A_458 : i1 to i32
      %cond3A_460 = arith.constant 0 : i32
      %cond3A_461 = arith.cmpi ne, %convert_element_type3A_459, %cond3A_460 : i32
      scf.if %cond3A_461 {
        %mul3A_502 = arith.constant 128 : i32
        %mul3A_503 = arith.muli %sub3A_453, %mul3A_502 : i32
        %multiple_of3A_504 = tpu.assume_multiple %mul3A_503, 128 : i32
        %add3A_505 = arith.addi %multiple_of3A, %multiple_of3A_504 : i32
        %dma_wait3A_506 = arith.constant 4 : i32
        %dma_wait3A_507 = arith.constant 512 : i32
        %dma_wait3A_508 = tpu.memref_slice %arg10[%dma_wait3A_507] : memref<768xi32, #tpu.memory_space<vmem>> -> memref<128xi32, #tpu.memory_space<vmem>>
        %dma_wait3A_509 = tpu.memref_slice %arg2[%add3A_505] : memref<204800xi32, #tpu.memory_space<hbm>> -> memref<128xi32, #tpu.memory_space<hbm>>
        %dma_wait3A_510 = tpu.memref_slice %arg17[%dma_wait3A_506] : memref<6x!tpu.dma_semaphore, #tpu.memory_space<semaphore_mem>> -> memref<1x!tpu.dma_semaphore, #tpu.memory_space<semaphore_mem>>
        %dma_wait3A_511 = tpu.memref_squeeze %dma_wait3A_510 : memref<1x!tpu.dma_semaphore, #tpu.memory_space<semaphore_mem>> -> memref<!tpu.dma_semaphore, #tpu.memory_space<semaphore_mem>>
        %dma_wait3A_512 = arith.constant 512 : i32
        %dma_wait3A_513 = tpu.memref_slice %arg10[%dma_wait3A_512] : memref<768xi32, #tpu.memory_space<vmem>> -> memref<128xi32, #tpu.memory_space<vmem>>
        %dma_wait3A_514 = tpu.memref_slice %arg2[%add3A_505] : memref<204800xi32, #tpu.memory_space<hbm>> -> memref<128xi32, #tpu.memory_space<hbm>>
        tpu.wait_dma2 semaphore(%dma_wait3A_511 : memref<!tpu.dma_semaphore, #tpu.memory_space<semaphore_mem>>) src(%dma_wait3A_514 : memref<128xi32, #tpu.memory_space<hbm>>) dst(%dma_wait3A_513 : memref<128xi32, #tpu.memory_space<vmem>>)
        %dma_start3A = arith.constant 4 : i32
        %dma_start3A_515 = arith.constant 512 : i32
        %dma_start3A_516 = tpu.memref_slice %arg11[%dma_start3A_515] : memref<768xi32, #tpu.memory_space<vmem>> -> memref<128xi32, #tpu.memory_space<vmem>>
        %dma_start3A_517 = arith.constant 512 : i32
        %dma_start3A_518 = tpu.memref_slice %arg10[%dma_start3A_517] : memref<768xi32, #tpu.memory_space<vmem>> -> memref<128xi32, #tpu.memory_space<vmem>>
        %dma_start3A_519 = arith.constant 0 : i32
        %dma_start3A_520 = tpu.memref_slice %arg3[%dma_start3A_519] : memref<100000xi32, #tpu.memory_space<hbm>> -> memref<100000xi32, #tpu.memory_space<hbm>>
        %dma_start3A_521 = tpu.memref_slice %arg18[%dma_start3A] : memref<6x!tpu.dma_semaphore, #tpu.memory_space<semaphore_mem>> -> memref<1x!tpu.dma_semaphore, #tpu.memory_space<semaphore_mem>>
        %dma_start3A_522 = tpu.memref_squeeze %dma_start3A_521 : memref<1x!tpu.dma_semaphore, #tpu.memory_space<semaphore_mem>> -> memref<!tpu.dma_semaphore, #tpu.memory_space<semaphore_mem>>
        tpu.enqueue_indirect_dma source(%dma_start3A_520 : memref<100000xi32, #tpu.memory_space<hbm>>) target(%dma_start3A_516 : memref<128xi32, #tpu.memory_space<vmem>>) offsets(%dma_start3A_518 : memref<128xi32, #tpu.memory_space<vmem>>) semaphore(%dma_start3A_522 : memref<!tpu.dma_semaphore, #tpu.memory_space<semaphore_mem>>)
        %dma_start3A_523 = arith.constant 4 : i32
        %dma_start3A_524 = arith.constant 512 : i32
        %dma_start3A_525 = tpu.memref_slice %arg12[%dma_start3A_524] : memref<768xi32, #tpu.memory_space<vmem>> -> memref<128xi32, #tpu.memory_space<vmem>>
        %dma_start3A_526 = arith.constant 512 : i32
        %dma_start3A_527 = tpu.memref_slice %arg10[%dma_start3A_526] : memref<768xi32, #tpu.memory_space<vmem>> -> memref<128xi32, #tpu.memory_space<vmem>>
        %dma_start3A_528 = arith.constant 0 : i32
        %dma_start3A_529 = tpu.memref_slice %arg4[%dma_start3A_528] : memref<100000xi32, #tpu.memory_space<hbm>> -> memref<100000xi32, #tpu.memory_space<hbm>>
        %dma_start3A_530 = tpu.memref_slice %arg18[%dma_start3A_523] : memref<6x!tpu.dma_semaphore, #tpu.memory_space<semaphore_mem>> -> memref<1x!tpu.dma_semaphore, #tpu.memory_space<semaphore_mem>>
        %dma_start3A_531 = tpu.memref_squeeze %dma_start3A_530 : memref<1x!tpu.dma_semaphore, #tpu.memory_space<semaphore_mem>> -> memref<!tpu.dma_semaphore, #tpu.memory_space<semaphore_mem>>
        tpu.enqueue_indirect_dma source(%dma_start3A_529 : memref<100000xi32, #tpu.memory_space<hbm>>) target(%dma_start3A_525 : memref<128xi32, #tpu.memory_space<vmem>>) offsets(%dma_start3A_527 : memref<128xi32, #tpu.memory_space<vmem>>) semaphore(%dma_start3A_531 : memref<!tpu.dma_semaphore, #tpu.memory_space<semaphore_mem>>)
        %dma_start3A_532 = arith.constant 4 : i32
        %dma_start3A_533 = arith.constant 512 : i32
        %dma_start3A_534 = tpu.memref_slice %arg13[%dma_start3A_533] : memref<768xi32, #tpu.memory_space<vmem>> -> memref<128xi32, #tpu.memory_space<vmem>>
        %dma_start3A_535 = arith.constant 512 : i32
        %dma_start3A_536 = tpu.memref_slice %arg10[%dma_start3A_535] : memref<768xi32, #tpu.memory_space<vmem>> -> memref<128xi32, #tpu.memory_space<vmem>>
        %dma_start3A_537 = arith.constant 0 : i32
        %dma_start3A_538 = tpu.memref_slice %arg5[%dma_start3A_537] : memref<100000xi32, #tpu.memory_space<hbm>> -> memref<100000xi32, #tpu.memory_space<hbm>>
        %dma_start3A_539 = tpu.memref_slice %arg18[%dma_start3A_532] : memref<6x!tpu.dma_semaphore, #tpu.memory_space<semaphore_mem>> -> memref<1x!tpu.dma_semaphore, #tpu.memory_space<semaphore_mem>>
        %dma_start3A_540 = tpu.memref_squeeze %dma_start3A_539 : memref<1x!tpu.dma_semaphore, #tpu.memory_space<semaphore_mem>> -> memref<!tpu.dma_semaphore, #tpu.memory_space<semaphore_mem>>
        tpu.enqueue_indirect_dma source(%dma_start3A_538 : memref<100000xi32, #tpu.memory_space<hbm>>) target(%dma_start3A_534 : memref<128xi32, #tpu.memory_space<vmem>>) offsets(%dma_start3A_536 : memref<128xi32, #tpu.memory_space<vmem>>) semaphore(%dma_start3A_540 : memref<!tpu.dma_semaphore, #tpu.memory_space<semaphore_mem>>)
      } else {
      }
      %sub3A_462 = arith.constant 2 : i32
      %sub3A_463 = arith.subi %add3A_441, %sub3A_462 : i32
      %ge3A_464 = arith.constant 0 : i32
      %ge3A_465 = arith.cmpi sge, %sub3A_463, %ge3A_464 : i32
      %lt3A_466 = arith.constant 50 : i32
      %lt3A_467 = arith.cmpi slt, %sub3A_463, %lt3A_466 : i32
      %and3A_468 = arith.andi %ge3A_465, %lt3A_467 : i1
      %convert_element_type3A_469 = arith.extui %and3A_468 : i1 to i32
      %cond3A_470 = arith.constant 0 : i32
      %cond3A_471 = arith.cmpi ne, %convert_element_type3A_469, %cond3A_470 : i32
      scf.if %cond3A_471 {
        %ge3A_502 = arith.constant 6 : i32
        %ge3A_503 = arith.cmpi sge, %sub3A_463, %ge3A_502 : i32
        %convert_element_type3A_504 = arith.extui %ge3A_503 : i1 to i32
        %cond3A_505 = arith.constant 0 : i32
        %cond3A_506 = arith.cmpi ne, %convert_element_type3A_504, %cond3A_505 : i32
        scf.if %cond3A_506 {
          %sub3A_746 = arith.constant 6 : i32
          %sub3A_747 = arith.subi %sub3A_463, %sub3A_746 : i32
          %mul3A_748 = arith.constant 128 : i32
          %mul3A_749 = arith.muli %sub3A_747, %mul3A_748 : i32
          %multiple_of3A_750 = tpu.assume_multiple %mul3A_749, 128 : i32
          %add3A_751 = arith.addi %multiple_of3A, %multiple_of3A_750 : i32
          %dma_wait3A_752 = arith.constant 3 : i32
          %dma_wait3A_753 = arith.constant 384 : i32
          %dma_wait3A_754 = arith.constant 0 : i32
          %dma_wait3A_755 = tpu.memref_slice %arg14[%dma_wait3A_753, %dma_wait3A_754] : memref<768x128xf32, #tpu.memory_space<vmem>> -> memref<128x128xf32, #tpu.memory_space<vmem>>
          %dma_wait3A_756 = arith.constant 0 : i32
          %dma_wait3A_757 = tpu.memref_slice %arg9[%add3A_751, %dma_wait3A_756] : memref<204800x128xf32, #tpu.memory_space<hbm>> -> memref<128x128xf32, #tpu.memory_space<hbm>>
          %dma_wait3A_758 = tpu.memref_slice %arg20[%dma_wait3A_752] : memref<6x!tpu.dma_semaphore, #tpu.memory_space<semaphore_mem>> -> memref<1x!tpu.dma_semaphore, #tpu.memory_space<semaphore_mem>>
          %dma_wait3A_759 = tpu.memref_squeeze %dma_wait3A_758 : memref<1x!tpu.dma_semaphore, #tpu.memory_space<semaphore_mem>> -> memref<!tpu.dma_semaphore, #tpu.memory_space<semaphore_mem>>
          %dma_wait3A_760 = arith.constant 0 : i32
          %dma_wait3A_761 = tpu.memref_slice %arg9[%add3A_751, %dma_wait3A_760] : memref<204800x128xf32, #tpu.memory_space<hbm>> -> memref<128x128xf32, #tpu.memory_space<hbm>>
          %dma_wait3A_762 = arith.constant 384 : i32
          %dma_wait3A_763 = arith.constant 0 : i32
          %dma_wait3A_764 = tpu.memref_slice %arg14[%dma_wait3A_762, %dma_wait3A_763] : memref<768x128xf32, #tpu.memory_space<vmem>> -> memref<128x128xf32, #tpu.memory_space<vmem>>
          tpu.wait_dma2 semaphore(%dma_wait3A_759 : memref<!tpu.dma_semaphore, #tpu.memory_space<semaphore_mem>>) src(%dma_wait3A_764 : memref<128x128xf32, #tpu.memory_space<vmem>>) dst(%dma_wait3A_761 : memref<128x128xf32, #tpu.memory_space<hbm>>)
        } else {
        }
        %dma_wait3A_507 = arith.constant 3 : i32
        %dma_wait3A_508 = arith.constant 384 : i32
        %dma_wait3A_509 = tpu.memref_slice %arg11[%dma_wait3A_508] : memref<768xi32, #tpu.memory_space<vmem>> -> memref<128xi32, #tpu.memory_space<vmem>>
        %dma_wait3A_510 = arith.constant 384 : i32
        %dma_wait3A_511 = tpu.memref_slice %arg10[%dma_wait3A_510] : memref<768xi32, #tpu.memory_space<vmem>> -> memref<128xi32, #tpu.memory_space<vmem>>
        %dma_wait3A_512 = arith.constant 0 : i32
        %dma_wait3A_513 = tpu.memref_slice %arg3[%dma_wait3A_512] : memref<100000xi32, #tpu.memory_space<hbm>> -> memref<100000xi32, #tpu.memory_space<hbm>>
        %dma_wait3A_514 = tpu.memref_slice %arg18[%dma_wait3A_507] : memref<6x!tpu.dma_semaphore, #tpu.memory_space<semaphore_mem>> -> memref<1x!tpu.dma_semaphore, #tpu.memory_space<semaphore_mem>>
        %dma_wait3A_515 = tpu.memref_squeeze %dma_wait3A_514 : memref<1x!tpu.dma_semaphore, #tpu.memory_space<semaphore_mem>> -> memref<!tpu.dma_semaphore, #tpu.memory_space<semaphore_mem>>
        tpu.wait_indirect_dma semaphore(%dma_wait3A_515 : memref<!tpu.dma_semaphore, #tpu.memory_space<semaphore_mem>>) src(%dma_wait3A_513 : memref<100000xi32, #tpu.memory_space<hbm>>) dst(%dma_wait3A_509 : memref<128xi32, #tpu.memory_space<vmem>>)
        %dma_wait3A_516 = arith.constant 3 : i32
        %dma_wait3A_517 = arith.constant 384 : i32
        %dma_wait3A_518 = tpu.memref_slice %arg12[%dma_wait3A_517] : memref<768xi32, #tpu.memory_space<vmem>> -> memref<128xi32, #tpu.memory_space<vmem>>
        %dma_wait3A_519 = arith.constant 384 : i32
        %dma_wait3A_520 = tpu.memref_slice %arg10[%dma_wait3A_519] : memref<768xi32, #tpu.memory_space<vmem>> -> memref<128xi32, #tpu.memory_space<vmem>>
        %dma_wait3A_521 = arith.constant 0 : i32
        %dma_wait3A_522 = tpu.memref_slice %arg4[%dma_wait3A_521] : memref<100000xi32, #tpu.memory_space<hbm>> -> memref<100000xi32, #tpu.memory_space<hbm>>
        %dma_wait3A_523 = tpu.memref_slice %arg18[%dma_wait3A_516] : memref<6x!tpu.dma_semaphore, #tpu.memory_space<semaphore_mem>> -> memref<1x!tpu.dma_semaphore, #tpu.memory_space<semaphore_mem>>
        %dma_wait3A_524 = tpu.memref_squeeze %dma_wait3A_523 : memref<1x!tpu.dma_semaphore, #tpu.memory_space<semaphore_mem>> -> memref<!tpu.dma_semaphore, #tpu.memory_space<semaphore_mem>>
        tpu.wait_indirect_dma semaphore(%dma_wait3A_524 : memref<!tpu.dma_semaphore, #tpu.memory_space<semaphore_mem>>) src(%dma_wait3A_522 : memref<100000xi32, #tpu.memory_space<hbm>>) dst(%dma_wait3A_518 : memref<128xi32, #tpu.memory_space<vmem>>)
        %dma_wait3A_525 = arith.constant 3 : i32
        %dma_wait3A_526 = arith.constant 384 : i32
        %dma_wait3A_527 = tpu.memref_slice %arg13[%dma_wait3A_526] : memref<768xi32, #tpu.memory_space<vmem>> -> memref<128xi32, #tpu.memory_space<vmem>>
        %dma_wait3A_528 = arith.constant 384 : i32
        %dma_wait3A_529 = tpu.memref_slice %arg10[%dma_wait3A_528] : memref<768xi32, #tpu.memory_space<vmem>> -> memref<128xi32, #tpu.memory_space<vmem>>
        %dma_wait3A_530 = arith.constant 0 : i32
        %dma_wait3A_531 = tpu.memref_slice %arg5[%dma_wait3A_530] : memref<100000xi32, #tpu.memory_space<hbm>> -> memref<100000xi32, #tpu.memory_space<hbm>>
        %dma_wait3A_532 = tpu.memref_slice %arg18[%dma_wait3A_525] : memref<6x!tpu.dma_semaphore, #tpu.memory_space<semaphore_mem>> -> memref<1x!tpu.dma_semaphore, #tpu.memory_space<semaphore_mem>>
        %dma_wait3A_533 = tpu.memref_squeeze %dma_wait3A_532 : memref<1x!tpu.dma_semaphore, #tpu.memory_space<semaphore_mem>> -> memref<!tpu.dma_semaphore, #tpu.memory_space<semaphore_mem>>
        tpu.wait_indirect_dma semaphore(%dma_wait3A_533 : memref<!tpu.dma_semaphore, #tpu.memory_space<semaphore_mem>>) src(%dma_wait3A_531 : memref<100000xi32, #tpu.memory_space<hbm>>) dst(%dma_wait3A_527 : memref<128xi32, #tpu.memory_space<vmem>>)
        %get3A = arith.constant 384 : index
        %get3A_534 = tpu.vector_load %arg12[%get3A] {strides = array<i32>} : memref<768xi32, #tpu.memory_space<vmem>>, vector<16xi32>,
        %get3A_535 = vector.shape_cast %get3A_534 : vector<16xi32> to vector<16xi32>
        %gt3A = arith.constant 0 : i32
        %gt3A_536 = vector.broadcast %gt3A : i32 to vector<16xi32>
        %gt3A_537 = arith.cmpi sgt, %get3A_535, %gt3A_536 : vector<16xi32>
        %jit3A = arith.constant 2008 : i32
        %broadcast_in_dim3A = vector.broadcast %jit3A : i32 to vector<16xi32>
        %select_n3A = arith.select %gt3A_537, %get3A_535, %broadcast_in_dim3A : vector<16xi1>, vector<16xi32>
        %swap3A = arith.constant 384 : index
        %swap3A_538 = tpu.vector_load %arg12[%swap3A] {strides = array<i32>} : memref<768xi32, #tpu.memory_space<vmem>>, vector<16xi32>,
        %swap3A_539 = vector.shape_cast %swap3A_538 : vector<16xi32> to vector<16xi32>
        %swap3A_540 = vector.shape_cast %select_n3A : vector<16xi32> to vector<16xi32>
        tpu.vector_store %arg12[%swap3A], %swap3A_540 {strides = array<i32>} : memref<768xi32, #tpu.memory_space<vmem>>, vector<16xi32>,
        %get3A_541 = arith.constant 384 : index
        %get3A_542 = tpu.vector_load %arg13[%get3A_541] {strides = array<i32>} : memref<768xi32, #tpu.memory_space<vmem>>, vector<16xi32>,
        %get3A_543 = vector.shape_cast %get3A_542 : vector<16xi32> to vector<16xi32>
        %gt3A_544 = arith.constant 0 : i32
        %gt3A_545 = vector.broadcast %gt3A_544 : i32 to vector<16xi32>
        %gt3A_546 = arith.cmpi sgt, %get3A_543, %gt3A_545 : vector<16xi32>
        %jit3A_547 = arith.constant 504 : i32
        %broadcast_in_dim3A_548 = vector.broadcast %jit3A_547 : i32 to vector<16xi32>
        %select_n3A_549 = arith.select %gt3A_546, %get3A_543, %broadcast_in_dim3A_548 : vector<16xi1>, vector<16xi32>
        %swap3A_550 = arith.constant 384 : index
        %swap3A_551 = tpu.vector_load %arg13[%swap3A_550] {strides = array<i32>} : memref<768xi32, #tpu.memory_space<vmem>>, vector<16xi32>,
        %swap3A_552 = vector.shape_cast %swap3A_551 : vector<16xi32> to vector<16xi32>
        %swap3A_553 = vector.shape_cast %select_n3A_549 : vector<16xi32> to vector<16xi32>
        tpu.vector_store %arg13[%swap3A_550], %swap3A_553 {strides = array<i32>} : memref<768xi32, #tpu.memory_space<vmem>>, vector<16xi32>,
        %get3A_554 = arith.constant 400 : index
        %get3A_555 = tpu.vector_load %arg12[%get3A_554] {strides = array<i32>} : memref<768xi32, #tpu.memory_space<vmem>>, vector<16xi32>,
        %get3A_556 = vector.shape_cast %get3A_555 : vector<16xi32> to vector<16xi32>
        %gt3A_557 = arith.constant 0 : i32
        %gt3A_558 = vector.broadcast %gt3A_557 : i32 to vector<16xi32>
        %gt3A_559 = arith.cmpi sgt, %get3A_556, %gt3A_558 : vector<16xi32>
        %jit3A_560 = arith.constant 2008 : i32
        %broadcast_in_dim3A_561 = vector.broadcast %jit3A_560 : i32 to vector<16xi32>
        %select_n3A_562 = arith.select %gt3A_559, %get3A_556, %broadcast_in_dim3A_561 : vector<16xi1>, vector<16xi32>
        %swap3A_563 = arith.constant 400 : index
        %swap3A_564 = tpu.vector_load %arg12[%swap3A_563] {strides = array<i32>} : memref<768xi32, #tpu.memory_space<vmem>>, vector<16xi32>,
        %swap3A_565 = vector.shape_cast %swap3A_564 : vector<16xi32> to vector<16xi32>
        %swap3A_566 = vector.shape_cast %select_n3A_562 : vector<16xi32> to vector<16xi32>
        tpu.vector_store %arg12[%swap3A_563], %swap3A_566 {strides = array<i32>} : memref<768xi32, #tpu.memory_space<vmem>>, vector<16xi32>,
        %get3A_567 = arith.constant 400 : index
        %get3A_568 = tpu.vector_load %arg13[%get3A_567] {strides = array<i32>} : memref<768xi32, #tpu.memory_space<vmem>>, vector<16xi32>,
        %get3A_569 = vector.shape_cast %get3A_568 : vector<16xi32> to vector<16xi32>
        %gt3A_570 = arith.constant 0 : i32
        %gt3A_571 = vector.broadcast %gt3A_570 : i32 to vector<16xi32>
        %gt3A_572 = arith.cmpi sgt, %get3A_569, %gt3A_571 : vector<16xi32>
        %jit3A_573 = arith.constant 504 : i32
        %broadcast_in_dim3A_574 = vector.broadcast %jit3A_573 : i32 to vector<16xi32>
        %select_n3A_575 = arith.select %gt3A_572, %get3A_569, %broadcast_in_dim3A_574 : vector<16xi1>, vector<16xi32>
        %swap3A_576 = arith.constant 400 : index
        %swap3A_577 = tpu.vector_load %arg13[%swap3A_576] {strides = array<i32>} : memref<768xi32, #tpu.memory_space<vmem>>, vector<16xi32>,
        %swap3A_578 = vector.shape_cast %swap3A_577 : vector<16xi32> to vector<16xi32>
        %swap3A_579 = vector.shape_cast %select_n3A_575 : vector<16xi32> to vector<16xi32>
        tpu.vector_store %arg13[%swap3A_576], %swap3A_579 {strides = array<i32>} : memref<768xi32, #tpu.memory_space<vmem>>, vector<16xi32>,
        %get3A_580 = arith.constant 416 : index
        %get3A_581 = tpu.vector_load %arg12[%get3A_580] {strides = array<i32>} : memref<768xi32, #tpu.memory_space<vmem>>, vector<16xi32>,
        %get3A_582 = vector.shape_cast %get3A_581 : vector<16xi32> to vector<16xi32>
        %gt3A_583 = arith.constant 0 : i32
        %gt3A_584 = vector.broadcast %gt3A_583 : i32 to vector<16xi32>
        %gt3A_585 = arith.cmpi sgt, %get3A_582, %gt3A_584 : vector<16xi32>
        %jit3A_586 = arith.constant 2008 : i32
        %broadcast_in_dim3A_587 = vector.broadcast %jit3A_586 : i32 to vector<16xi32>
        %select_n3A_588 = arith.select %gt3A_585, %get3A_582, %broadcast_in_dim3A_587 : vector<16xi1>, vector<16xi32>
        %swap3A_589 = arith.constant 416 : index
        %swap3A_590 = tpu.vector_load %arg12[%swap3A_589] {strides = array<i32>} : memref<768xi32, #tpu.memory_space<vmem>>, vector<16xi32>,
        %swap3A_591 = vector.shape_cast %swap3A_590 : vector<16xi32> to vector<16xi32>
        %swap3A_592 = vector.shape_cast %select_n3A_588 : vector<16xi32> to vector<16xi32>
        tpu.vector_store %arg12[%swap3A_589], %swap3A_592 {strides = array<i32>} : memref<768xi32, #tpu.memory_space<vmem>>, vector<16xi32>,
        %get3A_593 = arith.constant 416 : index
        %get3A_594 = tpu.vector_load %arg13[%get3A_593] {strides = array<i32>} : memref<768xi32, #tpu.memory_space<vmem>>, vector<16xi32>,
        %get3A_595 = vector.shape_cast %get3A_594 : vector<16xi32> to vector<16xi32>
        %gt3A_596 = arith.constant 0 : i32
        %gt3A_597 = vector.broadcast %gt3A_596 : i32 to vector<16xi32>
        %gt3A_598 = arith.cmpi sgt, %get3A_595, %gt3A_597 : vector<16xi32>
        %jit3A_599 = arith.constant 504 : i32
        %broadcast_in_dim3A_600 = vector.broadcast %jit3A_599 : i32 to vector<16xi32>
        %select_n3A_601 = arith.select %gt3A_598, %get3A_595, %broadcast_in_dim3A_600 : vector<16xi1>, vector<16xi32>
        %swap3A_602 = arith.constant 416 : index
        %swap3A_603 = tpu.vector_load %arg13[%swap3A_602] {strides = array<i32>} : memref<768xi32, #tpu.memory_space<vmem>>, vector<16xi32>,
        %swap3A_604 = vector.shape_cast %swap3A_603 : vector<16xi32> to vector<16xi32>
        %swap3A_605 = vector.shape_cast %select_n3A_601 : vector<16xi32> to vector<16xi32>
        tpu.vector_store %arg13[%swap3A_602], %swap3A_605 {strides = array<i32>} : memref<768xi32, #tpu.memory_space<vmem>>, vector<16xi32>,
        %get3A_606 = arith.constant 432 : index
        %get3A_607 = tpu.vector_load %arg12[%get3A_606] {strides = array<i32>} : memref<768xi32, #tpu.memory_space<vmem>>, vector<16xi32>,
        %get3A_608 = vector.shape_cast %get3A_607 : vector<16xi32> to vector<16xi32>
        %gt3A_609 = arith.constant 0 : i32
        %gt3A_610 = vector.broadcast %gt3A_609 : i32 to vector<16xi32>
        %gt3A_611 = arith.cmpi sgt, %get3A_608, %gt3A_610 : vector<16xi32>
        %jit3A_612 = arith.constant 2008 : i32
        %broadcast_in_dim3A_613 = vector.broadcast %jit3A_612 : i32 to vector<16xi32>
        %select_n3A_614 = arith.select %gt3A_611, %get3A_608, %broadcast_in_dim3A_613 : vector<16xi1>, vector<16xi32>
        %swap3A_615 = arith.constant 432 : index
        %swap3A_616 = tpu.vector_load %arg12[%swap3A_615] {strides = array<i32>} : memref<768xi32, #tpu.memory_space<vmem>>, vector<16xi32>,
        %swap3A_617 = vector.shape_cast %swap3A_616 : vector<16xi32> to vector<16xi32>
        %swap3A_618 = vector.shape_cast %select_n3A_614 : vector<16xi32> to vector<16xi32>
        tpu.vector_store %arg12[%swap3A_615], %swap3A_618 {strides = array<i32>} : memref<768xi32, #tpu.memory_space<vmem>>, vector<16xi32>,
        %get3A_619 = arith.constant 432 : index
        %get3A_620 = tpu.vector_load %arg13[%get3A_619] {strides = array<i32>} : memref<768xi32, #tpu.memory_space<vmem>>, vector<16xi32>,
        %get3A_621 = vector.shape_cast %get3A_620 : vector<16xi32> to vector<16xi32>
        %gt3A_622 = arith.constant 0 : i32
        %gt3A_623 = vector.broadcast %gt3A_622 : i32 to vector<16xi32>
        %gt3A_624 = arith.cmpi sgt, %get3A_621, %gt3A_623 : vector<16xi32>
        %jit3A_625 = arith.constant 504 : i32
        %broadcast_in_dim3A_626 = vector.broadcast %jit3A_625 : i32 to vector<16xi32>
        %select_n3A_627 = arith.select %gt3A_624, %get3A_621, %broadcast_in_dim3A_626 : vector<16xi1>, vector<16xi32>
        %swap3A_628 = arith.constant 432 : index
        %swap3A_629 = tpu.vector_load %arg13[%swap3A_628] {strides = array<i32>} : memref<768xi32, #tpu.memory_space<vmem>>, vector<16xi32>,
        %swap3A_630 = vector.shape_cast %swap3A_629 : vector<16xi32> to vector<16xi32>
        %swap3A_631 = vector.shape_cast %select_n3A_627 : vector<16xi32> to vector<16xi32>
        tpu.vector_store %arg13[%swap3A_628], %swap3A_631 {strides = array<i32>} : memref<768xi32, #tpu.memory_space<vmem>>, vector<16xi32>,
        %get3A_632 = arith.constant 448 : index
        %get3A_633 = tpu.vector_load %arg12[%get3A_632] {strides = array<i32>} : memref<768xi32, #tpu.memory_space<vmem>>, vector<16xi32>,
        %get3A_634 = vector.shape_cast %get3A_633 : vector<16xi32> to vector<16xi32>
        %gt3A_635 = arith.constant 0 : i32
        %gt3A_636 = vector.broadcast %gt3A_635 : i32 to vector<16xi32>
        %gt3A_637 = arith.cmpi sgt, %get3A_634, %gt3A_636 : vector<16xi32>
        %jit3A_638 = arith.constant 2008 : i32
        %broadcast_in_dim3A_639 = vector.broadcast %jit3A_638 : i32 to vector<16xi32>
        %select_n3A_640 = arith.select %gt3A_637, %get3A_634, %broadcast_in_dim3A_639 : vector<16xi1>, vector<16xi32>
        %swap3A_641 = arith.constant 448 : index
        %swap3A_642 = tpu.vector_load %arg12[%swap3A_641] {strides = array<i32>} : memref<768xi32, #tpu.memory_space<vmem>>, vector<16xi32>,
        %swap3A_643 = vector.shape_cast %swap3A_642 : vector<16xi32> to vector<16xi32>
        %swap3A_644 = vector.shape_cast %select_n3A_640 : vector<16xi32> to vector<16xi32>
        tpu.vector_store %arg12[%swap3A_641], %swap3A_644 {strides = array<i32>} : memref<768xi32, #tpu.memory_space<vmem>>, vector<16xi32>,
        %get3A_645 = arith.constant 448 : index
        %get3A_646 = tpu.vector_load %arg13[%get3A_645] {strides = array<i32>} : memref<768xi32, #tpu.memory_space<vmem>>, vector<16xi32>,
        %get3A_647 = vector.shape_cast %get3A_646 : vector<16xi32> to vector<16xi32>
        %gt3A_648 = arith.constant 0 : i32
        %gt3A_649 = vector.broadcast %gt3A_648 : i32 to vector<16xi32>
        %gt3A_650 = arith.cmpi sgt, %get3A_647, %gt3A_649 : vector<16xi32>
        %jit3A_651 = arith.constant 504 : i32
        %broadcast_in_dim3A_652 = vector.broadcast %jit3A_651 : i32 to vector<16xi32>
        %select_n3A_653 = arith.select %gt3A_650, %get3A_647, %broadcast_in_dim3A_652 : vector<16xi1>, vector<16xi32>
        %swap3A_654 = arith.constant 448 : index
        %swap3A_655 = tpu.vector_load %arg13[%swap3A_654] {strides = array<i32>} : memref<768xi32, #tpu.memory_space<vmem>>, vector<16xi32>,
        %swap3A_656 = vector.shape_cast %swap3A_655 : vector<16xi32> to vector<16xi32>
        %swap3A_657 = vector.shape_cast %select_n3A_653 : vector<16xi32> to vector<16xi32>
        tpu.vector_store %arg13[%swap3A_654], %swap3A_657 {strides = array<i32>} : memref<768xi32, #tpu.memory_space<vmem>>, vector<16xi32>,
        %get3A_658 = arith.constant 464 : index
        %get3A_659 = tpu.vector_load %arg12[%get3A_658] {strides = array<i32>} : memref<768xi32, #tpu.memory_space<vmem>>, vector<16xi32>,
        %get3A_660 = vector.shape_cast %get3A_659 : vector<16xi32> to vector<16xi32>
        %gt3A_661 = arith.constant 0 : i32
        %gt3A_662 = vector.broadcast %gt3A_661 : i32 to vector<16xi32>
        %gt3A_663 = arith.cmpi sgt, %get3A_660, %gt3A_662 : vector<16xi32>
        %jit3A_664 = arith.constant 2008 : i32
        %broadcast_in_dim3A_665 = vector.broadcast %jit3A_664 : i32 to vector<16xi32>
        %select_n3A_666 = arith.select %gt3A_663, %get3A_660, %broadcast_in_dim3A_665 : vector<16xi1>, vector<16xi32>
        %swap3A_667 = arith.constant 464 : index
        %swap3A_668 = tpu.vector_load %arg12[%swap3A_667] {strides = array<i32>} : memref<768xi32, #tpu.memory_space<vmem>>, vector<16xi32>,
        %swap3A_669 = vector.shape_cast %swap3A_668 : vector<16xi32> to vector<16xi32>
        %swap3A_670 = vector.shape_cast %select_n3A_666 : vector<16xi32> to vector<16xi32>
        tpu.vector_store %arg12[%swap3A_667], %swap3A_670 {strides = array<i32>} : memref<768xi32, #tpu.memory_space<vmem>>, vector<16xi32>,
        %get3A_671 = arith.constant 464 : index
        %get3A_672 = tpu.vector_load %arg13[%get3A_671] {strides = array<i32>} : memref<768xi32, #tpu.memory_space<vmem>>, vector<16xi32>,
        %get3A_673 = vector.shape_cast %get3A_672 : vector<16xi32> to vector<16xi32>
        %gt3A_674 = arith.constant 0 : i32
        %gt3A_675 = vector.broadcast %gt3A_674 : i32 to vector<16xi32>
        %gt3A_676 = arith.cmpi sgt, %get3A_673, %gt3A_675 : vector<16xi32>
        %jit3A_677 = arith.constant 504 : i32
        %broadcast_in_dim3A_678 = vector.broadcast %jit3A_677 : i32 to vector<16xi32>
        %select_n3A_679 = arith.select %gt3A_676, %get3A_673, %broadcast_in_dim3A_678 : vector<16xi1>, vector<16xi32>
        %swap3A_680 = arith.constant 464 : index
        %swap3A_681 = tpu.vector_load %arg13[%swap3A_680] {strides = array<i32>} : memref<768xi32, #tpu.memory_space<vmem>>, vector<16xi32>,
        %swap3A_682 = vector.shape_cast %swap3A_681 : vector<16xi32> to vector<16xi32>
        %swap3A_683 = vector.shape_cast %select_n3A_679 : vector<16xi32> to vector<16xi32>
        tpu.vector_store %arg13[%swap3A_680], %swap3A_683 {strides = array<i32>} : memref<768xi32, #tpu.memory_space<vmem>>, vector<16xi32>,
        %get3A_684 = arith.constant 480 : index
        %get3A_685 = tpu.vector_load %arg12[%get3A_684] {strides = array<i32>} : memref<768xi32, #tpu.memory_space<vmem>>, vector<16xi32>,
        %get3A_686 = vector.shape_cast %get3A_685 : vector<16xi32> to vector<16xi32>
        %gt3A_687 = arith.constant 0 : i32
        %gt3A_688 = vector.broadcast %gt3A_687 : i32 to vector<16xi32>
        %gt3A_689 = arith.cmpi sgt, %get3A_686, %gt3A_688 : vector<16xi32>
        %jit3A_690 = arith.constant 2008 : i32
        %broadcast_in_dim3A_691 = vector.broadcast %jit3A_690 : i32 to vector<16xi32>
        %select_n3A_692 = arith.select %gt3A_689, %get3A_686, %broadcast_in_dim3A_691 : vector<16xi1>, vector<16xi32>
        %swap3A_693 = arith.constant 480 : index
        %swap3A_694 = tpu.vector_load %arg12[%swap3A_693] {strides = array<i32>} : memref<768xi32, #tpu.memory_space<vmem>>, vector<16xi32>,
        %swap3A_695 = vector.shape_cast %swap3A_694 : vector<16xi32> to vector<16xi32>
        %swap3A_696 = vector.shape_cast %select_n3A_692 : vector<16xi32> to vector<16xi32>
        tpu.vector_store %arg12[%swap3A_693], %swap3A_696 {strides = array<i32>} : memref<768xi32, #tpu.memory_space<vmem>>, vector<16xi32>,
        %get3A_697 = arith.constant 480 : index
        %get3A_698 = tpu.vector_load %arg13[%get3A_697] {strides = array<i32>} : memref<768xi32, #tpu.memory_space<vmem>>, vector<16xi32>,
        %get3A_699 = vector.shape_cast %get3A_698 : vector<16xi32> to vector<16xi32>
        %gt3A_700 = arith.constant 0 : i32
        %gt3A_701 = vector.broadcast %gt3A_700 : i32 to vector<16xi32>
        %gt3A_702 = arith.cmpi sgt, %get3A_699, %gt3A_701 : vector<16xi32>
        %jit3A_703 = arith.constant 504 : i32
        %broadcast_in_dim3A_704 = vector.broadcast %jit3A_703 : i32 to vector<16xi32>
        %select_n3A_705 = arith.select %gt3A_702, %get3A_699, %broadcast_in_dim3A_704 : vector<16xi1>, vector<16xi32>
        %swap3A_706 = arith.constant 480 : index
        %swap3A_707 = tpu.vector_load %arg13[%swap3A_706] {strides = array<i32>} : memref<768xi32, #tpu.memory_space<vmem>>, vector<16xi32>,
        %swap3A_708 = vector.shape_cast %swap3A_707 : vector<16xi32> to vector<16xi32>
        %swap3A_709 = vector.shape_cast %select_n3A_705 : vector<16xi32> to vector<16xi32>
        tpu.vector_store %arg13[%swap3A_706], %swap3A_709 {strides = array<i32>} : memref<768xi32, #tpu.memory_space<vmem>>, vector<16xi32>,
        %get3A_710 = arith.constant 496 : index
        %get3A_711 = tpu.vector_load %arg12[%get3A_710] {strides = array<i32>} : memref<768xi32, #tpu.memory_space<vmem>>, vector<16xi32>,
        %get3A_712 = vector.shape_cast %get3A_711 : vector<16xi32> to vector<16xi32>
        %gt3A_713 = arith.constant 0 : i32
        %gt3A_714 = vector.broadcast %gt3A_713 : i32 to vector<16xi32>
        %gt3A_715 = arith.cmpi sgt, %get3A_712, %gt3A_714 : vector<16xi32>
        %jit3A_716 = arith.constant 2008 : i32
        %broadcast_in_dim3A_717 = vector.broadcast %jit3A_716 : i32 to vector<16xi32>
        %select_n3A_718 = arith.select %gt3A_715, %get3A_712, %broadcast_in_dim3A_717 : vector<16xi1>, vector<16xi32>
        %swap3A_719 = arith.constant 496 : index
        %swap3A_720 = tpu.vector_load %arg12[%swap3A_719] {strides = array<i32>} : memref<768xi32, #tpu.memory_space<vmem>>, vector<16xi32>,
        %swap3A_721 = vector.shape_cast %swap3A_720 : vector<16xi32> to vector<16xi32>
        %swap3A_722 = vector.shape_cast %select_n3A_718 : vector<16xi32> to vector<16xi32>
        tpu.vector_store %arg12[%swap3A_719], %swap3A_722 {strides = array<i32>} : memref<768xi32, #tpu.memory_space<vmem>>, vector<16xi32>,
        %get3A_723 = arith.constant 496 : index
        %get3A_724 = tpu.vector_load %arg13[%get3A_723] {strides = array<i32>} : memref<768xi32, #tpu.memory_space<vmem>>, vector<16xi32>,
        %get3A_725 = vector.shape_cast %get3A_724 : vector<16xi32> to vector<16xi32>
        %gt3A_726 = arith.constant 0 : i32
        %gt3A_727 = vector.broadcast %gt3A_726 : i32 to vector<16xi32>
        %gt3A_728 = arith.cmpi sgt, %get3A_725, %gt3A_727 : vector<16xi32>
        %jit3A_729 = arith.constant 504 : i32
        %broadcast_in_dim3A_730 = vector.broadcast %jit3A_729 : i32 to vector<16xi32>
        %select_n3A_731 = arith.select %gt3A_728, %get3A_725, %broadcast_in_dim3A_730 : vector<16xi1>, vector<16xi32>
        %swap3A_732 = arith.constant 496 : index
        %swap3A_733 = tpu.vector_load %arg13[%swap3A_732] {strides = array<i32>} : memref<768xi32, #tpu.memory_space<vmem>>, vector<16xi32>,
        %swap3A_734 = vector.shape_cast %swap3A_733 : vector<16xi32> to vector<16xi32>
        %swap3A_735 = vector.shape_cast %select_n3A_731 : vector<16xi32> to vector<16xi32>
        tpu.vector_store %arg13[%swap3A_732], %swap3A_735 {strides = array<i32>} : memref<768xi32, #tpu.memory_space<vmem>>, vector<16xi32>,
        %dma_start3A = arith.constant 3 : i32
        %dma_start3A_736 = arith.constant 384 : i32
        %dma_start3A_737 = arith.constant 0 : i32
        %dma_start3A_738 = tpu.memref_slice %arg14[%dma_start3A_736, %dma_start3A_737] : memref<768x128xf32, #tpu.memory_space<vmem>> -> memref<128x128xf32, #tpu.memory_space<vmem>>
        %dma_start3A_739 = arith.constant 384 : i32
        %dma_start3A_740 = tpu.memref_slice %arg11[%dma_start3A_739] : memref<768xi32, #tpu.memory_space<vmem>> -> memref<128xi32, #tpu.memory_space<vmem>>
        %dma_start3A_741 = arith.constant 0 : i32
        %dma_start3A_742 = arith.constant 0 : i32
        %dma_start3A_743 = tpu.memref_slice %arg6[%dma_start3A_741, %dma_start3A_742] : memref<5000x128xf32, #tpu.memory_space<hbm>> -> memref<5000x128xf32, #tpu.memory_space<hbm>>
        %dma_start3A_744 = tpu.memref_slice %arg19[%dma_start3A] : memref<6x!tpu.dma_semaphore, #tpu.memory_space<semaphore_mem>> -> memref<1x!tpu.dma_semaphore, #tpu.memory_space<semaphore_mem>>
        %dma_start3A_745 = tpu.memref_squeeze %dma_start3A_744 : memref<1x!tpu.dma_semaphore, #tpu.memory_space<semaphore_mem>> -> memref<!tpu.dma_semaphore, #tpu.memory_space<semaphore_mem>>
        tpu.enqueue_indirect_dma source(%dma_start3A_743 : memref<5000x128xf32, #tpu.memory_space<hbm>>) target(%dma_start3A_738 : memref<128x128xf32, #tpu.memory_space<vmem>>) offsets(%dma_start3A_740 : memref<128xi32, #tpu.memory_space<vmem>>) semaphore(%dma_start3A_745 : memref<!tpu.dma_semaphore, #tpu.memory_space<semaphore_mem>>)
      } else {
      }
      %sub3A_472 = arith.constant 3 : i32
      %sub3A_473 = arith.subi %add3A_441, %sub3A_472 : i32
      %ge3A_474 = arith.constant 0 : i32
      %ge3A_475 = arith.cmpi sge, %sub3A_473, %ge3A_474 : i32
      %lt3A_476 = arith.constant 50 : i32
      %lt3A_477 = arith.cmpi slt, %sub3A_473, %lt3A_476 : i32
      %and3A_478 = arith.andi %ge3A_475, %lt3A_477 : i1
      %convert_element_type3A_479 = arith.extui %and3A_478 : i1 to i32
      %cond3A_480 = arith.constant 0 : i32
      %cond3A_481 = arith.cmpi ne, %convert_element_type3A_479, %cond3A_480 : i32
      scf.if %cond3A_481 {
        %dma_wait3A_502 = arith.constant 2 : i32
        %dma_wait3A_503 = arith.constant 256 : i32
        %dma_wait3A_504 = arith.constant 0 : i32
        %dma_wait3A_505 = tpu.memref_slice %arg14[%dma_wait3A_503, %dma_wait3A_504] : memref<768x128xf32, #tpu.memory_space<vmem>> -> memref<128x128xf32, #tpu.memory_space<vmem>>
        %dma_wait3A_506 = arith.constant 256 : i32
        %dma_wait3A_507 = tpu.memref_slice %arg11[%dma_wait3A_506] : memref<768xi32, #tpu.memory_space<vmem>> -> memref<128xi32, #tpu.memory_space<vmem>>
        %dma_wait3A_508 = arith.constant 0 : i32
        %dma_wait3A_509 = arith.constant 0 : i32
        %dma_wait3A_510 = tpu.memref_slice %arg6[%dma_wait3A_508, %dma_wait3A_509] : memref<5000x128xf32, #tpu.memory_space<hbm>> -> memref<5000x128xf32, #tpu.memory_space<hbm>>
        %dma_wait3A_511 = tpu.memref_slice %arg19[%dma_wait3A_502] : memref<6x!tpu.dma_semaphore, #tpu.memory_space<semaphore_mem>> -> memref<1x!tpu.dma_semaphore, #tpu.memory_space<semaphore_mem>>
        %dma_wait3A_512 = tpu.memref_squeeze %dma_wait3A_511 : memref<1x!tpu.dma_semaphore, #tpu.memory_space<semaphore_mem>> -> memref<!tpu.dma_semaphore, #tpu.memory_space<semaphore_mem>>
        tpu.wait_indirect_dma semaphore(%dma_wait3A_512 : memref<!tpu.dma_semaphore, #tpu.memory_space<semaphore_mem>>) src(%dma_wait3A_510 : memref<5000x128xf32, #tpu.memory_space<hbm>>) dst(%dma_wait3A_505 : memref<128x128xf32, #tpu.memory_space<vmem>>)
        %dma_start3A = arith.constant 2 : i32
        %dma_start3A_513 = arith.constant 256 : i32
        %dma_start3A_514 = arith.constant 0 : i32
        %dma_start3A_515 = tpu.memref_slice %arg14[%dma_start3A_513, %dma_start3A_514] : memref<768x128xf32, #tpu.memory_space<vmem>> -> memref<128x128xf32, #tpu.memory_space<vmem>>
        %dma_start3A_516 = arith.constant 256 : i32
        %dma_start3A_517 = tpu.memref_slice %arg12[%dma_start3A_516] : memref<768xi32, #tpu.memory_space<vmem>> -> memref<128xi32, #tpu.memory_space<vmem>>
        %dma_start3A_518 = arith.constant 0 : i32
        %dma_start3A_519 = arith.constant 0 : i32
        %dma_start3A_520 = tpu.memref_slice %arg15[%dma_start3A_518, %dma_start3A_519] : memref<2016x128xf32, #tpu.memory_space<vmem_shared>> -> memref<2016x128xf32, #tpu.memory_space<vmem_shared>>
        %dma_start3A_521 = tpu.memref_slice %arg19[%dma_start3A] : memref<6x!tpu.dma_semaphore, #tpu.memory_space<semaphore_mem>> -> memref<1x!tpu.dma_semaphore, #tpu.memory_space<semaphore_mem>>
        %dma_start3A_522 = tpu.memref_squeeze %dma_start3A_521 : memref<1x!tpu.dma_semaphore, #tpu.memory_space<semaphore_mem>> -> memref<!tpu.dma_semaphore, #tpu.memory_space<semaphore_mem>>
        tpu.enqueue_indirect_dma source(%dma_start3A_520 : memref<2016x128xf32, #tpu.memory_space<vmem_shared>>) target(%dma_start3A_515 : memref<128x128xf32, #tpu.memory_space<vmem>>) offsets(%dma_start3A_517 : memref<128xi32, #tpu.memory_space<vmem>>) semaphore(%dma_start3A_522 : memref<!tpu.dma_semaphore, #tpu.memory_space<semaphore_mem>>) {add = true}
      } else {
      }
      %sub3A_482 = arith.constant 4 : i32
      %sub3A_483 = arith.subi %add3A_441, %sub3A_482 : i32
      %ge3A_484 = arith.constant 0 : i32
      %ge3A_485 = arith.cmpi sge, %sub3A_483, %ge3A_484 : i32
      %lt3A_486 = arith.constant 50 : i32
      %lt3A_487 = arith.cmpi slt, %sub3A_483, %lt3A_486 : i32
      %and3A_488 = arith.andi %ge3A_485, %lt3A_487 : i1
      %convert_element_type3A_489 = arith.extui %and3A_488 : i1 to i32
      %cond3A_490 = arith.constant 0 : i32
      %cond3A_491 = arith.cmpi ne, %convert_element_type3A_489, %cond3A_490 : i32
      scf.if %cond3A_491 {
        %dma_wait3A_502 = arith.constant 1 : i32
        %dma_wait3A_503 = arith.constant 128 : i32
        %dma_wait3A_504 = arith.constant 0 : i32
        %dma_wait3A_505 = tpu.memref_slice %arg14[%dma_wait3A_503, %dma_wait3A_504] : memref<768x128xf32, #tpu.memory_space<vmem>> -> memref<128x128xf32, #tpu.memory_space<vmem>>
        %dma_wait3A_506 = arith.constant 128 : i32
        %dma_wait3A_507 = tpu.memref_slice %arg12[%dma_wait3A_506] : memref<768xi32, #tpu.memory_space<vmem>> -> memref<128xi32, #tpu.memory_space<vmem>>
        %dma_wait3A_508 = arith.constant 0 : i32
        %dma_wait3A_509 = arith.constant 0 : i32
        %dma_wait3A_510 = tpu.memref_slice %arg15[%dma_wait3A_508, %dma_wait3A_509] : memref<2016x128xf32, #tpu.memory_space<vmem_shared>> -> memref<2016x128xf32, #tpu.memory_space<vmem_shared>>
        %dma_wait3A_511 = tpu.memref_slice %arg19[%dma_wait3A_502] : memref<6x!tpu.dma_semaphore, #tpu.memory_space<semaphore_mem>> -> memref<1x!tpu.dma_semaphore, #tpu.memory_space<semaphore_mem>>
        %dma_wait3A_512 = tpu.memref_squeeze %dma_wait3A_511 : memref<1x!tpu.dma_semaphore, #tpu.memory_space<semaphore_mem>> -> memref<!tpu.dma_semaphore, #tpu.memory_space<semaphore_mem>>
        tpu.wait_indirect_dma semaphore(%dma_wait3A_512 : memref<!tpu.dma_semaphore, #tpu.memory_space<semaphore_mem>>) src(%dma_wait3A_510 : memref<2016x128xf32, #tpu.memory_space<vmem_shared>>) dst(%dma_wait3A_505 : memref<128x128xf32, #tpu.memory_space<vmem>>)
        %dma_start3A = arith.constant 1 : i32
        %dma_start3A_513 = arith.constant 128 : i32
        %dma_start3A_514 = arith.constant 0 : i32
        %dma_start3A_515 = tpu.memref_slice %arg14[%dma_start3A_513, %dma_start3A_514] : memref<768x128xf32, #tpu.memory_space<vmem>> -> memref<128x128xf32, #tpu.memory_space<vmem>>
        %dma_start3A_516 = arith.constant 128 : i32
        %dma_start3A_517 = tpu.memref_slice %arg13[%dma_start3A_516] : memref<768xi32, #tpu.memory_space<vmem>> -> memref<128xi32, #tpu.memory_space<vmem>>
        %dma_start3A_518 = arith.constant 0 : i32
        %dma_start3A_519 = arith.constant 0 : i32
        %dma_start3A_520 = tpu.memref_slice %arg16[%dma_start3A_518, %dma_start3A_519] : memref<512x128xf32, #tpu.memory_space<vmem_shared>> -> memref<512x128xf32, #tpu.memory_space<vmem_shared>>
        %dma_start3A_521 = tpu.memref_slice %arg19[%dma_start3A] : memref<6x!tpu.dma_semaphore, #tpu.memory_space<semaphore_mem>> -> memref<1x!tpu.dma_semaphore, #tpu.memory_space<semaphore_mem>>
        %dma_start3A_522 = tpu.memref_squeeze %dma_start3A_521 : memref<1x!tpu.dma_semaphore, #tpu.memory_space<semaphore_mem>> -> memref<!tpu.dma_semaphore, #tpu.memory_space<semaphore_mem>>
        tpu.enqueue_indirect_dma source(%dma_start3A_520 : memref<512x128xf32, #tpu.memory_space<vmem_shared>>) target(%dma_start3A_515 : memref<128x128xf32, #tpu.memory_space<vmem>>) offsets(%dma_start3A_517 : memref<128xi32, #tpu.memory_space<vmem>>) semaphore(%dma_start3A_522 : memref<!tpu.dma_semaphore, #tpu.memory_space<semaphore_mem>>) {add = true}
      } else {
      }
      %sub3A_492 = arith.constant 5 : i32
      %sub3A_493 = arith.subi %add3A_441, %sub3A_492 : i32
      %ge3A_494 = arith.constant 0 : i32
      %ge3A_495 = arith.cmpi sge, %sub3A_493, %ge3A_494 : i32
      %lt3A_496 = arith.constant 50 : i32
      %lt3A_497 = arith.cmpi slt, %sub3A_493, %lt3A_496 : i32
      %and3A_498 = arith.andi %ge3A_495, %lt3A_497 : i1
      %convert_element_type3A_499 = arith.extui %and3A_498 : i1 to i32
      %cond3A_500 = arith.constant 0 : i32
      %cond3A_501 = arith.cmpi ne, %convert_element_type3A_499, %cond3A_500 : i32
      scf.if %cond3A_501 {
        %dma_wait3A_502 = arith.constant 0 : i32
        %dma_wait3A_503 = arith.constant 0 : i32
        %dma_wait3A_504 = arith.constant 0 : i32
        %dma_wait3A_505 = tpu.memref_slice %arg14[%dma_wait3A_503, %dma_wait3A_504] : memref<768x128xf32, #tpu.memory_space<vmem>> -> memref<128x128xf32, #tpu.memory_space<vmem>>
        %dma_wait3A_506 = arith.constant 0 : i32
        %dma_wait3A_507 = tpu.memref_slice %arg13[%dma_wait3A_506] : memref<768xi32, #tpu.memory_space<vmem>> -> memref<128xi32, #tpu.memory_space<vmem>>
        %dma_wait3A_508 = arith.constant 0 : i32
        %dma_wait3A_509 = arith.constant 0 : i32
        %dma_wait3A_510 = tpu.memref_slice %arg16[%dma_wait3A_508, %dma_wait3A_509] : memref<512x128xf32, #tpu.memory_space<vmem_shared>> -> memref<512x128xf32, #tpu.memory_space<vmem_shared>>
        %dma_wait3A_511 = tpu.memref_slice %arg19[%dma_wait3A_502] : memref<6x!tpu.dma_semaphore, #tpu.memory_space<semaphore_mem>> -> memref<1x!tpu.dma_semaphore, #tpu.memory_space<semaphore_mem>>
        %dma_wait3A_512 = tpu.memref_squeeze %dma_wait3A_511 : memref<1x!tpu.dma_semaphore, #tpu.memory_space<semaphore_mem>> -> memref<!tpu.dma_semaphore, #tpu.memory_space<semaphore_mem>>
        tpu.wait_indirect_dma semaphore(%dma_wait3A_512 : memref<!tpu.dma_semaphore, #tpu.memory_space<semaphore_mem>>) src(%dma_wait3A_510 : memref<512x128xf32, #tpu.memory_space<vmem_shared>>) dst(%dma_wait3A_505 : memref<128x128xf32, #tpu.memory_space<vmem>>)
        %mul3A_513 = arith.constant 128 : i32
        %mul3A_514 = arith.muli %sub3A_493, %mul3A_513 : i32
        %multiple_of3A_515 = tpu.assume_multiple %mul3A_514, 128 : i32
        %add3A_516 = arith.addi %multiple_of3A, %multiple_of3A_515 : i32
        %dma_start3A = arith.constant 0 : i32
        %dma_start3A_517 = arith.constant 0 : i32
        %dma_start3A_518 = arith.constant 0 : i32
        %dma_start3A_519 = tpu.memref_slice %arg14[%dma_start3A_517, %dma_start3A_518] : memref<768x128xf32, #tpu.memory_space<vmem>> -> memref<128x128xf32, #tpu.memory_space<vmem>>
        %dma_start3A_520 = arith.constant 0 : i32
        %dma_start3A_521 = tpu.memref_slice %arg9[%add3A_516, %dma_start3A_520] : memref<204800x128xf32, #tpu.memory_space<hbm>> -> memref<128x128xf32, #tpu.memory_space<hbm>>
        %dma_start3A_522 = tpu.memref_slice %arg20[%dma_start3A] : memref<6x!tpu.dma_semaphore, #tpu.memory_space<semaphore_mem>> -> memref<1x!tpu.dma_semaphore, #tpu.memory_space<semaphore_mem>>
        %dma_start3A_523 = tpu.memref_squeeze %dma_start3A_522 : memref<1x!tpu.dma_semaphore, #tpu.memory_space<semaphore_mem>> -> memref<!tpu.dma_semaphore, #tpu.memory_space<semaphore_mem>>
        %dma_start3A_524 = arith.constant 0 : i32
        %dma_start3A_525 = tpu.memref_slice %arg9[%add3A_516, %dma_start3A_524] : memref<204800x128xf32, #tpu.memory_space<hbm>> -> memref<128x128xf32, #tpu.memory_space<hbm>>
        %dma_start3A_526 = arith.constant 0 : i32
        %dma_start3A_527 = arith.constant 0 : i32
        %dma_start3A_528 = tpu.memref_slice %arg14[%dma_start3A_526, %dma_start3A_527] : memref<768x128xf32, #tpu.memory_space<vmem>> -> memref<128x128xf32, #tpu.memory_space<vmem>>
        tpu.enqueue_dma source(%dma_start3A_528 : memref<128x128xf32, #tpu.memory_space<vmem>>) target(%dma_start3A_525 : memref<128x128xf32, #tpu.memory_space<hbm>>) target_semaphore(%dma_start3A_523 : memref<!tpu.dma_semaphore, #tpu.memory_space<semaphore_mem>>)
      } else {
      }
    }
    %scan3A_25 = arith.constant 11 : i32
    %multiple_of3A_26 = arith.constant 5632 : i32
    %multiple_of3A_27 = tpu.assume_multiple %multiple_of3A_26, 128 : i32
    %add3A_28 = arith.addi %multiple_of3A, %multiple_of3A_27 : i32
    %dma_wait3A = arith.constant 2 : i32
    %dma_wait3A_29 = arith.constant 256 : i32
    %dma_wait3A_30 = arith.constant 0 : i32
    %dma_wait3A_31 = tpu.memref_slice %arg14[%dma_wait3A_29, %dma_wait3A_30] : memref<768x128xf32, #tpu.memory_space<vmem>> -> memref<128x128xf32, #tpu.memory_space<vmem>>
    %dma_wait3A_32 = arith.constant 0 : i32
    %dma_wait3A_33 = tpu.memref_slice %arg9[%add3A_28, %dma_wait3A_32] : memref<204800x128xf32, #tpu.memory_space<hbm>> -> memref<128x128xf32, #tpu.memory_space<hbm>>
    %dma_wait3A_34 = tpu.memref_slice %arg20[%dma_wait3A] : memref<6x!tpu.dma_semaphore, #tpu.memory_space<semaphore_mem>> -> memref<1x!tpu.dma_semaphore, #tpu.memory_space<semaphore_mem>>
    %dma_wait3A_35 = tpu.memref_squeeze %dma_wait3A_34 : memref<1x!tpu.dma_semaphore, #tpu.memory_space<semaphore_mem>> -> memref<!tpu.dma_semaphore, #tpu.memory_space<semaphore_mem>>
    %dma_wait3A_36 = arith.constant 0 : i32
    %dma_wait3A_37 = tpu.memref_slice %arg9[%add3A_28, %dma_wait3A_36] : memref<204800x128xf32, #tpu.memory_space<hbm>> -> memref<128x128xf32, #tpu.memory_space<hbm>>
    %dma_wait3A_38 = arith.constant 256 : i32
    %dma_wait3A_39 = arith.constant 0 : i32
    %dma_wait3A_40 = tpu.memref_slice %arg14[%dma_wait3A_38, %dma_wait3A_39] : memref<768x128xf32, #tpu.memory_space<vmem>> -> memref<128x128xf32, #tpu.memory_space<vmem>>
    tpu.wait_dma2 semaphore(%dma_wait3A_35 : memref<!tpu.dma_semaphore, #tpu.memory_space<semaphore_mem>>) src(%dma_wait3A_40 : memref<128x128xf32, #tpu.memory_space<vmem>>) dst(%dma_wait3A_37 : memref<128x128xf32, #tpu.memory_space<hbm>>)
    %multiple_of3A_41 = arith.constant 5760 : i32
    %multiple_of3A_42 = tpu.assume_multiple %multiple_of3A_41, 128 : i32
    %add3A_43 = arith.addi %multiple_of3A, %multiple_of3A_42 : i32
    %dma_wait3A_44 = arith.constant 3 : i32
    %dma_wait3A_45 = arith.constant 384 : i32
    %dma_wait3A_46 = arith.constant 0 : i32
    %dma_wait3A_47 = tpu.memref_slice %arg14[%dma_wait3A_45, %dma_wait3A_46] : memref<768x128xf32, #tpu.memory_space<vmem>> -> memref<128x128xf32, #tpu.memory_space<vmem>>
    %dma_wait3A_48 = arith.constant 0 : i32
    %dma_wait3A_49 = tpu.memref_slice %arg9[%add3A_43, %dma_wait3A_48] : memref<204800x128xf32, #tpu.memory_space<hbm>> -> memref<128x128xf32, #tpu.memory_space<hbm>>
    %dma_wait3A_50 = tpu.memref_slice %arg20[%dma_wait3A_44] : memref<6x!tpu.dma_semaphore, #tpu.memory_space<semaphore_mem>> -> memref<1x!tpu.dma_semaphore, #tpu.memory_space<semaphore_mem>>
    %dma_wait3A_51 = tpu.memref_squeeze %dma_wait3A_50 : memref<1x!tpu.dma_semaphore, #tpu.memory_space<semaphore_mem>> -> memref<!tpu.dma_semaphore, #tpu.memory_space<semaphore_mem>>
    %dma_wait3A_52 = arith.constant 0 : i32
    %dma_wait3A_53 = tpu.memref_slice %arg9[%add3A_43, %dma_wait3A_52] : memref<204800x128xf32, #tpu.memory_space<hbm>> -> memref<128x128xf32, #tpu.memory_space<hbm>>
    %dma_wait3A_54 = arith.constant 384 : i32
    %dma_wait3A_55 = arith.constant 0 : i32
    %dma_wait3A_56 = tpu.memref_slice %arg14[%dma_wait3A_54, %dma_wait3A_55] : memref<768x128xf32, #tpu.memory_space<vmem>> -> memref<128x128xf32, #tpu.memory_space<vmem>>
    tpu.wait_dma2 semaphore(%dma_wait3A_51 : memref<!tpu.dma_semaphore, #tpu.memory_space<semaphore_mem>>) src(%dma_wait3A_56 : memref<128x128xf32, #tpu.memory_space<vmem>>) dst(%dma_wait3A_53 : memref<128x128xf32, #tpu.memory_space<hbm>>)
    %multiple_of3A_57 = arith.constant 5888 : i32
    %multiple_of3A_58 = tpu.assume_multiple %multiple_of3A_57, 128 : i32
    %add3A_59 = arith.addi %multiple_of3A, %multiple_of3A_58 : i32
    %dma_wait3A_60 = arith.constant 4 : i32
    %dma_wait3A_61 = arith.constant 512 : i32
    %dma_wait3A_62 = arith.constant 0 : i32
    %dma_wait3A_63 = tpu.memref_slice %arg14[%dma_wait3A_61, %dma_wait3A_62] : memref<768x128xf32, #tpu.memory_space<vmem>> -> memref<128x128xf32, #tpu.memory_space<vmem>>
    %dma_wait3A_64 = arith.constant 0 : i32
    %dma_wait3A_65 = tpu.memref_slice %arg9[%add3A_59, %dma_wait3A_64] : memref<204800x128xf32, #tpu.memory_space<hbm>> -> memref<128x128xf32, #tpu.memory_space<hbm>>
    %dma_wait3A_66 = tpu.memref_slice %arg20[%dma_wait3A_60] : memref<6x!tpu.dma_semaphore, #tpu.memory_space<semaphore_mem>> -> memref<1x!tpu.dma_semaphore, #tpu.memory_space<semaphore_mem>>
    %dma_wait3A_67 = tpu.memref_squeeze %dma_wait3A_66 : memref<1x!tpu.dma_semaphore, #tpu.memory_space<semaphore_mem>> -> memref<!tpu.dma_semaphore, #tpu.memory_space<semaphore_mem>>
    %dma_wait3A_68 = arith.constant 0 : i32
    %dma_wait3A_69 = tpu.memref_slice %arg9[%add3A_59, %dma_wait3A_68] : memref<204800x128xf32, #tpu.memory_space<hbm>> -> memref<128x128xf32, #tpu.memory_space<hbm>>
    %dma_wait3A_70 = arith.constant 512 : i32
    %dma_wait3A_71 = arith.constant 0 : i32
    %dma_wait3A_72 = tpu.memref_slice %arg14[%dma_wait3A_70, %dma_wait3A_71] : memref<768x128xf32, #tpu.memory_space<vmem>> -> memref<128x128xf32, #tpu.memory_space<vmem>>
    tpu.wait_dma2 semaphore(%dma_wait3A_67 : memref<!tpu.dma_semaphore, #tpu.memory_space<semaphore_mem>>) src(%dma_wait3A_72 : memref<128x128xf32, #tpu.memory_space<vmem>>) dst(%dma_wait3A_69 : memref<128x128xf32, #tpu.memory_space<hbm>>)
    %multiple_of3A_73 = arith.constant 6016 : i32
    %multiple_of3A_74 = tpu.assume_multiple %multiple_of3A_73, 128 : i32
    %add3A_75 = arith.addi %multiple_of3A, %multiple_of3A_74 : i32
    %dma_wait3A_76 = arith.constant 5 : i32
    %dma_wait3A_77 = arith.constant 640 : i32
    %dma_wait3A_78 = arith.constant 0 : i32
    %dma_wait3A_79 = tpu.memref_slice %arg14[%dma_wait3A_77, %dma_wait3A_78] : memref<768x128xf32, #tpu.memory_space<vmem>> -> memref<128x128xf32, #tpu.memory_space<vmem>>
    %dma_wait3A_80 = arith.constant 0 : i32
    %dma_wait3A_81 = tpu.memref_slice %arg9[%add3A_75, %dma_wait3A_80] : memref<204800x128xf32, #tpu.memory_space<hbm>> -> memref<128x128xf32, #tpu.memory_space<hbm>>
    %dma_wait3A_82 = tpu.memref_slice %arg20[%dma_wait3A_76] : memref<6x!tpu.dma_semaphore, #tpu.memory_space<semaphore_mem>> -> memref<1x!tpu.dma_semaphore, #tpu.memory_space<semaphore_mem>>
    %dma_wait3A_83 = tpu.memref_squeeze %dma_wait3A_82 : memref<1x!tpu.dma_semaphore, #tpu.memory_space<semaphore_mem>> -> memref<!tpu.dma_semaphore, #tpu.memory_space<semaphore_mem>>
    %dma_wait3A_84 = arith.constant 0 : i32
    %dma_wait3A_85 = tpu.memref_slice %arg9[%add3A_75, %dma_wait3A_84] : memref<204800x128xf32, #tpu.memory_space<hbm>> -> memref<128x128xf32, #tpu.memory_space<hbm>>
    %dma_wait3A_86 = arith.constant 640 : i32
    %dma_wait3A_87 = arith.constant 0 : i32
    %dma_wait3A_88 = tpu.memref_slice %arg14[%dma_wait3A_86, %dma_wait3A_87] : memref<768x128xf32, #tpu.memory_space<vmem>> -> memref<128x128xf32, #tpu.memory_space<vmem>>
    tpu.wait_dma2 semaphore(%dma_wait3A_83 : memref<!tpu.dma_semaphore, #tpu.memory_space<semaphore_mem>>) src(%dma_wait3A_88 : memref<128x128xf32, #tpu.memory_space<vmem>>) dst(%dma_wait3A_85 : memref<128x128xf32, #tpu.memory_space<hbm>>)
    %multiple_of3A_89 = arith.constant 6144 : i32
    %multiple_of3A_90 = tpu.assume_multiple %multiple_of3A_89, 128 : i32
    %add3A_91 = arith.addi %multiple_of3A, %multiple_of3A_90 : i32
    %dma_wait3A_92 = arith.constant 0 : i32
    %dma_wait3A_93 = arith.constant 0 : i32
    %dma_wait3A_94 = arith.constant 0 : i32
    %dma_wait3A_95 = tpu.memref_slice %arg14[%dma_wait3A_93, %dma_wait3A_94] : memref<768x128xf32, #tpu.memory_space<vmem>> -> memref<128x128xf32, #tpu.memory_space<vmem>>
    %dma_wait3A_96 = arith.constant 0 : i32
    %dma_wait3A_97 = tpu.memref_slice %arg9[%add3A_91, %dma_wait3A_96] : memref<204800x128xf32, #tpu.memory_space<hbm>> -> memref<128x128xf32, #tpu.memory_space<hbm>>
    %dma_wait3A_98 = tpu.memref_slice %arg20[%dma_wait3A_92] : memref<6x!tpu.dma_semaphore, #tpu.memory_space<semaphore_mem>> -> memref<1x!tpu.dma_semaphore, #tpu.memory_space<semaphore_mem>>
    %dma_wait3A_99 = tpu.memref_squeeze %dma_wait3A_98 : memref<1x!tpu.dma_semaphore, #tpu.memory_space<semaphore_mem>> -> memref<!tpu.dma_semaphore, #tpu.memory_space<semaphore_mem>>
    %dma_wait3A_100 = arith.constant 0 : i32
    %dma_wait3A_101 = tpu.memref_slice %arg9[%add3A_91, %dma_wait3A_100] : memref<204800x128xf32, #tpu.memory_space<hbm>> -> memref<128x128xf32, #tpu.memory_space<hbm>>
    %dma_wait3A_102 = arith.constant 0 : i32
    %dma_wait3A_103 = arith.constant 0 : i32
    %dma_wait3A_104 = tpu.memref_slice %arg14[%dma_wait3A_102, %dma_wait3A_103] : memref<768x128xf32, #tpu.memory_space<vmem>> -> memref<128x128xf32, #tpu.memory_space<vmem>>
    tpu.wait_dma2 semaphore(%dma_wait3A_99 : memref<!tpu.dma_semaphore, #tpu.memory_space<semaphore_mem>>) src(%dma_wait3A_104 : memref<128x128xf32, #tpu.memory_space<vmem>>) dst(%dma_wait3A_101 : memref<128x128xf32, #tpu.memory_space<hbm>>)
    %multiple_of3A_105 = arith.constant 6272 : i32
    %multiple_of3A_106 = tpu.assume_multiple %multiple_of3A_105, 128 : i32
    %add3A_107 = arith.addi %multiple_of3A, %multiple_of3A_106 : i32
    %dma_wait3A_108 = arith.constant 1 : i32
    %dma_wait3A_109 = arith.constant 128 : i32
    %dma_wait3A_110 = arith.constant 0 : i32
    %dma_wait3A_111 = tpu.memref_slice %arg14[%dma_wait3A_109, %dma_wait3A_110] : memref<768x128xf32, #tpu.memory_space<vmem>> -> memref<128x128xf32, #tpu.memory_space<vmem>>
    %dma_wait3A_112 = arith.constant 0 : i32
    %dma_wait3A_113 = tpu.memref_slice %arg9[%add3A_107, %dma_wait3A_112] : memref<204800x128xf32, #tpu.memory_space<hbm>> -> memref<128x128xf32, #tpu.memory_space<hbm>>
    %dma_wait3A_114 = tpu.memref_slice %arg20[%dma_wait3A_108] : memref<6x!tpu.dma_semaphore, #tpu.memory_space<semaphore_mem>> -> memref<1x!tpu.dma_semaphore, #tpu.memory_space<semaphore_mem>>
    %dma_wait3A_115 = tpu.memref_squeeze %dma_wait3A_114 : memref<1x!tpu.dma_semaphore, #tpu.memory_space<semaphore_mem>> -> memref<!tpu.dma_semaphore, #tpu.memory_space<semaphore_mem>>
    %dma_wait3A_116 = arith.constant 0 : i32
    %dma_wait3A_117 = tpu.memref_slice %arg9[%add3A_107, %dma_wait3A_116] : memref<204800x128xf32, #tpu.memory_space<hbm>> -> memref<128x128xf32, #tpu.memory_space<hbm>>
    %dma_wait3A_118 = arith.constant 128 : i32
    %dma_wait3A_119 = arith.constant 0 : i32
    %dma_wait3A_120 = tpu.memref_slice %arg14[%dma_wait3A_118, %dma_wait3A_119] : memref<768x128xf32, #tpu.memory_space<vmem>> -> memref<128x128xf32, #tpu.memory_space<vmem>>
    tpu.wait_dma2 semaphore(%dma_wait3A_115 : memref<!tpu.dma_semaphore, #tpu.memory_space<semaphore_mem>>) src(%dma_wait3A_120 : memref<128x128xf32, #tpu.memory_space<vmem>>) dst(%dma_wait3A_117 : memref<128x128xf32, #tpu.memory_space<hbm>>)
    return
  }
}

</mosaic_0001>

<sc_bundles>
// kernel: kernel.3.cloned.1.call-start
scs
__scs_entry_jumppad:
0x0: {  	(pc) =	sbr.rel $0x88, $3  }
0x1: {  	(tag) =	ssettag $0x0;
	lr =	simm.s32 $0x1  }
0x2: {  	[smem:$0x3F9A] =	sst lr;
	_ =	strace $0xD0000000  }
0x3: {  	_ = 	snop  }
0x4: {  	_ = 	snop  }
0x5: {  	_ = 	snop  }
0x6: {  	_ = 	snop  }
0x7: {  	_ = 	snop  }
__scs_overlays_trampoline_lowered:
0x8: {  	[smem:$0x3FA9] =	sst s0  }
0x9: {  	[smem:$0x3FAA] =	sst s1  }
0xa: {  	[smem:$0x3FAB] =	sst s2  }
0xb: {  	[smem:$0x3FAC] =	sst s3  }
0xc: {  	[smem:$0x3FAD] =	sst s4  }
0xd: {  	[smem:$0x3FAE] =	sst s5  }
0xe: {  	[smem:$0x3FAF] =	sst s6  }
0xf: {  	[smem:$0x3FB0] =	sst s7  }
0x10: {  	[smem:$0x3FB1] =	sst s8  }
0x11: {  	[smem:$0x3FB2] =	sst s9;
	s0 =	simm.s32 @!p0 $0x0  }
0x12: {  	s1 =	sld [smem:$0x3F98];
	s0 =	simm.s32 @p0 $0x1  }
0x13: {  	[smem:$0x3FB3] =	sst s0;
	s0 =	simm.s32 @!p1 $0x0  }
0x14: {  	s2 =	sld [smem:$0x3F97];
	s0 =	simm.s32 @p1 $0x1  }
0x15: {  	[smem:$0x3FB4] =	sst s0;
	s0 =	simm.s32 @!p2 $0x0  }
0x16: {  	s3 =	sld [smem:$0x3FDB];
	s0 =	simm.s32 @p2 $0x1  }
0x17: {  	s4 =	simm.s32 $0x1BF5;
	[smem:$0x3FB6] =	sst s0  }
0x18: {  	s0 =	sld [smem:$0x3F99];
	_ =	swait.ge [sflag:s4], $0x0  }
0x19: {  	s7 =	sld [smem:$0x3F9A]  }
0x1a: {  	s8 =	sadd.s32 $0xFFFFE003, lr  }
0x1b: {  	s9 =	sadd.s32 $0xFFFFFEF7, lr;
	s5 =	simm.s32 $0xFFFFFFFF;
	p2 =	slt.u32 s8, $0xFFFFF086  }
0x1c: {  	p1 =	slt.u32 s9, $0xF7A;
	s5 =	simm.s32 @!p2 $0x0  }
0x1d: {  	s5 =	simm.s32 @p1 $0x1;
	p0 =	seq.s32 s7, s2  }
0x1e: {  	s7 =	smul.u32 @!p0 $0xF7A, s2;
	p2 =	seq.s32 @!p0 s5, $0x0  }
0x1f: {  	s9 =	smul.u32 $0xF7A, s1;
	s8 =	simm.s32 @!p0 $0x1BF5;
	p2 =	por !p2, p0  }
0x20: {  	[sflag:s8] =	ssyncset.s32 @!p0 $0xFFFFF086;
	s6 =	sadd.s32 @!p0 s3, s7;
	s7 =	simm.s32 @!p0 $0x108  }
0x21: {  	s3 =	sadd.s32 s3, s9;
	s6 =	sadd.s32 @!p0 $0x88, s6;
	s7 =	simm.s32 @p2 $0x1082  }
0x22: {  	[simem:s7], [sflag:s8] =	dma.local @!p0 [hbm:s6], $0xF7A  }
0x23: {  	s9 =	sor.u32 $0xD0000000, s2;
	s6 =	simm.s32 $0x108;
	_ =	swait.ge @!p0 [sflag:s8], $0x0  }
0x24: {  	s3 =	sadd.s32 $0x88, s3;
	s6 =	simm.s32 @!p1 $0x1082;
	[sflag:s4] =	ssyncset.s32 $0xFFFFF086  }
0x25: {  	[simem:s6], [sflag:s4] =	dma.local [hbm:s3], $0xF7A  }
0x26: {  	[smem:$0x3F9A] =	sst s1;
	(tag) =	ssettag s2;
	_ =	strace s9  }
0x27: {  	s1 =	sld [smem:$0x3FAA]  }
0x28: {  	s2 =	sld [smem:$0x3FAB]  }
0x29: {  	s4 =	sld [smem:$0x3FAD]  }
0x2a: {  	p0 =	seq.s32 s5, $0x0;
	s5 =	sld [smem:$0x3FAE]  }
0x2b: {  	s6 =	sld [smem:$0x3FAF]  }
0x2c: {  	s7 =	sld [smem:$0x3FB0]  }
0x2d: {  	s3 =	simm.s32 $0x108;
	s8 =	sld [smem:$0x3FB1]  }
0x2e: {  	s3 =	simm.s32 @!p0 $0x1082;
	s9 =	sld [smem:$0x3FB2]  }
0x2f: {  	lr =	sadd.s32 s0, s3;
	s0 =	sld [smem:$0x3FA9]  }
0x30: {  	s3 =	sld [smem:$0x3FAC]  }
0x31: {  	[smem:$0x3FB5] =	sst s10  }
0x32: {  	s10 =	sld [smem:$0x3FB3];
	_ =	sdelay $0x3  }
0x33: {  	p0 =	seq.s32 s10, $0x1;
	s10 =	sld [smem:$0x3FB5];
	_ =	sdelay $0x3  }
0x34: {  	[smem:$0x3FB5] =	sst s10  }
0x35: {  	s10 =	sld [smem:$0x3FB4];
	_ =	sdelay $0x3  }
0x36: {  	p1 =	seq.s32 s10, $0x1;
	s10 =	sld [smem:$0x3FB5];
	_ =	sdelay $0x3  }
0x37: {  	[smem:$0x3FB5] =	sst s10  }
0x38: {  	s10 =	sld [smem:$0x3FB6]  }
0x39: {  	_ = 	snop;
	(pc) =	sbr.ind lr, $3  }
0x3a: {  	_ = 	snop  }
0x3b: {  	_ = 	snop  }
0x3c: {  	p2 =	seq.s32 s10, $0x1;
	s10 =	sld [smem:$0x3FB5]  }
0x3d: {  	_ =	shalt  }
0x3e: {  	_ =	shalt  }
0x3f: {  	_ =	shalt  }
0x40: {  	_ =	shalt  }
0x41: {  	_ =	shalt  }
0x42: {  	_ =	shalt  }
0x43: {  	_ =	shalt  }
0x44: {  	_ =	shalt  }
0x45: {  	_ =	shalt  }
0x46: {  	_ =	shalt  }
0x47: {  	_ =	shalt  }
0x48: {  	_ =	shalt  }
0x49: {  	_ =	shalt  }
0x4a: {  	_ =	shalt  }
0x4b: {  	_ =	shalt  }
0x4c: {  	_ =	shalt  }
0x4d: {  	_ =	shalt  }
0x4e: {  	_ =	shalt  }
0x4f: {  	_ =	shalt  }
0x50: {  	_ =	shalt  }
0x51: {  	_ =	shalt  }
0x52: {  	_ =	shalt  }
0x53: {  	_ =	shalt  }
0x54: {  	_ =	shalt  }
0x55: {  	_ =	shalt  }
0x56: {  	_ =	shalt  }
0x57: {  	_ =	shalt  }
0x58: {  	_ =	shalt  }
0x59: {  	_ =	shalt  }
0x5a: {  	_ =	shalt  }
0x5b: {  	_ =	shalt  }
0x5c: {  	_ =	shalt  }
0x5d: {  	_ =	shalt  }
0x5e: {  	_ =	shalt  }
0x5f: {  	_ =	shalt  }
0x60: {  	_ =	shalt  }
0x61: {  	_ =	shalt  }
0x62: {  	_ =	shalt  }
0x63: {  	_ =	shalt  }
0x64: {  	_ =	shalt  }
0x65: {  	_ =	shalt  }
0x66: {  	_ =	shalt  }
0x67: {  	_ =	shalt  }
0x68: {  	_ =	shalt  }
0x69: {  	_ =	shalt  }
0x6a: {  	_ =	shalt  }
0x6b: {  	_ =	shalt  }
0x6c: {  	_ =	shalt  }
0x6d: {  	_ =	shalt  }
0x6e: {  	_ =	shalt  }
0x6f: {  	_ =	shalt  }
0x70: {  	_ =	shalt  }
0x71: {  	_ =	shalt  }
0x72: {  	_ =	shalt  }
0x73: {  	_ =	shalt  }
0x74: {  	_ =	shalt  }
0x75: {  	_ =	shalt  }
0x76: {  	_ =	shalt  }
0x77: {  	_ =	shalt  }
0x78: {  	_ =	shalt  }
0x79: {  	_ =	shalt  }
0x7a: {  	_ =	shalt  }
0x7b: {  	_ =	shalt  }
0x7c: {  	_ =	shalt  }
0x7d: {  	_ =	shalt  }
0x7e: {  	_ =	shalt  }
0x7f: {  	_ =	shalt  }
0x80: {  	_ =	shalt  }
0x81: {  	_ =	shalt  }
0x82: {  	_ =	shalt  }
0x83: {  	_ =	shalt  }
0x84: {  	_ =	shalt  }
0x85: {  	_ =	shalt  }
0x86: {  	_ =	shalt  }
0x87: {  	_ =	shalt  }
.Lfunc_end0:
.L_simem_size_0:
called_computation.1_lowered:
.L_overlay_start_0:
0x88: {  	s2 =	sld [smem:$0x3FD9]  }
0x89: {  	s3 =	sld [smem:$0x3FFE];
	_ =	sdelay $0x1  }
0x8a: {  	s1 =	srdreg.scid  }
0x8b: {  	s0 =	sand.u32 $0x1, s1  }
0x8c: {  	s17 =	sshll.u32 s0, $0xA;
	s2 =	sadd.s32 s3, s2  }
0x8d: {  	s2 =	sadd.s32 s2, s17  }
0x8e: {  	[smem:$0x3FC1] =	sst s2  }
0x8f: {  	_ = 	snop  }
0x90: {  	s2 =	sld [smem:$0x3FC8]  }
0x91: {  	s18 =	sld [smem:$0x3FC7]  }
0x92: {  	s4 =	sld [smem:$0x3FC6]  }
0x93: {  	s5 =	sld [smem:$0x3FC5]  }
0x94: {  	s6 =	sld [smem:$0x3FC4]  }
0x95: {  	s7 =	sld [smem:$0x3FC3]  }
0x96: {  	s8 =	sld [smem:$0x3FD0];
	(tm) =	ssettm $0x1  }
0x97: {  	s9 =	sld [smem:$0x3FFB];
	_ =	sdelay $0x3  }
0x98: {  	_ =	strace s9  }
0x99: {  	s9 =	sld [smem:$0x3FFC];
	_ =	sdelay $0x3  }
0x9a: {  	_ =	strace s9  }
0x9b: {  	s9 =	sld [smem:$0x3FFD];
	_ =	sdelay $0x3  }
0x9c: {  	_ =	strace s9  }
0x9d: {  	_ =	strace $0x8FFFFFFF  }
0x9e: {  	s19 =	sld [smem:$0x3FDB];
	_ =	sdelay $0x1  }
0x9f: {  	s10 =	simm.s32 $_scs_section_size  }
0xa0: {  	s11 =	simm.s32 $_size__tile_overlayer_lowered;
	s12 =	simm.s32 $_tile_overlayer_lowered  }
0xa1: {  	s22 =	simm.s32 $0x1BFF;
	s21 =	sshll.u32 s12, $0x1;
	s9 =	sadd.s32 s10, s19  }
0xa2: {  	s13 =	simm.s32 $0x0;
	s20 =	sshll.u32 s11, $0x1;
	s11 =	sadd.s32 s21, s9  }
0xa3: {  	[timem:s13], [sflag:s22] =	dma.local [hbm:s11], s20  }
0xa4: {  	_ =	swait.ge [sflag:s22], s20  }
0xa5: {  	s10 =	ssub.s32 $0x0, s20;
	[sflag:s22] =	ssyncset.done $0x0  }
0xa6: {  	[sflag:s22] =	ssyncadd.s32 s10;
	_ =	sdelay $0x1  }
0xa7: {  	s23 =	simm.s32 $0x1B8B  }
0xa8: {  	_ =	swait.ge [sflag:s23], $0x1  }
0xa9: {  	[sflag:s23] =	ssyncset.done $0x0  }
0xaa: {  	s25 =	simm.s32 $0x1B8E;
	s24 =	sld [smem:$0x3FFE];
	[sflag:s23] =	ssyncadd.s32 $0xFFFFFFFF  }
0xab: {  	s26 =	simm.s32 $execute0_lowered;
	[smem:$0x3FD2] =	sst s25  }
0xac: {  	s11 =	sshll.u32 s26, $0x1;
	_ =	strace $0x80000046;
	[dreg:$0x1] =	wrdreg $0xFFFFFFFF  }
0xad: {  	s28 =	simm.s32 $_size_execute0_lowered;
	s9 =	sadd.s32 s9, s11;
	[dreg:$0x0] =	wrdreg $0x0  }
0xae: {  	s11 =	sshll.u32 s28, $0x1;
	[dreg:$0x2] =	wrdreg s9  }
0xaf: {  	[dreg:$0x3] =	wrdreg s11  }
0xb0: {  	[dreg:$0x4] =	wrdreg $0xC0  }
0xb1: {  	_ =	task [dreg:s13], $0x5FFFF  }
0xb2: {  	[dreg:$0x1] =	wrdreg $0xFFFFFFFF  }
0xb3: {  	[dreg:$0x0] =	wrdreg $0x60  }
0xb4: {  	[dreg:$0x2] =	wrdreg s24  }
0xb5: {  	[dreg:$0x3] =	wrdreg s2  }
0xb6: {  	[dreg:$0x4] =	wrdreg s18  }
0xb7: {  	[dreg:$0x5] =	wrdreg s4  }
0xb8: {  	[dreg:$0x6] =	wrdreg s5  }
0xb9: {  	[dreg:$0x7] =	wrdreg s6  }
0xba: {  	[dreg:$0x8] =	wrdreg s7  }
0xbb: {  	[dreg:$0x9] =	wrdreg s8  }
0xbc: {  	[dreg:$0xa] =	wrdreg $0x18C000  }
0xbd: {  	[dreg:$0xb] =	wrdreg $0x1CB000  }
0xbe: {  	[dreg:$0xc] =	wrdreg $0x9  }
0xbf: {  	_ =	task.clear_ibuf [dreg:s13], $0xDFFFF;
	_ =	strace $0x90000046  }
0xc0: {  	s29 =	simm.s32 $0x9;
	_ =	strace $0x80000048  }
0xc1: {  	_ =	swait.ge [sflag:s29], $0x1  }
0xc2: {  	[sflag:s29] =	ssyncadd.s32 $0xFFFFFFFF  }
0xc3: {  	_ =	strace $0x90000048  }
0xc4: {  	_ =	sfence  }
0xc5: {  	s30 =	sld [smem:$0x0];
	_ =	sdelay $0x2  }
0xc6: {  	s31 =	sshll.u32 s1, $0xD;
	s1 =	sshrl.u32 s1, $0x2  }
0xc7: {  	s3 =	sand.u32 $0x4000, s31;
	s1 =	sadd.s32 s1, s30  }
0xc8: {  	s0 =	sor.u32 s3, s0;
	s1 =	sshll.u32 s1, $0x11  }
0xc9: {  	s0 =	sor.u32 s1, s0  }
0xca: {  	s0 =	sadd.s32 $0x8F2B, s0  }
0xcb: {  	[sflag:s0] =	ssyncadd.remote.s32 $0x1  }
0xcc: {  	_ =	sfence.sel $0xFFFF  }
0xcd: {  	[dreg:$0x0] =	wrdreg $0xFFFFFFFF;
	(pc) =	sbr.abs _section_cstart, $3  }
0xce: {  	[dreg:$0x1] =	wrdreg $0xFFFFFFFF  }
0xcf: {  	_ =	task.clear_ibuf [dreg:s13], $0x2FFFF;
	_ =	strace $0x9FFFFFFF  }
0xd0: {  	(tm) =	ssettm $0x7FFFFFFF  }
0xd1: {  	_ =	shalt  }
tec
execute0_lowered:
.L_overlay_start_1:
0x0: {  	(tag) =	ssettag $0x1  }
0x1: {  	s4 =	rddreg [dreg:$0x0]  }
0x2: {  	s0 =	rddreg [dreg:$0x1]  }
0x3: {  	s1 =	rddreg [dreg:$0x2]  }
0x4: {  	s2 =	rddreg [dreg:$0x3]  }
0x5: {  	s3 =	rddreg [dreg:$0x4]  }
0x6: {  	s9 =	rddreg [dreg:$0x5]  }
0x7: {  	s10 =	rddreg [dreg:$0x6]  }
0x8: {  	s5 =	rddreg [dreg:$0x7]  }
0x9: {  	s6 =	rddreg [dreg:$0x8]  }
0xa: {  	s7 =	rddreg [dreg:$0x9];
	s19 =	simm.s32 $0x0;
	s11 =	srdreg.scid  }
0xb: {  	s12 =	stileid.u32;
	s29 =	simm.s32 $0xC00;
	s28 =	simm.s32 $0xC  }
0xc: {  	s31 =	simm.s32 $0xE;
	[smem:$0x7FF] =	sst s19;
	s13 =	smul.u32 $0xF000, s12  }
0xd: {  	s11 =	sand.u32 $0x1, s11;
	s4 =	sadd.s32 $0x800, s4;
	s15 =	smul.u32 $0x3200, s12  }
0xe: {  	s17 =	sshll.u32 s12, $0x1;
	s24 =	smul.u32 $0x780, s12;
	p0 =	sne.s32 s12, $0x0  }
0xf: {  	_ =	strace $0x80000047;
	s14 =	ssub.s32 $0x2, s11;
	s18 =	smul.u32 $0x1900, s11  }
0x10: {  	s23 =	sor.u32 s11, s17;
	s11 =	smul.u32 $0xC8000, s11;
	s16 =	sshrl.u32 s14, $0x1  }
0x11: {  	s8 =	smul.u32 $0x1900, s23;
	s13 =	sshrl.u32 s13, $0x2;
	s25 =	sadd.s32 s9, s24  }
0x12: {  	s14 =	ssub.s32 s14, s16;
	s15 =	sadd.s32 s18, s15;
	[dreg:$0xc] =	wrdreg s25  }
0x13: {  	s26 =	sadd.s32 s13, s6;
	s16 =	sadd.s32 $0x7800, s9;
	[dreg:$0xb] =	wrdreg s8  }
0x14: {  	s9 =	smul.u32 $0x3000, s12;
	[dreg:$0xd] =	wrdreg s26;
	s30 =	sadd.s32 $0x280, s15  }
0x15: {  	[dreg:$0xe] =	wrdreg s16;
	s18 =	sadd.s32 $0x200, s15;
	s20 =	sadd.s32 $0x180, s15  }
0x16: {  	s21 =	sadd.s32 $0x100, s15;
	s26 =	sor.u32 $0x80, s15;
	s15 =	sshrl.u32 s15, $0x3  }
0x17: {  	s13 =	sshrl.u32 s30, $0x3;
	s16 =	sshrl.u32 s20, $0x3;
	s20 =	sadd.s32 $0x3C000, s6  }
0x18: {  	s24 =	sshrl.u32 s21, $0x3;
	s17 =	sadd.s32 s13, s4;
	[dreg:$0x15] =	wrdreg s20  }
0x19: {  	s30 =	smul.u32 $0x190000, s12;
	s23 =	sadd.s32 s16, s4;
	[dreg:$0xf] =	wrdreg s17  }
0x1a: {  	s9 =	sshrl.u32 s9, $0x2;
	s25 =	sadd.s32 s24, s4;
	[dreg:$0x11] =	wrdreg s23  }
0x1b: {  	s13 =	sshrl.u32 s18, $0x3;
	s21 =	sadd.s32 s9, s7;
	[dreg:$0x12] =	wrdreg s25  }
0x1c: {  	s18 =	smul.u32 $0x180, s12;
	s24 =	smax.u32 s14, $0x1;
	[dreg:$0x17] =	wrdreg s21  }
0x1d: {  	s9 =	simm.s32 $0xA;
	s22 =	sadd.s32 s13, s4;
	[dreg:$0x1a] =	wrdreg s24  }
0x1e: {  	s13 =	sshrl.u32 s26, $0x3;
	s23 =	sadd.s32 $0xC000, s7;
	[dreg:$0x10] =	wrdreg s22  }
0x1f: {  	s11 =	sadd.s32 s11, s30;
	s26 =	sadd.s32 $0x3EC00, s6;
	[dreg:$0x19] =	wrdreg s23  }
0x20: {  	s30 =	sadd.s32 $0xFC00, s7;
	s17 =	sadd.s32 s13, s4;
	[dreg:$0x1c] =	wrdreg s26  }
0x21: {  	s4 =	sadd.s32 s15, s4;
	s22 =	sadd.s32 $0x1800, s10;
	[dreg:$0x1d] =	wrdreg s30  }
0x22: {  	s25 =	sadd.s32 $0xFFFEC000, s11;
	s13 =	simm.s32 $0x8;
	[dreg:$0x13] =	wrdreg s17  }
.Ltmp0:
0x23: {  	s15 =	simm.s32 $0xD;
	[dreg:$0x14] =	wrdreg s4;
	(pc) =	sbr.rel .LBB2_1-.Ltmp0, $4  }
0x24: {  	s26 =	simm.s32 $0x9;
	s4 =	sadd.s32 s10, s18;
	[dreg:$0x18] =	wrdreg s22  }
0x25: {  	s11 =	simm.s32 $0x0;
	[dreg:$0x16] =	wrdreg s4;
	s4 =	simm.s32 @!p0 $0x0  }
0x26: {  	[dreg:$0x1b] =	wrdreg s25;
	s22 =	simm.s32 $0x80;
	s4 =	simm.s32 @p0 $0x1  }
0x27: {  	v0 =	vimm.f32 $0.0e+00;
	s25 =	simm.s32 $0x7;
	[smem:$0x7FD] =	sst s4;
	s4 =	simm.s32 $0xB  }
.LBB2_26:
0x28: {  	s8 =	simm.s32 $0x15  }
0x29: {  	_ =	swait.ge [sflag:s8], $0x4000  }
0x2a: {  	[sflag:s8] =	ssyncset.done $0x0  }
0x2b: {  	s20 =	simm.s32 $0x16;
	[sflag:s8] =	ssyncadd.s32 $0xFFFFC000  }
0x2c: {  	_ =	swait.ge [sflag:s20], $0x4000  }
0x2d: {  	[sflag:s20] =	ssyncset.done $0x0  }
0x2e: {  	s21 =	simm.s32 $0x17;
	[sflag:s20] =	ssyncadd.s32 $0xFFFFC000  }
0x2f: {  	_ =	swait.ge [sflag:s21], $0x4000  }
0x30: {  	[sflag:s21] =	ssyncset.done $0x0  }
0x31: {  	s23 =	simm.s32 $0x18;
	[sflag:s21] =	ssyncadd.s32 $0xFFFFC000  }
0x32: {  	_ =	swait.ge [sflag:s23], $0x4000  }
0x33: {  	[sflag:s23] =	ssyncset.done $0x0  }
0x34: {  	s24 =	simm.s32 $0x13;
	[sflag:s23] =	ssyncadd.s32 $0xFFFFC000  }
0x35: {  	_ =	swait.ge [sflag:s24], $0x4000  }
0x36: {  	[sflag:s24] =	ssyncset.done $0x0  }
0x37: {  	s10 =	simm.s32 $0x14;
	[sflag:s24] =	ssyncadd.s32 $0xFFFFC000  }
0x38: {  	_ =	swait.ge [sflag:s10], $0x4000  }
0x39: {  	s11 =	rddreg [dreg:$0x1e]  }
0x3a: {  	s30 =	rddreg [dreg:$0x1a];
	s11 =	sadd.s32 $0x1, s11  }
0x3b: {  	p0 =	sne.s32 s11, s30  }
.Ltmp1:
0x3c: {  	_ = 	snop;
	(pc) =	sbr.rel @!p0 .LBB2_27-.Ltmp1, $3  }
0x3d: {  	_ =	sdelay $0x1  }
0x3e: {  	[sflag:s10] =	ssyncset.done $0x0  }
0x3f: {  	[sflag:s10] =	ssyncadd.s32 $0xFFFFC000  }
.LBB2_1:
0x40: {  	[dreg:$0x1e] =	wrdreg s11  }
0x41: {  	s8 =	rddreg [dreg:$0xc];
	s12 =	simm.s32 $0x19  }
0x42: {  	[tilespmem:s29], [sflag:$0x19] =	stream.linear.gather [hbm4b:s8+s19], $0x3C00, $0x38;
	[tilespmem:$0x1DB00] =	vst v63  }
0x43: {  	_ =	swait.ge [sflag:s12], $0x3C00  }
0x44: {  	[sflag:s12] =	ssyncset.done $0x0  }
0x45: {  	s21 =	rddreg [dreg:$0xd];
	[sflag:s12] =	ssyncadd.s32 $0xFFFFC400  }
0x46: {  	[spmem:s21] =	stream.linear.scatter [tilespmem:s29], [sflag:$0x19], $0x3C00, $0x38;
	[tilespmem:$0x1DB00] =	vst v63  }
0x47: {  	_ =	swait.ge [sflag:s12], $0x3C00  }
0x48: {  	s23 =	sld [smem:$0x7FD];
	_ =	sdelay $0x2  }
0x49: {  	[sflag:s12] =	ssyncset.done $0x0;
	s8 =	rddreg [dreg:$0xe];
	p0 =	seq.s32 s23, $0x1  }
0x4a: {  	[sflag:s12] =	ssyncadd.s32 $0xFFFFC400;
	s10 =	simm.s32 @!p0 $0x0;
	s11 =	simm.s32 @!p0 $0x8C00  }
0x4b: {  	[tilespmem:s11], [sflag:$0x19] =	stream.linear.gather @!p0 [hbm4b:s8+s10], $0x2880, $0x38;
	[tilespmem:$0x1DB00] =	vst v63  }
0x4c: {  	s10 =	simm.s32 @!p0 $0x19  }
0x4d: {  	_ =	swait.ge @!p0 [sflag:s10], $0x2880  }
0x4e: {  	[sflag:s10] =	ssyncset.done @!p0 $0x0  }
0x4f: {  	s8 =	rddreg [dreg:$0x15];
	[sflag:s10] =	ssyncadd.s32 @!p0 $0xFFFFD780  }
0x50: {  	[spmem:s8] =	stream.linear.scatter @!p0 [tilespmem:s11], [sflag:$0x19], $0x2880, $0x38;
	[tilespmem:$0x1DB00] =	vst v63  }
0x51: {  	_ =	swait.ge @!p0 [sflag:s10], $0x2880  }
0x52: {  	[sflag:s10] =	ssyncset.done @!p0 $0x0  }
0x53: {  	s24 =	rddreg [dreg:$0x16];
	[sflag:s10] =	ssyncadd.s32 @!p0 $0xFFFFD780  }
0x54: {  	[tilespmem:s29], [sflag:$0x19] =	stream.linear.gather [hbm4b:s24+s19], $0xC00, $0x38;
	[tilespmem:$0x1DB00] =	vst v63  }
0x55: {  	_ =	swait.ge [sflag:s12], $0xC00  }
0x56: {  	[sflag:s12] =	ssyncset.done $0x0  }
.Ltmp2:
0x57: {  	s30 =	rddreg [dreg:$0x17];
	[sflag:s12] =	ssyncadd.s32 $0xFFFFF400;
	(pc) =	sbr.rel @p0 .LBB2_3-.Ltmp2, $4  }
0x58: {  	[spmem:s30] =	stream.linear.scatter [tilespmem:s29], [sflag:$0x19], $0xC00, $0x38;
	[tilespmem:$0x1DB00] =	vst v63  }
0x59: {  	_ =	swait.ge [sflag:s12], $0xC00  }
0x5a: {  	[sflag:s12] =	ssyncset.done $0x0  }
0x5b: {  	[sflag:s12] =	ssyncadd.s32 $0xFFFFF400  }
0x5c: {  	s8 =	rddreg [dreg:$0x18];
	s11 =	simm.s32 $0x8C00;
	s10 =	simm.s32 $0x19  }
0x5d: {  	[tilespmem:s11], [sflag:$0x19] =	stream.linear.gather [hbm4b:s8+s19], $0x3A80, $0x38;
	[tilespmem:$0x1DB00] =	vst v63  }
0x5e: {  	_ =	swait.ge [sflag:s10], $0x3A80  }
0x5f: {  	[sflag:s10] =	ssyncset.done $0x0  }
0x60: {  	s23 =	rddreg [dreg:$0x19];
	[sflag:s10] =	ssyncadd.s32 $0xFFFFC580  }
0x61: {  	[spmem:s23] =	stream.linear.scatter [tilespmem:s11], [sflag:$0x19], $0x3A80, $0x38;
	[tilespmem:$0x1DB00] =	vst v63  }
0x62: {  	_ =	swait.ge [sflag:s10], $0x3A80  }
0x63: {  	[sflag:s10] =	ssyncset.done $0x0  }
0x64: {  	[sflag:s10] =	ssyncadd.s32 $0xFFFFC580  }
0x65: {  	[tilespmem:$0xC00] =	vst v0  }
0x66: {  	[tilespmem:$0xC10] =	vst v0  }
0x67: {  	[tilespmem:$0xC20] =	vst v0  }
0x68: {  	[tilespmem:$0xC30] =	vst v0  }
0x69: {  	[tilespmem:$0xC40] =	vst v0  }
0x6a: {  	[tilespmem:$0xC50] =	vst v0  }
0x6b: {  	[tilespmem:$0xC60] =	vst v0  }
0x6c: {  	[tilespmem:$0xC70] =	vst v0  }
0x6d: {  	[tilespmem:$0xC80] =	vst v0  }
0x6e: {  	[tilespmem:$0xC90] =	vst v0  }
0x6f: {  	[tilespmem:$0xCA0] =	vst v0  }
0x70: {  	[tilespmem:$0xCB0] =	vst v0  }
0x71: {  	[tilespmem:$0xCC0] =	vst v0  }
0x72: {  	[tilespmem:$0xCD0] =	vst v0  }
0x73: {  	[tilespmem:$0xCE0] =	vst v0  }
0x74: {  	[tilespmem:$0xCF0] =	vst v0  }
0x75: {  	[tilespmem:$0xD00] =	vst v0  }
0x76: {  	[tilespmem:$0xD10] =	vst v0  }
0x77: {  	[tilespmem:$0xD20] =	vst v0  }
0x78: {  	[tilespmem:$0xD30] =	vst v0  }
0x79: {  	[tilespmem:$0xD40] =	vst v0  }
0x7a: {  	[tilespmem:$0xD50] =	vst v0  }
0x7b: {  	[tilespmem:$0xD60] =	vst v0  }
0x7c: {  	[tilespmem:$0xD70] =	vst v0  }
0x7d: {  	[tilespmem:$0xD80] =	vst v0  }
0x7e: {  	[tilespmem:$0xD90] =	vst v0  }
0x7f: {  	[tilespmem:$0xDA0] =	vst v0  }
0x80: {  	[tilespmem:$0xDB0] =	vst v0  }
0x81: {  	[tilespmem:$0xDC0] =	vst v0  }
0x82: {  	[tilespmem:$0xDD0] =	vst v0  }
0x83: {  	[tilespmem:$0xDE0] =	vst v0  }
0x84: {  	[tilespmem:$0xDF0] =	vst v0  }
0x85: {  	[tilespmem:$0xE00] =	vst v0  }
0x86: {  	[tilespmem:$0xE10] =	vst v0  }
0x87: {  	[tilespmem:$0xE20] =	vst v0  }
0x88: {  	[tilespmem:$0xE30] =	vst v0  }
0x89: {  	[tilespmem:$0xE40] =	vst v0  }
0x8a: {  	[tilespmem:$0xE50] =	vst v0  }
0x8b: {  	[tilespmem:$0xE60] =	vst v0  }
0x8c: {  	[tilespmem:$0xE70] =	vst v0  }
0x8d: {  	[tilespmem:$0xE80] =	vst v0  }
0x8e: {  	[tilespmem:$0xE90] =	vst v0  }
0x8f: {  	[tilespmem:$0xEA0] =	vst v0  }
0x90: {  	[tilespmem:$0xEB0] =	vst v0  }
0x91: {  	[tilespmem:$0xEC0] =	vst v0  }
0x92: {  	[tilespmem:$0xED0] =	vst v0  }
0x93: {  	[tilespmem:$0xEE0] =	vst v0  }
0x94: {  	[tilespmem:$0xEF0] =	vst v0  }
0x95: {  	[tilespmem:$0xF00] =	vst v0  }
0x96: {  	[tilespmem:$0xF10] =	vst v0  }
0x97: {  	[tilespmem:$0xF20] =	vst v0  }
0x98: {  	[tilespmem:$0xF30] =	vst v0  }
0x99: {  	[tilespmem:$0xF40] =	vst v0  }
0x9a: {  	[tilespmem:$0xF50] =	vst v0  }
0x9b: {  	[tilespmem:$0xF60] =	vst v0  }
0x9c: {  	[tilespmem:$0xF70] =	vst v0  }
0x9d: {  	[tilespmem:$0xF80] =	vst v0  }
0x9e: {  	[tilespmem:$0xF90] =	vst v0  }
0x9f: {  	[tilespmem:$0xFA0] =	vst v0  }
0xa0: {  	[tilespmem:$0xFB0] =	vst v0  }
0xa1: {  	[tilespmem:$0xFC0] =	vst v0  }
0xa2: {  	[tilespmem:$0xFD0] =	vst v0  }
0xa3: {  	[tilespmem:$0xFE0] =	vst v0  }
0xa4: {  	s24 =	rddreg [dreg:$0x1c];
	[tilespmem:$0xFF0] =	vst v0  }
0xa5: {  	[spmem:s24] =	stream.linear.scatter [tilespmem:s29], [sflag:$0x19], $0x400, $0x38;
	[tilespmem:$0x1DB00] =	vst v63  }
0xa6: {  	_ =	swait.ge [sflag:s10], $0x400  }
0xa7: {  	[sflag:s10] =	ssyncset.done $0x0  }
0xa8: {  	s30 =	rddreg [dreg:$0x1d];
	[sflag:s10] =	ssyncadd.s32 $0xFFFFFC00  }
0xa9: {  	[spmem:s30] =	stream.linear.scatter [tilespmem:s29], [sflag:$0x19], $0x400, $0x38;
	[tilespmem:$0x1DB00] =	vst v63  }
0xaa: {  	_ =	swait.ge [sflag:s10], $0x400  }
0xab: {  	[sflag:s10] =	ssyncset.done $0x0  }
0xac: {  	[sflag:s10] =	ssyncadd.s32 $0xFFFFFC00  }
.LBB2_3:
.Ltmp3:
0xad: {  	(pc) =	sbr.rel .LBB2_4-.Ltmp3, $3  }
0xae: {  	_ =	sdelay $0x1  }
0xaf: {  	[bflag:$0x0] =	sbarrier.arrive $0xFFFF;
	s24 =	simm.s32 $0x0;
	s11 =	simm.s32 $0xFFFFFFFB  }
0xb0: {  	s30 =	simm.s32 $0x0;
	s20 =	simm.s32 $0x0;
	s23 =	rddreg [dreg:$0x1b]  }
.LBB2_22:
0xb1: {  	s8 =	rddreg [dreg:$0xf]  }
0xb2: {  	s10 =	simm.s32 $0x280;
	s12 =	simm.s32 $0x5;
	s8 =	sadd.s32 s30, s8  }
0xb3: {  	[tilespmem:s10], [sflag:$0x6] =	stream.linear.gather [hbm4b:s8+s19], $0x80, $0x38;
	[tilespmem:$0x1DB00] =	vst v63  }
0xb4: {  	_ =	swait.ge [sflag:s12], $0x80  }
0xb5: {  	[sflag:s12] =	ssyncset.done $0x0  }
0xb6: {  	s16 =	simm.s32 $0x500;
	s17 =	simm.s32 $0x200;
	[sflag:s12] =	ssyncadd.s32 $0xFFFFFF80  }
0xb7: {  	[tilespmem:s16], [sflag:$0xB] =	stream.indirect.gather [hbm4b:s0+s22], $0x1, s17, s22, $0xb8;
	[tilespmem:$0x1DB00] =	vst v63  }
0xb8: {  	s18 =	simm.s32 $0x800;
	p0 =	seq.s32 s30, $0x0  }
0xb9: {  	[tilespmem:s18], [sflag:$0xB] =	stream.indirect.gather [hbm4b:s1+s22], $0x1, s17, s22, $0xb8;
	[tilespmem:$0x1DB00] =	vst v63  }
0xba: {  	s21 =	simm.s32 $0xB00;
	s8 =	simm.s32 @!p0 $0x16  }
0xbb: {  	[tilespmem:s21], [sflag:$0xB] =	stream.indirect.gather [hbm4b:s2+s22], $0x1, s17, s22, $0xb8;
	[tilespmem:$0x1DB00] =	vst v63  }
0xbc: {  	_ =	swait.ge @!p0 [sflag:s8], $0x4000  }
0xbd: {  	[sflag:s8] =	ssyncset.done @!p0 $0x0  }
0xbe: {  	[sflag:s8] =	ssyncadd.s32 @!p0 $0xFFFFC000  }
0xbf: {  	_ =	swait.ge [sflag:s9], $0x80  }
0xc0: {  	[sflag:s9] =	ssyncset.done $0x0  }
0xc1: {  	[sflag:s9] =	ssyncadd.s32 $0xFFFFFF80  }
0xc2: {  	_ =	swait.ge [sflag:s9], $0x80  }
0xc3: {  	[sflag:s9] =	ssyncset.done $0x0  }
0xc4: {  	[sflag:s9] =	ssyncadd.s32 $0xFFFFFF80  }
0xc5: {  	_ =	swait.ge [sflag:s9], $0x80  }
0xc6: {  	[sflag:s9] =	ssyncset.done $0x0  }
0xc7: {  	[sflag:s9] =	ssyncadd.s32 $0xFFFFFF80  }
0xc8: {  	v1 =	vld [tilespmem:$0x780]  }
0xc9: {  	v2 =	vld [tilespmem:$0xA80]  }
0xca: {  	v3 =	vld [tilespmem:$0x790]  }
0xcb: {  	v4 =	vld [tilespmem:$0xA90]  }
0xcc: {  	v5 =	vld [tilespmem:$0x7A0]  }
0xcd: {  	v6 =	vld [tilespmem:$0xAA0];
	vm0 =	vgt.s32 v1, $0x0  }
0xce: {  	v7 =	vld [tilespmem:$0x7B0];
	vm13 =	vgt.s32 v2, $0x0;
	v1 =	vnsel vm0, $0x7D8, v1  }
0xcf: {  	vm14 =	vgt.s32 v3, $0x0;
	[tilespmem:$0x780] =	vst v1;
	v1 =	vnsel vm13, $0x1F8, v2;
	v2 =	vld [tilespmem:$0xAB0]  }
0xd0: {  	vm15 =	vgt.s32 v4, $0x0;
	[tilespmem:$0xA80] =	vst v1;
	v1 =	vnsel vm14, $0x7D8, v3;
	v3 =	vld [tilespmem:$0x7C0]  }
0xd1: {  	v59 =	vld [tilespmem:$0xAC0];
	vm4 =	vgt.s32 v5, $0x0;
	[tilespmem:$0x790] =	vst v1;
	v1 =	vnsel vm15, $0x1F8, v4  }
0xd2: {  	v60 =	vld [tilespmem:$0x7D0];
	vm5 =	vgt.s32 v6, $0x0;
	[tilespmem:$0xA90] =	vst v1;
	v1 =	vnsel vm4, $0x7D8, v5  }
0xd3: {  	v61 =	vld [tilespmem:$0xAD0];
	vm6 =	vgt.s32 v7, $0x0;
	[tilespmem:$0x7A0] =	vst v1;
	v1 =	vnsel vm5, $0x1F8, v6  }
0xd4: {  	v62 =	vld [tilespmem:$0x7E0];
	[tilespmem:$0xAA0] =	vst v1;
	v1 =	vnsel vm6, $0x7D8, v7;
	vm7 =	vgt.s32 v2, $0x0  }
0xd5: {  	[tilespmem:$0x7B0] =	vst v1;
	v1 =	vnsel vm7, $0x1F8, v2;
	vm8 =	vgt.s32 v3, $0x0;
	v2 =	vld [tilespmem:$0xAE0]  }
0xd6: {  	vm9 =	vgt.s32 v59, $0x0;
	[tilespmem:$0xAB0] =	vst v1;
	v1 =	vnsel vm8, $0x7D8, v3;
	v3 =	vld [tilespmem:$0x7F0]  }
0xd7: {  	v63 =	vld [tilespmem:$0xAF0];
	vm10 =	vgt.s32 v60, $0x0;
	[tilespmem:$0x7C0] =	vst v1;
	v1 =	vnsel vm9, $0x1F8, v59  }
0xd8: {  	vm11 =	vgt.s32 v61, $0x0;
	[tilespmem:$0xAC0] =	vst v1;
	v1 =	vnsel vm10, $0x7D8, v60  }
0xd9: {  	vm12 =	vgt.s32 v62, $0x0;
	[tilespmem:$0x7D0] =	vst v1;
	v1 =	vnsel vm11, $0x1F8, v61  }
0xda: {  	[tilespmem:$0xAD0] =	vst v1;
	v1 =	vnsel vm12, $0x7D8, v62;
	vm13 =	vgt.s32 v2, $0x0  }
0xdb: {  	[tilespmem:$0x7E0] =	vst v1;
	v1 =	vnsel vm13, $0x1F8, v2;
	vm14 =	vgt.s32 v3, $0x0  }
0xdc: {  	vm15 =	vgt.s32 v63, $0x0;
	[tilespmem:$0xAE0] =	vst v1;
	v1 =	vnsel vm14, $0x7D8, v3  }
0xdd: {  	[tilespmem:$0x7F0] =	vst v1;
	v1 =	vnsel vm15, $0x1F8, v63  }
0xde: {  	s12 =	simm.s32 $0x480;
	s16 =	simm.s32 $0xCC00;
	s17 =	simm.s32 $0xF;
	[tilespmem:$0xAF0] =	vst v1  }
0xdf: {  	[tilespmem:s16], [sflag:$0x10] =	stream.indirect.gather [hbm4b:s3+s22], $0x80, s12, s22, $0xb8;
	[tilespmem:$0x1DB00] =	vst v63  }
0xe0: {  	_ =	swait.ge [sflag:s17], $0x4000  }
0xe1: {  	s10 =	smov.u32 s24;
	[sflag:s17] =	ssyncset.done $0x0  }
0xe2: {  	s18 =	simm.s32 $0x8C00;
	s21 =	simm.s32 $0x700;
	[sflag:s17] =	ssyncadd.s32 $0xFFFFC000  }
0xe3: {  	[tilespmem:s18], [sflag:$0xF] =	stream.indirect.gather.add.f32 [spmem:s6], $0x80, s21, s22, $0xb8;
	[tilespmem:$0x1DB00] =	vst v63  }
.LBB2_24:
0xe4: {  	_ =	swait.ge [sflag:s31], $0x4000  }
0xe5: {  	[sflag:s31] =	ssyncset.done $0x0  }
0xe6: {  	s8 =	simm.s32 $0x980;
	[sflag:s31] =	ssyncadd.s32 $0xFFFFC000  }
0xe7: {  	[tilespmem:s14], [sflag:$0xE] =	stream.indirect.gather.add.f32 [spmem:s7], $0x80, s8, s22, $0xb8;
	[tilespmem:$0x1DB00] =	vst v63  }
0xe8: {  	_ =	swait.ge [sflag:s15], $0x4000  }
0xe9: {  	s21 =	rddreg [dreg:$0xb]  }
0xea: {  	s8 =	sadd.s32 s21, s10  }
0xeb: {  	[sflag:s15] =	ssyncset.done $0x0;
	s8 =	sshll.u32 s8, $0x4  }
0xec: {  	[sflag:s15] =	ssyncadd.s32 $0xFFFFC000;
	s8 =	sadd.s32 s5, s8  }
0xed: {  	[hbm4b:s8+s19] =	stream.linear.scatter [tilespmem:s29], [sflag:$0x13], $0x4000, $0x38;
	[tilespmem:$0x1DB00] =	vst v63  }
.LBB2_25:
0xee: {  	s30 =	sadd.s32 $0x60, s30  }
0xef: {  	p0 =	sne.s32 s30, $0x420  }
.Ltmp4:
0xf0: {  	_ = 	snop;
	(pc) =	sbr.rel @!p0 .LBB2_26-.Ltmp4, $3  }
0xf1: {  	_ =	sdelay $0x1  }
0xf2: {  	s20 =	sadd.s32 $0x1, s20  }
0xf3: {  	s24 =	sadd.s32 $0x300, s24;
	s23 =	sadd.s32 $0x18000, s23;
	s11 =	sadd.s32 $0x6, s11  }
.LBB2_4:
0xf4: {  	p1 =	sgt.u32 s20, $0x8;
	s8 =	rddreg [dreg:$0x14];
	s18 =	sadd.s32 $0x4, s11  }
0xf5: {  	s10 =	sadd.s32 @!p1 s30, s8;
	s21 =	simm.s32 @!p1 $0x0;
	p2 =	sgt.u32 s18, $0x31  }
0xf6: {  	[tilespmem:s21], [sflag:$0x1] =	stream.linear.gather @!p1 [hbm4b:s10+s21], $0x80, $0x38;
	[tilespmem:$0x1DB00] =	vst v63  }
0xf7: {  	s10 =	simm.s32 @!p2 $0x6  }
0xf8: {  	s19 =	sadd.s32 $0x3, s11;
	_ =	swait.ge @!p2 [sflag:s10], $0x80  }
0xf9: {  	p3 =	sgt.u32 s19, $0x31;
	s12 =	simm.s32 @!p2 $0x280;
	[sflag:s10] =	ssyncset.done @!p2 $0x0  }
0xfa: {  	s16 =	simm.s32 @!p2 $0x580;
	[sflag:s10] =	ssyncadd.s32 @!p2 $0xFFFFFF80;
	s10 =	simm.s32 @!p2 $0x80  }
0xfb: {  	[tilespmem:s16], [sflag:$0xC] =	stream.indirect.gather @!p2 [hbm4b:s0+s10], $0x1, s12, s10, $0xb8;
	[tilespmem:$0x1DB00] =	vst v63  }
.Ltmp5:
0xfc: {  	_ = 	snop;
	(pc) =	sbr.rel @p3 .LBB2_6-.Ltmp5, $4  }
0xfd: {  	s16 =	simm.s32 @!p2 $0x880  }
0xfe: {  	[tilespmem:s16], [sflag:$0xC] =	stream.indirect.gather @!p2 [hbm4b:s1+s10], $0x1, s12, s10, $0xb8;
	[tilespmem:$0x1DB00] =	vst v63  }
0xff: {  	p6 =	slt.u32 s20, $0x2;
	s16 =	simm.s32 @!p2 $0xB80  }
0x100: {  	[tilespmem:s16], [sflag:$0xC] =	stream.indirect.gather @!p2 [hbm4b:s2+s10], $0x1, s12, s10, $0xb8;
	[tilespmem:$0x1DB00] =	vst v63  }
0x101: {  	s10 =	simm.s32 @!p6 $0x17  }
0x102: {  	_ =	swait.ge @!p6 [sflag:s10], $0x4000  }
0x103: {  	[sflag:s10] =	ssyncset.done @!p6 $0x0  }
0x104: {  	[sflag:s10] =	ssyncadd.s32 @!p6 $0xFFFFC000  }
0x105: {  	_ =	swait.ge [sflag:s4], $0x80  }
0x106: {  	[sflag:s4] =	ssyncset.done $0x0  }
0x107: {  	[sflag:s4] =	ssyncadd.s32 $0xFFFFFF80  }
0x108: {  	_ =	swait.ge [sflag:s4], $0x80  }
0x109: {  	[sflag:s4] =	ssyncset.done $0x0  }
0x10a: {  	[sflag:s4] =	ssyncadd.s32 $0xFFFFFF80  }
0x10b: {  	_ =	swait.ge [sflag:s4], $0x80  }
0x10c: {  	[sflag:s4] =	ssyncset.done $0x0  }
0x10d: {  	[sflag:s4] =	ssyncadd.s32 $0xFFFFFF80  }
0x10e: {  	v1 =	vld [tilespmem:$0x800]  }
0x10f: {  	v2 =	vld [tilespmem:$0xB00]  }
0x110: {  	v3 =	vld [tilespmem:$0x810]  }
0x111: {  	v4 =	vld [tilespmem:$0xB10]  }
0x112: {  	v5 =	vld [tilespmem:$0x820]  }
0x113: {  	v6 =	vld [tilespmem:$0xB20];
	vm0 =	vgt.s32 v1, $0x0  }
0x114: {  	v7 =	vld [tilespmem:$0x830];
	vm13 =	vgt.s32 v2, $0x0;
	v1 =	vnsel vm0, $0x7D8, v1  }
0x115: {  	vm14 =	vgt.s32 v3, $0x0;
	[tilespmem:$0x800] =	vst v1;
	v1 =	vnsel vm13, $0x1F8, v2;
	v2 =	vld [tilespmem:$0xB30]  }
0x116: {  	vm15 =	vgt.s32 v4, $0x0;
	[tilespmem:$0xB00] =	vst v1;
	v1 =	vnsel vm14, $0x7D8, v3;
	v3 =	vld [tilespmem:$0x840]  }
0x117: {  	v59 =	vld [tilespmem:$0xB40];
	vm4 =	vgt.s32 v5, $0x0;
	[tilespmem:$0x810] =	vst v1;
	v1 =	vnsel vm15, $0x1F8, v4  }
0x118: {  	v60 =	vld [tilespmem:$0x850];
	vm5 =	vgt.s32 v6, $0x0;
	[tilespmem:$0xB10] =	vst v1;
	v1 =	vnsel vm4, $0x7D8, v5  }
0x119: {  	v61 =	vld [tilespmem:$0xB50];
	vm6 =	vgt.s32 v7, $0x0;
	[tilespmem:$0x820] =	vst v1;
	v1 =	vnsel vm5, $0x1F8, v6  }
0x11a: {  	v62 =	vld [tilespmem:$0x860];
	[tilespmem:$0xB20] =	vst v1;
	v1 =	vnsel vm6, $0x7D8, v7;
	vm7 =	vgt.s32 v2, $0x0  }
0x11b: {  	[tilespmem:$0x830] =	vst v1;
	v1 =	vnsel vm7, $0x1F8, v2;
	vm8 =	vgt.s32 v3, $0x0;
	v2 =	vld [tilespmem:$0xB60]  }
0x11c: {  	vm9 =	vgt.s32 v59, $0x0;
	[tilespmem:$0xB30] =	vst v1;
	v1 =	vnsel vm8, $0x7D8, v3;
	v3 =	vld [tilespmem:$0x870]  }
0x11d: {  	v63 =	vld [tilespmem:$0xB70];
	vm10 =	vgt.s32 v60, $0x0;
	[tilespmem:$0x840] =	vst v1;
	v1 =	vnsel vm9, $0x1F8, v59  }
0x11e: {  	vm11 =	vgt.s32 v61, $0x0;
	[tilespmem:$0xB40] =	vst v1;
	v1 =	vnsel vm10, $0x7D8, v60  }
0x11f: {  	vm12 =	vgt.s32 v62, $0x0;
	[tilespmem:$0x850] =	vst v1;
	v1 =	vnsel vm11, $0x1F8, v61  }
0x120: {  	[tilespmem:$0xB50] =	vst v1;
	v1 =	vnsel vm12, $0x7D8, v62;
	vm13 =	vgt.s32 v2, $0x0  }
0x121: {  	[tilespmem:$0x860] =	vst v1;
	v1 =	vnsel vm13, $0x1F8, v2;
	vm14 =	vgt.s32 v3, $0x0  }
0x122: {  	vm15 =	vgt.s32 v63, $0x0;
	[tilespmem:$0xB60] =	vst v1;
	v1 =	vnsel vm14, $0x7D8, v3  }
0x123: {  	[tilespmem:$0x870] =	vst v1;
	v1 =	vnsel vm15, $0x1F8, v63  }
0x124: {  	s8 =	simm.s32 $0x500;
	s19 =	simm.s32 $0x10C00;
	[tilespmem:$0xB70] =	vst v1  }
0x125: {  	[tilespmem:s19], [sflag:$0x11] =	stream.indirect.gather [hbm4b:s3+s22], $0x80, s8, s22, $0xb8;
	[tilespmem:$0x1DB00] =	vst v63  }
.LBB2_6:
0x126: {  	s10 =	sadd.s32 $0x2, s11  }
0x127: {  	p5 =	sgt.u32 s10, $0x31  }
0x128: {  	s17 =	simm.s32 @!p5 $0x10  }
0x129: {  	s19 =	sadd.s32 $0x1, s11;
	_ =	swait.ge @!p5 [sflag:s17], $0x4000  }
0x12a: {  	p4 =	sgt.u32 s19, $0x31;
	s18 =	simm.s32 @!p5 $0x80;
	[sflag:s17] =	ssyncset.done @!p5 $0x0  }
0x12b: {  	s12 =	simm.s32 @!p5 $0x780;
	s10 =	simm.s32 @!p5 $0xCC00;
	[sflag:s17] =	ssyncadd.s32 @!p5 $0xFFFFC000  }
0x12c: {  	[tilespmem:s10], [sflag:$0x10] =	stream.indirect.gather.add.f32 @!p5 [spmem:s6], $0x80, s12, s18, $0xb8;
	[tilespmem:$0x1DB00] =	vst v63  }
0x12d: {  	s12 =	simm.s32 @!p4 $0xF  }
0x12e: {  	_ =	swait.ge @!p4 [sflag:s12], $0x4000  }
0x12f: {  	p0 =	sgt.u32 s11, $0x31;
	s19 =	simm.s32 @!p4 $0x80;
	[sflag:s12] =	ssyncset.done @!p4 $0x0  }
0x130: {  	s14 =	simm.s32 @!p4 $0xA00;
	s16 =	simm.s32 @!p4 $0x8C00;
	[sflag:s12] =	ssyncadd.s32 @!p4 $0xFFFFC000  }
0x131: {  	[tilespmem:s16], [sflag:$0xF] =	stream.indirect.gather.add.f32 @!p4 [spmem:s7], $0x80, s14, s19, $0xb8;
	[tilespmem:$0x1DB00] =	vst v63  }
0x132: {  	s14 =	simm.s32 @!p0 $0xE  }
0x133: {  	_ =	swait.ge @!p0 [sflag:s14], $0x4000  }
0x134: {  	[sflag:s14] =	ssyncset.done @!p0 $0x0  }
0x135: {  	[sflag:s14] =	ssyncadd.s32 @!p0 $0xFFFFC000;
	s14 =	sshrl.u32 @!p0 s23, $0x3  }
0x136: {  	s8 =	simm.s32 @!p0 $0x4C00;
	s19 =	simm.s32 @!p0 $0x0;
	s14 =	sadd.s32 @!p0 s5, s14  }
0x137: {  	[hbm4b:s14+s19] =	stream.linear.scatter @!p0 [tilespmem:s8], [sflag:$0x14], $0x4000, $0x38;
	[tilespmem:$0x1DB00] =	vst v63  }
0x138: {  	s8 =	rddreg [dreg:$0x13]  }
0x139: {  	s14 =	simm.s32 @!p1 $0x80;
	s8 =	sadd.s32 @!p1 s30, s8  }
0x13a: {  	[tilespmem:s14], [sflag:$0x2] =	stream.linear.gather @!p1 [hbm4b:s8+s21], $0x80, $0x38;
	[tilespmem:$0x1DB00] =	vst v63  }
0x13b: {  	s8 =	simm.s32 @!p1 $0x1  }
0x13c: {  	_ =	swait.ge @!p1 [sflag:s8], $0x80  }
0x13d: {  	[sflag:s8] =	ssyncset.done @!p1 $0x0  }
0x13e: {  	[sflag:s8] =	ssyncadd.s32 @!p1 $0xFFFFFF80;
	s8 =	simm.s32 @!p1 $0x300  }
0x13f: {  	[tilespmem:s8], [sflag:$0x7] =	stream.indirect.gather @!p1 [hbm4b:s0+s14], $0x1, s21, s14, $0xb8;
	[tilespmem:$0x1DB00] =	vst v63  }
.Ltmp6:
0x140: {  	_ = 	snop;
	(pc) =	sbr.rel @p2 .LBB2_8-.Ltmp6, $4  }
0x141: {  	s8 =	simm.s32 @!p1 $0x600  }
0x142: {  	[tilespmem:s8], [sflag:$0x7] =	stream.indirect.gather @!p1 [hbm4b:s1+s14], $0x1, s21, s14, $0xb8;
	[tilespmem:$0x1DB00] =	vst v63  }
0x143: {  	s8 =	simm.s32 @!p1 $0x900  }
0x144: {  	[tilespmem:s8], [sflag:$0x7] =	stream.indirect.gather @!p1 [hbm4b:s2+s14], $0x1, s21, s14, $0xb8;
	[tilespmem:$0x1DB00] =	vst v63  }
0x145: {  	s8 =	simm.s32 @!p6 $0x18  }
0x146: {  	_ =	swait.ge @!p6 [sflag:s8], $0x4000  }
0x147: {  	[sflag:s8] =	ssyncset.done @!p6 $0x0  }
0x148: {  	[sflag:s8] =	ssyncadd.s32 @!p6 $0xFFFFC000  }
0x149: {  	_ =	swait.ge [sflag:s28], $0x80  }
0x14a: {  	[sflag:s28] =	ssyncset.done $0x0  }
0x14b: {  	[sflag:s28] =	ssyncadd.s32 $0xFFFFFF80  }
0x14c: {  	_ =	swait.ge [sflag:s28], $0x80  }
0x14d: {  	[sflag:s28] =	ssyncset.done $0x0  }
0x14e: {  	[sflag:s28] =	ssyncadd.s32 $0xFFFFFF80  }
0x14f: {  	_ =	swait.ge [sflag:s28], $0x80  }
0x150: {  	[sflag:s28] =	ssyncset.done $0x0  }
0x151: {  	[sflag:s28] =	ssyncadd.s32 $0xFFFFFF80  }
0x152: {  	v1 =	vld [tilespmem:$0x880]  }
0x153: {  	v2 =	vld [tilespmem:$0xB80]  }
0x154: {  	v3 =	vld [tilespmem:$0x890]  }
0x155: {  	v4 =	vld [tilespmem:$0xB90]  }
0x156: {  	v5 =	vld [tilespmem:$0x8A0]  }
0x157: {  	v6 =	vld [tilespmem:$0xBA0];
	vm0 =	vgt.s32 v1, $0x0  }
0x158: {  	v7 =	vld [tilespmem:$0x8B0];
	vm13 =	vgt.s32 v2, $0x0;
	v1 =	vnsel vm0, $0x7D8, v1  }
0x159: {  	vm14 =	vgt.s32 v3, $0x0;
	[tilespmem:$0x880] =	vst v1;
	v1 =	vnsel vm13, $0x1F8, v2;
	v2 =	vld [tilespmem:$0xBB0]  }
0x15a: {  	vm15 =	vgt.s32 v4, $0x0;
	[tilespmem:$0xB80] =	vst v1;
	v1 =	vnsel vm14, $0x7D8, v3;
	v3 =	vld [tilespmem:$0x8C0]  }
0x15b: {  	v59 =	vld [tilespmem:$0xBC0];
	vm4 =	vgt.s32 v5, $0x0;
	[tilespmem:$0x890] =	vst v1;
	v1 =	vnsel vm15, $0x1F8, v4  }
0x15c: {  	v60 =	vld [tilespmem:$0x8D0];
	vm5 =	vgt.s32 v6, $0x0;
	[tilespmem:$0xB90] =	vst v1;
	v1 =	vnsel vm4, $0x7D8, v5  }
0x15d: {  	v61 =	vld [tilespmem:$0xBD0];
	vm6 =	vgt.s32 v7, $0x0;
	[tilespmem:$0x8A0] =	vst v1;
	v1 =	vnsel vm5, $0x1F8, v6  }
0x15e: {  	v62 =	vld [tilespmem:$0x8E0];
	[tilespmem:$0xBA0] =	vst v1;
	v1 =	vnsel vm6, $0x7D8, v7;
	vm7 =	vgt.s32 v2, $0x0  }
0x15f: {  	[tilespmem:$0x8B0] =	vst v1;
	v1 =	vnsel vm7, $0x1F8, v2;
	vm8 =	vgt.s32 v3, $0x0;
	v2 =	vld [tilespmem:$0xBE0]  }
0x160: {  	vm9 =	vgt.s32 v59, $0x0;
	[tilespmem:$0xBB0] =	vst v1;
	v1 =	vnsel vm8, $0x7D8, v3;
	v3 =	vld [tilespmem:$0x8F0]  }
0x161: {  	v63 =	vld [tilespmem:$0xBF0];
	vm10 =	vgt.s32 v60, $0x0;
	[tilespmem:$0x8C0] =	vst v1;
	v1 =	vnsel vm9, $0x1F8, v59  }
0x162: {  	vm11 =	vgt.s32 v61, $0x0;
	[tilespmem:$0xBC0] =	vst v1;
	v1 =	vnsel vm10, $0x7D8, v60  }
0x163: {  	vm12 =	vgt.s32 v62, $0x0;
	[tilespmem:$0x8D0] =	vst v1;
	v1 =	vnsel vm11, $0x1F8, v61  }
0x164: {  	[tilespmem:$0xBD0] =	vst v1;
	v1 =	vnsel vm12, $0x7D8, v62;
	vm13 =	vgt.s32 v2, $0x0  }
0x165: {  	[tilespmem:$0x8E0] =	vst v1;
	v1 =	vnsel vm13, $0x1F8, v2;
	vm14 =	vgt.s32 v3, $0x0  }
0x166: {  	vm15 =	vgt.s32 v63, $0x0;
	[tilespmem:$0xBE0] =	vst v1;
	v1 =	vnsel vm14, $0x7D8, v3  }
0x167: {  	[tilespmem:$0x8F0] =	vst v1;
	v1 =	vnsel vm15, $0x1F8, v63  }
0x168: {  	s21 =	simm.s32 $0x580;
	s14 =	simm.s32 $0x14C00;
	[tilespmem:$0xBF0] =	vst v1  }
0x169: {  	[tilespmem:s14], [sflag:$0x12] =	stream.indirect.gather [hbm4b:s3+s22], $0x80, s21, s22, $0xb8;
	[tilespmem:$0x1DB00] =	vst v63  }
.LBB2_8:
0x16a: {  	s8 =	simm.s32 @!p3 $0x11  }
0x16b: {  	_ =	swait.ge @!p3 [sflag:s8], $0x4000  }
0x16c: {  	s14 =	simm.s32 @!p3 $0x800;
	[sflag:s8] =	ssyncset.done @!p3 $0x0  }
0x16d: {  	s19 =	simm.s32 @!p3 $0x10C00;
	[sflag:s8] =	ssyncadd.s32 @!p3 $0xFFFFC000;
	s8 =	simm.s32 @!p3 $0x80  }
0x16e: {  	[tilespmem:s19], [sflag:$0x11] =	stream.indirect.gather.add.f32 @!p3 [spmem:s6], $0x80, s14, s8, $0xb8;
	[tilespmem:$0x1DB00] =	vst v63  }
0x16f: {  	_ =	swait.ge @!p5 [sflag:s17], $0x4000  }
0x170: {  	[sflag:s17] =	ssyncset.done @!p5 $0x0  }
0x171: {  	s8 =	simm.s32 @!p5 $0xA80;
	[sflag:s17] =	ssyncadd.s32 @!p5 $0xFFFFC000  }
0x172: {  	[tilespmem:s10], [sflag:$0x10] =	stream.indirect.gather.add.f32 @!p5 [spmem:s7], $0x80, s8, s18, $0xb8;
	[tilespmem:$0x1DB00] =	vst v63  }
0x173: {  	s8 =	sadd.s32 @!p4 $0x4000, s23;
	_ =	swait.ge @!p4 [sflag:s12], $0x4000  }
0x174: {  	s8 =	sshrl.u32 @!p4 s8, $0x3;
	[sflag:s12] =	ssyncset.done @!p4 $0x0  }
0x175: {  	s10 =	simm.s32 @!p4 $0x0;
	s8 =	sadd.s32 @!p4 s5, s8;
	[sflag:s12] =	ssyncadd.s32 @!p4 $0xFFFFC000  }
0x176: {  	[hbm4b:s8+s10] =	stream.linear.scatter @!p4 [tilespmem:s16], [sflag:$0x15], $0x4000, $0x38;
	[tilespmem:$0x1DB00] =	vst v63  }
0x177: {  	p4 =	sgt.u32 s20, $0x7  }
.Ltmp7:
0x178: {  	_ = 	snop;
	(pc) =	sbr.rel @p4 .LBB2_10-.Ltmp7, $1  }
0x179: {  	_ =	sdelay $0x3  }
.Ltmp8:
0x17a: {  	(pc) =	sbr.rel .LBB2_11-.Ltmp8, $4  }
0x17b: {  	_ = 	snop  }
0x17c: {  	s8 =	rddreg [dreg:$0x12];
	s19 =	simm.s32 $0x0  }
0x17d: {  	s10 =	simm.s32 $0x100;
	s14 =	simm.s32 $0x4C00;
	s8 =	sadd.s32 s30, s8  }
0x17e: {  	[tilespmem:s10], [sflag:$0x3] =	stream.linear.gather [hbm4b:s8+s19], $0x80, $0x38;
	[tilespmem:$0x1DB00] =	vst v63  }
.LBB2_10:
.Ltmp9:
0x17f: {  	(pc) =	sbr.rel @p1 .LBB2_12-.Ltmp9, $2  }
0x180: {  	_ =	sdelay $0x2  }
0x181: {  	s19 =	simm.s32 $0x0;
	s14 =	simm.s32 $0x4C00  }
.LBB2_11:
0x182: {  	s8 =	simm.s32 $0x2  }
0x183: {  	_ =	swait.ge [sflag:s8], $0x80  }
0x184: {  	[sflag:s8] =	ssyncset.done $0x0  }
0x185: {  	s16 =	simm.s32 $0x380;
	[sflag:s8] =	ssyncadd.s32 $0xFFFFFF80  }
0x186: {  	[tilespmem:s16], [sflag:$0x8] =	stream.indirect.gather [hbm4b:s0+s22], $0x1, s22, s22, $0xb8;
	[tilespmem:$0x1DB00] =	vst v63  }
0x187: {  	s17 =	simm.s32 $0x680;
	p0 =	seq.s32 s30, $0x0  }
0x188: {  	[tilespmem:s17], [sflag:$0x8] =	stream.indirect.gather [hbm4b:s1+s22], $0x1, s22, s22, $0xb8;
	[tilespmem:$0x1DB00] =	vst v63  }
0x189: {  	s18 =	simm.s32 $0x980;
	s8 =	simm.s32 @!p0 $0x13  }
0x18a: {  	[tilespmem:s18], [sflag:$0x8] =	stream.indirect.gather [hbm4b:s2+s22], $0x1, s22, s22, $0xb8;
	[tilespmem:$0x1DB00] =	vst v63  }
0x18b: {  	_ =	swait.ge @!p0 [sflag:s8], $0x4000  }
0x18c: {  	[sflag:s8] =	ssyncset.done @!p0 $0x0  }
0x18d: {  	[sflag:s8] =	ssyncadd.s32 @!p0 $0xFFFFC000  }
0x18e: {  	_ =	swait.ge [sflag:s25], $0x80  }
0x18f: {  	[sflag:s25] =	ssyncset.done $0x0  }
0x190: {  	[sflag:s25] =	ssyncadd.s32 $0xFFFFFF80  }
0x191: {  	_ =	swait.ge [sflag:s25], $0x80  }
0x192: {  	[sflag:s25] =	ssyncset.done $0x0  }
0x193: {  	[sflag:s25] =	ssyncadd.s32 $0xFFFFFF80  }
0x194: {  	_ =	swait.ge [sflag:s25], $0x80  }
0x195: {  	[sflag:s25] =	ssyncset.done $0x0  }
0x196: {  	[sflag:s25] =	ssyncadd.s32 $0xFFFFFF80  }
0x197: {  	v1 =	vld [tilespmem:$0x600]  }
0x198: {  	v2 =	vld [tilespmem:$0x900]  }
0x199: {  	v3 =	vld [tilespmem:$0x610]  }
0x19a: {  	v4 =	vld [tilespmem:$0x910]  }
0x19b: {  	v5 =	vld [tilespmem:$0x620]  }
0x19c: {  	v6 =	vld [tilespmem:$0x920];
	vm0 =	vgt.s32 v1, $0x0  }
0x19d: {  	v7 =	vld [tilespmem:$0x630];
	vm13 =	vgt.s32 v2, $0x0;
	v1 =	vnsel vm0, $0x7D8, v1  }
0x19e: {  	vm14 =	vgt.s32 v3, $0x0;
	[tilespmem:$0x600] =	vst v1;
	v1 =	vnsel vm13, $0x1F8, v2;
	v2 =	vld [tilespmem:$0x930]  }
0x19f: {  	vm15 =	vgt.s32 v4, $0x0;
	[tilespmem:$0x900] =	vst v1;
	v1 =	vnsel vm14, $0x7D8, v3;
	v3 =	vld [tilespmem:$0x640]  }
0x1a0: {  	v59 =	vld [tilespmem:$0x940];
	vm4 =	vgt.s32 v5, $0x0;
	[tilespmem:$0x610] =	vst v1;
	v1 =	vnsel vm15, $0x1F8, v4  }
0x1a1: {  	v60 =	vld [tilespmem:$0x650];
	vm5 =	vgt.s32 v6, $0x0;
	[tilespmem:$0x910] =	vst v1;
	v1 =	vnsel vm4, $0x7D8, v5  }
0x1a2: {  	v61 =	vld [tilespmem:$0x950];
	vm6 =	vgt.s32 v7, $0x0;
	[tilespmem:$0x620] =	vst v1;
	v1 =	vnsel vm5, $0x1F8, v6  }
0x1a3: {  	v62 =	vld [tilespmem:$0x660];
	[tilespmem:$0x920] =	vst v1;
	v1 =	vnsel vm6, $0x7D8, v7;
	vm7 =	vgt.s32 v2, $0x0  }
0x1a4: {  	[tilespmem:$0x630] =	vst v1;
	v1 =	vnsel vm7, $0x1F8, v2;
	vm8 =	vgt.s32 v3, $0x0;
	v2 =	vld [tilespmem:$0x960]  }
0x1a5: {  	vm9 =	vgt.s32 v59, $0x0;
	[tilespmem:$0x930] =	vst v1;
	v1 =	vnsel vm8, $0x7D8, v3;
	v3 =	vld [tilespmem:$0x670]  }
0x1a6: {  	v63 =	vld [tilespmem:$0x970];
	vm10 =	vgt.s32 v60, $0x0;
	[tilespmem:$0x640] =	vst v1;
	v1 =	vnsel vm9, $0x1F8, v59  }
0x1a7: {  	vm11 =	vgt.s32 v61, $0x0;
	[tilespmem:$0x940] =	vst v1;
	v1 =	vnsel vm10, $0x7D8, v60  }
0x1a8: {  	vm12 =	vgt.s32 v62, $0x0;
	[tilespmem:$0x650] =	vst v1;
	v1 =	vnsel vm11, $0x1F8, v61  }
0x1a9: {  	[tilespmem:$0x950] =	vst v1;
	v1 =	vnsel vm12, $0x7D8, v62;
	vm13 =	vgt.s32 v2, $0x0  }
0x1aa: {  	[tilespmem:$0x660] =	vst v1;
	v1 =	vnsel vm13, $0x1F8, v2;
	vm14 =	vgt.s32 v3, $0x0  }
0x1ab: {  	vm15 =	vgt.s32 v63, $0x0;
	[tilespmem:$0x960] =	vst v1;
	v1 =	vnsel vm14, $0x7D8, v3  }
0x1ac: {  	[tilespmem:$0x670] =	vst v1;
	v1 =	vnsel vm15, $0x1F8, v63  }
0x1ad: {  	s21 =	simm.s32 $0x300;
	[tilespmem:$0x970] =	vst v1  }
0x1ae: {  	[tilespmem:s29], [sflag:$0xD] =	stream.indirect.gather [hbm4b:s3+s22], $0x80, s21, s22, $0xb8;
	[tilespmem:$0x1DB00] =	vst v63  }
.LBB2_12:
0x1af: {  	s8 =	simm.s32 @!p2 $0x12  }
0x1b0: {  	_ =	swait.ge @!p2 [sflag:s8], $0x4000  }
0x1b1: {  	s10 =	simm.s32 @!p2 $0x880;
	[sflag:s8] =	ssyncset.done @!p2 $0x0  }
0x1b2: {  	s12 =	simm.s32 @!p2 $0x14C00;
	[sflag:s8] =	ssyncadd.s32 @!p2 $0xFFFFC000;
	s8 =	simm.s32 @!p2 $0x80  }
0x1b3: {  	[tilespmem:s12], [sflag:$0x12] =	stream.indirect.gather.add.f32 @!p2 [spmem:s6], $0x80, s10, s8, $0xb8;
	[tilespmem:$0x1DB00] =	vst v63  }
0x1b4: {  	s8 =	simm.s32 @!p3 $0x11  }
0x1b5: {  	_ =	swait.ge @!p3 [sflag:s8], $0x4000  }
0x1b6: {  	s10 =	simm.s32 @!p3 $0xB00;
	[sflag:s8] =	ssyncset.done @!p3 $0x0  }
0x1b7: {  	s12 =	simm.s32 @!p3 $0x10C00;
	[sflag:s8] =	ssyncadd.s32 @!p3 $0xFFFFC000;
	s8 =	simm.s32 @!p3 $0x80  }
0x1b8: {  	[tilespmem:s12], [sflag:$0x11] =	stream.indirect.gather.add.f32 @!p3 [spmem:s7], $0x80, s10, s8, $0xb8;
	[tilespmem:$0x1DB00] =	vst v63  }
0x1b9: {  	p0 =	slt.u32 s20, $0x8;
	s8 =	simm.s32 @!p5 $0x10  }
.Ltmp10:
0x1ba: {  	_ =	swait.ge @!p5 [sflag:s8], $0x4000;
	(pc) =	sbr.rel @!p0 .LBB2_13-.Ltmp10, $4  }
0x1bb: {  	s10 =	sadd.s32 @!p5 $0x8000, s23;
	[sflag:s8] =	ssyncset.done @!p5 $0x0  }
0x1bc: {  	[sflag:s8] =	ssyncadd.s32 @!p5 $0xFFFFC000;
	s8 =	sshrl.u32 @!p5 s10, $0x3  }
0x1bd: {  	s12 =	simm.s32 @!p5 $0xCC00;
	s10 =	simm.s32 @!p5 $0x0;
	s8 =	sadd.s32 @!p5 s5, s8  }
0x1be: {  	[hbm4b:s8+s10] =	stream.linear.scatter @!p5 [tilespmem:s12], [sflag:$0x16], $0x4000, $0x38;
	[tilespmem:$0x1DB00] =	vst v63  }
0x1bf: {  	s8 =	rddreg [dreg:$0x11]  }
0x1c0: {  	s10 =	simm.s32 $0x180;
	s12 =	simm.s32 $0x3;
	s8 =	sadd.s32 s30, s8  }
0x1c1: {  	[tilespmem:s10], [sflag:$0x4] =	stream.linear.gather [hbm4b:s8+s19], $0x80, $0x38;
	[tilespmem:$0x1DB00] =	vst v63  }
0x1c2: {  	_ =	swait.ge [sflag:s12], $0x80  }
0x1c3: {  	s16 =	simm.s32 $0x100;
	[sflag:s12] =	ssyncset.done $0x0  }
0x1c4: {  	s17 =	simm.s32 $0x400;
	p0 =	seq.s32 s30, $0x0;
	[sflag:s12] =	ssyncadd.s32 $0xFFFFFF80  }
0x1c5: {  	[tilespmem:s17], [sflag:$0x9] =	stream.indirect.gather [hbm4b:s0+s22], $0x1, s16, s22, $0xb8;
	[tilespmem:$0x1DB00] =	vst v63  }
.Ltmp11:
0x1c6: {  	_ = 	snop;
	(pc) =	sbr.rel @!p0 .LBB2_15-.Ltmp11, $4  }
.Ltmp12:
0x1c7: {  	s18 =	simm.s32 $0x700;
	(pc) =	sbr.rel @p0 .LBB2_16-.Ltmp12, $4  }
0x1c8: {  	[tilespmem:s18], [sflag:$0x9] =	stream.indirect.gather [hbm4b:s1+s22], $0x1, s16, s22, $0xb8;
	[tilespmem:$0x1DB00] =	vst v63  }
0x1c9: {  	s21 =	simm.s32 $0xA00  }
0x1ca: {  	[tilespmem:s21], [sflag:$0x9] =	stream.indirect.gather [hbm4b:s2+s22], $0x1, s16, s22, $0xb8;
	[tilespmem:$0x1DB00] =	vst v63  }
0x1cb: {  	_ = 	snop  }
.LBB2_13:
0x1cc: {  	p0 =	slt.u32 s20, $0x9  }
.Ltmp13:
0x1cd: {  	_ = 	snop;
	(pc) =	sbr.rel @!p0 .LBB2_17-.Ltmp13, $1  }
0x1ce: {  	_ =	sdelay $0x3  }
.LBB2_15:
0x1cf: {  	s8 =	simm.s32 $0x14  }
0x1d0: {  	_ =	swait.ge [sflag:s8], $0x4000  }
0x1d1: {  	[sflag:s8] =	ssyncset.done $0x0  }
0x1d2: {  	[sflag:s8] =	ssyncadd.s32 $0xFFFFC000  }
.LBB2_16:
0x1d3: {  	_ =	swait.ge [sflag:s13], $0x80  }
0x1d4: {  	[sflag:s13] =	ssyncset.done $0x0  }
0x1d5: {  	[sflag:s13] =	ssyncadd.s32 $0xFFFFFF80  }
0x1d6: {  	_ =	swait.ge [sflag:s13], $0x80  }
0x1d7: {  	[sflag:s13] =	ssyncset.done $0x0  }
0x1d8: {  	[sflag:s13] =	ssyncadd.s32 $0xFFFFFF80  }
0x1d9: {  	_ =	swait.ge [sflag:s13], $0x80  }
0x1da: {  	[sflag:s13] =	ssyncset.done $0x0  }
0x1db: {  	[sflag:s13] =	ssyncadd.s32 $0xFFFFFF80  }
0x1dc: {  	v1 =	vld [tilespmem:$0x680]  }
0x1dd: {  	v2 =	vld [tilespmem:$0x980]  }
0x1de: {  	v3 =	vld [tilespmem:$0x690]  }
0x1df: {  	v4 =	vld [tilespmem:$0x990]  }
0x1e0: {  	v5 =	vld [tilespmem:$0x6A0]  }
0x1e1: {  	v6 =	vld [tilespmem:$0x9A0];
	vm0 =	vgt.s32 v1, $0x0  }
0x1e2: {  	v7 =	vld [tilespmem:$0x6B0];
	vm13 =	vgt.s32 v2, $0x0;
	v1 =	vnsel vm0, $0x7D8, v1  }
0x1e3: {  	vm14 =	vgt.s32 v3, $0x0;
	[tilespmem:$0x680] =	vst v1;
	v1 =	vnsel vm13, $0x1F8, v2;
	v2 =	vld [tilespmem:$0x9B0]  }
0x1e4: {  	vm15 =	vgt.s32 v4, $0x0;
	[tilespmem:$0x980] =	vst v1;
	v1 =	vnsel vm14, $0x7D8, v3;
	v3 =	vld [tilespmem:$0x6C0]  }
0x1e5: {  	v59 =	vld [tilespmem:$0x9C0];
	vm4 =	vgt.s32 v5, $0x0;
	[tilespmem:$0x690] =	vst v1;
	v1 =	vnsel vm15, $0x1F8, v4  }
0x1e6: {  	v60 =	vld [tilespmem:$0x6D0];
	vm5 =	vgt.s32 v6, $0x0;
	[tilespmem:$0x990] =	vst v1;
	v1 =	vnsel vm4, $0x7D8, v5  }
0x1e7: {  	v61 =	vld [tilespmem:$0x9D0];
	vm6 =	vgt.s32 v7, $0x0;
	[tilespmem:$0x6A0] =	vst v1;
	v1 =	vnsel vm5, $0x1F8, v6  }
0x1e8: {  	v62 =	vld [tilespmem:$0x6E0];
	[tilespmem:$0x9A0] =	vst v1;
	v1 =	vnsel vm6, $0x7D8, v7;
	vm7 =	vgt.s32 v2, $0x0  }
0x1e9: {  	[tilespmem:$0x6B0] =	vst v1;
	v1 =	vnsel vm7, $0x1F8, v2;
	vm8 =	vgt.s32 v3, $0x0;
	v2 =	vld [tilespmem:$0x9E0]  }
0x1ea: {  	vm9 =	vgt.s32 v59, $0x0;
	[tilespmem:$0x9B0] =	vst v1;
	v1 =	vnsel vm8, $0x7D8, v3;
	v3 =	vld [tilespmem:$0x6F0]  }
0x1eb: {  	v63 =	vld [tilespmem:$0x9F0];
	vm10 =	vgt.s32 v60, $0x0;
	[tilespmem:$0x6C0] =	vst v1;
	v1 =	vnsel vm9, $0x1F8, v59  }
0x1ec: {  	vm11 =	vgt.s32 v61, $0x0;
	[tilespmem:$0x9C0] =	vst v1;
	v1 =	vnsel vm10, $0x7D8, v60  }
0x1ed: {  	vm12 =	vgt.s32 v62, $0x0;
	[tilespmem:$0x6D0] =	vst v1;
	v1 =	vnsel vm11, $0x1F8, v61  }
0x1ee: {  	[tilespmem:$0x9D0] =	vst v1;
	v1 =	vnsel vm12, $0x7D8, v62;
	vm13 =	vgt.s32 v2, $0x0  }
0x1ef: {  	[tilespmem:$0x6E0] =	vst v1;
	v1 =	vnsel vm13, $0x1F8, v2;
	vm14 =	vgt.s32 v3, $0x0  }
0x1f0: {  	vm15 =	vgt.s32 v63, $0x0;
	[tilespmem:$0x9E0] =	vst v1;
	v1 =	vnsel vm14, $0x7D8, v3  }
0x1f1: {  	[tilespmem:$0x6F0] =	vst v1;
	v1 =	vnsel vm15, $0x1F8, v63  }
0x1f2: {  	s8 =	simm.s32 $0x380;
	[tilespmem:$0x9F0] =	vst v1  }
0x1f3: {  	[tilespmem:s14], [sflag:$0xE] =	stream.indirect.gather [hbm4b:s3+s22], $0x80, s8, s22, $0xb8;
	[tilespmem:$0x1DB00] =	vst v63  }
0x1f4: {  	_ =	swait.ge [sflag:s15], $0x4000  }
0x1f5: {  	[sflag:s15] =	ssyncset.done $0x0  }
0x1f6: {  	s21 =	simm.s32 $0x600;
	[sflag:s15] =	ssyncadd.s32 $0xFFFFC000  }
0x1f7: {  	[tilespmem:s29], [sflag:$0xD] =	stream.indirect.gather.add.f32 [spmem:s6], $0x80, s21, s22, $0xb8;
	[tilespmem:$0x1DB00] =	vst v63  }
.LBB2_17:
0x1f8: {  	s8 =	simm.s32 @!p2 $0x12  }
0x1f9: {  	_ =	swait.ge @!p2 [sflag:s8], $0x4000  }
0x1fa: {  	s10 =	simm.s32 @!p2 $0xB80;
	[sflag:s8] =	ssyncset.done @!p2 $0x0  }
0x1fb: {  	s12 =	simm.s32 @!p2 $0x14C00;
	[sflag:s8] =	ssyncadd.s32 @!p2 $0xFFFFC000;
	s8 =	simm.s32 @!p2 $0x80  }
0x1fc: {  	[tilespmem:s12], [sflag:$0x12] =	stream.indirect.gather.add.f32 @!p2 [spmem:s7], $0x80, s10, s8, $0xb8;
	[tilespmem:$0x1DB00] =	vst v63  }
0x1fd: {  	s8 =	simm.s32 @!p3 $0x11  }
.Ltmp14:
0x1fe: {  	_ =	swait.ge @!p3 [sflag:s8], $0x4000;
	(pc) =	sbr.rel @p4 .LBB2_19-.Ltmp14, $4  }
0x1ff: {  	s10 =	sadd.s32 @!p3 $0xC000, s23;
	[sflag:s8] =	ssyncset.done @!p3 $0x0  }
0x200: {  	[sflag:s8] =	ssyncadd.s32 @!p3 $0xFFFFC000;
	s8 =	sshrl.u32 @!p3 s10, $0x3  }
0x201: {  	s12 =	simm.s32 @!p3 $0x10C00;
	s10 =	simm.s32 @!p3 $0x0;
	s8 =	sadd.s32 @!p3 s5, s8  }
0x202: {  	[hbm4b:s8+s10] =	stream.linear.scatter @!p3 [tilespmem:s12], [sflag:$0x17], $0x4000, $0x38;
	[tilespmem:$0x1DB00] =	vst v63  }
0x203: {  	s8 =	rddreg [dreg:$0x10]  }
0x204: {  	s10 =	simm.s32 $0x200;
	s18 =	simm.s32 $0x4;
	s8 =	sadd.s32 s30, s8  }
0x205: {  	[tilespmem:s10], [sflag:$0x5] =	stream.linear.gather [hbm4b:s8+s19], $0x80, $0x38;
	[tilespmem:$0x1DB00] =	vst v63  }
0x206: {  	_ =	swait.ge [sflag:s18], $0x80  }
0x207: {  	[sflag:s18] =	ssyncset.done $0x0  }
0x208: {  	s21 =	simm.s32 $0x180;
	s12 =	simm.s32 $0x480;
	[sflag:s18] =	ssyncadd.s32 $0xFFFFFF80  }
0x209: {  	[tilespmem:s12], [sflag:$0xA] =	stream.indirect.gather [hbm4b:s0+s22], $0x1, s21, s22, $0xb8;
	[tilespmem:$0x1DB00] =	vst v63  }
0x20a: {  	s16 =	simm.s32 $0x780;
	p0 =	seq.s32 s30, $0x0  }
0x20b: {  	[tilespmem:s16], [sflag:$0xA] =	stream.indirect.gather [hbm4b:s1+s22], $0x1, s21, s22, $0xb8;
	[tilespmem:$0x1DB00] =	vst v63  }
0x20c: {  	s17 =	simm.s32 $0xA80;
	s8 =	simm.s32 @!p0 $0x15  }
0x20d: {  	[tilespmem:s17], [sflag:$0xA] =	stream.indirect.gather [hbm4b:s2+s22], $0x1, s21, s22, $0xb8;
	[tilespmem:$0x1DB00] =	vst v63  }
0x20e: {  	_ =	swait.ge @!p0 [sflag:s8], $0x4000  }
0x20f: {  	[sflag:s8] =	ssyncset.done @!p0 $0x0  }
0x210: {  	[sflag:s8] =	ssyncadd.s32 @!p0 $0xFFFFC000  }
0x211: {  	_ =	swait.ge [sflag:s26], $0x80  }
0x212: {  	[sflag:s26] =	ssyncset.done $0x0  }
0x213: {  	[sflag:s26] =	ssyncadd.s32 $0xFFFFFF80  }
0x214: {  	_ =	swait.ge [sflag:s26], $0x80  }
0x215: {  	[sflag:s26] =	ssyncset.done $0x0  }
0x216: {  	[sflag:s26] =	ssyncadd.s32 $0xFFFFFF80  }
0x217: {  	_ =	swait.ge [sflag:s26], $0x80  }
0x218: {  	[sflag:s26] =	ssyncset.done $0x0  }
0x219: {  	[sflag:s26] =	ssyncadd.s32 $0xFFFFFF80  }
0x21a: {  	v1 =	vld [tilespmem:$0x700]  }
0x21b: {  	v2 =	vld [tilespmem:$0xA00]  }
0x21c: {  	v3 =	vld [tilespmem:$0x710]  }
0x21d: {  	v4 =	vld [tilespmem:$0xA10]  }
0x21e: {  	v5 =	vld [tilespmem:$0x720]  }
0x21f: {  	v6 =	vld [tilespmem:$0xA20];
	vm0 =	vgt.s32 v1, $0x0  }
0x220: {  	v7 =	vld [tilespmem:$0x730];
	vm13 =	vgt.s32 v2, $0x0;
	v1 =	vnsel vm0, $0x7D8, v1  }
0x221: {  	vm14 =	vgt.s32 v3, $0x0;
	[tilespmem:$0x700] =	vst v1;
	v1 =	vnsel vm13, $0x1F8, v2;
	v2 =	vld [tilespmem:$0xA30]  }
0x222: {  	vm15 =	vgt.s32 v4, $0x0;
	[tilespmem:$0xA00] =	vst v1;
	v1 =	vnsel vm14, $0x7D8, v3;
	v3 =	vld [tilespmem:$0x740]  }
0x223: {  	v59 =	vld [tilespmem:$0xA40];
	vm4 =	vgt.s32 v5, $0x0;
	[tilespmem:$0x710] =	vst v1;
	v1 =	vnsel vm15, $0x1F8, v4  }
0x224: {  	v60 =	vld [tilespmem:$0x750];
	vm5 =	vgt.s32 v6, $0x0;
	[tilespmem:$0xA10] =	vst v1;
	v1 =	vnsel vm4, $0x7D8, v5  }
0x225: {  	v61 =	vld [tilespmem:$0xA50];
	vm6 =	vgt.s32 v7, $0x0;
	[tilespmem:$0x720] =	vst v1;
	v1 =	vnsel vm5, $0x1F8, v6  }
0x226: {  	v62 =	vld [tilespmem:$0x760];
	[tilespmem:$0xA20] =	vst v1;
	v1 =	vnsel vm6, $0x7D8, v7;
	vm7 =	vgt.s32 v2, $0x0  }
0x227: {  	[tilespmem:$0x730] =	vst v1;
	v1 =	vnsel vm7, $0x1F8, v2;
	vm8 =	vgt.s32 v3, $0x0;
	v2 =	vld [tilespmem:$0xA60]  }
0x228: {  	vm9 =	vgt.s32 v59, $0x0;
	[tilespmem:$0xA30] =	vst v1;
	v1 =	vnsel vm8, $0x7D8, v3;
	v3 =	vld [tilespmem:$0x770]  }
0x229: {  	v63 =	vld [tilespmem:$0xA70];
	vm10 =	vgt.s32 v60, $0x0;
	[tilespmem:$0x740] =	vst v1;
	v1 =	vnsel vm9, $0x1F8, v59  }
0x22a: {  	vm11 =	vgt.s32 v61, $0x0;
	[tilespmem:$0xA40] =	vst v1;
	v1 =	vnsel vm10, $0x7D8, v60  }
0x22b: {  	vm12 =	vgt.s32 v62, $0x0;
	[tilespmem:$0x750] =	vst v1;
	v1 =	vnsel vm11, $0x1F8, v61  }
0x22c: {  	[tilespmem:$0xA50] =	vst v1;
	v1 =	vnsel vm12, $0x7D8, v62;
	vm13 =	vgt.s32 v2, $0x0  }
.Ltmp15:
0x22d: {  	[tilespmem:$0x760] =	vst v1;
	v1 =	vnsel vm13, $0x1F8, v2;
	vm14 =	vgt.s32 v3, $0x0;
	(pc) =	sbr.rel .LBB2_20-.Ltmp15, $4  }
0x22e: {  	vm15 =	vgt.s32 v63, $0x0;
	[tilespmem:$0xA60] =	vst v1;
	v1 =	vnsel vm14, $0x7D8, v3  }
0x22f: {  	[tilespmem:$0x770] =	vst v1;
	v1 =	vnsel vm15, $0x1F8, v63  }
0x230: {  	s18 =	simm.s32 $0x8C00;
	s21 =	simm.s32 $0x400;
	[tilespmem:$0xA70] =	vst v1  }
0x231: {  	[tilespmem:s18], [sflag:$0xF] =	stream.indirect.gather [hbm4b:s3+s22], $0x80, s21, s22, $0xb8;
	[tilespmem:$0x1DB00] =	vst v63  }
.LBB2_19:
.Ltmp16:
0x232: {  	(pc) =	sbr.rel @p1 .LBB2_21-.Ltmp16, $1  }
0x233: {  	_ =	sdelay $0x3  }
.LBB2_20:
0x234: {  	_ =	swait.ge [sflag:s31], $0x4000  }
0x235: {  	[sflag:s31] =	ssyncset.done $0x0  }
0x236: {  	s8 =	simm.s32 $0x680;
	[sflag:s31] =	ssyncadd.s32 $0xFFFFC000  }
0x237: {  	[tilespmem:s14], [sflag:$0xE] =	stream.indirect.gather.add.f32 [spmem:s6], $0x80, s8, s22, $0xb8;
	[tilespmem:$0x1DB00] =	vst v63  }
0x238: {  	_ =	swait.ge [sflag:s15], $0x4000  }
0x239: {  	[sflag:s15] =	ssyncset.done $0x0  }
0x23a: {  	s21 =	simm.s32 $0x900;
	[sflag:s15] =	ssyncadd.s32 $0xFFFFC000  }
0x23b: {  	[tilespmem:s29], [sflag:$0xD] =	stream.indirect.gather.add.f32 [spmem:s7], $0x80, s21, s22, $0xb8;
	[tilespmem:$0x1DB00] =	vst v63  }
.LBB2_21:
0x23c: {  	s8 =	simm.s32 @!p2 $0x12  }
.Ltmp17:
0x23d: {  	_ =	swait.ge @!p2 [sflag:s8], $0x4000;
	(pc) =	sbr.rel @!p4 .LBB2_22-.Ltmp17, $4  }
0x23e: {  	s10 =	sadd.s32 @!p2 $0x10000, s23;
	[sflag:s8] =	ssyncset.done @!p2 $0x0  }
0x23f: {  	[sflag:s8] =	ssyncadd.s32 @!p2 $0xFFFFC000;
	s8 =	sshrl.u32 @!p2 s10, $0x3  }
0x240: {  	s12 =	simm.s32 @!p2 $0x14C00;
	s10 =	simm.s32 @!p2 $0x0;
	s8 =	sadd.s32 @!p2 s5, s8  }
0x241: {  	[hbm4b:s8+s10] =	stream.linear.scatter @!p2 [tilespmem:s12], [sflag:$0x18], $0x4000, $0x38;
	[tilespmem:$0x1DB00] =	vst v63  }
.Ltmp18:
0x242: {  	(pc) =	sbr.rel @p1 .LBB2_25-.Ltmp18, $4  }
.Ltmp19:
0x243: {  	(pc) =	sbr.rel @!p1 .LBB2_24-.Ltmp19, $4  }
0x244: {  	_ = 	snop  }
0x245: {  	_ = 	snop  }
0x246: {  	s10 =	simm.s32 $0x1800  }
0x247: {  	_ = 	snop  }
.LBB2_27:
0x248: {  	_ =	sfence.sel $0x180000  }
0x249: {  	[bflag:$0x0] =	sbarrier.arrive $0xFFFF  }
0x24a: {  	_ =	strace $0x90000047  }
0x24b: {  	[bflag:$0x2] =	sbarrier.arrive $0xFFFF  }
0x24c: {  	s1 =	sld [smem:$0x7FD];
	_ =	sdelay $0x2  }
0x24d: {  	s0 =	rddreg [dreg:$0xa];
	p0 =	seq.s32 s1, $0x1  }
0x24e: {  	s0 =	sadd.s32 @!p0 $0x100000, s0  }
0x24f: {  	[sflag:s0] =	ssyncadd.tile.s32 @!p0 $0x1;
	_ =	shalt  }
.Lfunc_end2:
_tile_overlayer_lowered:
.L_overlay_start_2:
0x250: {  	(tag) =	ssettag $0x2  }
0x251: {  	s0 =	rddreg [dreg:$0x0];
	s2 =	stileid.u32  }
0x252: {  	s1 =	rddreg [dreg:$0x1];
	p0 =	sne.s32 s2, $0x0  }
0x253: {  	s3 =	rddreg [dreg:$0x2];
	[bflag:$0x3] =	sbarrier.arrive $0xFFFF;
	s2 =	simm.s32 @!p0 $0x1C19  }
0x254: {  	[timem:s3], [sflag:s2] =	dma.local @!p0 [hbm:s0], s1  }
0x255: {  	s0 =	simm.s32 @!p0 $0x19  }
0x256: {  	_ =	swait.ge @!p0 [sflag:s0], s1  }
0x257: {  	s1 =	ssub.s32 @!p0 $0x0, s1;
	[sflag:s0] =	ssyncset.done @!p0 $0x0  }
0x258: {  	[sflag:s0] =	ssyncadd.s32 @!p0 s1  }
0x259: {  	[bflag:$0x3] =	sbarrier.arrive $0xFFFF  }
0x25a: {  	_ =	shalt  }

// kernel: sparse-core-data-format-call.cloned.1.call-start
scs
called_computation_lowered:
.L_overlay_start_0:
0x0: {  	s2 =	sld [smem:$0x3FD9]  }
0x1: {  	s3 =	sld [smem:$0x3FFE];
	_ =	sdelay $0x1  }
0x2: {  	s1 =	srdreg.scid  }
0x3: {  	s0 =	sand.u32 $0x1, s1  }
0x4: {  	s18 =	sshll.u32 s0, $0xA;
	s2 =	sadd.s32 s3, s2  }
0x5: {  	s2 =	sadd.s32 s2, s18  }
0x6: {  	[smem:$0x3FC1] =	sst s2  }
0x7: {  	_ = 	snop  }
0x8: {  	s2 =	sld [smem:$0x3FD0];
	(tm) =	ssettm $0x1  }
0x9: {  	s19 =	sld [smem:$0x3FFB];
	_ =	sdelay $0x3  }
0xa: {  	_ =	strace s19  }
0xb: {  	s3 =	sld [smem:$0x3FFC];
	_ =	sdelay $0x3  }
0xc: {  	_ =	strace s3  }
0xd: {  	s3 =	sld [smem:$0x3FFD];
	_ =	sdelay $0x3  }
0xe: {  	_ =	strace s3  }
0xf: {  	_ =	strace $0x8FFFFFFF  }
0x10: {  	s20 =	sld [smem:$0x3FDB];
	_ =	sdelay $0x1  }
0x11: {  	s4 =	simm.s32 $_scs_section_size  }
0x12: {  	s5 =	simm.s32 $_size__tile_overlayer_lowered;
	s6 =	simm.s32 $_tile_overlayer_lowered  }
0x13: {  	s23 =	simm.s32 $0x1BFF;
	s22 =	sshll.u32 s6, $0x1;
	s3 =	sadd.s32 s4, s20  }
0x14: {  	s7 =	simm.s32 $0x0;
	s21 =	sshll.u32 s5, $0x1;
	s5 =	sadd.s32 s22, s3  }
0x15: {  	[timem:s7], [sflag:s23] =	dma.local [hbm:s5], s21  }
0x16: {  	_ =	swait.ge [sflag:s23], s21  }
0x17: {  	s4 =	ssub.s32 $0x0, s21;
	[sflag:s23] =	ssyncset.done $0x0  }
0x18: {  	[sflag:s23] =	ssyncadd.s32 s4;
	_ =	sdelay $0x1  }
0x19: {  	s24 =	simm.s32 $0x1B8B  }
0x1a: {  	_ =	swait.ge [sflag:s24], $0x1  }
0x1b: {  	[sflag:s24] =	ssyncset.done $0x0  }
0x1c: {  	s26 =	simm.s32 $0x1B8E;
	s25 =	sld [smem:$0x3FFE];
	[sflag:s24] =	ssyncadd.s32 $0xFFFFFFFF  }
0x1d: {  	s27 =	simm.s32 $execute0_lowered;
	[smem:$0x3FD2] =	sst s26  }
0x1e: {  	s5 =	sshll.u32 s27, $0x1;
	_ =	strace $0x80000049;
	[dreg:$0x1] =	wrdreg $0xFFFFFFFF  }
0x1f: {  	s28 =	simm.s32 $_size_execute0_lowered;
	s3 =	sadd.s32 s3, s5;
	[dreg:$0x0] =	wrdreg $0x0  }
0x20: {  	s5 =	sshll.u32 s28, $0x1;
	[dreg:$0x2] =	wrdreg s3  }
0x21: {  	[dreg:$0x3] =	wrdreg s5  }
0x22: {  	[dreg:$0x4] =	wrdreg $0xC0  }
0x23: {  	_ =	task [dreg:s7], $0x5FFFF  }
0x24: {  	[dreg:$0x1] =	wrdreg $0xFFFFFFFF  }
0x25: {  	[dreg:$0x0] =	wrdreg $0x60  }
0x26: {  	[dreg:$0x2] =	wrdreg s25  }
0x27: {  	[dreg:$0x3] =	wrdreg s2  }
0x28: {  	[dreg:$0x4] =	wrdreg $0x9  }
0x29: {  	_ =	task.clear_ibuf [dreg:s7], $0x5FFFF;
	_ =	strace $0x90000049  }
0x2a: {  	s29 =	simm.s32 $0x9;
	_ =	strace $0x8000004B  }
0x2b: {  	_ =	swait.ge [sflag:s29], $0x1  }
0x2c: {  	[sflag:s29] =	ssyncadd.s32 $0xFFFFFFFF  }
0x2d: {  	_ =	strace $0x9000004B  }
0x2e: {  	_ =	sfence  }
0x2f: {  	s30 =	sld [smem:$0x0];
	_ =	sdelay $0x2  }
0x30: {  	s31 =	sshll.u32 s1, $0xD;
	s1 =	sshrl.u32 s1, $0x2  }
0x31: {  	s3 =	sand.u32 $0x4000, s31;
	s1 =	sadd.s32 s1, s30  }
0x32: {  	s0 =	sor.u32 s3, s0;
	s1 =	sshll.u32 s1, $0x11  }
0x33: {  	s0 =	sor.u32 s1, s0  }
0x34: {  	s0 =	sadd.s32 $0x8F2B, s0  }
0x35: {  	[sflag:s0] =	ssyncadd.remote.s32 $0x1  }
0x36: {  	_ =	sfence.sel $0xFFFF  }
0x37: {  	[dreg:$0x0] =	wrdreg $0xFFFFFFFF;
	(pc) =	sbr.abs _section_cstart, $3  }
0x38: {  	[dreg:$0x1] =	wrdreg $0xFFFFFFFF  }
0x39: {  	_ =	task.clear_ibuf [dreg:s7], $0x2FFFF;
	_ =	strace $0x9FFFFFFF  }
0x3a: {  	(tm) =	ssettm $0x7FFFFFFF  }
0x3b: {  	_ =	shalt  }
tec
execute0_lowered:
.L_overlay_start_1:
0x0: {  	(tag) =	ssettag $0x1  }
0x1: {  	s0 =	srdreg.scid  }
0x2: {  	s1 =	sshll.u32 s0, $0x4  }
0x3: {  	s0 =	stileid.u32;
	s1 =	sand.u32 $0x10, s1  }
0x4: {  	s1 =	sor.u32 s0, s1  }
0x5: {  	s6 =	rddreg [dreg:$0x0];
	s4 =	simm.s32 $0x1;
	s2 =	sshll.u32 s1, $0x6  }
0x6: {  	s7 =	simm.s32 $0x2;
	s13 =	simm.s32 $0x0;
	s1 =	ssub.s32 $0x1000, s2  }
0x7: {  	s8 =	simm.s32 $0x2000;
	s9 =	simm.s32 $0x80000;
	s3 =	sand.u32 $0x7C0, s1  }
0x8: {  	s14 =	simm.s32 $0x0;
	s5 =	sshrl.u32 s1, $0xB;
	p0 =	sne.s32 s3, $0x0  }
.Ltmp0:
0x9: {  	s1 =	rddreg [dreg:$0x2];
	s4 =	simm.s32 @!p0 $0x0;
	(pc) =	sbr.rel .LBB1_1-.Ltmp0, $4  }
0xa: {  	s10 =	simm.s32 $0x0;
	s3 =	rddreg [dreg:$0x1];
	s5 =	sadd.s32 s4, s5  }
0xb: {  	_ =	strace $0x8000004A;
	s4 =	simm.s32 $0x1;
	s5 =	smul.u32 $0x19, s5  }
0xc: {  	s12 =	simm.s32 $0x0;
	s6 =	sadd.s32 $0x800, s6;
	[sflag:s4] =	ssyncpa.u1 $0x0  }
0xd: {  	s11 =	smov.u32 s2;
	[sflag:s7] =	ssyncpa.u1 $0x0;
	s7 =	sadd.s32 $0x1, s5  }
.LBB1_7:
0xe: {  	s15 =	sadd.s32 $0x2, s10  }
0xf: {  	s13 =	sadd.s32 $0x800, s11;
	s17 =	smov.u32 s11;
	p1 =	sgt.s32 s15, $0x31  }
0x10: {  	s17 =	smov.u32 @p1 s13  }
0x11: {  	s15 =	simm.s32 @p1 $0x0;
	p1 =	sgt.s32 s17, $0xFFF  }
0x12: {  	s17 =	smov.u32 @p1 s2;
	p1 =	sne.s32 s12, s7  }
.Ltmp1:
0x13: {  	p0 =	slt.u32 s12, $0x2;
	(pc) =	sbr.rel @!p1 .LBB1_8-.Ltmp1, $4  }
0x14: {  	s16 =	simm.s32 @!p0 $0x2  }
0x15: {  	s14 =	smov.u32 s11;
	_ =	swait.ge @!p0 [sflag:s16], $0x4000  }
0x16: {  	s13 =	smov.u32 s10;
	[sflag:s16] =	ssyncset.done @!p0 $0x0;
	s10 =	smov.u32 s15  }
0x17: {  	s12 =	sadd.s32 $0x1, s12;
	[sflag:s16] =	ssyncadd.s32 @!p0 $0xFFFFC000;
	s11 =	smov.u32 s17  }
.LBB1_1:
0x18: {  	p0 =	sge.u32 s12, s5  }
0x19: {  	s15 =	sand.u32 @!p0 $0x1FFFFFF, s10  }
0x1a: {  	s16 =	smulhi.u32 @!p0 $0x4924925, s15;
	_ =	sdelay $0x1  }
0x1b: {  	s16 =	smul.u32 @!p0 $0x38, s16  }
0x1c: {  	s17 =	sxor.u32 @!p0 $0xFFFFFFFF, s12;
	s18 =	smul.u32 @!p0 $0x380, s11  }
0x1d: {  	s31 =	sadd.s32 $0xFFFFFFFF, s12;
	s17 =	sshll.u32 @!p0 s17, $0xE;
	s15 =	ssub.s32 @!p0 s15, s16  }
0x1e: {  	s16 =	sand.u32 @!p0 $0x4000, s17;
	s17 =	sadd.s32 @!p0 s6, s18;
	s15 =	sshll.u32 @!p0 s15, $0x4  }
0x1f: {  	s18 =	simm.s32 @!p0 $0x1C00;
	s15 =	sadd.s32 @!p0 s15, s17;
	s17 =	simm.s32 @!p0 $0x100  }
0x20: {  	[tilespmem:s16], [sflag:$0x1] =	stream.strided.gather @!p0 [hbm4b:s15+s17], $0x4000, s18, s17, $0x38;
	[tilespmem:$0x10000] =	vst v63  }
0x21: {  	p0 =	sge.u32 s31, s5  }
.Ltmp2:
0x22: {  	_ = 	snop;
	(pc) =	sbr.rel @p0 .LBB1_7-.Ltmp2, $1  }
0x23: {  	_ =	sdelay $0x3  }
0x24: {  	_ =	swait.ge [sflag:s4], $0x4000;
	s15 =	sshll.u32 s12, $0xE  }
0x25: {  	[sflag:s4] =	ssyncset.done $0x0;
	s16 =	sand.u32 $0x4000, s15  }
0x26: {  	s17 =	simm.s32 $0x0;
	[sflag:s4] =	ssyncadd.s32 $0xFFFFC000;
	s15 =	sor.u32 $0x8000, s16  }
.LBB1_3:
0x27: {  	s18 =	sshll.u32 s17, $0x8  }
0x28: {  	s18 =	sand.u32 $0x3FFFFF00, s18  }
0x29: {  	s19 =	sshll.u32 s17, $0x7;
	s18 =	sadd.s32 s18, s16  }
0x2a: {  	s19 =	sand.u32 $0x3FFFFF80, s19;
	v0 =	vmov s18  }
0x2b: {  	s19 =	sadd.s32 s19, s15  }
0x2c: {  	p0 =	por $0x1, $0x1;
	v1 =	vmov s19;
	s18 =	simm.s32 $0x0  }
.LBB1_4:
0x2d: {  	s19 =	sshll.u32 s18, $0x7  }
0x2e: {  	s19 =	sand.u32 $0x3FFFFF80, s19  }
0x2f: {  	v2 =	vld.idx.msk [tilespmem:v0+s19+$0x0 ss:$0x1], $0xffff  }
0x30: {  	v3 =	vld.idx.msk [tilespmem:v0+s19+$0x10 ss:$0x1], $0xffff  }
0x31: {  	v4 =	vld.idx.msk [tilespmem:v0+s19+$0x20 ss:$0x1], $0xffff  }
0x32: {  	s31 =	sshll.u32 s18, $0xD;
	v5 =	vld.idx.msk [tilespmem:v0+s19+$0x30 ss:$0x1], $0xffff  }
0x33: {  	s18 =	sand.u32 $0x3FFFE000, s31;
	v6 =	vld.idx.msk [tilespmem:v0+s19+$0x40 ss:$0x1], $0xffff  }
0x34: {  	v63 =	vld.idx.msk [tilespmem:v0+s19+$0x70 ss:$0x1], $0xffff;
	[tilespmem:v1+s18+$0x0 ss:$0x1] =	vst.idx.msk $0xffff, v2  }
0x35: {  	v2 =	vld.idx.msk [tilespmem:v0+s19+$0x50 ss:$0x1], $0xffff;
	[tilespmem:v1+s18+$0x10 ss:$0x1] =	vst.idx.msk $0xffff, v3  }
0x36: {  	p1 =	por p0, p0;
	v3 =	vld.idx.msk [tilespmem:v0+s19+$0x60 ss:$0x1], $0xffff;
	[tilespmem:v1+s18+$0x20 ss:$0x1] =	vst.idx.msk $0xffff, v4  }
.Ltmp3:
0x37: {  	[tilespmem:v1+s18+$0x30 ss:$0x1] =	vst.idx.msk $0xffff, v5;
	(pc) =	sbr.rel @p1 .LBB1_4-.Ltmp3, $4  }
0x38: {  	[tilespmem:v1+s18+$0x40 ss:$0x1] =	vst.idx.msk $0xffff, v6  }
0x39: {  	[tilespmem:v1+s18+$0x70 ss:$0x1] =	vst.idx.msk $0xffff, v63  }
0x3a: {  	[tilespmem:v1+s18+$0x50 ss:$0x1] =	vst.idx.msk $0xffff, v2  }
0x3b: {  	p0 =	por $0x0, $0x0;
	[tilespmem:v1+s18+$0x60 ss:$0x1] =	vst.idx.msk $0xffff, v3;
	s18 =	simm.s32 $0x1  }
0x3c: {  	s17 =	sadd.s32 $0x1, s17  }
0x3d: {  	p0 =	sne.s32 s17, $0x40  }
.Ltmp4:
0x3e: {  	_ = 	snop;
	(pc) =	sbr.rel @p0 .LBB1_3-.Ltmp4, $1  }
0x3f: {  	_ =	sdelay $0x3  }
.Ltmp5:
0x40: {  	s14 =	sshll.u32 s14, $0x4;
	(pc) =	sbr.rel .LBB1_7-.Ltmp5, $4  }
0x41: {  	s14 =	sand.u32 $0xFFF0, s14  }
0x42: {  	s13 =	sshll.u32 s13, $0x10;
	s14 =	sadd.s32 s3, s14  }
0x43: {  	s13 =	sadd.s32 s13, s14  }
0x44: {  	[hbm4b:s13+s8] =	stream.strided.scatter [tilespmem:s15], [sflag:$0x2], $0x4000, s9, s8, $0x38;
	[tilespmem:$0x10000] =	vst v63  }
.LBB1_8:
0x45: {  	_ =	sfence.sel $0x180000  }
0x46: {  	s2 =	simm.s32 $0x1;
	[bflag:$0x0] =	sbarrier.arrive $0xFFFF  }
0x47: {  	s31 =	simm.s32 $0x2;
	[sflag:s2] =	ssyncpa.u1 $0x1  }
0x48: {  	[sflag:s31] =	ssyncpa.u1 $0x1  }
0x49: {  	p0 =	sne.s32 s0, $0x0;
	_ =	strace $0x9000004A  }
0x4a: {  	s0 =	sadd.s32 @!p0 $0x100000, s1;
	[bflag:$0x2] =	sbarrier.arrive $0xFFFF  }
0x4b: {  	[sflag:s0] =	ssyncadd.tile.s32 @!p0 $0x1;
	_ =	shalt  }
.Lfunc_end1:
_tile_overlayer_lowered:
.L_overlay_start_2:
0x4c: {  	(tag) =	ssettag $0x2  }
0x4d: {  	s0 =	rddreg [dreg:$0x0];
	s2 =	stileid.u32  }
0x4e: {  	s1 =	rddreg [dreg:$0x1];
	p0 =	sne.s32 s2, $0x0  }
0x4f: {  	s3 =	rddreg [dreg:$0x2];
	[bflag:$0x3] =	sbarrier.arrive $0xFFFF;
	s2 =	simm.s32 @!p0 $0x1C01  }
0x50: {  	[timem:s3], [sflag:s2] =	dma.local @!p0 [hbm:s0], s1  }
0x51: {  	s0 =	simm.s32 @!p0 $0x1  }
0x52: {  	_ =	swait.ge @!p0 [sflag:s0], s1  }
0x53: {  	s1 =	ssub.s32 @!p0 $0x0, s1;
	[sflag:s0] =	ssyncset.done @!p0 $0x0  }
0x54: {  	[sflag:s0] =	ssyncadd.s32 @!p0 s1  }
0x55: {  	[bflag:$0x3] =	sbarrier.arrive $0xFFFF  }
0x56: {  	_ =	shalt  }

</sc_bundles>
